<compile_context>
chip_gen: v7x
topology: tpu7x:2x2x1
jax: 0.10.2.dev20260603
libtpu: 0.0.44.dev20260713+nightly
codegen_flags: <defaults>
</compile_context>

<pallas_src>
import functools

import jax
import jax.numpy as jnp
from jax import lax
from jax.experimental import pallas as pl
from jax.experimental.pallas import tpu as pltpu
from jax.experimental.pallas import tpu_sc as plsc

N_NODES = 100000
N_EDGES = 1600000
B = 4096
K = 20
D_NODE = 128
D_EDGE = 16
D_TIME = 128
D_EMB = 128
H = 2
DH = D_EMB // H

NC = 2
NS = 16
NW = NC * NS
RPW = (B * K) // NW
CH = 128
NCHUNK = RPW // CH
SPW = B // NW
DEPTH = 4

BQ = 256
NB = B // BQ
BKR = BQ * K

NEG = -1e10

CB = 5000
NCB = N_NODES // CB


def _combine_body(nf, mem, out):
    out[...] = nf[...] + mem[...]


def _combine(node_features, memory):
    return pl.pallas_call(
        _combine_body,
        grid=(NCB,),
        in_specs=[pl.BlockSpec((CB, D_NODE), lambda i: (i, 0)),
                  pl.BlockSpec((CB, D_NODE), lambda i: (i, 0))],
        out_specs=pl.BlockSpec((CB, D_NODE), lambda i: (i, 0)),
        out_shape=jax.ShapeDtypeStruct((N_NODES, D_NODE), jnp.float32),
    )(node_features, memory)


def _sc_gather_nodes(comb, nbr3, sidx2):
    mesh = plsc.VectorSubcoreMesh(core_axis_name="c", subcore_axis_name="s")
    out_type = (
        jax.ShapeDtypeStruct((B * K, D_NODE), jnp.float32),
        jax.ShapeDtypeStruct((B, D_NODE), jnp.float32),
    )
    scratch = [
        pltpu.VMEM((NCHUNK, CH), jnp.int32),
        pltpu.VMEM((SPW,), jnp.int32),
        pltpu.VMEM((DEPTH, CH, D_NODE), jnp.float32),
        pltpu.VMEM((SPW, D_NODE), jnp.float32),
    ] + [pltpu.SemaphoreType.DMA] * (2 * DEPTH + 2)

    @functools.partial(pl.kernel, out_type=out_type, mesh=mesh,
                       scratch_types=scratch)
    def body(comb_hbm, nbr_hbm, sidx_hbm, nb_out, src_out,
             idx_v, sidx_v, bufn, bufs, *sems):
        sg = sems[0:DEPTH]
        sw = sems[DEPTH:2 * DEPTH]
        ssrc, swsrc = sems[2 * DEPTH], sems[2 * DEPTH + 1]
        wid = lax.axis_index("c") * NS + lax.axis_index("s")
        pltpu.sync_copy(nbr_hbm.at[wid], idx_v)
        pltpu.sync_copy(sidx_hbm.at[wid], sidx_v)
        base = wid * RPW

        def fire_gathers(c):
            s = c % DEPTH
            return [pltpu.async_copy(comb_hbm.at[idx_v.at[c]], bufn.at[s],
                                     sg[s])]

        def fire_writes(c):
            s = c % DEPTH
            row = base + c * CH
            return [pltpu.async_copy(bufn.at[s], nb_out.at[pl.ds(row, CH)],
                                     sw[s])]

        hsrc = pltpu.async_copy(comb_hbm.at[sidx_v], bufs, ssrc)

        wg = [None] * DEPTH
        wh = [None] * DEPTH
        for c in range(DEPTH):
            wg[c] = fire_gathers(c)
        for c in range(NCHUNK):
            s = c % DEPTH
            for h in wg[s]:
                h.wait()
            wh[s] = fire_writes(c)
            n = c + DEPTH
            if n < NCHUNK:
                for h in wh[s]:
                    h.wait()
                wg[s] = fire_gathers(n)
        hsrc.wait()
        hw = pltpu.async_copy(bufs, src_out.at[pl.ds(wid * SPW, SPW)], swsrc)
        for s in range(DEPTH):
            if wh[s] is not None:
                for h in wh[s]:
                    h.wait()
        hw.wait()

    return body(comb, nbr3, sidx2)


def _sc_gather_edges(edge_features, eidx3):
    mesh = plsc.VectorSubcoreMesh(core_axis_name="c", subcore_axis_name="s")
    out_type = jax.ShapeDtypeStruct((B * K, D_EDGE), jnp.float32)
    scratch = [
        pltpu.VMEM((NCHUNK, CH), jnp.int32),
        pltpu.VMEM((DEPTH, CH, D_EDGE), jnp.float32),
    ] + [pltpu.SemaphoreType.DMA] * (2 * DEPTH)

    @functools.partial(pl.kernel, out_type=out_type, mesh=mesh,
                       scratch_types=scratch,
                       compiler_params=pltpu.CompilerParams(
                           use_tc_tiling_on_sc=False))
    def body(ef_hbm, eidx_hbm, ef_out, eidx_v, bufe, *sems):
        sg = sems[0:DEPTH]
        sw = sems[DEPTH:2 * DEPTH]
        wid = lax.axis_index("c") * NS + lax.axis_index("s")
        pltpu.sync_copy(eidx_hbm.at[wid], eidx_v)
        base = wid * RPW

        def fire_gathers(c):
            s = c % DEPTH
            return [pltpu.async_copy(ef_hbm.at[eidx_v.at[c]], bufe.at[s],
                                     sg[s])]

        def fire_writes(c):
            s = c % DEPTH
            row = base + c * CH
            return [pltpu.async_copy(bufe.at[s], ef_out.at[pl.ds(row, CH)],
                                     sw[s])]

        wg = [None] * DEPTH
        wh = [None] * DEPTH
        for c in range(DEPTH):
            wg[c] = fire_gathers(c)
        for c in range(NCHUNK):
            s = c % DEPTH
            for h in wg[s]:
                h.wait()
            wh[s] = fire_writes(c)
            n = c + DEPTH
            if n < NCHUNK:
                for h in wh[s]:
                    h.wait()
                wg[s] = fire_gathers(n)
        for s in range(DEPTH):
            if wh[s] is not None:
                for h in wh[s]:
                    h.wait()

    return body(edge_features, eidx3)


def _tc_body(nbg, efg, dcol, sbias, nbias, srcg, tw, tb,
             wq, wk, wv, wm1, wm2, out):
    f32 = jnp.float32
    bf16 = jnp.bfloat16

    def mm(a, b):
        return lax.dot_general(a.astype(bf16), b.astype(bf16),
                               (((1,), (0,)), ((), ())),
                               preferred_element_type=f32)

    def mm_nt(a, b):
        return lax.dot_general(a.astype(bf16), b.astype(bf16),
                               (((1,), (1,)), ((), ())),
                               preferred_element_type=f32)

    tww = tw[...]
    tbb = tb[...]
    neigh = nbg[...]
    etime = jnp.cos(dcol[...] * tww + tbb)
    ef = efg[...]
    wk_ = wk[...]
    wv_ = wv[...]
    kmat = (mm(neigh, wk_[0:D_NODE])
            + mm(etime, wk_[D_NODE:D_NODE + D_TIME])
            + mm(ef, wk_[D_NODE + D_TIME:D_NODE + D_TIME + D_EDGE]))
    vmat = (mm(neigh, wv_[0:D_NODE])
            + mm(etime, wv_[D_NODE:D_NODE + D_TIME])
            + mm(ef, wv_[D_NODE + D_TIME:D_NODE + D_TIME + D_EDGE]))

    src = srcg[...]
    wq_ = wq[...]
    stime = jnp.cos(tbb)
    q = mm(src, wq_[0:D_NODE]) + mm(stime, wq_[D_NODE:D_NODE + D_TIME])

    bias = sbias[...] + nbias[0]
    scale = f32(1.0) / jnp.sqrt(f32(DH))
    lane = lax.broadcasted_iota(jnp.int32, (1, D_EMB), 1)

    outs = []
    for h in range(H):
        headmask = ((lane >= h * DH) & (lane < (h + 1) * DH)).astype(f32)
        qh = q * headmask
        sh = mm_nt(qh, kmat) * scale + bias
        mh = jnp.max(sh, axis=1, keepdims=True)
        eh = jnp.exp(sh - mh)
        ph = eh / jnp.sum(eh, axis=1, keepdims=True)
        oh = mm(ph, vmat)
        outs.append(oh[:, h * DH:(h + 1) * DH])
    o = jnp.concatenate(outs, axis=1)

    wm1_ = wm1[...]
    hm = jnp.maximum(mm(o, wm1_[0:D_EMB]) + mm(src, wm1_[D_EMB:D_EMB + D_NODE]),
                     f32(0.0))
    out[...] = mm(hm, wm2[...])


def _tc_stage(nb_rows, ef_rows, dcol, sbias, nbias, src_rows,
              tw2, tb2, wq, wk, wv, wm1, wm2):
    full = lambda shape: pl.BlockSpec(shape, lambda i: (0,) * len(shape))
    grid_spec = pl.GridSpec(
        grid=(NB,),
        in_specs=[
            pl.BlockSpec((BKR, D_NODE), lambda i: (i, 0)),
            pl.BlockSpec((BKR, D_EDGE), lambda i: (i, 0)),
            pl.BlockSpec((BKR, 1), lambda i: (i, 0)),
            full((BQ, BKR)),
            pl.BlockSpec((1, 1, BKR), lambda i: (i, 0, 0)),
            pl.BlockSpec((BQ, D_NODE), lambda i: (i, 0)),
            full((1, D_TIME)),
            full((1, D_TIME)),
            full((D_NODE + D_TIME, D_EMB)),
            full((D_NODE + D_TIME + D_EDGE, D_EMB)),
            full((D_NODE + D_TIME + D_EDGE, D_EMB)),
            full((D_EMB + D_NODE, D_EMB)),
            full((D_EMB, D_EMB)),
        ],
        out_specs=pl.BlockSpec((BQ, D_EMB), lambda i: (i, 0)),
    )
    return pl.pallas_call(
        _tc_body,
        grid_spec=grid_spec,
        out_shape=jax.ShapeDtypeStruct((B, D_EMB), jnp.float32),
    )(nb_rows, ef_rows, dcol, sbias, nbias, src_rows,
      tw2, tb2, wq, wk, wv, wm1, wm2)


def kernel(memory, source_nodes, timestamps, neighbors, edge_idxs, edge_times,
           node_features, edge_features, time_w, time_b, Wq, Wk, Wv, Wm1, Wm2):
    nbr_flat = neighbors.reshape(-1).astype(jnp.int32)
    nbr3 = nbr_flat.reshape(NW, NCHUNK, CH)
    eidx3 = edge_idxs.reshape(-1).astype(jnp.int32).reshape(NW, NCHUNK, CH)
    sidx2 = source_nodes.astype(jnp.int32).reshape(NW, SPW)

    comb = _combine(node_features, memory)
    ef_rows = _sc_gather_edges(edge_features, eidx3)
    nb_rows, src_rows = _sc_gather_nodes(comb, nbr3, sidx2)

    dcol = (timestamps[:, None] - edge_times).reshape(B * K, 1)
    col = lax.broadcasted_iota(jnp.int32, (BQ, BKR), 1)
    row = lax.broadcasted_iota(jnp.int32, (BQ, BKR), 0) * K
    sbias = jnp.where((col >= row) & (col < row + K), 0.0, NEG)
    sbias = sbias.astype(jnp.float32)
    nbias = jnp.where(nbr_flat == 0, NEG, 0.0).astype(jnp.float32)
    nbias = nbias.reshape(NB, 1, BKR)
    tw2 = time_w.reshape(1, D_TIME)
    tb2 = time_b.reshape(1, D_TIME)

    return _tc_stage(nb_rows, ef_rows, dcol, sbias, nbias, src_rows,
                     tw2, tb2, Wq, Wk, Wv, Wm1, Wm2)

# --- scband reference (transcript-rebuilt; emitter-appended) ---
"""Pipeline reference for scband-graph-embedding-25752623907452 (READ-ONLY COPY).

The authoritative reference and input builder live on the scoring server;
editing this copy changes nothing except your own understanding.
"""

import jax, jax.numpy as jnp
import numpy as np

N_NODES = 100000
N_EDGES = 1600000
B = 4096
K = 20
D_NODE = 128
D_EDGE = 16
D_TIME = 128
D_EMB = 128
H = 2


def setup_inputs(seed: int = 0) -> dict:
    key = jax.random.key(seed)
    ks = jax.random.split(key, 16)
    memory = jax.random.normal(ks[0], (N_NODES, D_NODE), dtype=jnp.float32)
    source_nodes = jax.random.randint(ks[1], (B,), 0, N_NODES, dtype=jnp.int64 if jax.config.jax_enable_x64 else jnp.int32)
    timestamps = jax.random.uniform(ks[2], (B,), dtype=jnp.float32)
    neighbors = jax.random.randint(ks[3], (B, K), 0, N_NODES, dtype=jnp.int64 if jax.config.jax_enable_x64 else jnp.int32)
    edge_idxs = jax.random.randint(ks[4], (B, K), 0, N_EDGES, dtype=jnp.int64 if jax.config.jax_enable_x64 else jnp.int32)
    edge_times = jax.random.uniform(ks[5], (B, K), dtype=jnp.float32)
    # learned parameters (node/edge feature tables, time encoder, attention + merge weights)
    node_features = jax.random.normal(ks[6], (N_NODES, D_NODE), dtype=jnp.float32) * 0.1
    edge_features = jax.random.normal(ks[7], (N_EDGES, D_EDGE), dtype=jnp.float32) * 0.1
    time_w = jax.random.normal(ks[8], (D_TIME,), dtype=jnp.float32)
    time_b = jax.random.normal(ks[9], (D_TIME,), dtype=jnp.float32)
    Wq = jax.random.normal(ks[10], (D_NODE + D_TIME, D_EMB), dtype=jnp.float32) * 0.05
    Wk = jax.random.normal(ks[11], (D_NODE + D_TIME + D_EDGE, D_EMB), dtype=jnp.float32) * 0.05
    Wv = jax.random.normal(ks[12], (D_NODE + D_TIME + D_EDGE, D_EMB), dtype=jnp.float32) * 0.05
    Wm1 = jax.random.normal(ks[13], (D_EMB + D_NODE, D_EMB), dtype=jnp.float32) * 0.05
    Wm2 = jax.random.normal(ks[14], (D_EMB, D_EMB), dtype=jnp.float32) * 0.05
    return {
        "memory": memory,
        "source_nodes": source_nodes,
        "timestamps": timestamps,
        "neighbors": neighbors,
        "edge_idxs": edge_idxs,
        "edge_times": edge_times,
        "node_features": node_features,
        "edge_features": edge_features,
        "time_w": time_w,
        "time_b": time_b,
        "Wq": Wq,
        "Wk": Wk,
        "Wv": Wv,
        "Wm1": Wm1,
        "Wm2": Wm2,
    }


def reference(memory, source_nodes, timestamps, neighbors, edge_idxs, edge_times,
              node_features, edge_features, time_w, time_b, Wq, Wk, Wv, Wm1, Wm2):
    # one temporal graph attention layer (n_layers=1), TGN-style GraphEmbedding
    b = source_nodes.shape[0]
    k = neighbors.shape[1]
    dh = D_EMB // H
    # layer-0 embeddings: node feature gather + memory gather (use_memory=True)
    src_feat = jnp.take(node_features, source_nodes, axis=0) + jnp.take(memory, source_nodes, axis=0)
    neigh_feat = jnp.take(node_features, neighbors.reshape(-1), axis=0) + jnp.take(memory, neighbors.reshape(-1), axis=0)
    neigh_feat = neigh_feat.reshape(b, k, D_NODE)
    # time encoder: cos(t * w + b); source uses delta-zero encoding
    src_time = jnp.cos(jnp.zeros((b, 1), dtype=jnp.float32) * time_w + time_b)  # [b, D_TIME]
    edge_deltas = timestamps[:, None] - edge_times  # [b, k]
    edge_time = jnp.cos(edge_deltas[..., None] * time_w + time_b)  # [b, k, D_TIME]
    # edge feature gather
    e_feat = jnp.take(edge_features, edge_idxs.reshape(-1), axis=0).reshape(b, k, D_EDGE)
    # temporal multi-head attention aggregate
    query = jnp.concatenate([src_feat, src_time], axis=-1)  # [b, D_NODE+D_TIME]
    keys = jnp.concatenate([neigh_feat, edge_time, e_feat], axis=-1)  # [b, k, D_NODE+D_TIME+D_EDGE]
    q = (query @ Wq).reshape(b, H, dh)
    kk = (keys @ Wk).reshape(b, k, H, dh)
    v = (keys @ Wv).reshape(b, k, H, dh)
    scores = jnp.einsum('bhd,bkhd->bhk', q, kk) / jnp.sqrt(jnp.float32(dh))
    mask = (neighbors == 0)[:, None, :]  # padded neighbor id 0
    scores = jnp.where(mask, jnp.float32(-1e10), scores)
    attn = jax.nn.softmax(scores, axis=-1)
    out = jnp.einsum('bhk,bkhd->bhd', attn, v).reshape(b, D_EMB)
    # merge with source embedding
    h = jax.nn.relu(jnp.concatenate([out, src_feat], axis=-1) @ Wm1) @ Wm2
    return h

if __name__ == "__main__":
    import jax
    _d = setup_inputs()
    print(jax.jit(kernel)(*tuple(_d.values())))

</pallas_src>

<mosaic_0001>
#map = affine_map<(d0, d1) -> (0, 0)>
#map1 = affine_map<(d0, d1) -> (0, 0, 0)>
module attributes {stable_mosaic.version = 14 : i64} {
  func.func @body(%arg0: i32, %arg1: i32, %arg2: memref<100000x128xf32, #tpu.memory_space<hbm>>, %arg3: memref<32x20x128xi32, #tpu.memory_space<hbm>>, %arg4: memref<32x128xi32, #tpu.memory_space<hbm>>, %arg5: memref<81920x128xf32, #tpu.memory_space<hbm>>, %arg6: memref<4096x128xf32, #tpu.memory_space<hbm>>, %arg7: memref<20x128xi32, #tpu.memory_space<vmem>>, %arg8: memref<128xi32, #tpu.memory_space<vmem>>, %arg9: memref<4x128x128xf32, #tpu.memory_space<vmem>>, %arg10: memref<128x128xf32, #tpu.memory_space<vmem>>, %arg11: memref<!tpu.dma_semaphore, #tpu.memory_space<semaphore_mem>>, %arg12: memref<!tpu.dma_semaphore, #tpu.memory_space<semaphore_mem>>, %arg13: memref<!tpu.dma_semaphore, #tpu.memory_space<semaphore_mem>>, %arg14: memref<!tpu.dma_semaphore, #tpu.memory_space<semaphore_mem>>, %arg15: memref<!tpu.dma_semaphore, #tpu.memory_space<semaphore_mem>>, %arg16: memref<!tpu.dma_semaphore, #tpu.memory_space<semaphore_mem>>, %arg17: memref<!tpu.dma_semaphore, #tpu.memory_space<semaphore_mem>>, %arg18: memref<!tpu.dma_semaphore, #tpu.memory_space<semaphore_mem>>, %arg19: memref<!tpu.dma_semaphore, #tpu.memory_space<semaphore_mem>>, %arg20: memref<!tpu.dma_semaphore, #tpu.memory_space<semaphore_mem>>) attributes {dimension_semantics = [#tpu.dimension_semantics<core_parallel>, #tpu.dimension_semantics<subcore_parallel>], iteration_bounds = array<i64: 2, 16>, scalar_prefetch = 0 : i64, scratch_operands = 14 : i64, tpu.core_type = #tpu.core_type<sc_vector_subcore>, window_params = [{transform_indices = #map}, {transform_indices = #map1}, {transform_indices = #map}, {transform_indices = #map}, {transform_indices = #map}]} {
    %mul3A = arith.constant 16 : i32
    %mul3A_0 = arith.muli %arg0, %mul3A : i32
    %add3A = arith.addi %mul3A_0, %arg1 : i32
    "tpu.region"() ({
      %run_scoped3A = tpu.sem_alloc : memref<!tpu.dma_semaphore, #tpu.memory_space<semaphore_mem>>
      %dma_start3A_1057 = arith.constant 0 : i32
      %dma_start3A_1058 = arith.constant 0 : i32
      %dma_start3A_1059 = tpu.memref_slice %arg3[%add3A, %dma_start3A_1057, %dma_start3A_1058] : memref<32x20x128xi32, #tpu.memory_space<hbm>> -> memref<1x20x128xi32, #tpu.memory_space<hbm>>
      %dma_start3A_1060 = tpu.memref_squeeze %dma_start3A_1059 : memref<1x20x128xi32, #tpu.memory_space<hbm>> -> memref<20x128xi32, #tpu.memory_space<hbm>>
      %dma_start3A_1061 = arith.constant 0 : i32
      %dma_start3A_1062 = arith.constant 0 : i32
      %dma_start3A_1063 = tpu.memref_slice %arg3[%add3A, %dma_start3A_1061, %dma_start3A_1062] : memref<32x20x128xi32, #tpu.memory_space<hbm>> -> memref<1x20x128xi32, #tpu.memory_space<hbm>>
      %dma_start3A_1064 = tpu.memref_squeeze %dma_start3A_1063 : memref<1x20x128xi32, #tpu.memory_space<hbm>> -> memref<20x128xi32, #tpu.memory_space<hbm>>
      tpu.enqueue_dma source(%dma_start3A_1064 : memref<20x128xi32, #tpu.memory_space<hbm>>) target(%arg7 : memref<20x128xi32, #tpu.memory_space<vmem>>) target_semaphore(%run_scoped3A : memref<!tpu.dma_semaphore, #tpu.memory_space<semaphore_mem>>)
      %dma_wait3A_1065 = arith.constant 0 : i32
      %dma_wait3A_1066 = arith.constant 0 : i32
      %dma_wait3A_1067 = tpu.memref_slice %arg3[%add3A, %dma_wait3A_1065, %dma_wait3A_1066] : memref<32x20x128xi32, #tpu.memory_space<hbm>> -> memref<1x20x128xi32, #tpu.memory_space<hbm>>
      %dma_wait3A_1068 = tpu.memref_squeeze %dma_wait3A_1067 : memref<1x20x128xi32, #tpu.memory_space<hbm>> -> memref<20x128xi32, #tpu.memory_space<hbm>>
      %dma_wait3A_1069 = arith.constant 0 : i32
      %dma_wait3A_1070 = arith.constant 0 : i32
      %dma_wait3A_1071 = tpu.memref_slice %arg3[%add3A, %dma_wait3A_1069, %dma_wait3A_1070] : memref<32x20x128xi32, #tpu.memory_space<hbm>> -> memref<1x20x128xi32, #tpu.memory_space<hbm>>
      %dma_wait3A_1072 = tpu.memref_squeeze %dma_wait3A_1071 : memref<1x20x128xi32, #tpu.memory_space<hbm>> -> memref<20x128xi32, #tpu.memory_space<hbm>>
      tpu.wait_dma2 semaphore(%run_scoped3A : memref<!tpu.dma_semaphore, #tpu.memory_space<semaphore_mem>>) src(%dma_wait3A_1072 : memref<20x128xi32, #tpu.memory_space<hbm>>) dst(%arg7 : memref<20x128xi32, #tpu.memory_space<vmem>>)
      tpu.yield
    }) : () -> ()
    "tpu.region"() ({
      %run_scoped3A = tpu.sem_alloc : memref<!tpu.dma_semaphore, #tpu.memory_space<semaphore_mem>>
      %dma_start3A_1057 = arith.constant 0 : i32
      %dma_start3A_1058 = tpu.memref_slice %arg4[%add3A, %dma_start3A_1057] : memref<32x128xi32, #tpu.memory_space<hbm>> -> memref<1x128xi32, #tpu.memory_space<hbm>>
      %dma_start3A_1059 = tpu.memref_squeeze %dma_start3A_1058 : memref<1x128xi32, #tpu.memory_space<hbm>> -> memref<128xi32, #tpu.memory_space<hbm>>
      %dma_start3A_1060 = arith.constant 0 : i32
      %dma_start3A_1061 = tpu.memref_slice %arg4[%add3A, %dma_start3A_1060] : memref<32x128xi32, #tpu.memory_space<hbm>> -> memref<1x128xi32, #tpu.memory_space<hbm>>
      %dma_start3A_1062 = tpu.memref_squeeze %dma_start3A_1061 : memref<1x128xi32, #tpu.memory_space<hbm>> -> memref<128xi32, #tpu.memory_space<hbm>>
      tpu.enqueue_dma source(%dma_start3A_1062 : memref<128xi32, #tpu.memory_space<hbm>>) target(%arg8 : memref<128xi32, #tpu.memory_space<vmem>>) target_semaphore(%run_scoped3A : memref<!tpu.dma_semaphore, #tpu.memory_space<semaphore_mem>>)
      %dma_wait3A_1063 = arith.constant 0 : i32
      %dma_wait3A_1064 = tpu.memref_slice %arg4[%add3A, %dma_wait3A_1063] : memref<32x128xi32, #tpu.memory_space<hbm>> -> memref<1x128xi32, #tpu.memory_space<hbm>>
      %dma_wait3A_1065 = tpu.memref_squeeze %dma_wait3A_1064 : memref<1x128xi32, #tpu.memory_space<hbm>> -> memref<128xi32, #tpu.memory_space<hbm>>
      %dma_wait3A_1066 = arith.constant 0 : i32
      %dma_wait3A_1067 = tpu.memref_slice %arg4[%add3A, %dma_wait3A_1066] : memref<32x128xi32, #tpu.memory_space<hbm>> -> memref<1x128xi32, #tpu.memory_space<hbm>>
      %dma_wait3A_1068 = tpu.memref_squeeze %dma_wait3A_1067 : memref<1x128xi32, #tpu.memory_space<hbm>> -> memref<128xi32, #tpu.memory_space<hbm>>
      tpu.wait_dma2 semaphore(%run_scoped3A : memref<!tpu.dma_semaphore, #tpu.memory_space<semaphore_mem>>) src(%dma_wait3A_1068 : memref<128xi32, #tpu.memory_space<hbm>>) dst(%arg8 : memref<128xi32, #tpu.memory_space<vmem>>)
      tpu.yield
    }) : () -> ()
    %mul3A_1 = arith.constant 2560 : i32
    %mul3A_2 = arith.muli %add3A, %mul3A_1 : i32
    %dma_start3A = arith.constant 0 : i32
    %dma_start3A_3 = arith.constant 0 : i32
    %dma_start3A_4 = tpu.memref_slice %arg2[%dma_start3A, %dma_start3A_3] : memref<100000x128xf32, #tpu.memory_space<hbm>> -> memref<100000x128xf32, #tpu.memory_space<hbm>>
    tpu.enqueue_indirect_dma source(%dma_start3A_4 : memref<100000x128xf32, #tpu.memory_space<hbm>>) target(%arg10 : memref<128x128xf32, #tpu.memory_space<vmem>>) offsets(%arg8 : memref<128xi32, #tpu.memory_space<vmem>>) semaphore(%arg19 : memref<!tpu.dma_semaphore, #tpu.memory_space<semaphore_mem>>)
    %dma_start3A_5 = arith.constant 0 : i32
    %dma_start3A_6 = arith.constant 0 : i32
    %dma_start3A_7 = arith.constant 0 : i32
    %dma_start3A_8 = arith.constant 0 : i32
    %dma_start3A_9 = tpu.memref_slice %arg9[%dma_start3A_6, %dma_start3A_7, %dma_start3A_8] : memref<4x128x128xf32, #tpu.memory_space<vmem>> -> memref<1x128x128xf32, #tpu.memory_space<vmem>>
    %dma_start3A_10 = tpu.memref_squeeze %dma_start3A_9 : memref<1x128x128xf32, #tpu.memory_space<vmem>> -> memref<128x128xf32, #tpu.memory_space<vmem>>
    %dma_start3A_11 = arith.constant 0 : i32
    %dma_start3A_12 = tpu.memref_slice %arg7[%dma_start3A_5, %dma_start3A_11] : memref<20x128xi32, #tpu.memory_space<vmem>> -> memref<1x128xi32, #tpu.memory_space<vmem>>
    %dma_start3A_13 = tpu.memref_squeeze %dma_start3A_12 : memref<1x128xi32, #tpu.memory_space<vmem>> -> memref<128xi32, #tpu.memory_space<vmem>>
    %dma_start3A_14 = arith.constant 0 : i32
    %dma_start3A_15 = arith.constant 0 : i32
    %dma_start3A_16 = tpu.memref_slice %arg2[%dma_start3A_14, %dma_start3A_15] : memref<100000x128xf32, #tpu.memory_space<hbm>> -> memref<100000x128xf32, #tpu.memory_space<hbm>>
    tpu.enqueue_indirect_dma source(%dma_start3A_16 : memref<100000x128xf32, #tpu.memory_space<hbm>>) target(%dma_start3A_10 : memref<128x128xf32, #tpu.memory_space<vmem>>) offsets(%dma_start3A_13 : memref<128xi32, #tpu.memory_space<vmem>>) semaphore(%arg11 : memref<!tpu.dma_semaphore, #tpu.memory_space<semaphore_mem>>)
    %dma_start3A_17 = arith.constant 1 : i32
    %dma_start3A_18 = arith.constant 1 : i32
    %dma_start3A_19 = arith.constant 0 : i32
    %dma_start3A_20 = arith.constant 0 : i32
    %dma_start3A_21 = tpu.memref_slice %arg9[%dma_start3A_18, %dma_start3A_19, %dma_start3A_20] : memref<4x128x128xf32, #tpu.memory_space<vmem>> -> memref<1x128x128xf32, #tpu.memory_space<vmem>>
    %dma_start3A_22 = tpu.memref_squeeze %dma_start3A_21 : memref<1x128x128xf32, #tpu.memory_space<vmem>> -> memref<128x128xf32, #tpu.memory_space<vmem>>
    %dma_start3A_23 = arith.constant 0 : i32
    %dma_start3A_24 = tpu.memref_slice %arg7[%dma_start3A_17, %dma_start3A_23] : memref<20x128xi32, #tpu.memory_space<vmem>> -> memref<1x128xi32, #tpu.memory_space<vmem>>
    %dma_start3A_25 = tpu.memref_squeeze %dma_start3A_24 : memref<1x128xi32, #tpu.memory_space<vmem>> -> memref<128xi32, #tpu.memory_space<vmem>>
    %dma_start3A_26 = arith.constant 0 : i32
    %dma_start3A_27 = arith.constant 0 : i32
    %dma_start3A_28 = tpu.memref_slice %arg2[%dma_start3A_26, %dma_start3A_27] : memref<100000x128xf32, #tpu.memory_space<hbm>> -> memref<100000x128xf32, #tpu.memory_space<hbm>>
    tpu.enqueue_indirect_dma source(%dma_start3A_28 : memref<100000x128xf32, #tpu.memory_space<hbm>>) target(%dma_start3A_22 : memref<128x128xf32, #tpu.memory_space<vmem>>) offsets(%dma_start3A_25 : memref<128xi32, #tpu.memory_space<vmem>>) semaphore(%arg12 : memref<!tpu.dma_semaphore, #tpu.memory_space<semaphore_mem>>)
    %dma_start3A_29 = arith.constant 2 : i32
    %dma_start3A_30 = arith.constant 2 : i32
    %dma_start3A_31 = arith.constant 0 : i32
    %dma_start3A_32 = arith.constant 0 : i32
    %dma_start3A_33 = tpu.memref_slice %arg9[%dma_start3A_30, %dma_start3A_31, %dma_start3A_32] : memref<4x128x128xf32, #tpu.memory_space<vmem>> -> memref<1x128x128xf32, #tpu.memory_space<vmem>>
    %dma_start3A_34 = tpu.memref_squeeze %dma_start3A_33 : memref<1x128x128xf32, #tpu.memory_space<vmem>> -> memref<128x128xf32, #tpu.memory_space<vmem>>
    %dma_start3A_35 = arith.constant 0 : i32
    %dma_start3A_36 = tpu.memref_slice %arg7[%dma_start3A_29, %dma_start3A_35] : memref<20x128xi32, #tpu.memory_space<vmem>> -> memref<1x128xi32, #tpu.memory_space<vmem>>
    %dma_start3A_37 = tpu.memref_squeeze %dma_start3A_36 : memref<1x128xi32, #tpu.memory_space<vmem>> -> memref<128xi32, #tpu.memory_space<vmem>>
    %dma_start3A_38 = arith.constant 0 : i32
    %dma_start3A_39 = arith.constant 0 : i32
    %dma_start3A_40 = tpu.memref_slice %arg2[%dma_start3A_38, %dma_start3A_39] : memref<100000x128xf32, #tpu.memory_space<hbm>> -> memref<100000x128xf32, #tpu.memory_space<hbm>>
    tpu.enqueue_indirect_dma source(%dma_start3A_40 : memref<100000x128xf32, #tpu.memory_space<hbm>>) target(%dma_start3A_34 : memref<128x128xf32, #tpu.memory_space<vmem>>) offsets(%dma_start3A_37 : memref<128xi32, #tpu.memory_space<vmem>>) semaphore(%arg13 : memref<!tpu.dma_semaphore, #tpu.memory_space<semaphore_mem>>)
    %dma_start3A_41 = arith.constant 3 : i32
    %dma_start3A_42 = arith.constant 3 : i32
    %dma_start3A_43 = arith.constant 0 : i32
    %dma_start3A_44 = arith.constant 0 : i32
    %dma_start3A_45 = tpu.memref_slice %arg9[%dma_start3A_42, %dma_start3A_43, %dma_start3A_44] : memref<4x128x128xf32, #tpu.memory_space<vmem>> -> memref<1x128x128xf32, #tpu.memory_space<vmem>>
    %dma_start3A_46 = tpu.memref_squeeze %dma_start3A_45 : memref<1x128x128xf32, #tpu.memory_space<vmem>> -> memref<128x128xf32, #tpu.memory_space<vmem>>
    %dma_start3A_47 = arith.constant 0 : i32
    %dma_start3A_48 = tpu.memref_slice %arg7[%dma_start3A_41, %dma_start3A_47] : memref<20x128xi32, #tpu.memory_space<vmem>> -> memref<1x128xi32, #tpu.memory_space<vmem>>
    %dma_start3A_49 = tpu.memref_squeeze %dma_start3A_48 : memref<1x128xi32, #tpu.memory_space<vmem>> -> memref<128xi32, #tpu.memory_space<vmem>>
    %dma_start3A_50 = arith.constant 0 : i32
    %dma_start3A_51 = arith.constant 0 : i32
    %dma_start3A_52 = tpu.memref_slice %arg2[%dma_start3A_50, %dma_start3A_51] : memref<100000x128xf32, #tpu.memory_space<hbm>> -> memref<100000x128xf32, #tpu.memory_space<hbm>>
    tpu.enqueue_indirect_dma source(%dma_start3A_52 : memref<100000x128xf32, #tpu.memory_space<hbm>>) target(%dma_start3A_46 : memref<128x128xf32, #tpu.memory_space<vmem>>) offsets(%dma_start3A_49 : memref<128xi32, #tpu.memory_space<vmem>>) semaphore(%arg14 : memref<!tpu.dma_semaphore, #tpu.memory_space<semaphore_mem>>)
    %dma_wait3A = arith.constant 0 : i32
    %dma_wait3A_53 = arith.constant 0 : i32
    %dma_wait3A_54 = arith.constant 0 : i32
    %dma_wait3A_55 = arith.constant 0 : i32
    %dma_wait3A_56 = tpu.memref_slice %arg9[%dma_wait3A_53, %dma_wait3A_54, %dma_wait3A_55] : memref<4x128x128xf32, #tpu.memory_space<vmem>> -> memref<1x128x128xf32, #tpu.memory_space<vmem>>
    %dma_wait3A_57 = tpu.memref_squeeze %dma_wait3A_56 : memref<1x128x128xf32, #tpu.memory_space<vmem>> -> memref<128x128xf32, #tpu.memory_space<vmem>>
    %dma_wait3A_58 = arith.constant 0 : i32
    %dma_wait3A_59 = tpu.memref_slice %arg7[%dma_wait3A, %dma_wait3A_58] : memref<20x128xi32, #tpu.memory_space<vmem>> -> memref<1x128xi32, #tpu.memory_space<vmem>>
    %dma_wait3A_60 = tpu.memref_squeeze %dma_wait3A_59 : memref<1x128xi32, #tpu.memory_space<vmem>> -> memref<128xi32, #tpu.memory_space<vmem>>
    %dma_wait3A_61 = arith.constant 0 : i32
    %dma_wait3A_62 = arith.constant 0 : i32
    %dma_wait3A_63 = tpu.memref_slice %arg2[%dma_wait3A_61, %dma_wait3A_62] : memref<100000x128xf32, #tpu.memory_space<hbm>> -> memref<100000x128xf32, #tpu.memory_space<hbm>>
    tpu.wait_indirect_dma semaphore(%arg11 : memref<!tpu.dma_semaphore, #tpu.memory_space<semaphore_mem>>) src(%dma_wait3A_63 : memref<100000x128xf32, #tpu.memory_space<hbm>>) dst(%dma_wait3A_57 : memref<128x128xf32, #tpu.memory_space<vmem>>)
    %add3A_64 = arith.constant 0 : i32
    %add3A_65 = arith.addi %mul3A_2, %add3A_64 : i32
    %dma_start3A_66 = arith.constant 0 : i32
    %dma_start3A_67 = arith.constant 0 : i32
    %dma_start3A_68 = arith.constant 0 : i32
    %dma_start3A_69 = tpu.memref_slice %arg9[%dma_start3A_66, %dma_start3A_67, %dma_start3A_68] : memref<4x128x128xf32, #tpu.memory_space<vmem>> -> memref<1x128x128xf32, #tpu.memory_space<vmem>>
    %dma_start3A_70 = tpu.memref_squeeze %dma_start3A_69 : memref<1x128x128xf32, #tpu.memory_space<vmem>> -> memref<128x128xf32, #tpu.memory_space<vmem>>
    %dma_start3A_71 = arith.constant 0 : i32
    %dma_start3A_72 = tpu.memref_slice %arg5[%add3A_65, %dma_start3A_71] : memref<81920x128xf32, #tpu.memory_space<hbm>> -> memref<128x128xf32, #tpu.memory_space<hbm>>
    %dma_start3A_73 = arith.constant 0 : i32
    %dma_start3A_74 = tpu.memref_slice %arg5[%add3A_65, %dma_start3A_73] : memref<81920x128xf32, #tpu.memory_space<hbm>> -> memref<128x128xf32, #tpu.memory_space<hbm>>
    %dma_start3A_75 = arith.constant 0 : i32
    %dma_start3A_76 = arith.constant 0 : i32
    %dma_start3A_77 = tpu.memref_slice %arg9[%dma_start3A_66, %dma_start3A_75, %dma_start3A_76] : memref<4x128x128xf32, #tpu.memory_space<vmem>> -> memref<1x128x128xf32, #tpu.memory_space<vmem>>
    %dma_start3A_78 = tpu.memref_squeeze %dma_start3A_77 : memref<1x128x128xf32, #tpu.memory_space<vmem>> -> memref<128x128xf32, #tpu.memory_space<vmem>>
    tpu.enqueue_dma source(%dma_start3A_78 : memref<128x128xf32, #tpu.memory_space<vmem>>) target(%dma_start3A_74 : memref<128x128xf32, #tpu.memory_space<hbm>>) target_semaphore(%arg15 : memref<!tpu.dma_semaphore, #tpu.memory_space<semaphore_mem>>)
    %dma_wait3A_79 = arith.constant 0 : i32
    %dma_wait3A_80 = arith.constant 0 : i32
    %dma_wait3A_81 = arith.constant 0 : i32
    %dma_wait3A_82 = tpu.memref_slice %arg9[%dma_wait3A_79, %dma_wait3A_80, %dma_wait3A_81] : memref<4x128x128xf32, #tpu.memory_space<vmem>> -> memref<1x128x128xf32, #tpu.memory_space<vmem>>
    %dma_wait3A_83 = tpu.memref_squeeze %dma_wait3A_82 : memref<1x128x128xf32, #tpu.memory_space<vmem>> -> memref<128x128xf32, #tpu.memory_space<vmem>>
    %dma_wait3A_84 = arith.constant 0 : i32
    %dma_wait3A_85 = tpu.memref_slice %arg5[%add3A_65, %dma_wait3A_84] : memref<81920x128xf32, #tpu.memory_space<hbm>> -> memref<128x128xf32, #tpu.memory_space<hbm>>
    %dma_wait3A_86 = arith.constant 0 : i32
    %dma_wait3A_87 = tpu.memref_slice %arg5[%add3A_65, %dma_wait3A_86] : memref<81920x128xf32, #tpu.memory_space<hbm>> -> memref<128x128xf32, #tpu.memory_space<hbm>>
    %dma_wait3A_88 = arith.constant 0 : i32
    %dma_wait3A_89 = arith.constant 0 : i32
    %dma_wait3A_90 = tpu.memref_slice %arg9[%dma_wait3A_79, %dma_wait3A_88, %dma_wait3A_89] : memref<4x128x128xf32, #tpu.memory_space<vmem>> -> memref<1x128x128xf32, #tpu.memory_space<vmem>>
    %dma_wait3A_91 = tpu.memref_squeeze %dma_wait3A_90 : memref<1x128x128xf32, #tpu.memory_space<vmem>> -> memref<128x128xf32, #tpu.memory_space<vmem>>
    tpu.wait_dma2 semaphore(%arg15 : memref<!tpu.dma_semaphore, #tpu.memory_space<semaphore_mem>>) src(%dma_wait3A_91 : memref<128x128xf32, #tpu.memory_space<vmem>>) dst(%dma_wait3A_87 : memref<128x128xf32, #tpu.memory_space<hbm>>)
    %dma_start3A_92 = arith.constant 4 : i32
    %dma_start3A_93 = arith.constant 0 : i32
    %dma_start3A_94 = arith.constant 0 : i32
    %dma_start3A_95 = arith.constant 0 : i32
    %dma_start3A_96 = tpu.memref_slice %arg9[%dma_start3A_93, %dma_start3A_94, %dma_start3A_95] : memref<4x128x128xf32, #tpu.memory_space<vmem>> -> memref<1x128x128xf32, #tpu.memory_space<vmem>>
    %dma_start3A_97 = tpu.memref_squeeze %dma_start3A_96 : memref<1x128x128xf32, #tpu.memory_space<vmem>> -> memref<128x128xf32, #tpu.memory_space<vmem>>
    %dma_start3A_98 = arith.constant 0 : i32
    %dma_start3A_99 = tpu.memref_slice %arg7[%dma_start3A_92, %dma_start3A_98] : memref<20x128xi32, #tpu.memory_space<vmem>> -> memref<1x128xi32, #tpu.memory_space<vmem>>
    %dma_start3A_100 = tpu.memref_squeeze %dma_start3A_99 : memref<1x128xi32, #tpu.memory_space<vmem>> -> memref<128xi32, #tpu.memory_space<vmem>>
    %dma_start3A_101 = arith.constant 0 : i32
    %dma_start3A_102 = arith.constant 0 : i32
    %dma_start3A_103 = tpu.memref_slice %arg2[%dma_start3A_101, %dma_start3A_102] : memref<100000x128xf32, #tpu.memory_space<hbm>> -> memref<100000x128xf32, #tpu.memory_space<hbm>>
    tpu.enqueue_indirect_dma source(%dma_start3A_103 : memref<100000x128xf32, #tpu.memory_space<hbm>>) target(%dma_start3A_97 : memref<128x128xf32, #tpu.memory_space<vmem>>) offsets(%dma_start3A_100 : memref<128xi32, #tpu.memory_space<vmem>>) semaphore(%arg11 : memref<!tpu.dma_semaphore, #tpu.memory_space<semaphore_mem>>)
    %dma_wait3A_104 = arith.constant 1 : i32
    %dma_wait3A_105 = arith.constant 1 : i32
    %dma_wait3A_106 = arith.constant 0 : i32
    %dma_wait3A_107 = arith.constant 0 : i32
    %dma_wait3A_108 = tpu.memref_slice %arg9[%dma_wait3A_105, %dma_wait3A_106, %dma_wait3A_107] : memref<4x128x128xf32, #tpu.memory_space<vmem>> -> memref<1x128x128xf32, #tpu.memory_space<vmem>>
    %dma_wait3A_109 = tpu.memref_squeeze %dma_wait3A_108 : memref<1x128x128xf32, #tpu.memory_space<vmem>> -> memref<128x128xf32, #tpu.memory_space<vmem>>
    %dma_wait3A_110 = arith.constant 0 : i32
    %dma_wait3A_111 = tpu.memref_slice %arg7[%dma_wait3A_104, %dma_wait3A_110] : memref<20x128xi32, #tpu.memory_space<vmem>> -> memref<1x128xi32, #tpu.memory_space<vmem>>
    %dma_wait3A_112 = tpu.memref_squeeze %dma_wait3A_111 : memref<1x128xi32, #tpu.memory_space<vmem>> -> memref<128xi32, #tpu.memory_space<vmem>>
    %dma_wait3A_113 = arith.constant 0 : i32
    %dma_wait3A_114 = arith.constant 0 : i32
    %dma_wait3A_115 = tpu.memref_slice %arg2[%dma_wait3A_113, %dma_wait3A_114] : memref<100000x128xf32, #tpu.memory_space<hbm>> -> memref<100000x128xf32, #tpu.memory_space<hbm>>
    tpu.wait_indirect_dma semaphore(%arg12 : memref<!tpu.dma_semaphore, #tpu.memory_space<semaphore_mem>>) src(%dma_wait3A_115 : memref<100000x128xf32, #tpu.memory_space<hbm>>) dst(%dma_wait3A_109 : memref<128x128xf32, #tpu.memory_space<vmem>>)
    %add3A_116 = arith.constant 128 : i32
    %add3A_117 = arith.addi %mul3A_2, %add3A_116 : i32
    %dma_start3A_118 = arith.constant 1 : i32
    %dma_start3A_119 = arith.constant 0 : i32
    %dma_start3A_120 = arith.constant 0 : i32
    %dma_start3A_121 = tpu.memref_slice %arg9[%dma_start3A_118, %dma_start3A_119, %dma_start3A_120] : memref<4x128x128xf32, #tpu.memory_space<vmem>> -> memref<1x128x128xf32, #tpu.memory_space<vmem>>
    %dma_start3A_122 = tpu.memref_squeeze %dma_start3A_121 : memref<1x128x128xf32, #tpu.memory_space<vmem>> -> memref<128x128xf32, #tpu.memory_space<vmem>>
    %dma_start3A_123 = arith.constant 0 : i32
    %dma_start3A_124 = tpu.memref_slice %arg5[%add3A_117, %dma_start3A_123] : memref<81920x128xf32, #tpu.memory_space<hbm>> -> memref<128x128xf32, #tpu.memory_space<hbm>>
    %dma_start3A_125 = arith.constant 0 : i32
    %dma_start3A_126 = tpu.memref_slice %arg5[%add3A_117, %dma_start3A_125] : memref<81920x128xf32, #tpu.memory_space<hbm>> -> memref<128x128xf32, #tpu.memory_space<hbm>>
    %dma_start3A_127 = arith.constant 0 : i32
    %dma_start3A_128 = arith.constant 0 : i32
    %dma_start3A_129 = tpu.memref_slice %arg9[%dma_start3A_118, %dma_start3A_127, %dma_start3A_128] : memref<4x128x128xf32, #tpu.memory_space<vmem>> -> memref<1x128x128xf32, #tpu.memory_space<vmem>>
    %dma_start3A_130 = tpu.memref_squeeze %dma_start3A_129 : memref<1x128x128xf32, #tpu.memory_space<vmem>> -> memref<128x128xf32, #tpu.memory_space<vmem>>
    tpu.enqueue_dma source(%dma_start3A_130 : memref<128x128xf32, #tpu.memory_space<vmem>>) target(%dma_start3A_126 : memref<128x128xf32, #tpu.memory_space<hbm>>) target_semaphore(%arg16 : memref<!tpu.dma_semaphore, #tpu.memory_space<semaphore_mem>>)
    %dma_wait3A_131 = arith.constant 1 : i32
    %dma_wait3A_132 = arith.constant 0 : i32
    %dma_wait3A_133 = arith.constant 0 : i32
    %dma_wait3A_134 = tpu.memref_slice %arg9[%dma_wait3A_131, %dma_wait3A_132, %dma_wait3A_133] : memref<4x128x128xf32, #tpu.memory_space<vmem>> -> memref<1x128x128xf32, #tpu.memory_space<vmem>>
    %dma_wait3A_135 = tpu.memref_squeeze %dma_wait3A_134 : memref<1x128x128xf32, #tpu.memory_space<vmem>> -> memref<128x128xf32, #tpu.memory_space<vmem>>
    %dma_wait3A_136 = arith.constant 0 : i32
    %dma_wait3A_137 = tpu.memref_slice %arg5[%add3A_117, %dma_wait3A_136] : memref<81920x128xf32, #tpu.memory_space<hbm>> -> memref<128x128xf32, #tpu.memory_space<hbm>>
    %dma_wait3A_138 = arith.constant 0 : i32
    %dma_wait3A_139 = tpu.memref_slice %arg5[%add3A_117, %dma_wait3A_138] : memref<81920x128xf32, #tpu.memory_space<hbm>> -> memref<128x128xf32, #tpu.memory_space<hbm>>
    %dma_wait3A_140 = arith.constant 0 : i32
    %dma_wait3A_141 = arith.constant 0 : i32
    %dma_wait3A_142 = tpu.memref_slice %arg9[%dma_wait3A_131, %dma_wait3A_140, %dma_wait3A_141] : memref<4x128x128xf32, #tpu.memory_space<vmem>> -> memref<1x128x128xf32, #tpu.memory_space<vmem>>
    %dma_wait3A_143 = tpu.memref_squeeze %dma_wait3A_142 : memref<1x128x128xf32, #tpu.memory_space<vmem>> -> memref<128x128xf32, #tpu.memory_space<vmem>>
    tpu.wait_dma2 semaphore(%arg16 : memref<!tpu.dma_semaphore, #tpu.memory_space<semaphore_mem>>) src(%dma_wait3A_143 : memref<128x128xf32, #tpu.memory_space<vmem>>) dst(%dma_wait3A_139 : memref<128x128xf32, #tpu.memory_space<hbm>>)
    %dma_start3A_144 = arith.constant 5 : i32
    %dma_start3A_145 = arith.constant 1 : i32
    %dma_start3A_146 = arith.constant 0 : i32
    %dma_start3A_147 = arith.constant 0 : i32
    %dma_start3A_148 = tpu.memref_slice %arg9[%dma_start3A_145, %dma_start3A_146, %dma_start3A_147] : memref<4x128x128xf32, #tpu.memory_space<vmem>> -> memref<1x128x128xf32, #tpu.memory_space<vmem>>
    %dma_start3A_149 = tpu.memref_squeeze %dma_start3A_148 : memref<1x128x128xf32, #tpu.memory_space<vmem>> -> memref<128x128xf32, #tpu.memory_space<vmem>>
    %dma_start3A_150 = arith.constant 0 : i32
    %dma_start3A_151 = tpu.memref_slice %arg7[%dma_start3A_144, %dma_start3A_150] : memref<20x128xi32, #tpu.memory_space<vmem>> -> memref<1x128xi32, #tpu.memory_space<vmem>>
    %dma_start3A_152 = tpu.memref_squeeze %dma_start3A_151 : memref<1x128xi32, #tpu.memory_space<vmem>> -> memref<128xi32, #tpu.memory_space<vmem>>
    %dma_start3A_153 = arith.constant 0 : i32
    %dma_start3A_154 = arith.constant 0 : i32
    %dma_start3A_155 = tpu.memref_slice %arg2[%dma_start3A_153, %dma_start3A_154] : memref<100000x128xf32, #tpu.memory_space<hbm>> -> memref<100000x128xf32, #tpu.memory_space<hbm>>
    tpu.enqueue_indirect_dma source(%dma_start3A_155 : memref<100000x128xf32, #tpu.memory_space<hbm>>) target(%dma_start3A_149 : memref<128x128xf32, #tpu.memory_space<vmem>>) offsets(%dma_start3A_152 : memref<128xi32, #tpu.memory_space<vmem>>) semaphore(%arg12 : memref<!tpu.dma_semaphore, #tpu.memory_space<semaphore_mem>>)
    %dma_wait3A_156 = arith.constant 2 : i32
    %dma_wait3A_157 = arith.constant 2 : i32
    %dma_wait3A_158 = arith.constant 0 : i32
    %dma_wait3A_159 = arith.constant 0 : i32
    %dma_wait3A_160 = tpu.memref_slice %arg9[%dma_wait3A_157, %dma_wait3A_158, %dma_wait3A_159] : memref<4x128x128xf32, #tpu.memory_space<vmem>> -> memref<1x128x128xf32, #tpu.memory_space<vmem>>
    %dma_wait3A_161 = tpu.memref_squeeze %dma_wait3A_160 : memref<1x128x128xf32, #tpu.memory_space<vmem>> -> memref<128x128xf32, #tpu.memory_space<vmem>>
    %dma_wait3A_162 = arith.constant 0 : i32
    %dma_wait3A_163 = tpu.memref_slice %arg7[%dma_wait3A_156, %dma_wait3A_162] : memref<20x128xi32, #tpu.memory_space<vmem>> -> memref<1x128xi32, #tpu.memory_space<vmem>>
    %dma_wait3A_164 = tpu.memref_squeeze %dma_wait3A_163 : memref<1x128xi32, #tpu.memory_space<vmem>> -> memref<128xi32, #tpu.memory_space<vmem>>
    %dma_wait3A_165 = arith.constant 0 : i32
    %dma_wait3A_166 = arith.constant 0 : i32
    %dma_wait3A_167 = tpu.memref_slice %arg2[%dma_wait3A_165, %dma_wait3A_166] : memref<100000x128xf32, #tpu.memory_space<hbm>> -> memref<100000x128xf32, #tpu.memory_space<hbm>>
    tpu.wait_indirect_dma semaphore(%arg13 : memref<!tpu.dma_semaphore, #tpu.memory_space<semaphore_mem>>) src(%dma_wait3A_167 : memref<100000x128xf32, #tpu.memory_space<hbm>>) dst(%dma_wait3A_161 : memref<128x128xf32, #tpu.memory_space<vmem>>)
    %add3A_168 = arith.constant 256 : i32
    %add3A_169 = arith.addi %mul3A_2, %add3A_168 : i32
    %dma_start3A_170 = arith.constant 2 : i32
    %dma_start3A_171 = arith.constant 0 : i32
    %dma_start3A_172 = arith.constant 0 : i32
    %dma_start3A_173 = tpu.memref_slice %arg9[%dma_start3A_170, %dma_start3A_171, %dma_start3A_172] : memref<4x128x128xf32, #tpu.memory_space<vmem>> -> memref<1x128x128xf32, #tpu.memory_space<vmem>>
    %dma_start3A_174 = tpu.memref_squeeze %dma_start3A_173 : memref<1x128x128xf32, #tpu.memory_space<vmem>> -> memref<128x128xf32, #tpu.memory_space<vmem>>
    %dma_start3A_175 = arith.constant 0 : i32
    %dma_start3A_176 = tpu.memref_slice %arg5[%add3A_169, %dma_start3A_175] : memref<81920x128xf32, #tpu.memory_space<hbm>> -> memref<128x128xf32, #tpu.memory_space<hbm>>
    %dma_start3A_177 = arith.constant 0 : i32
    %dma_start3A_178 = tpu.memref_slice %arg5[%add3A_169, %dma_start3A_177] : memref<81920x128xf32, #tpu.memory_space<hbm>> -> memref<128x128xf32, #tpu.memory_space<hbm>>
    %dma_start3A_179 = arith.constant 0 : i32
    %dma_start3A_180 = arith.constant 0 : i32
    %dma_start3A_181 = tpu.memref_slice %arg9[%dma_start3A_170, %dma_start3A_179, %dma_start3A_180] : memref<4x128x128xf32, #tpu.memory_space<vmem>> -> memref<1x128x128xf32, #tpu.memory_space<vmem>>
    %dma_start3A_182 = tpu.memref_squeeze %dma_start3A_181 : memref<1x128x128xf32, #tpu.memory_space<vmem>> -> memref<128x128xf32, #tpu.memory_space<vmem>>
    tpu.enqueue_dma source(%dma_start3A_182 : memref<128x128xf32, #tpu.memory_space<vmem>>) target(%dma_start3A_178 : memref<128x128xf32, #tpu.memory_space<hbm>>) target_semaphore(%arg17 : memref<!tpu.dma_semaphore, #tpu.memory_space<semaphore_mem>>)
    %dma_wait3A_183 = arith.constant 2 : i32
    %dma_wait3A_184 = arith.constant 0 : i32
    %dma_wait3A_185 = arith.constant 0 : i32
    %dma_wait3A_186 = tpu.memref_slice %arg9[%dma_wait3A_183, %dma_wait3A_184, %dma_wait3A_185] : memref<4x128x128xf32, #tpu.memory_space<vmem>> -> memref<1x128x128xf32, #tpu.memory_space<vmem>>
    %dma_wait3A_187 = tpu.memref_squeeze %dma_wait3A_186 : memref<1x128x128xf32, #tpu.memory_space<vmem>> -> memref<128x128xf32, #tpu.memory_space<vmem>>
    %dma_wait3A_188 = arith.constant 0 : i32
    %dma_wait3A_189 = tpu.memref_slice %arg5[%add3A_169, %dma_wait3A_188] : memref<81920x128xf32, #tpu.memory_space<hbm>> -> memref<128x128xf32, #tpu.memory_space<hbm>>
    %dma_wait3A_190 = arith.constant 0 : i32
    %dma_wait3A_191 = tpu.memref_slice %arg5[%add3A_169, %dma_wait3A_190] : memref<81920x128xf32, #tpu.memory_space<hbm>> -> memref<128x128xf32, #tpu.memory_space<hbm>>
    %dma_wait3A_192 = arith.constant 0 : i32
    %dma_wait3A_193 = arith.constant 0 : i32
    %dma_wait3A_194 = tpu.memref_slice %arg9[%dma_wait3A_183, %dma_wait3A_192, %dma_wait3A_193] : memref<4x128x128xf32, #tpu.memory_space<vmem>> -> memref<1x128x128xf32, #tpu.memory_space<vmem>>
    %dma_wait3A_195 = tpu.memref_squeeze %dma_wait3A_194 : memref<1x128x128xf32, #tpu.memory_space<vmem>> -> memref<128x128xf32, #tpu.memory_space<vmem>>
    tpu.wait_dma2 semaphore(%arg17 : memref<!tpu.dma_semaphore, #tpu.memory_space<semaphore_mem>>) src(%dma_wait3A_195 : memref<128x128xf32, #tpu.memory_space<vmem>>) dst(%dma_wait3A_191 : memref<128x128xf32, #tpu.memory_space<hbm>>)
    %dma_start3A_196 = arith.constant 6 : i32
    %dma_start3A_197 = arith.constant 2 : i32
    %dma_start3A_198 = arith.constant 0 : i32
    %dma_start3A_199 = arith.constant 0 : i32
    %dma_start3A_200 = tpu.memref_slice %arg9[%dma_start3A_197, %dma_start3A_198, %dma_start3A_199] : memref<4x128x128xf32, #tpu.memory_space<vmem>> -> memref<1x128x128xf32, #tpu.memory_space<vmem>>
    %dma_start3A_201 = tpu.memref_squeeze %dma_start3A_200 : memref<1x128x128xf32, #tpu.memory_space<vmem>> -> memref<128x128xf32, #tpu.memory_space<vmem>>
    %dma_start3A_202 = arith.constant 0 : i32
    %dma_start3A_203 = tpu.memref_slice %arg7[%dma_start3A_196, %dma_start3A_202] : memref<20x128xi32, #tpu.memory_space<vmem>> -> memref<1x128xi32, #tpu.memory_space<vmem>>
    %dma_start3A_204 = tpu.memref_squeeze %dma_start3A_203 : memref<1x128xi32, #tpu.memory_space<vmem>> -> memref<128xi32, #tpu.memory_space<vmem>>
    %dma_start3A_205 = arith.constant 0 : i32
    %dma_start3A_206 = arith.constant 0 : i32
    %dma_start3A_207 = tpu.memref_slice %arg2[%dma_start3A_205, %dma_start3A_206] : memref<100000x128xf32, #tpu.memory_space<hbm>> -> memref<100000x128xf32, #tpu.memory_space<hbm>>
    tpu.enqueue_indirect_dma source(%dma_start3A_207 : memref<100000x128xf32, #tpu.memory_space<hbm>>) target(%dma_start3A_201 : memref<128x128xf32, #tpu.memory_space<vmem>>) offsets(%dma_start3A_204 : memref<128xi32, #tpu.memory_space<vmem>>) semaphore(%arg13 : memref<!tpu.dma_semaphore, #tpu.memory_space<semaphore_mem>>)
    %dma_wait3A_208 = arith.constant 3 : i32
    %dma_wait3A_209 = arith.constant 3 : i32
    %dma_wait3A_210 = arith.constant 0 : i32
    %dma_wait3A_211 = arith.constant 0 : i32
    %dma_wait3A_212 = tpu.memref_slice %arg9[%dma_wait3A_209, %dma_wait3A_210, %dma_wait3A_211] : memref<4x128x128xf32, #tpu.memory_space<vmem>> -> memref<1x128x128xf32, #tpu.memory_space<vmem>>
    %dma_wait3A_213 = tpu.memref_squeeze %dma_wait3A_212 : memref<1x128x128xf32, #tpu.memory_space<vmem>> -> memref<128x128xf32, #tpu.memory_space<vmem>>
    %dma_wait3A_214 = arith.constant 0 : i32
    %dma_wait3A_215 = tpu.memref_slice %arg7[%dma_wait3A_208, %dma_wait3A_214] : memref<20x128xi32, #tpu.memory_space<vmem>> -> memref<1x128xi32, #tpu.memory_space<vmem>>
    %dma_wait3A_216 = tpu.memref_squeeze %dma_wait3A_215 : memref<1x128xi32, #tpu.memory_space<vmem>> -> memref<128xi32, #tpu.memory_space<vmem>>
    %dma_wait3A_217 = arith.constant 0 : i32
    %dma_wait3A_218 = arith.constant 0 : i32
    %dma_wait3A_219 = tpu.memref_slice %arg2[%dma_wait3A_217, %dma_wait3A_218] : memref<100000x128xf32, #tpu.memory_space<hbm>> -> memref<100000x128xf32, #tpu.memory_space<hbm>>
    tpu.wait_indirect_dma semaphore(%arg14 : memref<!tpu.dma_semaphore, #tpu.memory_space<semaphore_mem>>) src(%dma_wait3A_219 : memref<100000x128xf32, #tpu.memory_space<hbm>>) dst(%dma_wait3A_213 : memref<128x128xf32, #tpu.memory_space<vmem>>)
    %add3A_220 = arith.constant 384 : i32
    %add3A_221 = arith.addi %mul3A_2, %add3A_220 : i32
    %dma_start3A_222 = arith.constant 3 : i32
    %dma_start3A_223 = arith.constant 0 : i32
    %dma_start3A_224 = arith.constant 0 : i32
    %dma_start3A_225 = tpu.memref_slice %arg9[%dma_start3A_222, %dma_start3A_223, %dma_start3A_224] : memref<4x128x128xf32, #tpu.memory_space<vmem>> -> memref<1x128x128xf32, #tpu.memory_space<vmem>>
    %dma_start3A_226 = tpu.memref_squeeze %dma_start3A_225 : memref<1x128x128xf32, #tpu.memory_space<vmem>> -> memref<128x128xf32, #tpu.memory_space<vmem>>
    %dma_start3A_227 = arith.constant 0 : i32
    %dma_start3A_228 = tpu.memref_slice %arg5[%add3A_221, %dma_start3A_227] : memref<81920x128xf32, #tpu.memory_space<hbm>> -> memref<128x128xf32, #tpu.memory_space<hbm>>
    %dma_start3A_229 = arith.constant 0 : i32
    %dma_start3A_230 = tpu.memref_slice %arg5[%add3A_221, %dma_start3A_229] : memref<81920x128xf32, #tpu.memory_space<hbm>> -> memref<128x128xf32, #tpu.memory_space<hbm>>
    %dma_start3A_231 = arith.constant 0 : i32
    %dma_start3A_232 = arith.constant 0 : i32
    %dma_start3A_233 = tpu.memref_slice %arg9[%dma_start3A_222, %dma_start3A_231, %dma_start3A_232] : memref<4x128x128xf32, #tpu.memory_space<vmem>> -> memref<1x128x128xf32, #tpu.memory_space<vmem>>
    %dma_start3A_234 = tpu.memref_squeeze %dma_start3A_233 : memref<1x128x128xf32, #tpu.memory_space<vmem>> -> memref<128x128xf32, #tpu.memory_space<vmem>>
    tpu.enqueue_dma source(%dma_start3A_234 : memref<128x128xf32, #tpu.memory_space<vmem>>) target(%dma_start3A_230 : memref<128x128xf32, #tpu.memory_space<hbm>>) target_semaphore(%arg18 : memref<!tpu.dma_semaphore, #tpu.memory_space<semaphore_mem>>)
    %dma_wait3A_235 = arith.constant 3 : i32
    %dma_wait3A_236 = arith.constant 0 : i32
    %dma_wait3A_237 = arith.constant 0 : i32
    %dma_wait3A_238 = tpu.memref_slice %arg9[%dma_wait3A_235, %dma_wait3A_236, %dma_wait3A_237] : memref<4x128x128xf32, #tpu.memory_space<vmem>> -> memref<1x128x128xf32, #tpu.memory_space<vmem>>
    %dma_wait3A_239 = tpu.memref_squeeze %dma_wait3A_238 : memref<1x128x128xf32, #tpu.memory_space<vmem>> -> memref<128x128xf32, #tpu.memory_space<vmem>>
    %dma_wait3A_240 = arith.constant 0 : i32
    %dma_wait3A_241 = tpu.memref_slice %arg5[%add3A_221, %dma_wait3A_240] : memref<81920x128xf32, #tpu.memory_space<hbm>> -> memref<128x128xf32, #tpu.memory_space<hbm>>
    %dma_wait3A_242 = arith.constant 0 : i32
    %dma_wait3A_243 = tpu.memref_slice %arg5[%add3A_221, %dma_wait3A_242] : memref<81920x128xf32, #tpu.memory_space<hbm>> -> memref<128x128xf32, #tpu.memory_space<hbm>>
    %dma_wait3A_244 = arith.constant 0 : i32
    %dma_wait3A_245 = arith.constant 0 : i32
    %dma_wait3A_246 = tpu.memref_slice %arg9[%dma_wait3A_235, %dma_wait3A_244, %dma_wait3A_245] : memref<4x128x128xf32, #tpu.memory_space<vmem>> -> memref<1x128x128xf32, #tpu.memory_space<vmem>>
    %dma_wait3A_247 = tpu.memref_squeeze %dma_wait3A_246 : memref<1x128x128xf32, #tpu.memory_space<vmem>> -> memref<128x128xf32, #tpu.memory_space<vmem>>
    tpu.wait_dma2 semaphore(%arg18 : memref<!tpu.dma_semaphore, #tpu.memory_space<semaphore_mem>>) src(%dma_wait3A_247 : memref<128x128xf32, #tpu.memory_space<vmem>>) dst(%dma_wait3A_243 : memref<128x128xf32, #tpu.memory_space<hbm>>)
    %dma_start3A_248 = arith.constant 7 : i32
    %dma_start3A_249 = arith.constant 3 : i32
    %dma_start3A_250 = arith.constant 0 : i32
    %dma_start3A_251 = arith.constant 0 : i32
    %dma_start3A_252 = tpu.memref_slice %arg9[%dma_start3A_249, %dma_start3A_250, %dma_start3A_251] : memref<4x128x128xf32, #tpu.memory_space<vmem>> -> memref<1x128x128xf32, #tpu.memory_space<vmem>>
    %dma_start3A_253 = tpu.memref_squeeze %dma_start3A_252 : memref<1x128x128xf32, #tpu.memory_space<vmem>> -> memref<128x128xf32, #tpu.memory_space<vmem>>
    %dma_start3A_254 = arith.constant 0 : i32
    %dma_start3A_255 = tpu.memref_slice %arg7[%dma_start3A_248, %dma_start3A_254] : memref<20x128xi32, #tpu.memory_space<vmem>> -> memref<1x128xi32, #tpu.memory_space<vmem>>
    %dma_start3A_256 = tpu.memref_squeeze %dma_start3A_255 : memref<1x128xi32, #tpu.memory_space<vmem>> -> memref<128xi32, #tpu.memory_space<vmem>>
    %dma_start3A_257 = arith.constant 0 : i32
    %dma_start3A_258 = arith.constant 0 : i32
    %dma_start3A_259 = tpu.memref_slice %arg2[%dma_start3A_257, %dma_start3A_258] : memref<100000x128xf32, #tpu.memory_space<hbm>> -> memref<100000x128xf32, #tpu.memory_space<hbm>>
    tpu.enqueue_indirect_dma source(%dma_start3A_259 : memref<100000x128xf32, #tpu.memory_space<hbm>>) target(%dma_start3A_253 : memref<128x128xf32, #tpu.memory_space<vmem>>) offsets(%dma_start3A_256 : memref<128xi32, #tpu.memory_space<vmem>>) semaphore(%arg14 : memref<!tpu.dma_semaphore, #tpu.memory_space<semaphore_mem>>)
    %dma_wait3A_260 = arith.constant 4 : i32
    %dma_wait3A_261 = arith.constant 0 : i32
    %dma_wait3A_262 = arith.constant 0 : i32
    %dma_wait3A_263 = arith.constant 0 : i32
    %dma_wait3A_264 = tpu.memref_slice %arg9[%dma_wait3A_261, %dma_wait3A_262, %dma_wait3A_263] : memref<4x128x128xf32, #tpu.memory_space<vmem>> -> memref<1x128x128xf32, #tpu.memory_space<vmem>>
    %dma_wait3A_265 = tpu.memref_squeeze %dma_wait3A_264 : memref<1x128x128xf32, #tpu.memory_space<vmem>> -> memref<128x128xf32, #tpu.memory_space<vmem>>
    %dma_wait3A_266 = arith.constant 0 : i32
    %dma_wait3A_267 = tpu.memref_slice %arg7[%dma_wait3A_260, %dma_wait3A_266] : memref<20x128xi32, #tpu.memory_space<vmem>> -> memref<1x128xi32, #tpu.memory_space<vmem>>
    %dma_wait3A_268 = tpu.memref_squeeze %dma_wait3A_267 : memref<1x128xi32, #tpu.memory_space<vmem>> -> memref<128xi32, #tpu.memory_space<vmem>>
    %dma_wait3A_269 = arith.constant 0 : i32
    %dma_wait3A_270 = arith.constant 0 : i32
    %dma_wait3A_271 = tpu.memref_slice %arg2[%dma_wait3A_269, %dma_wait3A_270] : memref<100000x128xf32, #tpu.memory_space<hbm>> -> memref<100000x128xf32, #tpu.memory_space<hbm>>
    tpu.wait_indirect_dma semaphore(%arg11 : memref<!tpu.dma_semaphore, #tpu.memory_space<semaphore_mem>>) src(%dma_wait3A_271 : memref<100000x128xf32, #tpu.memory_space<hbm>>) dst(%dma_wait3A_265 : memref<128x128xf32, #tpu.memory_space<vmem>>)
    %add3A_272 = arith.constant 512 : i32
    %add3A_273 = arith.addi %mul3A_2, %add3A_272 : i32
    %dma_start3A_274 = arith.constant 0 : i32
    %dma_start3A_275 = arith.constant 0 : i32
    %dma_start3A_276 = arith.constant 0 : i32
    %dma_start3A_277 = tpu.memref_slice %arg9[%dma_start3A_274, %dma_start3A_275, %dma_start3A_276] : memref<4x128x128xf32, #tpu.memory_space<vmem>> -> memref<1x128x128xf32, #tpu.memory_space<vmem>>
    %dma_start3A_278 = tpu.memref_squeeze %dma_start3A_277 : memref<1x128x128xf32, #tpu.memory_space<vmem>> -> memref<128x128xf32, #tpu.memory_space<vmem>>
    %dma_start3A_279 = arith.constant 0 : i32
    %dma_start3A_280 = tpu.memref_slice %arg5[%add3A_273, %dma_start3A_279] : memref<81920x128xf32, #tpu.memory_space<hbm>> -> memref<128x128xf32, #tpu.memory_space<hbm>>
    %dma_start3A_281 = arith.constant 0 : i32
    %dma_start3A_282 = tpu.memref_slice %arg5[%add3A_273, %dma_start3A_281] : memref<81920x128xf32, #tpu.memory_space<hbm>> -> memref<128x128xf32, #tpu.memory_space<hbm>>
    %dma_start3A_283 = arith.constant 0 : i32
    %dma_start3A_284 = arith.constant 0 : i32
    %dma_start3A_285 = tpu.memref_slice %arg9[%dma_start3A_274, %dma_start3A_283, %dma_start3A_284] : memref<4x128x128xf32, #tpu.memory_space<vmem>> -> memref<1x128x128xf32, #tpu.memory_space<vmem>>
    %dma_start3A_286 = tpu.memref_squeeze %dma_start3A_285 : memref<1x128x128xf32, #tpu.memory_space<vmem>> -> memref<128x128xf32, #tpu.memory_space<vmem>>
    tpu.enqueue_dma source(%dma_start3A_286 : memref<128x128xf32, #tpu.memory_space<vmem>>) target(%dma_start3A_282 : memref<128x128xf32, #tpu.memory_space<hbm>>) target_semaphore(%arg15 : memref<!tpu.dma_semaphore, #tpu.memory_space<semaphore_mem>>)
    %dma_wait3A_287 = arith.constant 0 : i32
    %dma_wait3A_288 = arith.constant 0 : i32
    %dma_wait3A_289 = arith.constant 0 : i32
    %dma_wait3A_290 = tpu.memref_slice %arg9[%dma_wait3A_287, %dma_wait3A_288, %dma_wait3A_289] : memref<4x128x128xf32, #tpu.memory_space<vmem>> -> memref<1x128x128xf32, #tpu.memory_space<vmem>>
    %dma_wait3A_291 = tpu.memref_squeeze %dma_wait3A_290 : memref<1x128x128xf32, #tpu.memory_space<vmem>> -> memref<128x128xf32, #tpu.memory_space<vmem>>
    %dma_wait3A_292 = arith.constant 0 : i32
    %dma_wait3A_293 = tpu.memref_slice %arg5[%add3A_273, %dma_wait3A_292] : memref<81920x128xf32, #tpu.memory_space<hbm>> -> memref<128x128xf32, #tpu.memory_space<hbm>>
    %dma_wait3A_294 = arith.constant 0 : i32
    %dma_wait3A_295 = tpu.memref_slice %arg5[%add3A_273, %dma_wait3A_294] : memref<81920x128xf32, #tpu.memory_space<hbm>> -> memref<128x128xf32, #tpu.memory_space<hbm>>
    %dma_wait3A_296 = arith.constant 0 : i32
    %dma_wait3A_297 = arith.constant 0 : i32
    %dma_wait3A_298 = tpu.memref_slice %arg9[%dma_wait3A_287, %dma_wait3A_296, %dma_wait3A_297] : memref<4x128x128xf32, #tpu.memory_space<vmem>> -> memref<1x128x128xf32, #tpu.memory_space<vmem>>
    %dma_wait3A_299 = tpu.memref_squeeze %dma_wait3A_298 : memref<1x128x128xf32, #tpu.memory_space<vmem>> -> memref<128x128xf32, #tpu.memory_space<vmem>>
    tpu.wait_dma2 semaphore(%arg15 : memref<!tpu.dma_semaphore, #tpu.memory_space<semaphore_mem>>) src(%dma_wait3A_299 : memref<128x128xf32, #tpu.memory_space<vmem>>) dst(%dma_wait3A_295 : memref<128x128xf32, #tpu.memory_space<hbm>>)
    %dma_start3A_300 = arith.constant 8 : i32
    %dma_start3A_301 = arith.constant 0 : i32
    %dma_start3A_302 = arith.constant 0 : i32
    %dma_start3A_303 = arith.constant 0 : i32
    %dma_start3A_304 = tpu.memref_slice %arg9[%dma_start3A_301, %dma_start3A_302, %dma_start3A_303] : memref<4x128x128xf32, #tpu.memory_space<vmem>> -> memref<1x128x128xf32, #tpu.memory_space<vmem>>
    %dma_start3A_305 = tpu.memref_squeeze %dma_start3A_304 : memref<1x128x128xf32, #tpu.memory_space<vmem>> -> memref<128x128xf32, #tpu.memory_space<vmem>>
    %dma_start3A_306 = arith.constant 0 : i32
    %dma_start3A_307 = tpu.memref_slice %arg7[%dma_start3A_300, %dma_start3A_306] : memref<20x128xi32, #tpu.memory_space<vmem>> -> memref<1x128xi32, #tpu.memory_space<vmem>>
    %dma_start3A_308 = tpu.memref_squeeze %dma_start3A_307 : memref<1x128xi32, #tpu.memory_space<vmem>> -> memref<128xi32, #tpu.memory_space<vmem>>
    %dma_start3A_309 = arith.constant 0 : i32
    %dma_start3A_310 = arith.constant 0 : i32
    %dma_start3A_311 = tpu.memref_slice %arg2[%dma_start3A_309, %dma_start3A_310] : memref<100000x128xf32, #tpu.memory_space<hbm>> -> memref<100000x128xf32, #tpu.memory_space<hbm>>
    tpu.enqueue_indirect_dma source(%dma_start3A_311 : memref<100000x128xf32, #tpu.memory_space<hbm>>) target(%dma_start3A_305 : memref<128x128xf32, #tpu.memory_space<vmem>>) offsets(%dma_start3A_308 : memref<128xi32, #tpu.memory_space<vmem>>) semaphore(%arg11 : memref<!tpu.dma_semaphore, #tpu.memory_space<semaphore_mem>>)
    %dma_wait3A_312 = arith.constant 5 : i32
    %dma_wait3A_313 = arith.constant 1 : i32
    %dma_wait3A_314 = arith.constant 0 : i32
    %dma_wait3A_315 = arith.constant 0 : i32
    %dma_wait3A_316 = tpu.memref_slice %arg9[%dma_wait3A_313, %dma_wait3A_314, %dma_wait3A_315] : memref<4x128x128xf32, #tpu.memory_space<vmem>> -> memref<1x128x128xf32, #tpu.memory_space<vmem>>
    %dma_wait3A_317 = tpu.memref_squeeze %dma_wait3A_316 : memref<1x128x128xf32, #tpu.memory_space<vmem>> -> memref<128x128xf32, #tpu.memory_space<vmem>>
    %dma_wait3A_318 = arith.constant 0 : i32
    %dma_wait3A_319 = tpu.memref_slice %arg7[%dma_wait3A_312, %dma_wait3A_318] : memref<20x128xi32, #tpu.memory_space<vmem>> -> memref<1x128xi32, #tpu.memory_space<vmem>>
    %dma_wait3A_320 = tpu.memref_squeeze %dma_wait3A_319 : memref<1x128xi32, #tpu.memory_space<vmem>> -> memref<128xi32, #tpu.memory_space<vmem>>
    %dma_wait3A_321 = arith.constant 0 : i32
    %dma_wait3A_322 = arith.constant 0 : i32
    %dma_wait3A_323 = tpu.memref_slice %arg2[%dma_wait3A_321, %dma_wait3A_322] : memref<100000x128xf32, #tpu.memory_space<hbm>> -> memref<100000x128xf32, #tpu.memory_space<hbm>>
    tpu.wait_indirect_dma semaphore(%arg12 : memref<!tpu.dma_semaphore, #tpu.memory_space<semaphore_mem>>) src(%dma_wait3A_323 : memref<100000x128xf32, #tpu.memory_space<hbm>>) dst(%dma_wait3A_317 : memref<128x128xf32, #tpu.memory_space<vmem>>)
    %add3A_324 = arith.constant 640 : i32
    %add3A_325 = arith.addi %mul3A_2, %add3A_324 : i32
    %dma_start3A_326 = arith.constant 1 : i32
    %dma_start3A_327 = arith.constant 0 : i32
    %dma_start3A_328 = arith.constant 0 : i32
    %dma_start3A_329 = tpu.memref_slice %arg9[%dma_start3A_326, %dma_start3A_327, %dma_start3A_328] : memref<4x128x128xf32, #tpu.memory_space<vmem>> -> memref<1x128x128xf32, #tpu.memory_space<vmem>>
    %dma_start3A_330 = tpu.memref_squeeze %dma_start3A_329 : memref<1x128x128xf32, #tpu.memory_space<vmem>> -> memref<128x128xf32, #tpu.memory_space<vmem>>
    %dma_start3A_331 = arith.constant 0 : i32
    %dma_start3A_332 = tpu.memref_slice %arg5[%add3A_325, %dma_start3A_331] : memref<81920x128xf32, #tpu.memory_space<hbm>> -> memref<128x128xf32, #tpu.memory_space<hbm>>
    %dma_start3A_333 = arith.constant 0 : i32
    %dma_start3A_334 = tpu.memref_slice %arg5[%add3A_325, %dma_start3A_333] : memref<81920x128xf32, #tpu.memory_space<hbm>> -> memref<128x128xf32, #tpu.memory_space<hbm>>
    %dma_start3A_335 = arith.constant 0 : i32
    %dma_start3A_336 = arith.constant 0 : i32
    %dma_start3A_337 = tpu.memref_slice %arg9[%dma_start3A_326, %dma_start3A_335, %dma_start3A_336] : memref<4x128x128xf32, #tpu.memory_space<vmem>> -> memref<1x128x128xf32, #tpu.memory_space<vmem>>
    %dma_start3A_338 = tpu.memref_squeeze %dma_start3A_337 : memref<1x128x128xf32, #tpu.memory_space<vmem>> -> memref<128x128xf32, #tpu.memory_space<vmem>>
    tpu.enqueue_dma source(%dma_start3A_338 : memref<128x128xf32, #tpu.memory_space<vmem>>) target(%dma_start3A_334 : memref<128x128xf32, #tpu.memory_space<hbm>>) target_semaphore(%arg16 : memref<!tpu.dma_semaphore, #tpu.memory_space<semaphore_mem>>)
    %dma_wait3A_339 = arith.constant 1 : i32
    %dma_wait3A_340 = arith.constant 0 : i32
    %dma_wait3A_341 = arith.constant 0 : i32
    %dma_wait3A_342 = tpu.memref_slice %arg9[%dma_wait3A_339, %dma_wait3A_340, %dma_wait3A_341] : memref<4x128x128xf32, #tpu.memory_space<vmem>> -> memref<1x128x128xf32, #tpu.memory_space<vmem>>
    %dma_wait3A_343 = tpu.memref_squeeze %dma_wait3A_342 : memref<1x128x128xf32, #tpu.memory_space<vmem>> -> memref<128x128xf32, #tpu.memory_space<vmem>>
    %dma_wait3A_344 = arith.constant 0 : i32
    %dma_wait3A_345 = tpu.memref_slice %arg5[%add3A_325, %dma_wait3A_344] : memref<81920x128xf32, #tpu.memory_space<hbm>> -> memref<128x128xf32, #tpu.memory_space<hbm>>
    %dma_wait3A_346 = arith.constant 0 : i32
    %dma_wait3A_347 = tpu.memref_slice %arg5[%add3A_325, %dma_wait3A_346] : memref<81920x128xf32, #tpu.memory_space<hbm>> -> memref<128x128xf32, #tpu.memory_space<hbm>>
    %dma_wait3A_348 = arith.constant 0 : i32
    %dma_wait3A_349 = arith.constant 0 : i32
    %dma_wait3A_350 = tpu.memref_slice %arg9[%dma_wait3A_339, %dma_wait3A_348, %dma_wait3A_349] : memref<4x128x128xf32, #tpu.memory_space<vmem>> -> memref<1x128x128xf32, #tpu.memory_space<vmem>>
    %dma_wait3A_351 = tpu.memref_squeeze %dma_wait3A_350 : memref<1x128x128xf32, #tpu.memory_space<vmem>> -> memref<128x128xf32, #tpu.memory_space<vmem>>
    tpu.wait_dma2 semaphore(%arg16 : memref<!tpu.dma_semaphore, #tpu.memory_space<semaphore_mem>>) src(%dma_wait3A_351 : memref<128x128xf32, #tpu.memory_space<vmem>>) dst(%dma_wait3A_347 : memref<128x128xf32, #tpu.memory_space<hbm>>)
    %dma_start3A_352 = arith.constant 9 : i32
    %dma_start3A_353 = arith.constant 1 : i32
    %dma_start3A_354 = arith.constant 0 : i32
    %dma_start3A_355 = arith.constant 0 : i32
    %dma_start3A_356 = tpu.memref_slice %arg9[%dma_start3A_353, %dma_start3A_354, %dma_start3A_355] : memref<4x128x128xf32, #tpu.memory_space<vmem>> -> memref<1x128x128xf32, #tpu.memory_space<vmem>>
    %dma_start3A_357 = tpu.memref_squeeze %dma_start3A_356 : memref<1x128x128xf32, #tpu.memory_space<vmem>> -> memref<128x128xf32, #tpu.memory_space<vmem>>
    %dma_start3A_358 = arith.constant 0 : i32
    %dma_start3A_359 = tpu.memref_slice %arg7[%dma_start3A_352, %dma_start3A_358] : memref<20x128xi32, #tpu.memory_space<vmem>> -> memref<1x128xi32, #tpu.memory_space<vmem>>
    %dma_start3A_360 = tpu.memref_squeeze %dma_start3A_359 : memref<1x128xi32, #tpu.memory_space<vmem>> -> memref<128xi32, #tpu.memory_space<vmem>>
    %dma_start3A_361 = arith.constant 0 : i32
    %dma_start3A_362 = arith.constant 0 : i32
    %dma_start3A_363 = tpu.memref_slice %arg2[%dma_start3A_361, %dma_start3A_362] : memref<100000x128xf32, #tpu.memory_space<hbm>> -> memref<100000x128xf32, #tpu.memory_space<hbm>>
    tpu.enqueue_indirect_dma source(%dma_start3A_363 : memref<100000x128xf32, #tpu.memory_space<hbm>>) target(%dma_start3A_357 : memref<128x128xf32, #tpu.memory_space<vmem>>) offsets(%dma_start3A_360 : memref<128xi32, #tpu.memory_space<vmem>>) semaphore(%arg12 : memref<!tpu.dma_semaphore, #tpu.memory_space<semaphore_mem>>)
    %dma_wait3A_364 = arith.constant 6 : i32
    %dma_wait3A_365 = arith.constant 2 : i32
    %dma_wait3A_366 = arith.constant 0 : i32
    %dma_wait3A_367 = arith.constant 0 : i32
    %dma_wait3A_368 = tpu.memref_slice %arg9[%dma_wait3A_365, %dma_wait3A_366, %dma_wait3A_367] : memref<4x128x128xf32, #tpu.memory_space<vmem>> -> memref<1x128x128xf32, #tpu.memory_space<vmem>>
    %dma_wait3A_369 = tpu.memref_squeeze %dma_wait3A_368 : memref<1x128x128xf32, #tpu.memory_space<vmem>> -> memref<128x128xf32, #tpu.memory_space<vmem>>
    %dma_wait3A_370 = arith.constant 0 : i32
    %dma_wait3A_371 = tpu.memref_slice %arg7[%dma_wait3A_364, %dma_wait3A_370] : memref<20x128xi32, #tpu.memory_space<vmem>> -> memref<1x128xi32, #tpu.memory_space<vmem>>
    %dma_wait3A_372 = tpu.memref_squeeze %dma_wait3A_371 : memref<1x128xi32, #tpu.memory_space<vmem>> -> memref<128xi32, #tpu.memory_space<vmem>>
    %dma_wait3A_373 = arith.constant 0 : i32
    %dma_wait3A_374 = arith.constant 0 : i32
    %dma_wait3A_375 = tpu.memref_slice %arg2[%dma_wait3A_373, %dma_wait3A_374] : memref<100000x128xf32, #tpu.memory_space<hbm>> -> memref<100000x128xf32, #tpu.memory_space<hbm>>
    tpu.wait_indirect_dma semaphore(%arg13 : memref<!tpu.dma_semaphore, #tpu.memory_space<semaphore_mem>>) src(%dma_wait3A_375 : memref<100000x128xf32, #tpu.memory_space<hbm>>) dst(%dma_wait3A_369 : memref<128x128xf32, #tpu.memory_space<vmem>>)
    %add3A_376 = arith.constant 768 : i32
    %add3A_377 = arith.addi %mul3A_2, %add3A_376 : i32
    %dma_start3A_378 = arith.constant 2 : i32
    %dma_start3A_379 = arith.constant 0 : i32
    %dma_start3A_380 = arith.constant 0 : i32
    %dma_start3A_381 = tpu.memref_slice %arg9[%dma_start3A_378, %dma_start3A_379, %dma_start3A_380] : memref<4x128x128xf32, #tpu.memory_space<vmem>> -> memref<1x128x128xf32, #tpu.memory_space<vmem>>
    %dma_start3A_382 = tpu.memref_squeeze %dma_start3A_381 : memref<1x128x128xf32, #tpu.memory_space<vmem>> -> memref<128x128xf32, #tpu.memory_space<vmem>>
    %dma_start3A_383 = arith.constant 0 : i32
    %dma_start3A_384 = tpu.memref_slice %arg5[%add3A_377, %dma_start3A_383] : memref<81920x128xf32, #tpu.memory_space<hbm>> -> memref<128x128xf32, #tpu.memory_space<hbm>>
    %dma_start3A_385 = arith.constant 0 : i32
    %dma_start3A_386 = tpu.memref_slice %arg5[%add3A_377, %dma_start3A_385] : memref<81920x128xf32, #tpu.memory_space<hbm>> -> memref<128x128xf32, #tpu.memory_space<hbm>>
    %dma_start3A_387 = arith.constant 0 : i32
    %dma_start3A_388 = arith.constant 0 : i32
    %dma_start3A_389 = tpu.memref_slice %arg9[%dma_start3A_378, %dma_start3A_387, %dma_start3A_388] : memref<4x128x128xf32, #tpu.memory_space<vmem>> -> memref<1x128x128xf32, #tpu.memory_space<vmem>>
    %dma_start3A_390 = tpu.memref_squeeze %dma_start3A_389 : memref<1x128x128xf32, #tpu.memory_space<vmem>> -> memref<128x128xf32, #tpu.memory_space<vmem>>
    tpu.enqueue_dma source(%dma_start3A_390 : memref<128x128xf32, #tpu.memory_space<vmem>>) target(%dma_start3A_386 : memref<128x128xf32, #tpu.memory_space<hbm>>) target_semaphore(%arg17 : memref<!tpu.dma_semaphore, #tpu.memory_space<semaphore_mem>>)
    %dma_wait3A_391 = arith.constant 2 : i32
    %dma_wait3A_392 = arith.constant 0 : i32
    %dma_wait3A_393 = arith.constant 0 : i32
    %dma_wait3A_394 = tpu.memref_slice %arg9[%dma_wait3A_391, %dma_wait3A_392, %dma_wait3A_393] : memref<4x128x128xf32, #tpu.memory_space<vmem>> -> memref<1x128x128xf32, #tpu.memory_space<vmem>>
    %dma_wait3A_395 = tpu.memref_squeeze %dma_wait3A_394 : memref<1x128x128xf32, #tpu.memory_space<vmem>> -> memref<128x128xf32, #tpu.memory_space<vmem>>
    %dma_wait3A_396 = arith.constant 0 : i32
    %dma_wait3A_397 = tpu.memref_slice %arg5[%add3A_377, %dma_wait3A_396] : memref<81920x128xf32, #tpu.memory_space<hbm>> -> memref<128x128xf32, #tpu.memory_space<hbm>>
    %dma_wait3A_398 = arith.constant 0 : i32
    %dma_wait3A_399 = tpu.memref_slice %arg5[%add3A_377, %dma_wait3A_398] : memref<81920x128xf32, #tpu.memory_space<hbm>> -> memref<128x128xf32, #tpu.memory_space<hbm>>
    %dma_wait3A_400 = arith.constant 0 : i32
    %dma_wait3A_401 = arith.constant 0 : i32
    %dma_wait3A_402 = tpu.memref_slice %arg9[%dma_wait3A_391, %dma_wait3A_400, %dma_wait3A_401] : memref<4x128x128xf32, #tpu.memory_space<vmem>> -> memref<1x128x128xf32, #tpu.memory_space<vmem>>
    %dma_wait3A_403 = tpu.memref_squeeze %dma_wait3A_402 : memref<1x128x128xf32, #tpu.memory_space<vmem>> -> memref<128x128xf32, #tpu.memory_space<vmem>>
    tpu.wait_dma2 semaphore(%arg17 : memref<!tpu.dma_semaphore, #tpu.memory_space<semaphore_mem>>) src(%dma_wait3A_403 : memref<128x128xf32, #tpu.memory_space<vmem>>) dst(%dma_wait3A_399 : memref<128x128xf32, #tpu.memory_space<hbm>>)
    %dma_start3A_404 = arith.constant 10 : i32
    %dma_start3A_405 = arith.constant 2 : i32
    %dma_start3A_406 = arith.constant 0 : i32
    %dma_start3A_407 = arith.constant 0 : i32
    %dma_start3A_408 = tpu.memref_slice %arg9[%dma_start3A_405, %dma_start3A_406, %dma_start3A_407] : memref<4x128x128xf32, #tpu.memory_space<vmem>> -> memref<1x128x128xf32, #tpu.memory_space<vmem>>
    %dma_start3A_409 = tpu.memref_squeeze %dma_start3A_408 : memref<1x128x128xf32, #tpu.memory_space<vmem>> -> memref<128x128xf32, #tpu.memory_space<vmem>>
    %dma_start3A_410 = arith.constant 0 : i32
    %dma_start3A_411 = tpu.memref_slice %arg7[%dma_start3A_404, %dma_start3A_410] : memref<20x128xi32, #tpu.memory_space<vmem>> -> memref<1x128xi32, #tpu.memory_space<vmem>>
    %dma_start3A_412 = tpu.memref_squeeze %dma_start3A_411 : memref<1x128xi32, #tpu.memory_space<vmem>> -> memref<128xi32, #tpu.memory_space<vmem>>
    %dma_start3A_413 = arith.constant 0 : i32
    %dma_start3A_414 = arith.constant 0 : i32
    %dma_start3A_415 = tpu.memref_slice %arg2[%dma_start3A_413, %dma_start3A_414] : memref<100000x128xf32, #tpu.memory_space<hbm>> -> memref<100000x128xf32, #tpu.memory_space<hbm>>
    tpu.enqueue_indirect_dma source(%dma_start3A_415 : memref<100000x128xf32, #tpu.memory_space<hbm>>) target(%dma_start3A_409 : memref<128x128xf32, #tpu.memory_space<vmem>>) offsets(%dma_start3A_412 : memref<128xi32, #tpu.memory_space<vmem>>) semaphore(%arg13 : memref<!tpu.dma_semaphore, #tpu.memory_space<semaphore_mem>>)
    %dma_wait3A_416 = arith.constant 7 : i32
    %dma_wait3A_417 = arith.constant 3 : i32
    %dma_wait3A_418 = arith.constant 0 : i32
    %dma_wait3A_419 = arith.constant 0 : i32
    %dma_wait3A_420 = tpu.memref_slice %arg9[%dma_wait3A_417, %dma_wait3A_418, %dma_wait3A_419] : memref<4x128x128xf32, #tpu.memory_space<vmem>> -> memref<1x128x128xf32, #tpu.memory_space<vmem>>
    %dma_wait3A_421 = tpu.memref_squeeze %dma_wait3A_420 : memref<1x128x128xf32, #tpu.memory_space<vmem>> -> memref<128x128xf32, #tpu.memory_space<vmem>>
    %dma_wait3A_422 = arith.constant 0 : i32
    %dma_wait3A_423 = tpu.memref_slice %arg7[%dma_wait3A_416, %dma_wait3A_422] : memref<20x128xi32, #tpu.memory_space<vmem>> -> memref<1x128xi32, #tpu.memory_space<vmem>>
    %dma_wait3A_424 = tpu.memref_squeeze %dma_wait3A_423 : memref<1x128xi32, #tpu.memory_space<vmem>> -> memref<128xi32, #tpu.memory_space<vmem>>
    %dma_wait3A_425 = arith.constant 0 : i32
    %dma_wait3A_426 = arith.constant 0 : i32
    %dma_wait3A_427 = tpu.memref_slice %arg2[%dma_wait3A_425, %dma_wait3A_426] : memref<100000x128xf32, #tpu.memory_space<hbm>> -> memref<100000x128xf32, #tpu.memory_space<hbm>>
    tpu.wait_indirect_dma semaphore(%arg14 : memref<!tpu.dma_semaphore, #tpu.memory_space<semaphore_mem>>) src(%dma_wait3A_427 : memref<100000x128xf32, #tpu.memory_space<hbm>>) dst(%dma_wait3A_421 : memref<128x128xf32, #tpu.memory_space<vmem>>)
    %add3A_428 = arith.constant 896 : i32
    %add3A_429 = arith.addi %mul3A_2, %add3A_428 : i32
    %dma_start3A_430 = arith.constant 3 : i32
    %dma_start3A_431 = arith.constant 0 : i32
    %dma_start3A_432 = arith.constant 0 : i32
    %dma_start3A_433 = tpu.memref_slice %arg9[%dma_start3A_430, %dma_start3A_431, %dma_start3A_432] : memref<4x128x128xf32, #tpu.memory_space<vmem>> -> memref<1x128x128xf32, #tpu.memory_space<vmem>>
    %dma_start3A_434 = tpu.memref_squeeze %dma_start3A_433 : memref<1x128x128xf32, #tpu.memory_space<vmem>> -> memref<128x128xf32, #tpu.memory_space<vmem>>
    %dma_start3A_435 = arith.constant 0 : i32
    %dma_start3A_436 = tpu.memref_slice %arg5[%add3A_429, %dma_start3A_435] : memref<81920x128xf32, #tpu.memory_space<hbm>> -> memref<128x128xf32, #tpu.memory_space<hbm>>
    %dma_start3A_437 = arith.constant 0 : i32
    %dma_start3A_438 = tpu.memref_slice %arg5[%add3A_429, %dma_start3A_437] : memref<81920x128xf32, #tpu.memory_space<hbm>> -> memref<128x128xf32, #tpu.memory_space<hbm>>
    %dma_start3A_439 = arith.constant 0 : i32
    %dma_start3A_440 = arith.constant 0 : i32
    %dma_start3A_441 = tpu.memref_slice %arg9[%dma_start3A_430, %dma_start3A_439, %dma_start3A_440] : memref<4x128x128xf32, #tpu.memory_space<vmem>> -> memref<1x128x128xf32, #tpu.memory_space<vmem>>
    %dma_start3A_442 = tpu.memref_squeeze %dma_start3A_441 : memref<1x128x128xf32, #tpu.memory_space<vmem>> -> memref<128x128xf32, #tpu.memory_space<vmem>>
    tpu.enqueue_dma source(%dma_start3A_442 : memref<128x128xf32, #tpu.memory_space<vmem>>) target(%dma_start3A_438 : memref<128x128xf32, #tpu.memory_space<hbm>>) target_semaphore(%arg18 : memref<!tpu.dma_semaphore, #tpu.memory_space<semaphore_mem>>)
    %dma_wait3A_443 = arith.constant 3 : i32
    %dma_wait3A_444 = arith.constant 0 : i32
    %dma_wait3A_445 = arith.constant 0 : i32
    %dma_wait3A_446 = tpu.memref_slice %arg9[%dma_wait3A_443, %dma_wait3A_444, %dma_wait3A_445] : memref<4x128x128xf32, #tpu.memory_space<vmem>> -> memref<1x128x128xf32, #tpu.memory_space<vmem>>
    %dma_wait3A_447 = tpu.memref_squeeze %dma_wait3A_446 : memref<1x128x128xf32, #tpu.memory_space<vmem>> -> memref<128x128xf32, #tpu.memory_space<vmem>>
    %dma_wait3A_448 = arith.constant 0 : i32
    %dma_wait3A_449 = tpu.memref_slice %arg5[%add3A_429, %dma_wait3A_448] : memref<81920x128xf32, #tpu.memory_space<hbm>> -> memref<128x128xf32, #tpu.memory_space<hbm>>
    %dma_wait3A_450 = arith.constant 0 : i32
    %dma_wait3A_451 = tpu.memref_slice %arg5[%add3A_429, %dma_wait3A_450] : memref<81920x128xf32, #tpu.memory_space<hbm>> -> memref<128x128xf32, #tpu.memory_space<hbm>>
    %dma_wait3A_452 = arith.constant 0 : i32
    %dma_wait3A_453 = arith.constant 0 : i32
    %dma_wait3A_454 = tpu.memref_slice %arg9[%dma_wait3A_443, %dma_wait3A_452, %dma_wait3A_453] : memref<4x128x128xf32, #tpu.memory_space<vmem>> -> memref<1x128x128xf32, #tpu.memory_space<vmem>>
    %dma_wait3A_455 = tpu.memref_squeeze %dma_wait3A_454 : memref<1x128x128xf32, #tpu.memory_space<vmem>> -> memref<128x128xf32, #tpu.memory_space<vmem>>
    tpu.wait_dma2 semaphore(%arg18 : memref<!tpu.dma_semaphore, #tpu.memory_space<semaphore_mem>>) src(%dma_wait3A_455 : memref<128x128xf32, #tpu.memory_space<vmem>>) dst(%dma_wait3A_451 : memref<128x128xf32, #tpu.memory_space<hbm>>)
    %dma_start3A_456 = arith.constant 11 : i32
    %dma_start3A_457 = arith.constant 3 : i32
    %dma_start3A_458 = arith.constant 0 : i32
    %dma_start3A_459 = arith.constant 0 : i32
    %dma_start3A_460 = tpu.memref_slice %arg9[%dma_start3A_457, %dma_start3A_458, %dma_start3A_459] : memref<4x128x128xf32, #tpu.memory_space<vmem>> -> memref<1x128x128xf32, #tpu.memory_space<vmem>>
    %dma_start3A_461 = tpu.memref_squeeze %dma_start3A_460 : memref<1x128x128xf32, #tpu.memory_space<vmem>> -> memref<128x128xf32, #tpu.memory_space<vmem>>
    %dma_start3A_462 = arith.constant 0 : i32
    %dma_start3A_463 = tpu.memref_slice %arg7[%dma_start3A_456, %dma_start3A_462] : memref<20x128xi32, #tpu.memory_space<vmem>> -> memref<1x128xi32, #tpu.memory_space<vmem>>
    %dma_start3A_464 = tpu.memref_squeeze %dma_start3A_463 : memref<1x128xi32, #tpu.memory_space<vmem>> -> memref<128xi32, #tpu.memory_space<vmem>>
    %dma_start3A_465 = arith.constant 0 : i32
    %dma_start3A_466 = arith.constant 0 : i32
    %dma_start3A_467 = tpu.memref_slice %arg2[%dma_start3A_465, %dma_start3A_466] : memref<100000x128xf32, #tpu.memory_space<hbm>> -> memref<100000x128xf32, #tpu.memory_space<hbm>>
    tpu.enqueue_indirect_dma source(%dma_start3A_467 : memref<100000x128xf32, #tpu.memory_space<hbm>>) target(%dma_start3A_461 : memref<128x128xf32, #tpu.memory_space<vmem>>) offsets(%dma_start3A_464 : memref<128xi32, #tpu.memory_space<vmem>>) semaphore(%arg14 : memref<!tpu.dma_semaphore, #tpu.memory_space<semaphore_mem>>)
    %dma_wait3A_468 = arith.constant 8 : i32
    %dma_wait3A_469 = arith.constant 0 : i32
    %dma_wait3A_470 = arith.constant 0 : i32
    %dma_wait3A_471 = arith.constant 0 : i32
    %dma_wait3A_472 = tpu.memref_slice %arg9[%dma_wait3A_469, %dma_wait3A_470, %dma_wait3A_471] : memref<4x128x128xf32, #tpu.memory_space<vmem>> -> memref<1x128x128xf32, #tpu.memory_space<vmem>>
    %dma_wait3A_473 = tpu.memref_squeeze %dma_wait3A_472 : memref<1x128x128xf32, #tpu.memory_space<vmem>> -> memref<128x128xf32, #tpu.memory_space<vmem>>
    %dma_wait3A_474 = arith.constant 0 : i32
    %dma_wait3A_475 = tpu.memref_slice %arg7[%dma_wait3A_468, %dma_wait3A_474] : memref<20x128xi32, #tpu.memory_space<vmem>> -> memref<1x128xi32, #tpu.memory_space<vmem>>
    %dma_wait3A_476 = tpu.memref_squeeze %dma_wait3A_475 : memref<1x128xi32, #tpu.memory_space<vmem>> -> memref<128xi32, #tpu.memory_space<vmem>>
    %dma_wait3A_477 = arith.constant 0 : i32
    %dma_wait3A_478 = arith.constant 0 : i32
    %dma_wait3A_479 = tpu.memref_slice %arg2[%dma_wait3A_477, %dma_wait3A_478] : memref<100000x128xf32, #tpu.memory_space<hbm>> -> memref<100000x128xf32, #tpu.memory_space<hbm>>
    tpu.wait_indirect_dma semaphore(%arg11 : memref<!tpu.dma_semaphore, #tpu.memory_space<semaphore_mem>>) src(%dma_wait3A_479 : memref<100000x128xf32, #tpu.memory_space<hbm>>) dst(%dma_wait3A_473 : memref<128x128xf32, #tpu.memory_space<vmem>>)
    %add3A_480 = arith.constant 1024 : i32
    %add3A_481 = arith.addi %mul3A_2, %add3A_480 : i32
    %dma_start3A_482 = arith.constant 0 : i32
    %dma_start3A_483 = arith.constant 0 : i32
    %dma_start3A_484 = arith.constant 0 : i32
    %dma_start3A_485 = tpu.memref_slice %arg9[%dma_start3A_482, %dma_start3A_483, %dma_start3A_484] : memref<4x128x128xf32, #tpu.memory_space<vmem>> -> memref<1x128x128xf32, #tpu.memory_space<vmem>>
    %dma_start3A_486 = tpu.memref_squeeze %dma_start3A_485 : memref<1x128x128xf32, #tpu.memory_space<vmem>> -> memref<128x128xf32, #tpu.memory_space<vmem>>
    %dma_start3A_487 = arith.constant 0 : i32
    %dma_start3A_488 = tpu.memref_slice %arg5[%add3A_481, %dma_start3A_487] : memref<81920x128xf32, #tpu.memory_space<hbm>> -> memref<128x128xf32, #tpu.memory_space<hbm>>
    %dma_start3A_489 = arith.constant 0 : i32
    %dma_start3A_490 = tpu.memref_slice %arg5[%add3A_481, %dma_start3A_489] : memref<81920x128xf32, #tpu.memory_space<hbm>> -> memref<128x128xf32, #tpu.memory_space<hbm>>
    %dma_start3A_491 = arith.constant 0 : i32
    %dma_start3A_492 = arith.constant 0 : i32
    %dma_start3A_493 = tpu.memref_slice %arg9[%dma_start3A_482, %dma_start3A_491, %dma_start3A_492] : memref<4x128x128xf32, #tpu.memory_space<vmem>> -> memref<1x128x128xf32, #tpu.memory_space<vmem>>
    %dma_start3A_494 = tpu.memref_squeeze %dma_start3A_493 : memref<1x128x128xf32, #tpu.memory_space<vmem>> -> memref<128x128xf32, #tpu.memory_space<vmem>>
    tpu.enqueue_dma source(%dma_start3A_494 : memref<128x128xf32, #tpu.memory_space<vmem>>) target(%dma_start3A_490 : memref<128x128xf32, #tpu.memory_space<hbm>>) target_semaphore(%arg15 : memref<!tpu.dma_semaphore, #tpu.memory_space<semaphore_mem>>)
    %dma_wait3A_495 = arith.constant 0 : i32
    %dma_wait3A_496 = arith.constant 0 : i32
    %dma_wait3A_497 = arith.constant 0 : i32
    %dma_wait3A_498 = tpu.memref_slice %arg9[%dma_wait3A_495, %dma_wait3A_496, %dma_wait3A_497] : memref<4x128x128xf32, #tpu.memory_space<vmem>> -> memref<1x128x128xf32, #tpu.memory_space<vmem>>
    %dma_wait3A_499 = tpu.memref_squeeze %dma_wait3A_498 : memref<1x128x128xf32, #tpu.memory_space<vmem>> -> memref<128x128xf32, #tpu.memory_space<vmem>>
    %dma_wait3A_500 = arith.constant 0 : i32
    %dma_wait3A_501 = tpu.memref_slice %arg5[%add3A_481, %dma_wait3A_500] : memref<81920x128xf32, #tpu.memory_space<hbm>> -> memref<128x128xf32, #tpu.memory_space<hbm>>
    %dma_wait3A_502 = arith.constant 0 : i32
    %dma_wait3A_503 = tpu.memref_slice %arg5[%add3A_481, %dma_wait3A_502] : memref<81920x128xf32, #tpu.memory_space<hbm>> -> memref<128x128xf32, #tpu.memory_space<hbm>>
    %dma_wait3A_504 = arith.constant 0 : i32
    %dma_wait3A_505 = arith.constant 0 : i32
    %dma_wait3A_506 = tpu.memref_slice %arg9[%dma_wait3A_495, %dma_wait3A_504, %dma_wait3A_505] : memref<4x128x128xf32, #tpu.memory_space<vmem>> -> memref<1x128x128xf32, #tpu.memory_space<vmem>>
    %dma_wait3A_507 = tpu.memref_squeeze %dma_wait3A_506 : memref<1x128x128xf32, #tpu.memory_space<vmem>> -> memref<128x128xf32, #tpu.memory_space<vmem>>
    tpu.wait_dma2 semaphore(%arg15 : memref<!tpu.dma_semaphore, #tpu.memory_space<semaphore_mem>>) src(%dma_wait3A_507 : memref<128x128xf32, #tpu.memory_space<vmem>>) dst(%dma_wait3A_503 : memref<128x128xf32, #tpu.memory_space<hbm>>)
    %dma_start3A_508 = arith.constant 12 : i32
    %dma_start3A_509 = arith.constant 0 : i32
    %dma_start3A_510 = arith.constant 0 : i32
    %dma_start3A_511 = arith.constant 0 : i32
    %dma_start3A_512 = tpu.memref_slice %arg9[%dma_start3A_509, %dma_start3A_510, %dma_start3A_511] : memref<4x128x128xf32, #tpu.memory_space<vmem>> -> memref<1x128x128xf32, #tpu.memory_space<vmem>>
    %dma_start3A_513 = tpu.memref_squeeze %dma_start3A_512 : memref<1x128x128xf32, #tpu.memory_space<vmem>> -> memref<128x128xf32, #tpu.memory_space<vmem>>
    %dma_start3A_514 = arith.constant 0 : i32
    %dma_start3A_515 = tpu.memref_slice %arg7[%dma_start3A_508, %dma_start3A_514] : memref<20x128xi32, #tpu.memory_space<vmem>> -> memref<1x128xi32, #tpu.memory_space<vmem>>
    %dma_start3A_516 = tpu.memref_squeeze %dma_start3A_515 : memref<1x128xi32, #tpu.memory_space<vmem>> -> memref<128xi32, #tpu.memory_space<vmem>>
    %dma_start3A_517 = arith.constant 0 : i32
    %dma_start3A_518 = arith.constant 0 : i32
    %dma_start3A_519 = tpu.memref_slice %arg2[%dma_start3A_517, %dma_start3A_518] : memref<100000x128xf32, #tpu.memory_space<hbm>> -> memref<100000x128xf32, #tpu.memory_space<hbm>>
    tpu.enqueue_indirect_dma source(%dma_start3A_519 : memref<100000x128xf32, #tpu.memory_space<hbm>>) target(%dma_start3A_513 : memref<128x128xf32, #tpu.memory_space<vmem>>) offsets(%dma_start3A_516 : memref<128xi32, #tpu.memory_space<vmem>>) semaphore(%arg11 : memref<!tpu.dma_semaphore, #tpu.memory_space<semaphore_mem>>)
    %dma_wait3A_520 = arith.constant 9 : i32
    %dma_wait3A_521 = arith.constant 1 : i32
    %dma_wait3A_522 = arith.constant 0 : i32
    %dma_wait3A_523 = arith.constant 0 : i32
    %dma_wait3A_524 = tpu.memref_slice %arg9[%dma_wait3A_521, %dma_wait3A_522, %dma_wait3A_523] : memref<4x128x128xf32, #tpu.memory_space<vmem>> -> memref<1x128x128xf32, #tpu.memory_space<vmem>>
    %dma_wait3A_525 = tpu.memref_squeeze %dma_wait3A_524 : memref<1x128x128xf32, #tpu.memory_space<vmem>> -> memref<128x128xf32, #tpu.memory_space<vmem>>
    %dma_wait3A_526 = arith.constant 0 : i32
    %dma_wait3A_527 = tpu.memref_slice %arg7[%dma_wait3A_520, %dma_wait3A_526] : memref<20x128xi32, #tpu.memory_space<vmem>> -> memref<1x128xi32, #tpu.memory_space<vmem>>
    %dma_wait3A_528 = tpu.memref_squeeze %dma_wait3A_527 : memref<1x128xi32, #tpu.memory_space<vmem>> -> memref<128xi32, #tpu.memory_space<vmem>>
    %dma_wait3A_529 = arith.constant 0 : i32
    %dma_wait3A_530 = arith.constant 0 : i32
    %dma_wait3A_531 = tpu.memref_slice %arg2[%dma_wait3A_529, %dma_wait3A_530] : memref<100000x128xf32, #tpu.memory_space<hbm>> -> memref<100000x128xf32, #tpu.memory_space<hbm>>
    tpu.wait_indirect_dma semaphore(%arg12 : memref<!tpu.dma_semaphore, #tpu.memory_space<semaphore_mem>>) src(%dma_wait3A_531 : memref<100000x128xf32, #tpu.memory_space<hbm>>) dst(%dma_wait3A_525 : memref<128x128xf32, #tpu.memory_space<vmem>>)
    %add3A_532 = arith.constant 1152 : i32
    %add3A_533 = arith.addi %mul3A_2, %add3A_532 : i32
    %dma_start3A_534 = arith.constant 1 : i32
    %dma_start3A_535 = arith.constant 0 : i32
    %dma_start3A_536 = arith.constant 0 : i32
    %dma_start3A_537 = tpu.memref_slice %arg9[%dma_start3A_534, %dma_start3A_535, %dma_start3A_536] : memref<4x128x128xf32, #tpu.memory_space<vmem>> -> memref<1x128x128xf32, #tpu.memory_space<vmem>>
    %dma_start3A_538 = tpu.memref_squeeze %dma_start3A_537 : memref<1x128x128xf32, #tpu.memory_space<vmem>> -> memref<128x128xf32, #tpu.memory_space<vmem>>
    %dma_start3A_539 = arith.constant 0 : i32
    %dma_start3A_540 = tpu.memref_slice %arg5[%add3A_533, %dma_start3A_539] : memref<81920x128xf32, #tpu.memory_space<hbm>> -> memref<128x128xf32, #tpu.memory_space<hbm>>
    %dma_start3A_541 = arith.constant 0 : i32
    %dma_start3A_542 = tpu.memref_slice %arg5[%add3A_533, %dma_start3A_541] : memref<81920x128xf32, #tpu.memory_space<hbm>> -> memref<128x128xf32, #tpu.memory_space<hbm>>
    %dma_start3A_543 = arith.constant 0 : i32
    %dma_start3A_544 = arith.constant 0 : i32
    %dma_start3A_545 = tpu.memref_slice %arg9[%dma_start3A_534, %dma_start3A_543, %dma_start3A_544] : memref<4x128x128xf32, #tpu.memory_space<vmem>> -> memref<1x128x128xf32, #tpu.memory_space<vmem>>
    %dma_start3A_546 = tpu.memref_squeeze %dma_start3A_545 : memref<1x128x128xf32, #tpu.memory_space<vmem>> -> memref<128x128xf32, #tpu.memory_space<vmem>>
    tpu.enqueue_dma source(%dma_start3A_546 : memref<128x128xf32, #tpu.memory_space<vmem>>) target(%dma_start3A_542 : memref<128x128xf32, #tpu.memory_space<hbm>>) target_semaphore(%arg16 : memref<!tpu.dma_semaphore, #tpu.memory_space<semaphore_mem>>)
    %dma_wait3A_547 = arith.constant 1 : i32
    %dma_wait3A_548 = arith.constant 0 : i32
    %dma_wait3A_549 = arith.constant 0 : i32
    %dma_wait3A_550 = tpu.memref_slice %arg9[%dma_wait3A_547, %dma_wait3A_548, %dma_wait3A_549] : memref<4x128x128xf32, #tpu.memory_space<vmem>> -> memref<1x128x128xf32, #tpu.memory_space<vmem>>
    %dma_wait3A_551 = tpu.memref_squeeze %dma_wait3A_550 : memref<1x128x128xf32, #tpu.memory_space<vmem>> -> memref<128x128xf32, #tpu.memory_space<vmem>>
    %dma_wait3A_552 = arith.constant 0 : i32
    %dma_wait3A_553 = tpu.memref_slice %arg5[%add3A_533, %dma_wait3A_552] : memref<81920x128xf32, #tpu.memory_space<hbm>> -> memref<128x128xf32, #tpu.memory_space<hbm>>
    %dma_wait3A_554 = arith.constant 0 : i32
    %dma_wait3A_555 = tpu.memref_slice %arg5[%add3A_533, %dma_wait3A_554] : memref<81920x128xf32, #tpu.memory_space<hbm>> -> memref<128x128xf32, #tpu.memory_space<hbm>>
    %dma_wait3A_556 = arith.constant 0 : i32
    %dma_wait3A_557 = arith.constant 0 : i32
    %dma_wait3A_558 = tpu.memref_slice %arg9[%dma_wait3A_547, %dma_wait3A_556, %dma_wait3A_557] : memref<4x128x128xf32, #tpu.memory_space<vmem>> -> memref<1x128x128xf32, #tpu.memory_space<vmem>>
    %dma_wait3A_559 = tpu.memref_squeeze %dma_wait3A_558 : memref<1x128x128xf32, #tpu.memory_space<vmem>> -> memref<128x128xf32, #tpu.memory_space<vmem>>
    tpu.wait_dma2 semaphore(%arg16 : memref<!tpu.dma_semaphore, #tpu.memory_space<semaphore_mem>>) src(%dma_wait3A_559 : memref<128x128xf32, #tpu.memory_space<vmem>>) dst(%dma_wait3A_555 : memref<128x128xf32, #tpu.memory_space<hbm>>)
    %dma_start3A_560 = arith.constant 13 : i32
    %dma_start3A_561 = arith.constant 1 : i32
    %dma_start3A_562 = arith.constant 0 : i32
    %dma_start3A_563 = arith.constant 0 : i32
    %dma_start3A_564 = tpu.memref_slice %arg9[%dma_start3A_561, %dma_start3A_562, %dma_start3A_563] : memref<4x128x128xf32, #tpu.memory_space<vmem>> -> memref<1x128x128xf32, #tpu.memory_space<vmem>>
    %dma_start3A_565 = tpu.memref_squeeze %dma_start3A_564 : memref<1x128x128xf32, #tpu.memory_space<vmem>> -> memref<128x128xf32, #tpu.memory_space<vmem>>
    %dma_start3A_566 = arith.constant 0 : i32
    %dma_start3A_567 = tpu.memref_slice %arg7[%dma_start3A_560, %dma_start3A_566] : memref<20x128xi32, #tpu.memory_space<vmem>> -> memref<1x128xi32, #tpu.memory_space<vmem>>
    %dma_start3A_568 = tpu.memref_squeeze %dma_start3A_567 : memref<1x128xi32, #tpu.memory_space<vmem>> -> memref<128xi32, #tpu.memory_space<vmem>>
    %dma_start3A_569 = arith.constant 0 : i32
    %dma_start3A_570 = arith.constant 0 : i32
    %dma_start3A_571 = tpu.memref_slice %arg2[%dma_start3A_569, %dma_start3A_570] : memref<100000x128xf32, #tpu.memory_space<hbm>> -> memref<100000x128xf32, #tpu.memory_space<hbm>>
    tpu.enqueue_indirect_dma source(%dma_start3A_571 : memref<100000x128xf32, #tpu.memory_space<hbm>>) target(%dma_start3A_565 : memref<128x128xf32, #tpu.memory_space<vmem>>) offsets(%dma_start3A_568 : memref<128xi32, #tpu.memory_space<vmem>>) semaphore(%arg12 : memref<!tpu.dma_semaphore, #tpu.memory_space<semaphore_mem>>)
    %dma_wait3A_572 = arith.constant 10 : i32
    %dma_wait3A_573 = arith.constant 2 : i32
    %dma_wait3A_574 = arith.constant 0 : i32
    %dma_wait3A_575 = arith.constant 0 : i32
    %dma_wait3A_576 = tpu.memref_slice %arg9[%dma_wait3A_573, %dma_wait3A_574, %dma_wait3A_575] : memref<4x128x128xf32, #tpu.memory_space<vmem>> -> memref<1x128x128xf32, #tpu.memory_space<vmem>>
    %dma_wait3A_577 = tpu.memref_squeeze %dma_wait3A_576 : memref<1x128x128xf32, #tpu.memory_space<vmem>> -> memref<128x128xf32, #tpu.memory_space<vmem>>
    %dma_wait3A_578 = arith.constant 0 : i32
    %dma_wait3A_579 = tpu.memref_slice %arg7[%dma_wait3A_572, %dma_wait3A_578] : memref<20x128xi32, #tpu.memory_space<vmem>> -> memref<1x128xi32, #tpu.memory_space<vmem>>
    %dma_wait3A_580 = tpu.memref_squeeze %dma_wait3A_579 : memref<1x128xi32, #tpu.memory_space<vmem>> -> memref<128xi32, #tpu.memory_space<vmem>>
    %dma_wait3A_581 = arith.constant 0 : i32
    %dma_wait3A_582 = arith.constant 0 : i32
    %dma_wait3A_583 = tpu.memref_slice %arg2[%dma_wait3A_581, %dma_wait3A_582] : memref<100000x128xf32, #tpu.memory_space<hbm>> -> memref<100000x128xf32, #tpu.memory_space<hbm>>
    tpu.wait_indirect_dma semaphore(%arg13 : memref<!tpu.dma_semaphore, #tpu.memory_space<semaphore_mem>>) src(%dma_wait3A_583 : memref<100000x128xf32, #tpu.memory_space<hbm>>) dst(%dma_wait3A_577 : memref<128x128xf32, #tpu.memory_space<vmem>>)
    %add3A_584 = arith.constant 1280 : i32
    %add3A_585 = arith.addi %mul3A_2, %add3A_584 : i32
    %dma_start3A_586 = arith.constant 2 : i32
    %dma_start3A_587 = arith.constant 0 : i32
    %dma_start3A_588 = arith.constant 0 : i32
    %dma_start3A_589 = tpu.memref_slice %arg9[%dma_start3A_586, %dma_start3A_587, %dma_start3A_588] : memref<4x128x128xf32, #tpu.memory_space<vmem>> -> memref<1x128x128xf32, #tpu.memory_space<vmem>>
    %dma_start3A_590 = tpu.memref_squeeze %dma_start3A_589 : memref<1x128x128xf32, #tpu.memory_space<vmem>> -> memref<128x128xf32, #tpu.memory_space<vmem>>
    %dma_start3A_591 = arith.constant 0 : i32
    %dma_start3A_592 = tpu.memref_slice %arg5[%add3A_585, %dma_start3A_591] : memref<81920x128xf32, #tpu.memory_space<hbm>> -> memref<128x128xf32, #tpu.memory_space<hbm>>
    %dma_start3A_593 = arith.constant 0 : i32
    %dma_start3A_594 = tpu.memref_slice %arg5[%add3A_585, %dma_start3A_593] : memref<81920x128xf32, #tpu.memory_space<hbm>> -> memref<128x128xf32, #tpu.memory_space<hbm>>
    %dma_start3A_595 = arith.constant 0 : i32
    %dma_start3A_596 = arith.constant 0 : i32
    %dma_start3A_597 = tpu.memref_slice %arg9[%dma_start3A_586, %dma_start3A_595, %dma_start3A_596] : memref<4x128x128xf32, #tpu.memory_space<vmem>> -> memref<1x128x128xf32, #tpu.memory_space<vmem>>
    %dma_start3A_598 = tpu.memref_squeeze %dma_start3A_597 : memref<1x128x128xf32, #tpu.memory_space<vmem>> -> memref<128x128xf32, #tpu.memory_space<vmem>>
    tpu.enqueue_dma source(%dma_start3A_598 : memref<128x128xf32, #tpu.memory_space<vmem>>) target(%dma_start3A_594 : memref<128x128xf32, #tpu.memory_space<hbm>>) target_semaphore(%arg17 : memref<!tpu.dma_semaphore, #tpu.memory_space<semaphore_mem>>)
    %dma_wait3A_599 = arith.constant 2 : i32
    %dma_wait3A_600 = arith.constant 0 : i32
    %dma_wait3A_601 = arith.constant 0 : i32
    %dma_wait3A_602 = tpu.memref_slice %arg9[%dma_wait3A_599, %dma_wait3A_600, %dma_wait3A_601] : memref<4x128x128xf32, #tpu.memory_space<vmem>> -> memref<1x128x128xf32, #tpu.memory_space<vmem>>
    %dma_wait3A_603 = tpu.memref_squeeze %dma_wait3A_602 : memref<1x128x128xf32, #tpu.memory_space<vmem>> -> memref<128x128xf32, #tpu.memory_space<vmem>>
    %dma_wait3A_604 = arith.constant 0 : i32
    %dma_wait3A_605 = tpu.memref_slice %arg5[%add3A_585, %dma_wait3A_604] : memref<81920x128xf32, #tpu.memory_space<hbm>> -> memref<128x128xf32, #tpu.memory_space<hbm>>
    %dma_wait3A_606 = arith.constant 0 : i32
    %dma_wait3A_607 = tpu.memref_slice %arg5[%add3A_585, %dma_wait3A_606] : memref<81920x128xf32, #tpu.memory_space<hbm>> -> memref<128x128xf32, #tpu.memory_space<hbm>>
    %dma_wait3A_608 = arith.constant 0 : i32
    %dma_wait3A_609 = arith.constant 0 : i32
    %dma_wait3A_610 = tpu.memref_slice %arg9[%dma_wait3A_599, %dma_wait3A_608, %dma_wait3A_609] : memref<4x128x128xf32, #tpu.memory_space<vmem>> -> memref<1x128x128xf32, #tpu.memory_space<vmem>>
    %dma_wait3A_611 = tpu.memref_squeeze %dma_wait3A_610 : memref<1x128x128xf32, #tpu.memory_space<vmem>> -> memref<128x128xf32, #tpu.memory_space<vmem>>
    tpu.wait_dma2 semaphore(%arg17 : memref<!tpu.dma_semaphore, #tpu.memory_space<semaphore_mem>>) src(%dma_wait3A_611 : memref<128x128xf32, #tpu.memory_space<vmem>>) dst(%dma_wait3A_607 : memref<128x128xf32, #tpu.memory_space<hbm>>)
    %dma_start3A_612 = arith.constant 14 : i32
    %dma_start3A_613 = arith.constant 2 : i32
    %dma_start3A_614 = arith.constant 0 : i32
    %dma_start3A_615 = arith.constant 0 : i32
    %dma_start3A_616 = tpu.memref_slice %arg9[%dma_start3A_613, %dma_start3A_614, %dma_start3A_615] : memref<4x128x128xf32, #tpu.memory_space<vmem>> -> memref<1x128x128xf32, #tpu.memory_space<vmem>>
    %dma_start3A_617 = tpu.memref_squeeze %dma_start3A_616 : memref<1x128x128xf32, #tpu.memory_space<vmem>> -> memref<128x128xf32, #tpu.memory_space<vmem>>
    %dma_start3A_618 = arith.constant 0 : i32
    %dma_start3A_619 = tpu.memref_slice %arg7[%dma_start3A_612, %dma_start3A_618] : memref<20x128xi32, #tpu.memory_space<vmem>> -> memref<1x128xi32, #tpu.memory_space<vmem>>
    %dma_start3A_620 = tpu.memref_squeeze %dma_start3A_619 : memref<1x128xi32, #tpu.memory_space<vmem>> -> memref<128xi32, #tpu.memory_space<vmem>>
    %dma_start3A_621 = arith.constant 0 : i32
    %dma_start3A_622 = arith.constant 0 : i32
    %dma_start3A_623 = tpu.memref_slice %arg2[%dma_start3A_621, %dma_start3A_622] : memref<100000x128xf32, #tpu.memory_space<hbm>> -> memref<100000x128xf32, #tpu.memory_space<hbm>>
    tpu.enqueue_indirect_dma source(%dma_start3A_623 : memref<100000x128xf32, #tpu.memory_space<hbm>>) target(%dma_start3A_617 : memref<128x128xf32, #tpu.memory_space<vmem>>) offsets(%dma_start3A_620 : memref<128xi32, #tpu.memory_space<vmem>>) semaphore(%arg13 : memref<!tpu.dma_semaphore, #tpu.memory_space<semaphore_mem>>)
    %dma_wait3A_624 = arith.constant 11 : i32
    %dma_wait3A_625 = arith.constant 3 : i32
    %dma_wait3A_626 = arith.constant 0 : i32
    %dma_wait3A_627 = arith.constant 0 : i32
    %dma_wait3A_628 = tpu.memref_slice %arg9[%dma_wait3A_625, %dma_wait3A_626, %dma_wait3A_627] : memref<4x128x128xf32, #tpu.memory_space<vmem>> -> memref<1x128x128xf32, #tpu.memory_space<vmem>>
    %dma_wait3A_629 = tpu.memref_squeeze %dma_wait3A_628 : memref<1x128x128xf32, #tpu.memory_space<vmem>> -> memref<128x128xf32, #tpu.memory_space<vmem>>
    %dma_wait3A_630 = arith.constant 0 : i32
    %dma_wait3A_631 = tpu.memref_slice %arg7[%dma_wait3A_624, %dma_wait3A_630] : memref<20x128xi32, #tpu.memory_space<vmem>> -> memref<1x128xi32, #tpu.memory_space<vmem>>
    %dma_wait3A_632 = tpu.memref_squeeze %dma_wait3A_631 : memref<1x128xi32, #tpu.memory_space<vmem>> -> memref<128xi32, #tpu.memory_space<vmem>>
    %dma_wait3A_633 = arith.constant 0 : i32
    %dma_wait3A_634 = arith.constant 0 : i32
    %dma_wait3A_635 = tpu.memref_slice %arg2[%dma_wait3A_633, %dma_wait3A_634] : memref<100000x128xf32, #tpu.memory_space<hbm>> -> memref<100000x128xf32, #tpu.memory_space<hbm>>
    tpu.wait_indirect_dma semaphore(%arg14 : memref<!tpu.dma_semaphore, #tpu.memory_space<semaphore_mem>>) src(%dma_wait3A_635 : memref<100000x128xf32, #tpu.memory_space<hbm>>) dst(%dma_wait3A_629 : memref<128x128xf32, #tpu.memory_space<vmem>>)
    %add3A_636 = arith.constant 1408 : i32
    %add3A_637 = arith.addi %mul3A_2, %add3A_636 : i32
    %dma_start3A_638 = arith.constant 3 : i32
    %dma_start3A_639 = arith.constant 0 : i32
    %dma_start3A_640 = arith.constant 0 : i32
    %dma_start3A_641 = tpu.memref_slice %arg9[%dma_start3A_638, %dma_start3A_639, %dma_start3A_640] : memref<4x128x128xf32, #tpu.memory_space<vmem>> -> memref<1x128x128xf32, #tpu.memory_space<vmem>>
    %dma_start3A_642 = tpu.memref_squeeze %dma_start3A_641 : memref<1x128x128xf32, #tpu.memory_space<vmem>> -> memref<128x128xf32, #tpu.memory_space<vmem>>
    %dma_start3A_643 = arith.constant 0 : i32
    %dma_start3A_644 = tpu.memref_slice %arg5[%add3A_637, %dma_start3A_643] : memref<81920x128xf32, #tpu.memory_space<hbm>> -> memref<128x128xf32, #tpu.memory_space<hbm>>
    %dma_start3A_645 = arith.constant 0 : i32
    %dma_start3A_646 = tpu.memref_slice %arg5[%add3A_637, %dma_start3A_645] : memref<81920x128xf32, #tpu.memory_space<hbm>> -> memref<128x128xf32, #tpu.memory_space<hbm>>
    %dma_start3A_647 = arith.constant 0 : i32
    %dma_start3A_648 = arith.constant 0 : i32
    %dma_start3A_649 = tpu.memref_slice %arg9[%dma_start3A_638, %dma_start3A_647, %dma_start3A_648] : memref<4x128x128xf32, #tpu.memory_space<vmem>> -> memref<1x128x128xf32, #tpu.memory_space<vmem>>
    %dma_start3A_650 = tpu.memref_squeeze %dma_start3A_649 : memref<1x128x128xf32, #tpu.memory_space<vmem>> -> memref<128x128xf32, #tpu.memory_space<vmem>>
    tpu.enqueue_dma source(%dma_start3A_650 : memref<128x128xf32, #tpu.memory_space<vmem>>) target(%dma_start3A_646 : memref<128x128xf32, #tpu.memory_space<hbm>>) target_semaphore(%arg18 : memref<!tpu.dma_semaphore, #tpu.memory_space<semaphore_mem>>)
    %dma_wait3A_651 = arith.constant 3 : i32
    %dma_wait3A_652 = arith.constant 0 : i32
    %dma_wait3A_653 = arith.constant 0 : i32
    %dma_wait3A_654 = tpu.memref_slice %arg9[%dma_wait3A_651, %dma_wait3A_652, %dma_wait3A_653] : memref<4x128x128xf32, #tpu.memory_space<vmem>> -> memref<1x128x128xf32, #tpu.memory_space<vmem>>
    %dma_wait3A_655 = tpu.memref_squeeze %dma_wait3A_654 : memref<1x128x128xf32, #tpu.memory_space<vmem>> -> memref<128x128xf32, #tpu.memory_space<vmem>>
    %dma_wait3A_656 = arith.constant 0 : i32
    %dma_wait3A_657 = tpu.memref_slice %arg5[%add3A_637, %dma_wait3A_656] : memref<81920x128xf32, #tpu.memory_space<hbm>> -> memref<128x128xf32, #tpu.memory_space<hbm>>
    %dma_wait3A_658 = arith.constant 0 : i32
    %dma_wait3A_659 = tpu.memref_slice %arg5[%add3A_637, %dma_wait3A_658] : memref<81920x128xf32, #tpu.memory_space<hbm>> -> memref<128x128xf32, #tpu.memory_space<hbm>>
    %dma_wait3A_660 = arith.constant 0 : i32
    %dma_wait3A_661 = arith.constant 0 : i32
    %dma_wait3A_662 = tpu.memref_slice %arg9[%dma_wait3A_651, %dma_wait3A_660, %dma_wait3A_661] : memref<4x128x128xf32, #tpu.memory_space<vmem>> -> memref<1x128x128xf32, #tpu.memory_space<vmem>>
    %dma_wait3A_663 = tpu.memref_squeeze %dma_wait3A_662 : memref<1x128x128xf32, #tpu.memory_space<vmem>> -> memref<128x128xf32, #tpu.memory_space<vmem>>
    tpu.wait_dma2 semaphore(%arg18 : memref<!tpu.dma_semaphore, #tpu.memory_space<semaphore_mem>>) src(%dma_wait3A_663 : memref<128x128xf32, #tpu.memory_space<vmem>>) dst(%dma_wait3A_659 : memref<128x128xf32, #tpu.memory_space<hbm>>)
    %dma_start3A_664 = arith.constant 15 : i32
    %dma_start3A_665 = arith.constant 3 : i32
    %dma_start3A_666 = arith.constant 0 : i32
    %dma_start3A_667 = arith.constant 0 : i32
    %dma_start3A_668 = tpu.memref_slice %arg9[%dma_start3A_665, %dma_start3A_666, %dma_start3A_667] : memref<4x128x128xf32, #tpu.memory_space<vmem>> -> memref<1x128x128xf32, #tpu.memory_space<vmem>>
    %dma_start3A_669 = tpu.memref_squeeze %dma_start3A_668 : memref<1x128x128xf32, #tpu.memory_space<vmem>> -> memref<128x128xf32, #tpu.memory_space<vmem>>
    %dma_start3A_670 = arith.constant 0 : i32
    %dma_start3A_671 = tpu.memref_slice %arg7[%dma_start3A_664, %dma_start3A_670] : memref<20x128xi32, #tpu.memory_space<vmem>> -> memref<1x128xi32, #tpu.memory_space<vmem>>
    %dma_start3A_672 = tpu.memref_squeeze %dma_start3A_671 : memref<1x128xi32, #tpu.memory_space<vmem>> -> memref<128xi32, #tpu.memory_space<vmem>>
    %dma_start3A_673 = arith.constant 0 : i32
    %dma_start3A_674 = arith.constant 0 : i32
    %dma_start3A_675 = tpu.memref_slice %arg2[%dma_start3A_673, %dma_start3A_674] : memref<100000x128xf32, #tpu.memory_space<hbm>> -> memref<100000x128xf32, #tpu.memory_space<hbm>>
    tpu.enqueue_indirect_dma source(%dma_start3A_675 : memref<100000x128xf32, #tpu.memory_space<hbm>>) target(%dma_start3A_669 : memref<128x128xf32, #tpu.memory_space<vmem>>) offsets(%dma_start3A_672 : memref<128xi32, #tpu.memory_space<vmem>>) semaphore(%arg14 : memref<!tpu.dma_semaphore, #tpu.memory_space<semaphore_mem>>)
    %dma_wait3A_676 = arith.constant 12 : i32
    %dma_wait3A_677 = arith.constant 0 : i32
    %dma_wait3A_678 = arith.constant 0 : i32
    %dma_wait3A_679 = arith.constant 0 : i32
    %dma_wait3A_680 = tpu.memref_slice %arg9[%dma_wait3A_677, %dma_wait3A_678, %dma_wait3A_679] : memref<4x128x128xf32, #tpu.memory_space<vmem>> -> memref<1x128x128xf32, #tpu.memory_space<vmem>>
    %dma_wait3A_681 = tpu.memref_squeeze %dma_wait3A_680 : memref<1x128x128xf32, #tpu.memory_space<vmem>> -> memref<128x128xf32, #tpu.memory_space<vmem>>
    %dma_wait3A_682 = arith.constant 0 : i32
    %dma_wait3A_683 = tpu.memref_slice %arg7[%dma_wait3A_676, %dma_wait3A_682] : memref<20x128xi32, #tpu.memory_space<vmem>> -> memref<1x128xi32, #tpu.memory_space<vmem>>
    %dma_wait3A_684 = tpu.memref_squeeze %dma_wait3A_683 : memref<1x128xi32, #tpu.memory_space<vmem>> -> memref<128xi32, #tpu.memory_space<vmem>>
    %dma_wait3A_685 = arith.constant 0 : i32
    %dma_wait3A_686 = arith.constant 0 : i32
    %dma_wait3A_687 = tpu.memref_slice %arg2[%dma_wait3A_685, %dma_wait3A_686] : memref<100000x128xf32, #tpu.memory_space<hbm>> -> memref<100000x128xf32, #tpu.memory_space<hbm>>
    tpu.wait_indirect_dma semaphore(%arg11 : memref<!tpu.dma_semaphore, #tpu.memory_space<semaphore_mem>>) src(%dma_wait3A_687 : memref<100000x128xf32, #tpu.memory_space<hbm>>) dst(%dma_wait3A_681 : memref<128x128xf32, #tpu.memory_space<vmem>>)
    %add3A_688 = arith.constant 1536 : i32
    %add3A_689 = arith.addi %mul3A_2, %add3A_688 : i32
    %dma_start3A_690 = arith.constant 0 : i32
    %dma_start3A_691 = arith.constant 0 : i32
    %dma_start3A_692 = arith.constant 0 : i32
    %dma_start3A_693 = tpu.memref_slice %arg9[%dma_start3A_690, %dma_start3A_691, %dma_start3A_692] : memref<4x128x128xf32, #tpu.memory_space<vmem>> -> memref<1x128x128xf32, #tpu.memory_space<vmem>>
    %dma_start3A_694 = tpu.memref_squeeze %dma_start3A_693 : memref<1x128x128xf32, #tpu.memory_space<vmem>> -> memref<128x128xf32, #tpu.memory_space<vmem>>
    %dma_start3A_695 = arith.constant 0 : i32
    %dma_start3A_696 = tpu.memref_slice %arg5[%add3A_689, %dma_start3A_695] : memref<81920x128xf32, #tpu.memory_space<hbm>> -> memref<128x128xf32, #tpu.memory_space<hbm>>
    %dma_start3A_697 = arith.constant 0 : i32
    %dma_start3A_698 = tpu.memref_slice %arg5[%add3A_689, %dma_start3A_697] : memref<81920x128xf32, #tpu.memory_space<hbm>> -> memref<128x128xf32, #tpu.memory_space<hbm>>
    %dma_start3A_699 = arith.constant 0 : i32
    %dma_start3A_700 = arith.constant 0 : i32
    %dma_start3A_701 = tpu.memref_slice %arg9[%dma_start3A_690, %dma_start3A_699, %dma_start3A_700] : memref<4x128x128xf32, #tpu.memory_space<vmem>> -> memref<1x128x128xf32, #tpu.memory_space<vmem>>
    %dma_start3A_702 = tpu.memref_squeeze %dma_start3A_701 : memref<1x128x128xf32, #tpu.memory_space<vmem>> -> memref<128x128xf32, #tpu.memory_space<vmem>>
    tpu.enqueue_dma source(%dma_start3A_702 : memref<128x128xf32, #tpu.memory_space<vmem>>) target(%dma_start3A_698 : memref<128x128xf32, #tpu.memory_space<hbm>>) target_semaphore(%arg15 : memref<!tpu.dma_semaphore, #tpu.memory_space<semaphore_mem>>)
    %dma_wait3A_703 = arith.constant 0 : i32
    %dma_wait3A_704 = arith.constant 0 : i32
    %dma_wait3A_705 = arith.constant 0 : i32
    %dma_wait3A_706 = tpu.memref_slice %arg9[%dma_wait3A_703, %dma_wait3A_704, %dma_wait3A_705] : memref<4x128x128xf32, #tpu.memory_space<vmem>> -> memref<1x128x128xf32, #tpu.memory_space<vmem>>
    %dma_wait3A_707 = tpu.memref_squeeze %dma_wait3A_706 : memref<1x128x128xf32, #tpu.memory_space<vmem>> -> memref<128x128xf32, #tpu.memory_space<vmem>>
    %dma_wait3A_708 = arith.constant 0 : i32
    %dma_wait3A_709 = tpu.memref_slice %arg5[%add3A_689, %dma_wait3A_708] : memref<81920x128xf32, #tpu.memory_space<hbm>> -> memref<128x128xf32, #tpu.memory_space<hbm>>
    %dma_wait3A_710 = arith.constant 0 : i32
    %dma_wait3A_711 = tpu.memref_slice %arg5[%add3A_689, %dma_wait3A_710] : memref<81920x128xf32, #tpu.memory_space<hbm>> -> memref<128x128xf32, #tpu.memory_space<hbm>>
    %dma_wait3A_712 = arith.constant 0 : i32
    %dma_wait3A_713 = arith.constant 0 : i32
    %dma_wait3A_714 = tpu.memref_slice %arg9[%dma_wait3A_703, %dma_wait3A_712, %dma_wait3A_713] : memref<4x128x128xf32, #tpu.memory_space<vmem>> -> memref<1x128x128xf32, #tpu.memory_space<vmem>>
    %dma_wait3A_715 = tpu.memref_squeeze %dma_wait3A_714 : memref<1x128x128xf32, #tpu.memory_space<vmem>> -> memref<128x128xf32, #tpu.memory_space<vmem>>
    tpu.wait_dma2 semaphore(%arg15 : memref<!tpu.dma_semaphore, #tpu.memory_space<semaphore_mem>>) src(%dma_wait3A_715 : memref<128x128xf32, #tpu.memory_space<vmem>>) dst(%dma_wait3A_711 : memref<128x128xf32, #tpu.memory_space<hbm>>)
    %dma_start3A_716 = arith.constant 16 : i32
    %dma_start3A_717 = arith.constant 0 : i32
    %dma_start3A_718 = arith.constant 0 : i32
    %dma_start3A_719 = arith.constant 0 : i32
    %dma_start3A_720 = tpu.memref_slice %arg9[%dma_start3A_717, %dma_start3A_718, %dma_start3A_719] : memref<4x128x128xf32, #tpu.memory_space<vmem>> -> memref<1x128x128xf32, #tpu.memory_space<vmem>>
    %dma_start3A_721 = tpu.memref_squeeze %dma_start3A_720 : memref<1x128x128xf32, #tpu.memory_space<vmem>> -> memref<128x128xf32, #tpu.memory_space<vmem>>
    %dma_start3A_722 = arith.constant 0 : i32
    %dma_start3A_723 = tpu.memref_slice %arg7[%dma_start3A_716, %dma_start3A_722] : memref<20x128xi32, #tpu.memory_space<vmem>> -> memref<1x128xi32, #tpu.memory_space<vmem>>
    %dma_start3A_724 = tpu.memref_squeeze %dma_start3A_723 : memref<1x128xi32, #tpu.memory_space<vmem>> -> memref<128xi32, #tpu.memory_space<vmem>>
    %dma_start3A_725 = arith.constant 0 : i32
    %dma_start3A_726 = arith.constant 0 : i32
    %dma_start3A_727 = tpu.memref_slice %arg2[%dma_start3A_725, %dma_start3A_726] : memref<100000x128xf32, #tpu.memory_space<hbm>> -> memref<100000x128xf32, #tpu.memory_space<hbm>>
    tpu.enqueue_indirect_dma source(%dma_start3A_727 : memref<100000x128xf32, #tpu.memory_space<hbm>>) target(%dma_start3A_721 : memref<128x128xf32, #tpu.memory_space<vmem>>) offsets(%dma_start3A_724 : memref<128xi32, #tpu.memory_space<vmem>>) semaphore(%arg11 : memref<!tpu.dma_semaphore, #tpu.memory_space<semaphore_mem>>)
    %dma_wait3A_728 = arith.constant 13 : i32
    %dma_wait3A_729 = arith.constant 1 : i32
    %dma_wait3A_730 = arith.constant 0 : i32
    %dma_wait3A_731 = arith.constant 0 : i32
    %dma_wait3A_732 = tpu.memref_slice %arg9[%dma_wait3A_729, %dma_wait3A_730, %dma_wait3A_731] : memref<4x128x128xf32, #tpu.memory_space<vmem>> -> memref<1x128x128xf32, #tpu.memory_space<vmem>>
    %dma_wait3A_733 = tpu.memref_squeeze %dma_wait3A_732 : memref<1x128x128xf32, #tpu.memory_space<vmem>> -> memref<128x128xf32, #tpu.memory_space<vmem>>
    %dma_wait3A_734 = arith.constant 0 : i32
    %dma_wait3A_735 = tpu.memref_slice %arg7[%dma_wait3A_728, %dma_wait3A_734] : memref<20x128xi32, #tpu.memory_space<vmem>> -> memref<1x128xi32, #tpu.memory_space<vmem>>
    %dma_wait3A_736 = tpu.memref_squeeze %dma_wait3A_735 : memref<1x128xi32, #tpu.memory_space<vmem>> -> memref<128xi32, #tpu.memory_space<vmem>>
    %dma_wait3A_737 = arith.constant 0 : i32
    %dma_wait3A_738 = arith.constant 0 : i32
    %dma_wait3A_739 = tpu.memref_slice %arg2[%dma_wait3A_737, %dma_wait3A_738] : memref<100000x128xf32, #tpu.memory_space<hbm>> -> memref<100000x128xf32, #tpu.memory_space<hbm>>
    tpu.wait_indirect_dma semaphore(%arg12 : memref<!tpu.dma_semaphore, #tpu.memory_space<semaphore_mem>>) src(%dma_wait3A_739 : memref<100000x128xf32, #tpu.memory_space<hbm>>) dst(%dma_wait3A_733 : memref<128x128xf32, #tpu.memory_space<vmem>>)
    %add3A_740 = arith.constant 1664 : i32
    %add3A_741 = arith.addi %mul3A_2, %add3A_740 : i32
    %dma_start3A_742 = arith.constant 1 : i32
    %dma_start3A_743 = arith.constant 0 : i32
    %dma_start3A_744 = arith.constant 0 : i32
    %dma_start3A_745 = tpu.memref_slice %arg9[%dma_start3A_742, %dma_start3A_743, %dma_start3A_744] : memref<4x128x128xf32, #tpu.memory_space<vmem>> -> memref<1x128x128xf32, #tpu.memory_space<vmem>>
    %dma_start3A_746 = tpu.memref_squeeze %dma_start3A_745 : memref<1x128x128xf32, #tpu.memory_space<vmem>> -> memref<128x128xf32, #tpu.memory_space<vmem>>
    %dma_start3A_747 = arith.constant 0 : i32
    %dma_start3A_748 = tpu.memref_slice %arg5[%add3A_741, %dma_start3A_747] : memref<81920x128xf32, #tpu.memory_space<hbm>> -> memref<128x128xf32, #tpu.memory_space<hbm>>
    %dma_start3A_749 = arith.constant 0 : i32
    %dma_start3A_750 = tpu.memref_slice %arg5[%add3A_741, %dma_start3A_749] : memref<81920x128xf32, #tpu.memory_space<hbm>> -> memref<128x128xf32, #tpu.memory_space<hbm>>
    %dma_start3A_751 = arith.constant 0 : i32
    %dma_start3A_752 = arith.constant 0 : i32
    %dma_start3A_753 = tpu.memref_slice %arg9[%dma_start3A_742, %dma_start3A_751, %dma_start3A_752] : memref<4x128x128xf32, #tpu.memory_space<vmem>> -> memref<1x128x128xf32, #tpu.memory_space<vmem>>
    %dma_start3A_754 = tpu.memref_squeeze %dma_start3A_753 : memref<1x128x128xf32, #tpu.memory_space<vmem>> -> memref<128x128xf32, #tpu.memory_space<vmem>>
    tpu.enqueue_dma source(%dma_start3A_754 : memref<128x128xf32, #tpu.memory_space<vmem>>) target(%dma_start3A_750 : memref<128x128xf32, #tpu.memory_space<hbm>>) target_semaphore(%arg16 : memref<!tpu.dma_semaphore, #tpu.memory_space<semaphore_mem>>)
    %dma_wait3A_755 = arith.constant 1 : i32
    %dma_wait3A_756 = arith.constant 0 : i32
    %dma_wait3A_757 = arith.constant 0 : i32
    %dma_wait3A_758 = tpu.memref_slice %arg9[%dma_wait3A_755, %dma_wait3A_756, %dma_wait3A_757] : memref<4x128x128xf32, #tpu.memory_space<vmem>> -> memref<1x128x128xf32, #tpu.memory_space<vmem>>
    %dma_wait3A_759 = tpu.memref_squeeze %dma_wait3A_758 : memref<1x128x128xf32, #tpu.memory_space<vmem>> -> memref<128x128xf32, #tpu.memory_space<vmem>>
    %dma_wait3A_760 = arith.constant 0 : i32
    %dma_wait3A_761 = tpu.memref_slice %arg5[%add3A_741, %dma_wait3A_760] : memref<81920x128xf32, #tpu.memory_space<hbm>> -> memref<128x128xf32, #tpu.memory_space<hbm>>
    %dma_wait3A_762 = arith.constant 0 : i32
    %dma_wait3A_763 = tpu.memref_slice %arg5[%add3A_741, %dma_wait3A_762] : memref<81920x128xf32, #tpu.memory_space<hbm>> -> memref<128x128xf32, #tpu.memory_space<hbm>>
    %dma_wait3A_764 = arith.constant 0 : i32
    %dma_wait3A_765 = arith.constant 0 : i32
    %dma_wait3A_766 = tpu.memref_slice %arg9[%dma_wait3A_755, %dma_wait3A_764, %dma_wait3A_765] : memref<4x128x128xf32, #tpu.memory_space<vmem>> -> memref<1x128x128xf32, #tpu.memory_space<vmem>>
    %dma_wait3A_767 = tpu.memref_squeeze %dma_wait3A_766 : memref<1x128x128xf32, #tpu.memory_space<vmem>> -> memref<128x128xf32, #tpu.memory_space<vmem>>
    tpu.wait_dma2 semaphore(%arg16 : memref<!tpu.dma_semaphore, #tpu.memory_space<semaphore_mem>>) src(%dma_wait3A_767 : memref<128x128xf32, #tpu.memory_space<vmem>>) dst(%dma_wait3A_763 : memref<128x128xf32, #tpu.memory_space<hbm>>)
    %dma_start3A_768 = arith.constant 17 : i32
    %dma_start3A_769 = arith.constant 1 : i32
    %dma_start3A_770 = arith.constant 0 : i32
    %dma_start3A_771 = arith.constant 0 : i32
    %dma_start3A_772 = tpu.memref_slice %arg9[%dma_start3A_769, %dma_start3A_770, %dma_start3A_771] : memref<4x128x128xf32, #tpu.memory_space<vmem>> -> memref<1x128x128xf32, #tpu.memory_space<vmem>>
    %dma_start3A_773 = tpu.memref_squeeze %dma_start3A_772 : memref<1x128x128xf32, #tpu.memory_space<vmem>> -> memref<128x128xf32, #tpu.memory_space<vmem>>
    %dma_start3A_774 = arith.constant 0 : i32
    %dma_start3A_775 = tpu.memref_slice %arg7[%dma_start3A_768, %dma_start3A_774] : memref<20x128xi32, #tpu.memory_space<vmem>> -> memref<1x128xi32, #tpu.memory_space<vmem>>
    %dma_start3A_776 = tpu.memref_squeeze %dma_start3A_775 : memref<1x128xi32, #tpu.memory_space<vmem>> -> memref<128xi32, #tpu.memory_space<vmem>>
    %dma_start3A_777 = arith.constant 0 : i32
    %dma_start3A_778 = arith.constant 0 : i32
    %dma_start3A_779 = tpu.memref_slice %arg2[%dma_start3A_777, %dma_start3A_778] : memref<100000x128xf32, #tpu.memory_space<hbm>> -> memref<100000x128xf32, #tpu.memory_space<hbm>>
    tpu.enqueue_indirect_dma source(%dma_start3A_779 : memref<100000x128xf32, #tpu.memory_space<hbm>>) target(%dma_start3A_773 : memref<128x128xf32, #tpu.memory_space<vmem>>) offsets(%dma_start3A_776 : memref<128xi32, #tpu.memory_space<vmem>>) semaphore(%arg12 : memref<!tpu.dma_semaphore, #tpu.memory_space<semaphore_mem>>)
    %dma_wait3A_780 = arith.constant 14 : i32
    %dma_wait3A_781 = arith.constant 2 : i32
    %dma_wait3A_782 = arith.constant 0 : i32
    %dma_wait3A_783 = arith.constant 0 : i32
    %dma_wait3A_784 = tpu.memref_slice %arg9[%dma_wait3A_781, %dma_wait3A_782, %dma_wait3A_783] : memref<4x128x128xf32, #tpu.memory_space<vmem>> -> memref<1x128x128xf32, #tpu.memory_space<vmem>>
    %dma_wait3A_785 = tpu.memref_squeeze %dma_wait3A_784 : memref<1x128x128xf32, #tpu.memory_space<vmem>> -> memref<128x128xf32, #tpu.memory_space<vmem>>
    %dma_wait3A_786 = arith.constant 0 : i32
    %dma_wait3A_787 = tpu.memref_slice %arg7[%dma_wait3A_780, %dma_wait3A_786] : memref<20x128xi32, #tpu.memory_space<vmem>> -> memref<1x128xi32, #tpu.memory_space<vmem>>
    %dma_wait3A_788 = tpu.memref_squeeze %dma_wait3A_787 : memref<1x128xi32, #tpu.memory_space<vmem>> -> memref<128xi32, #tpu.memory_space<vmem>>
    %dma_wait3A_789 = arith.constant 0 : i32
    %dma_wait3A_790 = arith.constant 0 : i32
    %dma_wait3A_791 = tpu.memref_slice %arg2[%dma_wait3A_789, %dma_wait3A_790] : memref<100000x128xf32, #tpu.memory_space<hbm>> -> memref<100000x128xf32, #tpu.memory_space<hbm>>
    tpu.wait_indirect_dma semaphore(%arg13 : memref<!tpu.dma_semaphore, #tpu.memory_space<semaphore_mem>>) src(%dma_wait3A_791 : memref<100000x128xf32, #tpu.memory_space<hbm>>) dst(%dma_wait3A_785 : memref<128x128xf32, #tpu.memory_space<vmem>>)
    %add3A_792 = arith.constant 1792 : i32
    %add3A_793 = arith.addi %mul3A_2, %add3A_792 : i32
    %dma_start3A_794 = arith.constant 2 : i32
    %dma_start3A_795 = arith.constant 0 : i32
    %dma_start3A_796 = arith.constant 0 : i32
    %dma_start3A_797 = tpu.memref_slice %arg9[%dma_start3A_794, %dma_start3A_795, %dma_start3A_796] : memref<4x128x128xf32, #tpu.memory_space<vmem>> -> memref<1x128x128xf32, #tpu.memory_space<vmem>>
    %dma_start3A_798 = tpu.memref_squeeze %dma_start3A_797 : memref<1x128x128xf32, #tpu.memory_space<vmem>> -> memref<128x128xf32, #tpu.memory_space<vmem>>
    %dma_start3A_799 = arith.constant 0 : i32
    %dma_start3A_800 = tpu.memref_slice %arg5[%add3A_793, %dma_start3A_799] : memref<81920x128xf32, #tpu.memory_space<hbm>> -> memref<128x128xf32, #tpu.memory_space<hbm>>
    %dma_start3A_801 = arith.constant 0 : i32
    %dma_start3A_802 = tpu.memref_slice %arg5[%add3A_793, %dma_start3A_801] : memref<81920x128xf32, #tpu.memory_space<hbm>> -> memref<128x128xf32, #tpu.memory_space<hbm>>
    %dma_start3A_803 = arith.constant 0 : i32
    %dma_start3A_804 = arith.constant 0 : i32
    %dma_start3A_805 = tpu.memref_slice %arg9[%dma_start3A_794, %dma_start3A_803, %dma_start3A_804] : memref<4x128x128xf32, #tpu.memory_space<vmem>> -> memref<1x128x128xf32, #tpu.memory_space<vmem>>
    %dma_start3A_806 = tpu.memref_squeeze %dma_start3A_805 : memref<1x128x128xf32, #tpu.memory_space<vmem>> -> memref<128x128xf32, #tpu.memory_space<vmem>>
    tpu.enqueue_dma source(%dma_start3A_806 : memref<128x128xf32, #tpu.memory_space<vmem>>) target(%dma_start3A_802 : memref<128x128xf32, #tpu.memory_space<hbm>>) target_semaphore(%arg17 : memref<!tpu.dma_semaphore, #tpu.memory_space<semaphore_mem>>)
    %dma_wait3A_807 = arith.constant 2 : i32
    %dma_wait3A_808 = arith.constant 0 : i32
    %dma_wait3A_809 = arith.constant 0 : i32
    %dma_wait3A_810 = tpu.memref_slice %arg9[%dma_wait3A_807, %dma_wait3A_808, %dma_wait3A_809] : memref<4x128x128xf32, #tpu.memory_space<vmem>> -> memref<1x128x128xf32, #tpu.memory_space<vmem>>
    %dma_wait3A_811 = tpu.memref_squeeze %dma_wait3A_810 : memref<1x128x128xf32, #tpu.memory_space<vmem>> -> memref<128x128xf32, #tpu.memory_space<vmem>>
    %dma_wait3A_812 = arith.constant 0 : i32
    %dma_wait3A_813 = tpu.memref_slice %arg5[%add3A_793, %dma_wait3A_812] : memref<81920x128xf32, #tpu.memory_space<hbm>> -> memref<128x128xf32, #tpu.memory_space<hbm>>
    %dma_wait3A_814 = arith.constant 0 : i32
    %dma_wait3A_815 = tpu.memref_slice %arg5[%add3A_793, %dma_wait3A_814] : memref<81920x128xf32, #tpu.memory_space<hbm>> -> memref<128x128xf32, #tpu.memory_space<hbm>>
    %dma_wait3A_816 = arith.constant 0 : i32
    %dma_wait3A_817 = arith.constant 0 : i32
    %dma_wait3A_818 = tpu.memref_slice %arg9[%dma_wait3A_807, %dma_wait3A_816, %dma_wait3A_817] : memref<4x128x128xf32, #tpu.memory_space<vmem>> -> memref<1x128x128xf32, #tpu.memory_space<vmem>>
    %dma_wait3A_819 = tpu.memref_squeeze %dma_wait3A_818 : memref<1x128x128xf32, #tpu.memory_space<vmem>> -> memref<128x128xf32, #tpu.memory_space<vmem>>
    tpu.wait_dma2 semaphore(%arg17 : memref<!tpu.dma_semaphore, #tpu.memory_space<semaphore_mem>>) src(%dma_wait3A_819 : memref<128x128xf32, #tpu.memory_space<vmem>>) dst(%dma_wait3A_815 : memref<128x128xf32, #tpu.memory_space<hbm>>)
    %dma_start3A_820 = arith.constant 18 : i32
    %dma_start3A_821 = arith.constant 2 : i32
    %dma_start3A_822 = arith.constant 0 : i32
    %dma_start3A_823 = arith.constant 0 : i32
    %dma_start3A_824 = tpu.memref_slice %arg9[%dma_start3A_821, %dma_start3A_822, %dma_start3A_823] : memref<4x128x128xf32, #tpu.memory_space<vmem>> -> memref<1x128x128xf32, #tpu.memory_space<vmem>>
    %dma_start3A_825 = tpu.memref_squeeze %dma_start3A_824 : memref<1x128x128xf32, #tpu.memory_space<vmem>> -> memref<128x128xf32, #tpu.memory_space<vmem>>
    %dma_start3A_826 = arith.constant 0 : i32
    %dma_start3A_827 = tpu.memref_slice %arg7[%dma_start3A_820, %dma_start3A_826] : memref<20x128xi32, #tpu.memory_space<vmem>> -> memref<1x128xi32, #tpu.memory_space<vmem>>
    %dma_start3A_828 = tpu.memref_squeeze %dma_start3A_827 : memref<1x128xi32, #tpu.memory_space<vmem>> -> memref<128xi32, #tpu.memory_space<vmem>>
    %dma_start3A_829 = arith.constant 0 : i32
    %dma_start3A_830 = arith.constant 0 : i32
    %dma_start3A_831 = tpu.memref_slice %arg2[%dma_start3A_829, %dma_start3A_830] : memref<100000x128xf32, #tpu.memory_space<hbm>> -> memref<100000x128xf32, #tpu.memory_space<hbm>>
    tpu.enqueue_indirect_dma source(%dma_start3A_831 : memref<100000x128xf32, #tpu.memory_space<hbm>>) target(%dma_start3A_825 : memref<128x128xf32, #tpu.memory_space<vmem>>) offsets(%dma_start3A_828 : memref<128xi32, #tpu.memory_space<vmem>>) semaphore(%arg13 : memref<!tpu.dma_semaphore, #tpu.memory_space<semaphore_mem>>)
    %dma_wait3A_832 = arith.constant 15 : i32
    %dma_wait3A_833 = arith.constant 3 : i32
    %dma_wait3A_834 = arith.constant 0 : i32
    %dma_wait3A_835 = arith.constant 0 : i32
    %dma_wait3A_836 = tpu.memref_slice %arg9[%dma_wait3A_833, %dma_wait3A_834, %dma_wait3A_835] : memref<4x128x128xf32, #tpu.memory_space<vmem>> -> memref<1x128x128xf32, #tpu.memory_space<vmem>>
    %dma_wait3A_837 = tpu.memref_squeeze %dma_wait3A_836 : memref<1x128x128xf32, #tpu.memory_space<vmem>> -> memref<128x128xf32, #tpu.memory_space<vmem>>
    %dma_wait3A_838 = arith.constant 0 : i32
    %dma_wait3A_839 = tpu.memref_slice %arg7[%dma_wait3A_832, %dma_wait3A_838] : memref<20x128xi32, #tpu.memory_space<vmem>> -> memref<1x128xi32, #tpu.memory_space<vmem>>
    %dma_wait3A_840 = tpu.memref_squeeze %dma_wait3A_839 : memref<1x128xi32, #tpu.memory_space<vmem>> -> memref<128xi32, #tpu.memory_space<vmem>>
    %dma_wait3A_841 = arith.constant 0 : i32
    %dma_wait3A_842 = arith.constant 0 : i32
    %dma_wait3A_843 = tpu.memref_slice %arg2[%dma_wait3A_841, %dma_wait3A_842] : memref<100000x128xf32, #tpu.memory_space<hbm>> -> memref<100000x128xf32, #tpu.memory_space<hbm>>
    tpu.wait_indirect_dma semaphore(%arg14 : memref<!tpu.dma_semaphore, #tpu.memory_space<semaphore_mem>>) src(%dma_wait3A_843 : memref<100000x128xf32, #tpu.memory_space<hbm>>) dst(%dma_wait3A_837 : memref<128x128xf32, #tpu.memory_space<vmem>>)
    %add3A_844 = arith.constant 1920 : i32
    %add3A_845 = arith.addi %mul3A_2, %add3A_844 : i32
    %dma_start3A_846 = arith.constant 3 : i32
    %dma_start3A_847 = arith.constant 0 : i32
    %dma_start3A_848 = arith.constant 0 : i32
    %dma_start3A_849 = tpu.memref_slice %arg9[%dma_start3A_846, %dma_start3A_847, %dma_start3A_848] : memref<4x128x128xf32, #tpu.memory_space<vmem>> -> memref<1x128x128xf32, #tpu.memory_space<vmem>>
    %dma_start3A_850 = tpu.memref_squeeze %dma_start3A_849 : memref<1x128x128xf32, #tpu.memory_space<vmem>> -> memref<128x128xf32, #tpu.memory_space<vmem>>
    %dma_start3A_851 = arith.constant 0 : i32
    %dma_start3A_852 = tpu.memref_slice %arg5[%add3A_845, %dma_start3A_851] : memref<81920x128xf32, #tpu.memory_space<hbm>> -> memref<128x128xf32, #tpu.memory_space<hbm>>
    %dma_start3A_853 = arith.constant 0 : i32
    %dma_start3A_854 = tpu.memref_slice %arg5[%add3A_845, %dma_start3A_853] : memref<81920x128xf32, #tpu.memory_space<hbm>> -> memref<128x128xf32, #tpu.memory_space<hbm>>
    %dma_start3A_855 = arith.constant 0 : i32
    %dma_start3A_856 = arith.constant 0 : i32
    %dma_start3A_857 = tpu.memref_slice %arg9[%dma_start3A_846, %dma_start3A_855, %dma_start3A_856] : memref<4x128x128xf32, #tpu.memory_space<vmem>> -> memref<1x128x128xf32, #tpu.memory_space<vmem>>
    %dma_start3A_858 = tpu.memref_squeeze %dma_start3A_857 : memref<1x128x128xf32, #tpu.memory_space<vmem>> -> memref<128x128xf32, #tpu.memory_space<vmem>>
    tpu.enqueue_dma source(%dma_start3A_858 : memref<128x128xf32, #tpu.memory_space<vmem>>) target(%dma_start3A_854 : memref<128x128xf32, #tpu.memory_space<hbm>>) target_semaphore(%arg18 : memref<!tpu.dma_semaphore, #tpu.memory_space<semaphore_mem>>)
    %dma_wait3A_859 = arith.constant 3 : i32
    %dma_wait3A_860 = arith.constant 0 : i32
    %dma_wait3A_861 = arith.constant 0 : i32
    %dma_wait3A_862 = tpu.memref_slice %arg9[%dma_wait3A_859, %dma_wait3A_860, %dma_wait3A_861] : memref<4x128x128xf32, #tpu.memory_space<vmem>> -> memref<1x128x128xf32, #tpu.memory_space<vmem>>
    %dma_wait3A_863 = tpu.memref_squeeze %dma_wait3A_862 : memref<1x128x128xf32, #tpu.memory_space<vmem>> -> memref<128x128xf32, #tpu.memory_space<vmem>>
    %dma_wait3A_864 = arith.constant 0 : i32
    %dma_wait3A_865 = tpu.memref_slice %arg5[%add3A_845, %dma_wait3A_864] : memref<81920x128xf32, #tpu.memory_space<hbm>> -> memref<128x128xf32, #tpu.memory_space<hbm>>
    %dma_wait3A_866 = arith.constant 0 : i32
    %dma_wait3A_867 = tpu.memref_slice %arg5[%add3A_845, %dma_wait3A_866] : memref<81920x128xf32, #tpu.memory_space<hbm>> -> memref<128x128xf32, #tpu.memory_space<hbm>>
    %dma_wait3A_868 = arith.constant 0 : i32
    %dma_wait3A_869 = arith.constant 0 : i32
    %dma_wait3A_870 = tpu.memref_slice %arg9[%dma_wait3A_859, %dma_wait3A_868, %dma_wait3A_869] : memref<4x128x128xf32, #tpu.memory_space<vmem>> -> memref<1x128x128xf32, #tpu.memory_space<vmem>>
    %dma_wait3A_871 = tpu.memref_squeeze %dma_wait3A_870 : memref<1x128x128xf32, #tpu.memory_space<vmem>> -> memref<128x128xf32, #tpu.memory_space<vmem>>
    tpu.wait_dma2 semaphore(%arg18 : memref<!tpu.dma_semaphore, #tpu.memory_space<semaphore_mem>>) src(%dma_wait3A_871 : memref<128x128xf32, #tpu.memory_space<vmem>>) dst(%dma_wait3A_867 : memref<128x128xf32, #tpu.memory_space<hbm>>)
    %dma_start3A_872 = arith.constant 19 : i32
    %dma_start3A_873 = arith.constant 3 : i32
    %dma_start3A_874 = arith.constant 0 : i32
    %dma_start3A_875 = arith.constant 0 : i32
    %dma_start3A_876 = tpu.memref_slice %arg9[%dma_start3A_873, %dma_start3A_874, %dma_start3A_875] : memref<4x128x128xf32, #tpu.memory_space<vmem>> -> memref<1x128x128xf32, #tpu.memory_space<vmem>>
    %dma_start3A_877 = tpu.memref_squeeze %dma_start3A_876 : memref<1x128x128xf32, #tpu.memory_space<vmem>> -> memref<128x128xf32, #tpu.memory_space<vmem>>
    %dma_start3A_878 = arith.constant 0 : i32
    %dma_start3A_879 = tpu.memref_slice %arg7[%dma_start3A_872, %dma_start3A_878] : memref<20x128xi32, #tpu.memory_space<vmem>> -> memref<1x128xi32, #tpu.memory_space<vmem>>
    %dma_start3A_880 = tpu.memref_squeeze %dma_start3A_879 : memref<1x128xi32, #tpu.memory_space<vmem>> -> memref<128xi32, #tpu.memory_space<vmem>>
    %dma_start3A_881 = arith.constant 0 : i32
    %dma_start3A_882 = arith.constant 0 : i32
    %dma_start3A_883 = tpu.memref_slice %arg2[%dma_start3A_881, %dma_start3A_882] : memref<100000x128xf32, #tpu.memory_space<hbm>> -> memref<100000x128xf32, #tpu.memory_space<hbm>>
    tpu.enqueue_indirect_dma source(%dma_start3A_883 : memref<100000x128xf32, #tpu.memory_space<hbm>>) target(%dma_start3A_877 : memref<128x128xf32, #tpu.memory_space<vmem>>) offsets(%dma_start3A_880 : memref<128xi32, #tpu.memory_space<vmem>>) semaphore(%arg14 : memref<!tpu.dma_semaphore, #tpu.memory_space<semaphore_mem>>)
    %dma_wait3A_884 = arith.constant 16 : i32
    %dma_wait3A_885 = arith.constant 0 : i32
    %dma_wait3A_886 = arith.constant 0 : i32
    %dma_wait3A_887 = arith.constant 0 : i32
    %dma_wait3A_888 = tpu.memref_slice %arg9[%dma_wait3A_885, %dma_wait3A_886, %dma_wait3A_887] : memref<4x128x128xf32, #tpu.memory_space<vmem>> -> memref<1x128x128xf32, #tpu.memory_space<vmem>>
    %dma_wait3A_889 = tpu.memref_squeeze %dma_wait3A_888 : memref<1x128x128xf32, #tpu.memory_space<vmem>> -> memref<128x128xf32, #tpu.memory_space<vmem>>
    %dma_wait3A_890 = arith.constant 0 : i32
    %dma_wait3A_891 = tpu.memref_slice %arg7[%dma_wait3A_884, %dma_wait3A_890] : memref<20x128xi32, #tpu.memory_space<vmem>> -> memref<1x128xi32, #tpu.memory_space<vmem>>
    %dma_wait3A_892 = tpu.memref_squeeze %dma_wait3A_891 : memref<1x128xi32, #tpu.memory_space<vmem>> -> memref<128xi32, #tpu.memory_space<vmem>>
    %dma_wait3A_893 = arith.constant 0 : i32
    %dma_wait3A_894 = arith.constant 0 : i32
    %dma_wait3A_895 = tpu.memref_slice %arg2[%dma_wait3A_893, %dma_wait3A_894] : memref<100000x128xf32, #tpu.memory_space<hbm>> -> memref<100000x128xf32, #tpu.memory_space<hbm>>
    tpu.wait_indirect_dma semaphore(%arg11 : memref<!tpu.dma_semaphore, #tpu.memory_space<semaphore_mem>>) src(%dma_wait3A_895 : memref<100000x128xf32, #tpu.memory_space<hbm>>) dst(%dma_wait3A_889 : memref<128x128xf32, #tpu.memory_space<vmem>>)
    %add3A_896 = arith.constant 2048 : i32
    %add3A_897 = arith.addi %mul3A_2, %add3A_896 : i32
    %dma_start3A_898 = arith.constant 0 : i32
    %dma_start3A_899 = arith.constant 0 : i32
    %dma_start3A_900 = arith.constant 0 : i32
    %dma_start3A_901 = tpu.memref_slice %arg9[%dma_start3A_898, %dma_start3A_899, %dma_start3A_900] : memref<4x128x128xf32, #tpu.memory_space<vmem>> -> memref<1x128x128xf32, #tpu.memory_space<vmem>>
    %dma_start3A_902 = tpu.memref_squeeze %dma_start3A_901 : memref<1x128x128xf32, #tpu.memory_space<vmem>> -> memref<128x128xf32, #tpu.memory_space<vmem>>
    %dma_start3A_903 = arith.constant 0 : i32
    %dma_start3A_904 = tpu.memref_slice %arg5[%add3A_897, %dma_start3A_903] : memref<81920x128xf32, #tpu.memory_space<hbm>> -> memref<128x128xf32, #tpu.memory_space<hbm>>
    %dma_start3A_905 = arith.constant 0 : i32
    %dma_start3A_906 = tpu.memref_slice %arg5[%add3A_897, %dma_start3A_905] : memref<81920x128xf32, #tpu.memory_space<hbm>> -> memref<128x128xf32, #tpu.memory_space<hbm>>
    %dma_start3A_907 = arith.constant 0 : i32
    %dma_start3A_908 = arith.constant 0 : i32
    %dma_start3A_909 = tpu.memref_slice %arg9[%dma_start3A_898, %dma_start3A_907, %dma_start3A_908] : memref<4x128x128xf32, #tpu.memory_space<vmem>> -> memref<1x128x128xf32, #tpu.memory_space<vmem>>
    %dma_start3A_910 = tpu.memref_squeeze %dma_start3A_909 : memref<1x128x128xf32, #tpu.memory_space<vmem>> -> memref<128x128xf32, #tpu.memory_space<vmem>>
    tpu.enqueue_dma source(%dma_start3A_910 : memref<128x128xf32, #tpu.memory_space<vmem>>) target(%dma_start3A_906 : memref<128x128xf32, #tpu.memory_space<hbm>>) target_semaphore(%arg15 : memref<!tpu.dma_semaphore, #tpu.memory_space<semaphore_mem>>)
    %dma_wait3A_911 = arith.constant 17 : i32
    %dma_wait3A_912 = arith.constant 1 : i32
    %dma_wait3A_913 = arith.constant 0 : i32
    %dma_wait3A_914 = arith.constant 0 : i32
    %dma_wait3A_915 = tpu.memref_slice %arg9[%dma_wait3A_912, %dma_wait3A_913, %dma_wait3A_914] : memref<4x128x128xf32, #tpu.memory_space<vmem>> -> memref<1x128x128xf32, #tpu.memory_space<vmem>>
    %dma_wait3A_916 = tpu.memref_squeeze %dma_wait3A_915 : memref<1x128x128xf32, #tpu.memory_space<vmem>> -> memref<128x128xf32, #tpu.memory_space<vmem>>
    %dma_wait3A_917 = arith.constant 0 : i32
    %dma_wait3A_918 = tpu.memref_slice %arg7[%dma_wait3A_911, %dma_wait3A_917] : memref<20x128xi32, #tpu.memory_space<vmem>> -> memref<1x128xi32, #tpu.memory_space<vmem>>
    %dma_wait3A_919 = tpu.memref_squeeze %dma_wait3A_918 : memref<1x128xi32, #tpu.memory_space<vmem>> -> memref<128xi32, #tpu.memory_space<vmem>>
    %dma_wait3A_920 = arith.constant 0 : i32
    %dma_wait3A_921 = arith.constant 0 : i32
    %dma_wait3A_922 = tpu.memref_slice %arg2[%dma_wait3A_920, %dma_wait3A_921] : memref<100000x128xf32, #tpu.memory_space<hbm>> -> memref<100000x128xf32, #tpu.memory_space<hbm>>
    tpu.wait_indirect_dma semaphore(%arg12 : memref<!tpu.dma_semaphore, #tpu.memory_space<semaphore_mem>>) src(%dma_wait3A_922 : memref<100000x128xf32, #tpu.memory_space<hbm>>) dst(%dma_wait3A_916 : memref<128x128xf32, #tpu.memory_space<vmem>>)
    %add3A_923 = arith.constant 2176 : i32
    %add3A_924 = arith.addi %mul3A_2, %add3A_923 : i32
    %dma_start3A_925 = arith.constant 1 : i32
    %dma_start3A_926 = arith.constant 0 : i32
    %dma_start3A_927 = arith.constant 0 : i32
    %dma_start3A_928 = tpu.memref_slice %arg9[%dma_start3A_925, %dma_start3A_926, %dma_start3A_927] : memref<4x128x128xf32, #tpu.memory_space<vmem>> -> memref<1x128x128xf32, #tpu.memory_space<vmem>>
    %dma_start3A_929 = tpu.memref_squeeze %dma_start3A_928 : memref<1x128x128xf32, #tpu.memory_space<vmem>> -> memref<128x128xf32, #tpu.memory_space<vmem>>
    %dma_start3A_930 = arith.constant 0 : i32
    %dma_start3A_931 = tpu.memref_slice %arg5[%add3A_924, %dma_start3A_930] : memref<81920x128xf32, #tpu.memory_space<hbm>> -> memref<128x128xf32, #tpu.memory_space<hbm>>
    %dma_start3A_932 = arith.constant 0 : i32
    %dma_start3A_933 = tpu.memref_slice %arg5[%add3A_924, %dma_start3A_932] : memref<81920x128xf32, #tpu.memory_space<hbm>> -> memref<128x128xf32, #tpu.memory_space<hbm>>
    %dma_start3A_934 = arith.constant 0 : i32
    %dma_start3A_935 = arith.constant 0 : i32
    %dma_start3A_936 = tpu.memref_slice %arg9[%dma_start3A_925, %dma_start3A_934, %dma_start3A_935] : memref<4x128x128xf32, #tpu.memory_space<vmem>> -> memref<1x128x128xf32, #tpu.memory_space<vmem>>
    %dma_start3A_937 = tpu.memref_squeeze %dma_start3A_936 : memref<1x128x128xf32, #tpu.memory_space<vmem>> -> memref<128x128xf32, #tpu.memory_space<vmem>>
    tpu.enqueue_dma source(%dma_start3A_937 : memref<128x128xf32, #tpu.memory_space<vmem>>) target(%dma_start3A_933 : memref<128x128xf32, #tpu.memory_space<hbm>>) target_semaphore(%arg16 : memref<!tpu.dma_semaphore, #tpu.memory_space<semaphore_mem>>)
    %dma_wait3A_938 = arith.constant 18 : i32
    %dma_wait3A_939 = arith.constant 2 : i32
    %dma_wait3A_940 = arith.constant 0 : i32
    %dma_wait3A_941 = arith.constant 0 : i32
    %dma_wait3A_942 = tpu.memref_slice %arg9[%dma_wait3A_939, %dma_wait3A_940, %dma_wait3A_941] : memref<4x128x128xf32, #tpu.memory_space<vmem>> -> memref<1x128x128xf32, #tpu.memory_space<vmem>>
    %dma_wait3A_943 = tpu.memref_squeeze %dma_wait3A_942 : memref<1x128x128xf32, #tpu.memory_space<vmem>> -> memref<128x128xf32, #tpu.memory_space<vmem>>
    %dma_wait3A_944 = arith.constant 0 : i32
    %dma_wait3A_945 = tpu.memref_slice %arg7[%dma_wait3A_938, %dma_wait3A_944] : memref<20x128xi32, #tpu.memory_space<vmem>> -> memref<1x128xi32, #tpu.memory_space<vmem>>
    %dma_wait3A_946 = tpu.memref_squeeze %dma_wait3A_945 : memref<1x128xi32, #tpu.memory_space<vmem>> -> memref<128xi32, #tpu.memory_space<vmem>>
    %dma_wait3A_947 = arith.constant 0 : i32
    %dma_wait3A_948 = arith.constant 0 : i32
    %dma_wait3A_949 = tpu.memref_slice %arg2[%dma_wait3A_947, %dma_wait3A_948] : memref<100000x128xf32, #tpu.memory_space<hbm>> -> memref<100000x128xf32, #tpu.memory_space<hbm>>
    tpu.wait_indirect_dma semaphore(%arg13 : memref<!tpu.dma_semaphore, #tpu.memory_space<semaphore_mem>>) src(%dma_wait3A_949 : memref<100000x128xf32, #tpu.memory_space<hbm>>) dst(%dma_wait3A_943 : memref<128x128xf32, #tpu.memory_space<vmem>>)
    %add3A_950 = arith.constant 2304 : i32
    %add3A_951 = arith.addi %mul3A_2, %add3A_950 : i32
    %dma_start3A_952 = arith.constant 2 : i32
    %dma_start3A_953 = arith.constant 0 : i32
    %dma_start3A_954 = arith.constant 0 : i32
    %dma_start3A_955 = tpu.memref_slice %arg9[%dma_start3A_952, %dma_start3A_953, %dma_start3A_954] : memref<4x128x128xf32, #tpu.memory_space<vmem>> -> memref<1x128x128xf32, #tpu.memory_space<vmem>>
    %dma_start3A_956 = tpu.memref_squeeze %dma_start3A_955 : memref<1x128x128xf32, #tpu.memory_space<vmem>> -> memref<128x128xf32, #tpu.memory_space<vmem>>
    %dma_start3A_957 = arith.constant 0 : i32
    %dma_start3A_958 = tpu.memref_slice %arg5[%add3A_951, %dma_start3A_957] : memref<81920x128xf32, #tpu.memory_space<hbm>> -> memref<128x128xf32, #tpu.memory_space<hbm>>
    %dma_start3A_959 = arith.constant 0 : i32
    %dma_start3A_960 = tpu.memref_slice %arg5[%add3A_951, %dma_start3A_959] : memref<81920x128xf32, #tpu.memory_space<hbm>> -> memref<128x128xf32, #tpu.memory_space<hbm>>
    %dma_start3A_961 = arith.constant 0 : i32
    %dma_start3A_962 = arith.constant 0 : i32
    %dma_start3A_963 = tpu.memref_slice %arg9[%dma_start3A_952, %dma_start3A_961, %dma_start3A_962] : memref<4x128x128xf32, #tpu.memory_space<vmem>> -> memref<1x128x128xf32, #tpu.memory_space<vmem>>
    %dma_start3A_964 = tpu.memref_squeeze %dma_start3A_963 : memref<1x128x128xf32, #tpu.memory_space<vmem>> -> memref<128x128xf32, #tpu.memory_space<vmem>>
    tpu.enqueue_dma source(%dma_start3A_964 : memref<128x128xf32, #tpu.memory_space<vmem>>) target(%dma_start3A_960 : memref<128x128xf32, #tpu.memory_space<hbm>>) target_semaphore(%arg17 : memref<!tpu.dma_semaphore, #tpu.memory_space<semaphore_mem>>)
    %dma_wait3A_965 = arith.constant 19 : i32
    %dma_wait3A_966 = arith.constant 3 : i32
    %dma_wait3A_967 = arith.constant 0 : i32
    %dma_wait3A_968 = arith.constant 0 : i32
    %dma_wait3A_969 = tpu.memref_slice %arg9[%dma_wait3A_966, %dma_wait3A_967, %dma_wait3A_968] : memref<4x128x128xf32, #tpu.memory_space<vmem>> -> memref<1x128x128xf32, #tpu.memory_space<vmem>>
    %dma_wait3A_970 = tpu.memref_squeeze %dma_wait3A_969 : memref<1x128x128xf32, #tpu.memory_space<vmem>> -> memref<128x128xf32, #tpu.memory_space<vmem>>
    %dma_wait3A_971 = arith.constant 0 : i32
    %dma_wait3A_972 = tpu.memref_slice %arg7[%dma_wait3A_965, %dma_wait3A_971] : memref<20x128xi32, #tpu.memory_space<vmem>> -> memref<1x128xi32, #tpu.memory_space<vmem>>
    %dma_wait3A_973 = tpu.memref_squeeze %dma_wait3A_972 : memref<1x128xi32, #tpu.memory_space<vmem>> -> memref<128xi32, #tpu.memory_space<vmem>>
    %dma_wait3A_974 = arith.constant 0 : i32
    %dma_wait3A_975 = arith.constant 0 : i32
    %dma_wait3A_976 = tpu.memref_slice %arg2[%dma_wait3A_974, %dma_wait3A_975] : memref<100000x128xf32, #tpu.memory_space<hbm>> -> memref<100000x128xf32, #tpu.memory_space<hbm>>
    tpu.wait_indirect_dma semaphore(%arg14 : memref<!tpu.dma_semaphore, #tpu.memory_space<semaphore_mem>>) src(%dma_wait3A_976 : memref<100000x128xf32, #tpu.memory_space<hbm>>) dst(%dma_wait3A_970 : memref<128x128xf32, #tpu.memory_space<vmem>>)
    %add3A_977 = arith.constant 2432 : i32
    %add3A_978 = arith.addi %mul3A_2, %add3A_977 : i32
    %dma_start3A_979 = arith.constant 3 : i32
    %dma_start3A_980 = arith.constant 0 : i32
    %dma_start3A_981 = arith.constant 0 : i32
    %dma_start3A_982 = tpu.memref_slice %arg9[%dma_start3A_979, %dma_start3A_980, %dma_start3A_981] : memref<4x128x128xf32, #tpu.memory_space<vmem>> -> memref<1x128x128xf32, #tpu.memory_space<vmem>>
    %dma_start3A_983 = tpu.memref_squeeze %dma_start3A_982 : memref<1x128x128xf32, #tpu.memory_space<vmem>> -> memref<128x128xf32, #tpu.memory_space<vmem>>
    %dma_start3A_984 = arith.constant 0 : i32
    %dma_start3A_985 = tpu.memref_slice %arg5[%add3A_978, %dma_start3A_984] : memref<81920x128xf32, #tpu.memory_space<hbm>> -> memref<128x128xf32, #tpu.memory_space<hbm>>
    %dma_start3A_986 = arith.constant 0 : i32
    %dma_start3A_987 = tpu.memref_slice %arg5[%add3A_978, %dma_start3A_986] : memref<81920x128xf32, #tpu.memory_space<hbm>> -> memref<128x128xf32, #tpu.memory_space<hbm>>
    %dma_start3A_988 = arith.constant 0 : i32
    %dma_start3A_989 = arith.constant 0 : i32
    %dma_start3A_990 = tpu.memref_slice %arg9[%dma_start3A_979, %dma_start3A_988, %dma_start3A_989] : memref<4x128x128xf32, #tpu.memory_space<vmem>> -> memref<1x128x128xf32, #tpu.memory_space<vmem>>
    %dma_start3A_991 = tpu.memref_squeeze %dma_start3A_990 : memref<1x128x128xf32, #tpu.memory_space<vmem>> -> memref<128x128xf32, #tpu.memory_space<vmem>>
    tpu.enqueue_dma source(%dma_start3A_991 : memref<128x128xf32, #tpu.memory_space<vmem>>) target(%dma_start3A_987 : memref<128x128xf32, #tpu.memory_space<hbm>>) target_semaphore(%arg18 : memref<!tpu.dma_semaphore, #tpu.memory_space<semaphore_mem>>)
    %dma_wait3A_992 = arith.constant 0 : i32
    %dma_wait3A_993 = arith.constant 0 : i32
    %dma_wait3A_994 = tpu.memref_slice %arg2[%dma_wait3A_992, %dma_wait3A_993] : memref<100000x128xf32, #tpu.memory_space<hbm>> -> memref<100000x128xf32, #tpu.memory_space<hbm>>
    tpu.wait_indirect_dma semaphore(%arg19 : memref<!tpu.dma_semaphore, #tpu.memory_space<semaphore_mem>>) src(%dma_wait3A_994 : memref<100000x128xf32, #tpu.memory_space<hbm>>) dst(%arg10 : memref<128x128xf32, #tpu.memory_space<vmem>>)
    %mul3A_995 = arith.constant 128 : i32
    %mul3A_996 = arith.muli %add3A, %mul3A_995 : i32
    %dma_start3A_997 = arith.constant 0 : i32
    %dma_start3A_998 = tpu.memref_slice %arg6[%mul3A_996, %dma_start3A_997] : memref<4096x128xf32, #tpu.memory_space<hbm>> -> memref<128x128xf32, #tpu.memory_space<hbm>>
    %dma_start3A_999 = arith.constant 0 : i32
    %dma_start3A_1000 = tpu.memref_slice %arg6[%mul3A_996, %dma_start3A_999] : memref<4096x128xf32, #tpu.memory_space<hbm>> -> memref<128x128xf32, #tpu.memory_space<hbm>>
    tpu.enqueue_dma source(%arg10 : memref<128x128xf32, #tpu.memory_space<vmem>>) target(%dma_start3A_1000 : memref<128x128xf32, #tpu.memory_space<hbm>>) target_semaphore(%arg20 : memref<!tpu.dma_semaphore, #tpu.memory_space<semaphore_mem>>)
    %dma_wait3A_1001 = arith.constant 0 : i32
    %dma_wait3A_1002 = arith.constant 0 : i32
    %dma_wait3A_1003 = arith.constant 0 : i32
    %dma_wait3A_1004 = tpu.memref_slice %arg9[%dma_wait3A_1001, %dma_wait3A_1002, %dma_wait3A_1003] : memref<4x128x128xf32, #tpu.memory_space<vmem>> -> memref<1x128x128xf32, #tpu.memory_space<vmem>>
    %dma_wait3A_1005 = tpu.memref_squeeze %dma_wait3A_1004 : memref<1x128x128xf32, #tpu.memory_space<vmem>> -> memref<128x128xf32, #tpu.memory_space<vmem>>
    %dma_wait3A_1006 = arith.constant 0 : i32
    %dma_wait3A_1007 = tpu.memref_slice %arg5[%add3A_897, %dma_wait3A_1006] : memref<81920x128xf32, #tpu.memory_space<hbm>> -> memref<128x128xf32, #tpu.memory_space<hbm>>
    %dma_wait3A_1008 = arith.constant 0 : i32
    %dma_wait3A_1009 = tpu.memref_slice %arg5[%add3A_897, %dma_wait3A_1008] : memref<81920x128xf32, #tpu.memory_space<hbm>> -> memref<128x128xf32, #tpu.memory_space<hbm>>
    %dma_wait3A_1010 = arith.constant 0 : i32
    %dma_wait3A_1011 = arith.constant 0 : i32
    %dma_wait3A_1012 = tpu.memref_slice %arg9[%dma_wait3A_1001, %dma_wait3A_1010, %dma_wait3A_1011] : memref<4x128x128xf32, #tpu.memory_space<vmem>> -> memref<1x128x128xf32, #tpu.memory_space<vmem>>
    %dma_wait3A_1013 = tpu.memref_squeeze %dma_wait3A_1012 : memref<1x128x128xf32, #tpu.memory_space<vmem>> -> memref<128x128xf32, #tpu.memory_space<vmem>>
    tpu.wait_dma2 semaphore(%arg15 : memref<!tpu.dma_semaphore, #tpu.memory_space<semaphore_mem>>) src(%dma_wait3A_1013 : memref<128x128xf32, #tpu.memory_space<vmem>>) dst(%dma_wait3A_1009 : memref<128x128xf32, #tpu.memory_space<hbm>>)
    %dma_wait3A_1014 = arith.constant 1 : i32
    %dma_wait3A_1015 = arith.constant 0 : i32
    %dma_wait3A_1016 = arith.constant 0 : i32
    %dma_wait3A_1017 = tpu.memref_slice %arg9[%dma_wait3A_1014, %dma_wait3A_1015, %dma_wait3A_1016] : memref<4x128x128xf32, #tpu.memory_space<vmem>> -> memref<1x128x128xf32, #tpu.memory_space<vmem>>
    %dma_wait3A_1018 = tpu.memref_squeeze %dma_wait3A_1017 : memref<1x128x128xf32, #tpu.memory_space<vmem>> -> memref<128x128xf32, #tpu.memory_space<vmem>>
    %dma_wait3A_1019 = arith.constant 0 : i32
    %dma_wait3A_1020 = tpu.memref_slice %arg5[%add3A_924, %dma_wait3A_1019] : memref<81920x128xf32, #tpu.memory_space<hbm>> -> memref<128x128xf32, #tpu.memory_space<hbm>>
    %dma_wait3A_1021 = arith.constant 0 : i32
    %dma_wait3A_1022 = tpu.memref_slice %arg5[%add3A_924, %dma_wait3A_1021] : memref<81920x128xf32, #tpu.memory_space<hbm>> -> memref<128x128xf32, #tpu.memory_space<hbm>>
    %dma_wait3A_1023 = arith.constant 0 : i32
    %dma_wait3A_1024 = arith.constant 0 : i32
    %dma_wait3A_1025 = tpu.memref_slice %arg9[%dma_wait3A_1014, %dma_wait3A_1023, %dma_wait3A_1024] : memref<4x128x128xf32, #tpu.memory_space<vmem>> -> memref<1x128x128xf32, #tpu.memory_space<vmem>>
    %dma_wait3A_1026 = tpu.memref_squeeze %dma_wait3A_1025 : memref<1x128x128xf32, #tpu.memory_space<vmem>> -> memref<128x128xf32, #tpu.memory_space<vmem>>
    tpu.wait_dma2 semaphore(%arg16 : memref<!tpu.dma_semaphore, #tpu.memory_space<semaphore_mem>>) src(%dma_wait3A_1026 : memref<128x128xf32, #tpu.memory_space<vmem>>) dst(%dma_wait3A_1022 : memref<128x128xf32, #tpu.memory_space<hbm>>)
    %dma_wait3A_1027 = arith.constant 2 : i32
    %dma_wait3A_1028 = arith.constant 0 : i32
    %dma_wait3A_1029 = arith.constant 0 : i32
    %dma_wait3A_1030 = tpu.memref_slice %arg9[%dma_wait3A_1027, %dma_wait3A_1028, %dma_wait3A_1029] : memref<4x128x128xf32, #tpu.memory_space<vmem>> -> memref<1x128x128xf32, #tpu.memory_space<vmem>>
    %dma_wait3A_1031 = tpu.memref_squeeze %dma_wait3A_1030 : memref<1x128x128xf32, #tpu.memory_space<vmem>> -> memref<128x128xf32, #tpu.memory_space<vmem>>
    %dma_wait3A_1032 = arith.constant 0 : i32
    %dma_wait3A_1033 = tpu.memref_slice %arg5[%add3A_951, %dma_wait3A_1032] : memref<81920x128xf32, #tpu.memory_space<hbm>> -> memref<128x128xf32, #tpu.memory_space<hbm>>
    %dma_wait3A_1034 = arith.constant 0 : i32
    %dma_wait3A_1035 = tpu.memref_slice %arg5[%add3A_951, %dma_wait3A_1034] : memref<81920x128xf32, #tpu.memory_space<hbm>> -> memref<128x128xf32, #tpu.memory_space<hbm>>
    %dma_wait3A_1036 = arith.constant 0 : i32
    %dma_wait3A_1037 = arith.constant 0 : i32
    %dma_wait3A_1038 = tpu.memref_slice %arg9[%dma_wait3A_1027, %dma_wait3A_1036, %dma_wait3A_1037] : memref<4x128x128xf32, #tpu.memory_space<vmem>> -> memref<1x128x128xf32, #tpu.memory_space<vmem>>
    %dma_wait3A_1039 = tpu.memref_squeeze %dma_wait3A_1038 : memref<1x128x128xf32, #tpu.memory_space<vmem>> -> memref<128x128xf32, #tpu.memory_space<vmem>>
    tpu.wait_dma2 semaphore(%arg17 : memref<!tpu.dma_semaphore, #tpu.memory_space<semaphore_mem>>) src(%dma_wait3A_1039 : memref<128x128xf32, #tpu.memory_space<vmem>>) dst(%dma_wait3A_1035 : memref<128x128xf32, #tpu.memory_space<hbm>>)
    %dma_wait3A_1040 = arith.constant 3 : i32
    %dma_wait3A_1041 = arith.constant 0 : i32
    %dma_wait3A_1042 = arith.constant 0 : i32
    %dma_wait3A_1043 = tpu.memref_slice %arg9[%dma_wait3A_1040, %dma_wait3A_1041, %dma_wait3A_1042] : memref<4x128x128xf32, #tpu.memory_space<vmem>> -> memref<1x128x128xf32, #tpu.memory_space<vmem>>
    %dma_wait3A_1044 = tpu.memref_squeeze %dma_wait3A_1043 : memref<1x128x128xf32, #tpu.memory_space<vmem>> -> memref<128x128xf32, #tpu.memory_space<vmem>>
    %dma_wait3A_1045 = arith.constant 0 : i32
    %dma_wait3A_1046 = tpu.memref_slice %arg5[%add3A_978, %dma_wait3A_1045] : memref<81920x128xf32, #tpu.memory_space<hbm>> -> memref<128x128xf32, #tpu.memory_space<hbm>>
    %dma_wait3A_1047 = arith.constant 0 : i32
    %dma_wait3A_1048 = tpu.memref_slice %arg5[%add3A_978, %dma_wait3A_1047] : memref<81920x128xf32, #tpu.memory_space<hbm>> -> memref<128x128xf32, #tpu.memory_space<hbm>>
    %dma_wait3A_1049 = arith.constant 0 : i32
    %dma_wait3A_1050 = arith.constant 0 : i32
    %dma_wait3A_1051 = tpu.memref_slice %arg9[%dma_wait3A_1040, %dma_wait3A_1049, %dma_wait3A_1050] : memref<4x128x128xf32, #tpu.memory_space<vmem>> -> memref<1x128x128xf32, #tpu.memory_space<vmem>>
    %dma_wait3A_1052 = tpu.memref_squeeze %dma_wait3A_1051 : memref<1x128x128xf32, #tpu.memory_space<vmem>> -> memref<128x128xf32, #tpu.memory_space<vmem>>
    tpu.wait_dma2 semaphore(%arg18 : memref<!tpu.dma_semaphore, #tpu.memory_space<semaphore_mem>>) src(%dma_wait3A_1052 : memref<128x128xf32, #tpu.memory_space<vmem>>) dst(%dma_wait3A_1048 : memref<128x128xf32, #tpu.memory_space<hbm>>)
    %dma_wait3A_1053 = arith.constant 0 : i32
    %dma_wait3A_1054 = tpu.memref_slice %arg6[%mul3A_996, %dma_wait3A_1053] : memref<4096x128xf32, #tpu.memory_space<hbm>> -> memref<128x128xf32, #tpu.memory_space<hbm>>
    %dma_wait3A_1055 = arith.constant 0 : i32
    %dma_wait3A_1056 = tpu.memref_slice %arg6[%mul3A_996, %dma_wait3A_1055] : memref<4096x128xf32, #tpu.memory_space<hbm>> -> memref<128x128xf32, #tpu.memory_space<hbm>>
    tpu.wait_dma2 semaphore(%arg20 : memref<!tpu.dma_semaphore, #tpu.memory_space<semaphore_mem>>) src(%arg10 : memref<128x128xf32, #tpu.memory_space<vmem>>) dst(%dma_wait3A_1056 : memref<128x128xf32, #tpu.memory_space<hbm>>)
    return
  }
}

#map = affine_map<(d0, d1) -> (0, 0)>
#map1 = affine_map<(d0, d1) -> (0, 0, 0)>
module attributes {stable_mosaic.version = 14 : i64} {
  func.func @body(%arg0: i32, %arg1: i32, %arg2: memref<1600000x16xf32, #tpu.memory_space<hbm>>, %arg3: memref<32x20x128xi32, #tpu.memory_space<hbm>>, %arg4: memref<81920x16xf32, #tpu.memory_space<hbm>>, %arg5: memref<20x128xi32, #tpu.memory_space<vmem>>, %arg6: memref<4x128x16xf32, #tpu.memory_space<vmem>>, %arg7: memref<!tpu.dma_semaphore, #tpu.memory_space<semaphore_mem>>, %arg8: memref<!tpu.dma_semaphore, #tpu.memory_space<semaphore_mem>>, %arg9: memref<!tpu.dma_semaphore, #tpu.memory_space<semaphore_mem>>, %arg10: memref<!tpu.dma_semaphore, #tpu.memory_space<semaphore_mem>>, %arg11: memref<!tpu.dma_semaphore, #tpu.memory_space<semaphore_mem>>, %arg12: memref<!tpu.dma_semaphore, #tpu.memory_space<semaphore_mem>>, %arg13: memref<!tpu.dma_semaphore, #tpu.memory_space<semaphore_mem>>, %arg14: memref<!tpu.dma_semaphore, #tpu.memory_space<semaphore_mem>>) attributes {dimension_semantics = [#tpu.dimension_semantics<core_parallel>, #tpu.dimension_semantics<subcore_parallel>], iteration_bounds = array<i64: 2, 16>, scalar_prefetch = 0 : i64, scratch_operands = 10 : i64, tpu.core_type = #tpu.core_type<sc_vector_subcore>, window_params = [{transform_indices = #map}, {transform_indices = #map1}, {transform_indices = #map}]} {
    %mul3A = arith.constant 16 : i32
    %mul3A_0 = arith.muli %arg0, %mul3A : i32
    %add3A = arith.addi %mul3A_0, %arg1 : i32
    "tpu.region"() ({
      %run_scoped3A = tpu.sem_alloc : memref<!tpu.dma_semaphore, #tpu.memory_space<semaphore_mem>>
      %dma_start3A_1041 = arith.constant 0 : i32
      %dma_start3A_1042 = arith.constant 0 : i32
      %dma_start3A_1043 = tpu.memref_slice %arg3[%add3A, %dma_start3A_1041, %dma_start3A_1042] : memref<32x20x128xi32, #tpu.memory_space<hbm>> -> memref<1x20x128xi32, #tpu.memory_space<hbm>>
      %dma_start3A_1044 = tpu.memref_squeeze %dma_start3A_1043 : memref<1x20x128xi32, #tpu.memory_space<hbm>> -> memref<20x128xi32, #tpu.memory_space<hbm>>
      %dma_start3A_1045 = arith.constant 0 : i32
      %dma_start3A_1046 = arith.constant 0 : i32
      %dma_start3A_1047 = tpu.memref_slice %arg3[%add3A, %dma_start3A_1045, %dma_start3A_1046] : memref<32x20x128xi32, #tpu.memory_space<hbm>> -> memref<1x20x128xi32, #tpu.memory_space<hbm>>
      %dma_start3A_1048 = tpu.memref_squeeze %dma_start3A_1047 : memref<1x20x128xi32, #tpu.memory_space<hbm>> -> memref<20x128xi32, #tpu.memory_space<hbm>>
      tpu.enqueue_dma source(%dma_start3A_1048 : memref<20x128xi32, #tpu.memory_space<hbm>>) target(%arg5 : memref<20x128xi32, #tpu.memory_space<vmem>>) target_semaphore(%run_scoped3A : memref<!tpu.dma_semaphore, #tpu.memory_space<semaphore_mem>>)
      %dma_wait3A_1049 = arith.constant 0 : i32
      %dma_wait3A_1050 = arith.constant 0 : i32
      %dma_wait3A_1051 = tpu.memref_slice %arg3[%add3A, %dma_wait3A_1049, %dma_wait3A_1050] : memref<32x20x128xi32, #tpu.memory_space<hbm>> -> memref<1x20x128xi32, #tpu.memory_space<hbm>>
      %dma_wait3A_1052 = tpu.memref_squeeze %dma_wait3A_1051 : memref<1x20x128xi32, #tpu.memory_space<hbm>> -> memref<20x128xi32, #tpu.memory_space<hbm>>
      %dma_wait3A_1053 = arith.constant 0 : i32
      %dma_wait3A_1054 = arith.constant 0 : i32
      %dma_wait3A_1055 = tpu.memref_slice %arg3[%add3A, %dma_wait3A_1053, %dma_wait3A_1054] : memref<32x20x128xi32, #tpu.memory_space<hbm>> -> memref<1x20x128xi32, #tpu.memory_space<hbm>>
      %dma_wait3A_1056 = tpu.memref_squeeze %dma_wait3A_1055 : memref<1x20x128xi32, #tpu.memory_space<hbm>> -> memref<20x128xi32, #tpu.memory_space<hbm>>
      tpu.wait_dma2 semaphore(%run_scoped3A : memref<!tpu.dma_semaphore, #tpu.memory_space<semaphore_mem>>) src(%dma_wait3A_1056 : memref<20x128xi32, #tpu.memory_space<hbm>>) dst(%arg5 : memref<20x128xi32, #tpu.memory_space<vmem>>)
      tpu.yield
    }) : () -> ()
    %mul3A_1 = arith.constant 2560 : i32
    %mul3A_2 = arith.muli %add3A, %mul3A_1 : i32
    %dma_start3A = arith.constant 0 : i32
    %dma_start3A_3 = arith.constant 0 : i32
    %dma_start3A_4 = arith.constant 0 : i32
    %dma_start3A_5 = arith.constant 0 : i32
    %dma_start3A_6 = tpu.memref_slice %arg6[%dma_start3A_3, %dma_start3A_4, %dma_start3A_5] : memref<4x128x16xf32, #tpu.memory_space<vmem>> -> memref<1x128x16xf32, #tpu.memory_space<vmem>>
    %dma_start3A_7 = tpu.memref_squeeze %dma_start3A_6 : memref<1x128x16xf32, #tpu.memory_space<vmem>> -> memref<128x16xf32, #tpu.memory_space<vmem>>
    %dma_start3A_8 = arith.constant 0 : i32
    %dma_start3A_9 = tpu.memref_slice %arg5[%dma_start3A, %dma_start3A_8] : memref<20x128xi32, #tpu.memory_space<vmem>> -> memref<1x128xi32, #tpu.memory_space<vmem>>
    %dma_start3A_10 = tpu.memref_squeeze %dma_start3A_9 : memref<1x128xi32, #tpu.memory_space<vmem>> -> memref<128xi32, #tpu.memory_space<vmem>>
    %dma_start3A_11 = arith.constant 0 : i32
    %dma_start3A_12 = arith.constant 0 : i32
    %dma_start3A_13 = tpu.memref_slice %arg2[%dma_start3A_11, %dma_start3A_12] : memref<1600000x16xf32, #tpu.memory_space<hbm>> -> memref<1600000x16xf32, #tpu.memory_space<hbm>>
    tpu.enqueue_indirect_dma source(%dma_start3A_13 : memref<1600000x16xf32, #tpu.memory_space<hbm>>) target(%dma_start3A_7 : memref<128x16xf32, #tpu.memory_space<vmem>>) offsets(%dma_start3A_10 : memref<128xi32, #tpu.memory_space<vmem>>) semaphore(%arg7 : memref<!tpu.dma_semaphore, #tpu.memory_space<semaphore_mem>>)
    %dma_start3A_14 = arith.constant 1 : i32
    %dma_start3A_15 = arith.constant 1 : i32
    %dma_start3A_16 = arith.constant 0 : i32
    %dma_start3A_17 = arith.constant 0 : i32
    %dma_start3A_18 = tpu.memref_slice %arg6[%dma_start3A_15, %dma_start3A_16, %dma_start3A_17] : memref<4x128x16xf32, #tpu.memory_space<vmem>> -> memref<1x128x16xf32, #tpu.memory_space<vmem>>
    %dma_start3A_19 = tpu.memref_squeeze %dma_start3A_18 : memref<1x128x16xf32, #tpu.memory_space<vmem>> -> memref<128x16xf32, #tpu.memory_space<vmem>>
    %dma_start3A_20 = arith.constant 0 : i32
    %dma_start3A_21 = tpu.memref_slice %arg5[%dma_start3A_14, %dma_start3A_20] : memref<20x128xi32, #tpu.memory_space<vmem>> -> memref<1x128xi32, #tpu.memory_space<vmem>>
    %dma_start3A_22 = tpu.memref_squeeze %dma_start3A_21 : memref<1x128xi32, #tpu.memory_space<vmem>> -> memref<128xi32, #tpu.memory_space<vmem>>
    %dma_start3A_23 = arith.constant 0 : i32
    %dma_start3A_24 = arith.constant 0 : i32
    %dma_start3A_25 = tpu.memref_slice %arg2[%dma_start3A_23, %dma_start3A_24] : memref<1600000x16xf32, #tpu.memory_space<hbm>> -> memref<1600000x16xf32, #tpu.memory_space<hbm>>
    tpu.enqueue_indirect_dma source(%dma_start3A_25 : memref<1600000x16xf32, #tpu.memory_space<hbm>>) target(%dma_start3A_19 : memref<128x16xf32, #tpu.memory_space<vmem>>) offsets(%dma_start3A_22 : memref<128xi32, #tpu.memory_space<vmem>>) semaphore(%arg8 : memref<!tpu.dma_semaphore, #tpu.memory_space<semaphore_mem>>)
    %dma_start3A_26 = arith.constant 2 : i32
    %dma_start3A_27 = arith.constant 2 : i32
    %dma_start3A_28 = arith.constant 0 : i32
    %dma_start3A_29 = arith.constant 0 : i32
    %dma_start3A_30 = tpu.memref_slice %arg6[%dma_start3A_27, %dma_start3A_28, %dma_start3A_29] : memref<4x128x16xf32, #tpu.memory_space<vmem>> -> memref<1x128x16xf32, #tpu.memory_space<vmem>>
    %dma_start3A_31 = tpu.memref_squeeze %dma_start3A_30 : memref<1x128x16xf32, #tpu.memory_space<vmem>> -> memref<128x16xf32, #tpu.memory_space<vmem>>
    %dma_start3A_32 = arith.constant 0 : i32
    %dma_start3A_33 = tpu.memref_slice %arg5[%dma_start3A_26, %dma_start3A_32] : memref<20x128xi32, #tpu.memory_space<vmem>> -> memref<1x128xi32, #tpu.memory_space<vmem>>
    %dma_start3A_34 = tpu.memref_squeeze %dma_start3A_33 : memref<1x128xi32, #tpu.memory_space<vmem>> -> memref<128xi32, #tpu.memory_space<vmem>>
    %dma_start3A_35 = arith.constant 0 : i32
    %dma_start3A_36 = arith.constant 0 : i32
    %dma_start3A_37 = tpu.memref_slice %arg2[%dma_start3A_35, %dma_start3A_36] : memref<1600000x16xf32, #tpu.memory_space<hbm>> -> memref<1600000x16xf32, #tpu.memory_space<hbm>>
    tpu.enqueue_indirect_dma source(%dma_start3A_37 : memref<1600000x16xf32, #tpu.memory_space<hbm>>) target(%dma_start3A_31 : memref<128x16xf32, #tpu.memory_space<vmem>>) offsets(%dma_start3A_34 : memref<128xi32, #tpu.memory_space<vmem>>) semaphore(%arg9 : memref<!tpu.dma_semaphore, #tpu.memory_space<semaphore_mem>>)
    %dma_start3A_38 = arith.constant 3 : i32
    %dma_start3A_39 = arith.constant 3 : i32
    %dma_start3A_40 = arith.constant 0 : i32
    %dma_start3A_41 = arith.constant 0 : i32
    %dma_start3A_42 = tpu.memref_slice %arg6[%dma_start3A_39, %dma_start3A_40, %dma_start3A_41] : memref<4x128x16xf32, #tpu.memory_space<vmem>> -> memref<1x128x16xf32, #tpu.memory_space<vmem>>
    %dma_start3A_43 = tpu.memref_squeeze %dma_start3A_42 : memref<1x128x16xf32, #tpu.memory_space<vmem>> -> memref<128x16xf32, #tpu.memory_space<vmem>>
    %dma_start3A_44 = arith.constant 0 : i32
    %dma_start3A_45 = tpu.memref_slice %arg5[%dma_start3A_38, %dma_start3A_44] : memref<20x128xi32, #tpu.memory_space<vmem>> -> memref<1x128xi32, #tpu.memory_space<vmem>>
    %dma_start3A_46 = tpu.memref_squeeze %dma_start3A_45 : memref<1x128xi32, #tpu.memory_space<vmem>> -> memref<128xi32, #tpu.memory_space<vmem>>
    %dma_start3A_47 = arith.constant 0 : i32
    %dma_start3A_48 = arith.constant 0 : i32
    %dma_start3A_49 = tpu.memref_slice %arg2[%dma_start3A_47, %dma_start3A_48] : memref<1600000x16xf32, #tpu.memory_space<hbm>> -> memref<1600000x16xf32, #tpu.memory_space<hbm>>
    tpu.enqueue_indirect_dma source(%dma_start3A_49 : memref<1600000x16xf32, #tpu.memory_space<hbm>>) target(%dma_start3A_43 : memref<128x16xf32, #tpu.memory_space<vmem>>) offsets(%dma_start3A_46 : memref<128xi32, #tpu.memory_space<vmem>>) semaphore(%arg10 : memref<!tpu.dma_semaphore, #tpu.memory_space<semaphore_mem>>)
    %dma_wait3A = arith.constant 0 : i32
    %dma_wait3A_50 = arith.constant 0 : i32
    %dma_wait3A_51 = arith.constant 0 : i32
    %dma_wait3A_52 = arith.constant 0 : i32
    %dma_wait3A_53 = tpu.memref_slice %arg6[%dma_wait3A_50, %dma_wait3A_51, %dma_wait3A_52] : memref<4x128x16xf32, #tpu.memory_space<vmem>> -> memref<1x128x16xf32, #tpu.memory_space<vmem>>
    %dma_wait3A_54 = tpu.memref_squeeze %dma_wait3A_53 : memref<1x128x16xf32, #tpu.memory_space<vmem>> -> memref<128x16xf32, #tpu.memory_space<vmem>>
    %dma_wait3A_55 = arith.constant 0 : i32
    %dma_wait3A_56 = tpu.memref_slice %arg5[%dma_wait3A, %dma_wait3A_55] : memref<20x128xi32, #tpu.memory_space<vmem>> -> memref<1x128xi32, #tpu.memory_space<vmem>>
    %dma_wait3A_57 = tpu.memref_squeeze %dma_wait3A_56 : memref<1x128xi32, #tpu.memory_space<vmem>> -> memref<128xi32, #tpu.memory_space<vmem>>
    %dma_wait3A_58 = arith.constant 0 : i32
    %dma_wait3A_59 = arith.constant 0 : i32
    %dma_wait3A_60 = tpu.memref_slice %arg2[%dma_wait3A_58, %dma_wait3A_59] : memref<1600000x16xf32, #tpu.memory_space<hbm>> -> memref<1600000x16xf32, #tpu.memory_space<hbm>>
    tpu.wait_indirect_dma semaphore(%arg7 : memref<!tpu.dma_semaphore, #tpu.memory_space<semaphore_mem>>) src(%dma_wait3A_60 : memref<1600000x16xf32, #tpu.memory_space<hbm>>) dst(%dma_wait3A_54 : memref<128x16xf32, #tpu.memory_space<vmem>>)
    %add3A_61 = arith.constant 0 : i32
    %add3A_62 = arith.addi %mul3A_2, %add3A_61 : i32
    %dma_start3A_63 = arith.constant 0 : i32
    %dma_start3A_64 = arith.constant 0 : i32
    %dma_start3A_65 = arith.constant 0 : i32
    %dma_start3A_66 = tpu.memref_slice %arg6[%dma_start3A_63, %dma_start3A_64, %dma_start3A_65] : memref<4x128x16xf32, #tpu.memory_space<vmem>> -> memref<1x128x16xf32, #tpu.memory_space<vmem>>
    %dma_start3A_67 = tpu.memref_squeeze %dma_start3A_66 : memref<1x128x16xf32, #tpu.memory_space<vmem>> -> memref<128x16xf32, #tpu.memory_space<vmem>>
    %dma_start3A_68 = arith.constant 0 : i32
    %dma_start3A_69 = tpu.memref_slice %arg4[%add3A_62, %dma_start3A_68] : memref<81920x16xf32, #tpu.memory_space<hbm>> -> memref<128x16xf32, #tpu.memory_space<hbm>>
    %dma_start3A_70 = arith.constant 0 : i32
    %dma_start3A_71 = tpu.memref_slice %arg4[%add3A_62, %dma_start3A_70] : memref<81920x16xf32, #tpu.memory_space<hbm>> -> memref<128x16xf32, #tpu.memory_space<hbm>>
    %dma_start3A_72 = arith.constant 0 : i32
    %dma_start3A_73 = arith.constant 0 : i32
    %dma_start3A_74 = tpu.memref_slice %arg6[%dma_start3A_63, %dma_start3A_72, %dma_start3A_73] : memref<4x128x16xf32, #tpu.memory_space<vmem>> -> memref<1x128x16xf32, #tpu.memory_space<vmem>>
    %dma_start3A_75 = tpu.memref_squeeze %dma_start3A_74 : memref<1x128x16xf32, #tpu.memory_space<vmem>> -> memref<128x16xf32, #tpu.memory_space<vmem>>
    tpu.enqueue_dma source(%dma_start3A_75 : memref<128x16xf32, #tpu.memory_space<vmem>>) target(%dma_start3A_71 : memref<128x16xf32, #tpu.memory_space<hbm>>) target_semaphore(%arg11 : memref<!tpu.dma_semaphore, #tpu.memory_space<semaphore_mem>>)
    %dma_wait3A_76 = arith.constant 0 : i32
    %dma_wait3A_77 = arith.constant 0 : i32
    %dma_wait3A_78 = arith.constant 0 : i32
    %dma_wait3A_79 = tpu.memref_slice %arg6[%dma_wait3A_76, %dma_wait3A_77, %dma_wait3A_78] : memref<4x128x16xf32, #tpu.memory_space<vmem>> -> memref<1x128x16xf32, #tpu.memory_space<vmem>>
    %dma_wait3A_80 = tpu.memref_squeeze %dma_wait3A_79 : memref<1x128x16xf32, #tpu.memory_space<vmem>> -> memref<128x16xf32, #tpu.memory_space<vmem>>
    %dma_wait3A_81 = arith.constant 0 : i32
    %dma_wait3A_82 = tpu.memref_slice %arg4[%add3A_62, %dma_wait3A_81] : memref<81920x16xf32, #tpu.memory_space<hbm>> -> memref<128x16xf32, #tpu.memory_space<hbm>>
    %dma_wait3A_83 = arith.constant 0 : i32
    %dma_wait3A_84 = tpu.memref_slice %arg4[%add3A_62, %dma_wait3A_83] : memref<81920x16xf32, #tpu.memory_space<hbm>> -> memref<128x16xf32, #tpu.memory_space<hbm>>
    %dma_wait3A_85 = arith.constant 0 : i32
    %dma_wait3A_86 = arith.constant 0 : i32
    %dma_wait3A_87 = tpu.memref_slice %arg6[%dma_wait3A_76, %dma_wait3A_85, %dma_wait3A_86] : memref<4x128x16xf32, #tpu.memory_space<vmem>> -> memref<1x128x16xf32, #tpu.memory_space<vmem>>
    %dma_wait3A_88 = tpu.memref_squeeze %dma_wait3A_87 : memref<1x128x16xf32, #tpu.memory_space<vmem>> -> memref<128x16xf32, #tpu.memory_space<vmem>>
    tpu.wait_dma2 semaphore(%arg11 : memref<!tpu.dma_semaphore, #tpu.memory_space<semaphore_mem>>) src(%dma_wait3A_88 : memref<128x16xf32, #tpu.memory_space<vmem>>) dst(%dma_wait3A_84 : memref<128x16xf32, #tpu.memory_space<hbm>>)
    %dma_start3A_89 = arith.constant 4 : i32
    %dma_start3A_90 = arith.constant 0 : i32
    %dma_start3A_91 = arith.constant 0 : i32
    %dma_start3A_92 = arith.constant 0 : i32
    %dma_start3A_93 = tpu.memref_slice %arg6[%dma_start3A_90, %dma_start3A_91, %dma_start3A_92] : memref<4x128x16xf32, #tpu.memory_space<vmem>> -> memref<1x128x16xf32, #tpu.memory_space<vmem>>
    %dma_start3A_94 = tpu.memref_squeeze %dma_start3A_93 : memref<1x128x16xf32, #tpu.memory_space<vmem>> -> memref<128x16xf32, #tpu.memory_space<vmem>>
    %dma_start3A_95 = arith.constant 0 : i32
    %dma_start3A_96 = tpu.memref_slice %arg5[%dma_start3A_89, %dma_start3A_95] : memref<20x128xi32, #tpu.memory_space<vmem>> -> memref<1x128xi32, #tpu.memory_space<vmem>>
    %dma_start3A_97 = tpu.memref_squeeze %dma_start3A_96 : memref<1x128xi32, #tpu.memory_space<vmem>> -> memref<128xi32, #tpu.memory_space<vmem>>
    %dma_start3A_98 = arith.constant 0 : i32
    %dma_start3A_99 = arith.constant 0 : i32
    %dma_start3A_100 = tpu.memref_slice %arg2[%dma_start3A_98, %dma_start3A_99] : memref<1600000x16xf32, #tpu.memory_space<hbm>> -> memref<1600000x16xf32, #tpu.memory_space<hbm>>
    tpu.enqueue_indirect_dma source(%dma_start3A_100 : memref<1600000x16xf32, #tpu.memory_space<hbm>>) target(%dma_start3A_94 : memref<128x16xf32, #tpu.memory_space<vmem>>) offsets(%dma_start3A_97 : memref<128xi32, #tpu.memory_space<vmem>>) semaphore(%arg7 : memref<!tpu.dma_semaphore, #tpu.memory_space<semaphore_mem>>)
    %dma_wait3A_101 = arith.constant 1 : i32
    %dma_wait3A_102 = arith.constant 1 : i32
    %dma_wait3A_103 = arith.constant 0 : i32
    %dma_wait3A_104 = arith.constant 0 : i32
    %dma_wait3A_105 = tpu.memref_slice %arg6[%dma_wait3A_102, %dma_wait3A_103, %dma_wait3A_104] : memref<4x128x16xf32, #tpu.memory_space<vmem>> -> memref<1x128x16xf32, #tpu.memory_space<vmem>>
    %dma_wait3A_106 = tpu.memref_squeeze %dma_wait3A_105 : memref<1x128x16xf32, #tpu.memory_space<vmem>> -> memref<128x16xf32, #tpu.memory_space<vmem>>
    %dma_wait3A_107 = arith.constant 0 : i32
    %dma_wait3A_108 = tpu.memref_slice %arg5[%dma_wait3A_101, %dma_wait3A_107] : memref<20x128xi32, #tpu.memory_space<vmem>> -> memref<1x128xi32, #tpu.memory_space<vmem>>
    %dma_wait3A_109 = tpu.memref_squeeze %dma_wait3A_108 : memref<1x128xi32, #tpu.memory_space<vmem>> -> memref<128xi32, #tpu.memory_space<vmem>>
    %dma_wait3A_110 = arith.constant 0 : i32
    %dma_wait3A_111 = arith.constant 0 : i32
    %dma_wait3A_112 = tpu.memref_slice %arg2[%dma_wait3A_110, %dma_wait3A_111] : memref<1600000x16xf32, #tpu.memory_space<hbm>> -> memref<1600000x16xf32, #tpu.memory_space<hbm>>
    tpu.wait_indirect_dma semaphore(%arg8 : memref<!tpu.dma_semaphore, #tpu.memory_space<semaphore_mem>>) src(%dma_wait3A_112 : memref<1600000x16xf32, #tpu.memory_space<hbm>>) dst(%dma_wait3A_106 : memref<128x16xf32, #tpu.memory_space<vmem>>)
    %add3A_113 = arith.constant 128 : i32
    %add3A_114 = arith.addi %mul3A_2, %add3A_113 : i32
    %dma_start3A_115 = arith.constant 1 : i32
    %dma_start3A_116 = arith.constant 0 : i32
    %dma_start3A_117 = arith.constant 0 : i32
    %dma_start3A_118 = tpu.memref_slice %arg6[%dma_start3A_115, %dma_start3A_116, %dma_start3A_117] : memref<4x128x16xf32, #tpu.memory_space<vmem>> -> memref<1x128x16xf32, #tpu.memory_space<vmem>>
    %dma_start3A_119 = tpu.memref_squeeze %dma_start3A_118 : memref<1x128x16xf32, #tpu.memory_space<vmem>> -> memref<128x16xf32, #tpu.memory_space<vmem>>
    %dma_start3A_120 = arith.constant 0 : i32
    %dma_start3A_121 = tpu.memref_slice %arg4[%add3A_114, %dma_start3A_120] : memref<81920x16xf32, #tpu.memory_space<hbm>> -> memref<128x16xf32, #tpu.memory_space<hbm>>
    %dma_start3A_122 = arith.constant 0 : i32
    %dma_start3A_123 = tpu.memref_slice %arg4[%add3A_114, %dma_start3A_122] : memref<81920x16xf32, #tpu.memory_space<hbm>> -> memref<128x16xf32, #tpu.memory_space<hbm>>
    %dma_start3A_124 = arith.constant 0 : i32
    %dma_start3A_125 = arith.constant 0 : i32
    %dma_start3A_126 = tpu.memref_slice %arg6[%dma_start3A_115, %dma_start3A_124, %dma_start3A_125] : memref<4x128x16xf32, #tpu.memory_space<vmem>> -> memref<1x128x16xf32, #tpu.memory_space<vmem>>
    %dma_start3A_127 = tpu.memref_squeeze %dma_start3A_126 : memref<1x128x16xf32, #tpu.memory_space<vmem>> -> memref<128x16xf32, #tpu.memory_space<vmem>>
    tpu.enqueue_dma source(%dma_start3A_127 : memref<128x16xf32, #tpu.memory_space<vmem>>) target(%dma_start3A_123 : memref<128x16xf32, #tpu.memory_space<hbm>>) target_semaphore(%arg12 : memref<!tpu.dma_semaphore, #tpu.memory_space<semaphore_mem>>)
    %dma_wait3A_128 = arith.constant 1 : i32
    %dma_wait3A_129 = arith.constant 0 : i32
    %dma_wait3A_130 = arith.constant 0 : i32
    %dma_wait3A_131 = tpu.memref_slice %arg6[%dma_wait3A_128, %dma_wait3A_129, %dma_wait3A_130] : memref<4x128x16xf32, #tpu.memory_space<vmem>> -> memref<1x128x16xf32, #tpu.memory_space<vmem>>
    %dma_wait3A_132 = tpu.memref_squeeze %dma_wait3A_131 : memref<1x128x16xf32, #tpu.memory_space<vmem>> -> memref<128x16xf32, #tpu.memory_space<vmem>>
    %dma_wait3A_133 = arith.constant 0 : i32
    %dma_wait3A_134 = tpu.memref_slice %arg4[%add3A_114, %dma_wait3A_133] : memref<81920x16xf32, #tpu.memory_space<hbm>> -> memref<128x16xf32, #tpu.memory_space<hbm>>
    %dma_wait3A_135 = arith.constant 0 : i32
    %dma_wait3A_136 = tpu.memref_slice %arg4[%add3A_114, %dma_wait3A_135] : memref<81920x16xf32, #tpu.memory_space<hbm>> -> memref<128x16xf32, #tpu.memory_space<hbm>>
    %dma_wait3A_137 = arith.constant 0 : i32
    %dma_wait3A_138 = arith.constant 0 : i32
    %dma_wait3A_139 = tpu.memref_slice %arg6[%dma_wait3A_128, %dma_wait3A_137, %dma_wait3A_138] : memref<4x128x16xf32, #tpu.memory_space<vmem>> -> memref<1x128x16xf32, #tpu.memory_space<vmem>>
    %dma_wait3A_140 = tpu.memref_squeeze %dma_wait3A_139 : memref<1x128x16xf32, #tpu.memory_space<vmem>> -> memref<128x16xf32, #tpu.memory_space<vmem>>
    tpu.wait_dma2 semaphore(%arg12 : memref<!tpu.dma_semaphore, #tpu.memory_space<semaphore_mem>>) src(%dma_wait3A_140 : memref<128x16xf32, #tpu.memory_space<vmem>>) dst(%dma_wait3A_136 : memref<128x16xf32, #tpu.memory_space<hbm>>)
    %dma_start3A_141 = arith.constant 5 : i32
    %dma_start3A_142 = arith.constant 1 : i32
    %dma_start3A_143 = arith.constant 0 : i32
    %dma_start3A_144 = arith.constant 0 : i32
    %dma_start3A_145 = tpu.memref_slice %arg6[%dma_start3A_142, %dma_start3A_143, %dma_start3A_144] : memref<4x128x16xf32, #tpu.memory_space<vmem>> -> memref<1x128x16xf32, #tpu.memory_space<vmem>>
    %dma_start3A_146 = tpu.memref_squeeze %dma_start3A_145 : memref<1x128x16xf32, #tpu.memory_space<vmem>> -> memref<128x16xf32, #tpu.memory_space<vmem>>
    %dma_start3A_147 = arith.constant 0 : i32
    %dma_start3A_148 = tpu.memref_slice %arg5[%dma_start3A_141, %dma_start3A_147] : memref<20x128xi32, #tpu.memory_space<vmem>> -> memref<1x128xi32, #tpu.memory_space<vmem>>
    %dma_start3A_149 = tpu.memref_squeeze %dma_start3A_148 : memref<1x128xi32, #tpu.memory_space<vmem>> -> memref<128xi32, #tpu.memory_space<vmem>>
    %dma_start3A_150 = arith.constant 0 : i32
    %dma_start3A_151 = arith.constant 0 : i32
    %dma_start3A_152 = tpu.memref_slice %arg2[%dma_start3A_150, %dma_start3A_151] : memref<1600000x16xf32, #tpu.memory_space<hbm>> -> memref<1600000x16xf32, #tpu.memory_space<hbm>>
    tpu.enqueue_indirect_dma source(%dma_start3A_152 : memref<1600000x16xf32, #tpu.memory_space<hbm>>) target(%dma_start3A_146 : memref<128x16xf32, #tpu.memory_space<vmem>>) offsets(%dma_start3A_149 : memref<128xi32, #tpu.memory_space<vmem>>) semaphore(%arg8 : memref<!tpu.dma_semaphore, #tpu.memory_space<semaphore_mem>>)
    %dma_wait3A_153 = arith.constant 2 : i32
    %dma_wait3A_154 = arith.constant 2 : i32
    %dma_wait3A_155 = arith.constant 0 : i32
    %dma_wait3A_156 = arith.constant 0 : i32
    %dma_wait3A_157 = tpu.memref_slice %arg6[%dma_wait3A_154, %dma_wait3A_155, %dma_wait3A_156] : memref<4x128x16xf32, #tpu.memory_space<vmem>> -> memref<1x128x16xf32, #tpu.memory_space<vmem>>
    %dma_wait3A_158 = tpu.memref_squeeze %dma_wait3A_157 : memref<1x128x16xf32, #tpu.memory_space<vmem>> -> memref<128x16xf32, #tpu.memory_space<vmem>>
    %dma_wait3A_159 = arith.constant 0 : i32
    %dma_wait3A_160 = tpu.memref_slice %arg5[%dma_wait3A_153, %dma_wait3A_159] : memref<20x128xi32, #tpu.memory_space<vmem>> -> memref<1x128xi32, #tpu.memory_space<vmem>>
    %dma_wait3A_161 = tpu.memref_squeeze %dma_wait3A_160 : memref<1x128xi32, #tpu.memory_space<vmem>> -> memref<128xi32, #tpu.memory_space<vmem>>
    %dma_wait3A_162 = arith.constant 0 : i32
    %dma_wait3A_163 = arith.constant 0 : i32
    %dma_wait3A_164 = tpu.memref_slice %arg2[%dma_wait3A_162, %dma_wait3A_163] : memref<1600000x16xf32, #tpu.memory_space<hbm>> -> memref<1600000x16xf32, #tpu.memory_space<hbm>>
    tpu.wait_indirect_dma semaphore(%arg9 : memref<!tpu.dma_semaphore, #tpu.memory_space<semaphore_mem>>) src(%dma_wait3A_164 : memref<1600000x16xf32, #tpu.memory_space<hbm>>) dst(%dma_wait3A_158 : memref<128x16xf32, #tpu.memory_space<vmem>>)
    %add3A_165 = arith.constant 256 : i32
    %add3A_166 = arith.addi %mul3A_2, %add3A_165 : i32
    %dma_start3A_167 = arith.constant 2 : i32
    %dma_start3A_168 = arith.constant 0 : i32
    %dma_start3A_169 = arith.constant 0 : i32
    %dma_start3A_170 = tpu.memref_slice %arg6[%dma_start3A_167, %dma_start3A_168, %dma_start3A_169] : memref<4x128x16xf32, #tpu.memory_space<vmem>> -> memref<1x128x16xf32, #tpu.memory_space<vmem>>
    %dma_start3A_171 = tpu.memref_squeeze %dma_start3A_170 : memref<1x128x16xf32, #tpu.memory_space<vmem>> -> memref<128x16xf32, #tpu.memory_space<vmem>>
    %dma_start3A_172 = arith.constant 0 : i32
    %dma_start3A_173 = tpu.memref_slice %arg4[%add3A_166, %dma_start3A_172] : memref<81920x16xf32, #tpu.memory_space<hbm>> -> memref<128x16xf32, #tpu.memory_space<hbm>>
    %dma_start3A_174 = arith.constant 0 : i32
    %dma_start3A_175 = tpu.memref_slice %arg4[%add3A_166, %dma_start3A_174] : memref<81920x16xf32, #tpu.memory_space<hbm>> -> memref<128x16xf32, #tpu.memory_space<hbm>>
    %dma_start3A_176 = arith.constant 0 : i32
    %dma_start3A_177 = arith.constant 0 : i32
    %dma_start3A_178 = tpu.memref_slice %arg6[%dma_start3A_167, %dma_start3A_176, %dma_start3A_177] : memref<4x128x16xf32, #tpu.memory_space<vmem>> -> memref<1x128x16xf32, #tpu.memory_space<vmem>>
    %dma_start3A_179 = tpu.memref_squeeze %dma_start3A_178 : memref<1x128x16xf32, #tpu.memory_space<vmem>> -> memref<128x16xf32, #tpu.memory_space<vmem>>
    tpu.enqueue_dma source(%dma_start3A_179 : memref<128x16xf32, #tpu.memory_space<vmem>>) target(%dma_start3A_175 : memref<128x16xf32, #tpu.memory_space<hbm>>) target_semaphore(%arg13 : memref<!tpu.dma_semaphore, #tpu.memory_space<semaphore_mem>>)
    %dma_wait3A_180 = arith.constant 2 : i32
    %dma_wait3A_181 = arith.constant 0 : i32
    %dma_wait3A_182 = arith.constant 0 : i32
    %dma_wait3A_183 = tpu.memref_slice %arg6[%dma_wait3A_180, %dma_wait3A_181, %dma_wait3A_182] : memref<4x128x16xf32, #tpu.memory_space<vmem>> -> memref<1x128x16xf32, #tpu.memory_space<vmem>>
    %dma_wait3A_184 = tpu.memref_squeeze %dma_wait3A_183 : memref<1x128x16xf32, #tpu.memory_space<vmem>> -> memref<128x16xf32, #tpu.memory_space<vmem>>
    %dma_wait3A_185 = arith.constant 0 : i32
    %dma_wait3A_186 = tpu.memref_slice %arg4[%add3A_166, %dma_wait3A_185] : memref<81920x16xf32, #tpu.memory_space<hbm>> -> memref<128x16xf32, #tpu.memory_space<hbm>>
    %dma_wait3A_187 = arith.constant 0 : i32
    %dma_wait3A_188 = tpu.memref_slice %arg4[%add3A_166, %dma_wait3A_187] : memref<81920x16xf32, #tpu.memory_space<hbm>> -> memref<128x16xf32, #tpu.memory_space<hbm>>
    %dma_wait3A_189 = arith.constant 0 : i32
    %dma_wait3A_190 = arith.constant 0 : i32
    %dma_wait3A_191 = tpu.memref_slice %arg6[%dma_wait3A_180, %dma_wait3A_189, %dma_wait3A_190] : memref<4x128x16xf32, #tpu.memory_space<vmem>> -> memref<1x128x16xf32, #tpu.memory_space<vmem>>
    %dma_wait3A_192 = tpu.memref_squeeze %dma_wait3A_191 : memref<1x128x16xf32, #tpu.memory_space<vmem>> -> memref<128x16xf32, #tpu.memory_space<vmem>>
    tpu.wait_dma2 semaphore(%arg13 : memref<!tpu.dma_semaphore, #tpu.memory_space<semaphore_mem>>) src(%dma_wait3A_192 : memref<128x16xf32, #tpu.memory_space<vmem>>) dst(%dma_wait3A_188 : memref<128x16xf32, #tpu.memory_space<hbm>>)
    %dma_start3A_193 = arith.constant 6 : i32
    %dma_start3A_194 = arith.constant 2 : i32
    %dma_start3A_195 = arith.constant 0 : i32
    %dma_start3A_196 = arith.constant 0 : i32
    %dma_start3A_197 = tpu.memref_slice %arg6[%dma_start3A_194, %dma_start3A_195, %dma_start3A_196] : memref<4x128x16xf32, #tpu.memory_space<vmem>> -> memref<1x128x16xf32, #tpu.memory_space<vmem>>
    %dma_start3A_198 = tpu.memref_squeeze %dma_start3A_197 : memref<1x128x16xf32, #tpu.memory_space<vmem>> -> memref<128x16xf32, #tpu.memory_space<vmem>>
    %dma_start3A_199 = arith.constant 0 : i32
    %dma_start3A_200 = tpu.memref_slice %arg5[%dma_start3A_193, %dma_start3A_199] : memref<20x128xi32, #tpu.memory_space<vmem>> -> memref<1x128xi32, #tpu.memory_space<vmem>>
    %dma_start3A_201 = tpu.memref_squeeze %dma_start3A_200 : memref<1x128xi32, #tpu.memory_space<vmem>> -> memref<128xi32, #tpu.memory_space<vmem>>
    %dma_start3A_202 = arith.constant 0 : i32
    %dma_start3A_203 = arith.constant 0 : i32
    %dma_start3A_204 = tpu.memref_slice %arg2[%dma_start3A_202, %dma_start3A_203] : memref<1600000x16xf32, #tpu.memory_space<hbm>> -> memref<1600000x16xf32, #tpu.memory_space<hbm>>
    tpu.enqueue_indirect_dma source(%dma_start3A_204 : memref<1600000x16xf32, #tpu.memory_space<hbm>>) target(%dma_start3A_198 : memref<128x16xf32, #tpu.memory_space<vmem>>) offsets(%dma_start3A_201 : memref<128xi32, #tpu.memory_space<vmem>>) semaphore(%arg9 : memref<!tpu.dma_semaphore, #tpu.memory_space<semaphore_mem>>)
    %dma_wait3A_205 = arith.constant 3 : i32
    %dma_wait3A_206 = arith.constant 3 : i32
    %dma_wait3A_207 = arith.constant 0 : i32
    %dma_wait3A_208 = arith.constant 0 : i32
    %dma_wait3A_209 = tpu.memref_slice %arg6[%dma_wait3A_206, %dma_wait3A_207, %dma_wait3A_208] : memref<4x128x16xf32, #tpu.memory_space<vmem>> -> memref<1x128x16xf32, #tpu.memory_space<vmem>>
    %dma_wait3A_210 = tpu.memref_squeeze %dma_wait3A_209 : memref<1x128x16xf32, #tpu.memory_space<vmem>> -> memref<128x16xf32, #tpu.memory_space<vmem>>
    %dma_wait3A_211 = arith.constant 0 : i32
    %dma_wait3A_212 = tpu.memref_slice %arg5[%dma_wait3A_205, %dma_wait3A_211] : memref<20x128xi32, #tpu.memory_space<vmem>> -> memref<1x128xi32, #tpu.memory_space<vmem>>
    %dma_wait3A_213 = tpu.memref_squeeze %dma_wait3A_212 : memref<1x128xi32, #tpu.memory_space<vmem>> -> memref<128xi32, #tpu.memory_space<vmem>>
    %dma_wait3A_214 = arith.constant 0 : i32
    %dma_wait3A_215 = arith.constant 0 : i32
    %dma_wait3A_216 = tpu.memref_slice %arg2[%dma_wait3A_214, %dma_wait3A_215] : memref<1600000x16xf32, #tpu.memory_space<hbm>> -> memref<1600000x16xf32, #tpu.memory_space<hbm>>
    tpu.wait_indirect_dma semaphore(%arg10 : memref<!tpu.dma_semaphore, #tpu.memory_space<semaphore_mem>>) src(%dma_wait3A_216 : memref<1600000x16xf32, #tpu.memory_space<hbm>>) dst(%dma_wait3A_210 : memref<128x16xf32, #tpu.memory_space<vmem>>)
    %add3A_217 = arith.constant 384 : i32
    %add3A_218 = arith.addi %mul3A_2, %add3A_217 : i32
    %dma_start3A_219 = arith.constant 3 : i32
    %dma_start3A_220 = arith.constant 0 : i32
    %dma_start3A_221 = arith.constant 0 : i32
    %dma_start3A_222 = tpu.memref_slice %arg6[%dma_start3A_219, %dma_start3A_220, %dma_start3A_221] : memref<4x128x16xf32, #tpu.memory_space<vmem>> -> memref<1x128x16xf32, #tpu.memory_space<vmem>>
    %dma_start3A_223 = tpu.memref_squeeze %dma_start3A_222 : memref<1x128x16xf32, #tpu.memory_space<vmem>> -> memref<128x16xf32, #tpu.memory_space<vmem>>
    %dma_start3A_224 = arith.constant 0 : i32
    %dma_start3A_225 = tpu.memref_slice %arg4[%add3A_218, %dma_start3A_224] : memref<81920x16xf32, #tpu.memory_space<hbm>> -> memref<128x16xf32, #tpu.memory_space<hbm>>
    %dma_start3A_226 = arith.constant 0 : i32
    %dma_start3A_227 = tpu.memref_slice %arg4[%add3A_218, %dma_start3A_226] : memref<81920x16xf32, #tpu.memory_space<hbm>> -> memref<128x16xf32, #tpu.memory_space<hbm>>
    %dma_start3A_228 = arith.constant 0 : i32
    %dma_start3A_229 = arith.constant 0 : i32
    %dma_start3A_230 = tpu.memref_slice %arg6[%dma_start3A_219, %dma_start3A_228, %dma_start3A_229] : memref<4x128x16xf32, #tpu.memory_space<vmem>> -> memref<1x128x16xf32, #tpu.memory_space<vmem>>
    %dma_start3A_231 = tpu.memref_squeeze %dma_start3A_230 : memref<1x128x16xf32, #tpu.memory_space<vmem>> -> memref<128x16xf32, #tpu.memory_space<vmem>>
    tpu.enqueue_dma source(%dma_start3A_231 : memref<128x16xf32, #tpu.memory_space<vmem>>) target(%dma_start3A_227 : memref<128x16xf32, #tpu.memory_space<hbm>>) target_semaphore(%arg14 : memref<!tpu.dma_semaphore, #tpu.memory_space<semaphore_mem>>)
    %dma_wait3A_232 = arith.constant 3 : i32
    %dma_wait3A_233 = arith.constant 0 : i32
    %dma_wait3A_234 = arith.constant 0 : i32
    %dma_wait3A_235 = tpu.memref_slice %arg6[%dma_wait3A_232, %dma_wait3A_233, %dma_wait3A_234] : memref<4x128x16xf32, #tpu.memory_space<vmem>> -> memref<1x128x16xf32, #tpu.memory_space<vmem>>
    %dma_wait3A_236 = tpu.memref_squeeze %dma_wait3A_235 : memref<1x128x16xf32, #tpu.memory_space<vmem>> -> memref<128x16xf32, #tpu.memory_space<vmem>>
    %dma_wait3A_237 = arith.constant 0 : i32
    %dma_wait3A_238 = tpu.memref_slice %arg4[%add3A_218, %dma_wait3A_237] : memref<81920x16xf32, #tpu.memory_space<hbm>> -> memref<128x16xf32, #tpu.memory_space<hbm>>
    %dma_wait3A_239 = arith.constant 0 : i32
    %dma_wait3A_240 = tpu.memref_slice %arg4[%add3A_218, %dma_wait3A_239] : memref<81920x16xf32, #tpu.memory_space<hbm>> -> memref<128x16xf32, #tpu.memory_space<hbm>>
    %dma_wait3A_241 = arith.constant 0 : i32
    %dma_wait3A_242 = arith.constant 0 : i32
    %dma_wait3A_243 = tpu.memref_slice %arg6[%dma_wait3A_232, %dma_wait3A_241, %dma_wait3A_242] : memref<4x128x16xf32, #tpu.memory_space<vmem>> -> memref<1x128x16xf32, #tpu.memory_space<vmem>>
    %dma_wait3A_244 = tpu.memref_squeeze %dma_wait3A_243 : memref<1x128x16xf32, #tpu.memory_space<vmem>> -> memref<128x16xf32, #tpu.memory_space<vmem>>
    tpu.wait_dma2 semaphore(%arg14 : memref<!tpu.dma_semaphore, #tpu.memory_space<semaphore_mem>>) src(%dma_wait3A_244 : memref<128x16xf32, #tpu.memory_space<vmem>>) dst(%dma_wait3A_240 : memref<128x16xf32, #tpu.memory_space<hbm>>)
    %dma_start3A_245 = arith.constant 7 : i32
    %dma_start3A_246 = arith.constant 3 : i32
    %dma_start3A_247 = arith.constant 0 : i32
    %dma_start3A_248 = arith.constant 0 : i32
    %dma_start3A_249 = tpu.memref_slice %arg6[%dma_start3A_246, %dma_start3A_247, %dma_start3A_248] : memref<4x128x16xf32, #tpu.memory_space<vmem>> -> memref<1x128x16xf32, #tpu.memory_space<vmem>>
    %dma_start3A_250 = tpu.memref_squeeze %dma_start3A_249 : memref<1x128x16xf32, #tpu.memory_space<vmem>> -> memref<128x16xf32, #tpu.memory_space<vmem>>
    %dma_start3A_251 = arith.constant 0 : i32
    %dma_start3A_252 = tpu.memref_slice %arg5[%dma_start3A_245, %dma_start3A_251] : memref<20x128xi32, #tpu.memory_space<vmem>> -> memref<1x128xi32, #tpu.memory_space<vmem>>
    %dma_start3A_253 = tpu.memref_squeeze %dma_start3A_252 : memref<1x128xi32, #tpu.memory_space<vmem>> -> memref<128xi32, #tpu.memory_space<vmem>>
    %dma_start3A_254 = arith.constant 0 : i32
    %dma_start3A_255 = arith.constant 0 : i32
    %dma_start3A_256 = tpu.memref_slice %arg2[%dma_start3A_254, %dma_start3A_255] : memref<1600000x16xf32, #tpu.memory_space<hbm>> -> memref<1600000x16xf32, #tpu.memory_space<hbm>>
    tpu.enqueue_indirect_dma source(%dma_start3A_256 : memref<1600000x16xf32, #tpu.memory_space<hbm>>) target(%dma_start3A_250 : memref<128x16xf32, #tpu.memory_space<vmem>>) offsets(%dma_start3A_253 : memref<128xi32, #tpu.memory_space<vmem>>) semaphore(%arg10 : memref<!tpu.dma_semaphore, #tpu.memory_space<semaphore_mem>>)
    %dma_wait3A_257 = arith.constant 4 : i32
    %dma_wait3A_258 = arith.constant 0 : i32
    %dma_wait3A_259 = arith.constant 0 : i32
    %dma_wait3A_260 = arith.constant 0 : i32
    %dma_wait3A_261 = tpu.memref_slice %arg6[%dma_wait3A_258, %dma_wait3A_259, %dma_wait3A_260] : memref<4x128x16xf32, #tpu.memory_space<vmem>> -> memref<1x128x16xf32, #tpu.memory_space<vmem>>
    %dma_wait3A_262 = tpu.memref_squeeze %dma_wait3A_261 : memref<1x128x16xf32, #tpu.memory_space<vmem>> -> memref<128x16xf32, #tpu.memory_space<vmem>>
    %dma_wait3A_263 = arith.constant 0 : i32
    %dma_wait3A_264 = tpu.memref_slice %arg5[%dma_wait3A_257, %dma_wait3A_263] : memref<20x128xi32, #tpu.memory_space<vmem>> -> memref<1x128xi32, #tpu.memory_space<vmem>>
    %dma_wait3A_265 = tpu.memref_squeeze %dma_wait3A_264 : memref<1x128xi32, #tpu.memory_space<vmem>> -> memref<128xi32, #tpu.memory_space<vmem>>
    %dma_wait3A_266 = arith.constant 0 : i32
    %dma_wait3A_267 = arith.constant 0 : i32
    %dma_wait3A_268 = tpu.memref_slice %arg2[%dma_wait3A_266, %dma_wait3A_267] : memref<1600000x16xf32, #tpu.memory_space<hbm>> -> memref<1600000x16xf32, #tpu.memory_space<hbm>>
    tpu.wait_indirect_dma semaphore(%arg7 : memref<!tpu.dma_semaphore, #tpu.memory_space<semaphore_mem>>) src(%dma_wait3A_268 : memref<1600000x16xf32, #tpu.memory_space<hbm>>) dst(%dma_wait3A_262 : memref<128x16xf32, #tpu.memory_space<vmem>>)
    %add3A_269 = arith.constant 512 : i32
    %add3A_270 = arith.addi %mul3A_2, %add3A_269 : i32
    %dma_start3A_271 = arith.constant 0 : i32
    %dma_start3A_272 = arith.constant 0 : i32
    %dma_start3A_273 = arith.constant 0 : i32
    %dma_start3A_274 = tpu.memref_slice %arg6[%dma_start3A_271, %dma_start3A_272, %dma_start3A_273] : memref<4x128x16xf32, #tpu.memory_space<vmem>> -> memref<1x128x16xf32, #tpu.memory_space<vmem>>
    %dma_start3A_275 = tpu.memref_squeeze %dma_start3A_274 : memref<1x128x16xf32, #tpu.memory_space<vmem>> -> memref<128x16xf32, #tpu.memory_space<vmem>>
    %dma_start3A_276 = arith.constant 0 : i32
    %dma_start3A_277 = tpu.memref_slice %arg4[%add3A_270, %dma_start3A_276] : memref<81920x16xf32, #tpu.memory_space<hbm>> -> memref<128x16xf32, #tpu.memory_space<hbm>>
    %dma_start3A_278 = arith.constant 0 : i32
    %dma_start3A_279 = tpu.memref_slice %arg4[%add3A_270, %dma_start3A_278] : memref<81920x16xf32, #tpu.memory_space<hbm>> -> memref<128x16xf32, #tpu.memory_space<hbm>>
    %dma_start3A_280 = arith.constant 0 : i32
    %dma_start3A_281 = arith.constant 0 : i32
    %dma_start3A_282 = tpu.memref_slice %arg6[%dma_start3A_271, %dma_start3A_280, %dma_start3A_281] : memref<4x128x16xf32, #tpu.memory_space<vmem>> -> memref<1x128x16xf32, #tpu.memory_space<vmem>>
    %dma_start3A_283 = tpu.memref_squeeze %dma_start3A_282 : memref<1x128x16xf32, #tpu.memory_space<vmem>> -> memref<128x16xf32, #tpu.memory_space<vmem>>
    tpu.enqueue_dma source(%dma_start3A_283 : memref<128x16xf32, #tpu.memory_space<vmem>>) target(%dma_start3A_279 : memref<128x16xf32, #tpu.memory_space<hbm>>) target_semaphore(%arg11 : memref<!tpu.dma_semaphore, #tpu.memory_space<semaphore_mem>>)
    %dma_wait3A_284 = arith.constant 0 : i32
    %dma_wait3A_285 = arith.constant 0 : i32
    %dma_wait3A_286 = arith.constant 0 : i32
    %dma_wait3A_287 = tpu.memref_slice %arg6[%dma_wait3A_284, %dma_wait3A_285, %dma_wait3A_286] : memref<4x128x16xf32, #tpu.memory_space<vmem>> -> memref<1x128x16xf32, #tpu.memory_space<vmem>>
    %dma_wait3A_288 = tpu.memref_squeeze %dma_wait3A_287 : memref<1x128x16xf32, #tpu.memory_space<vmem>> -> memref<128x16xf32, #tpu.memory_space<vmem>>
    %dma_wait3A_289 = arith.constant 0 : i32
    %dma_wait3A_290 = tpu.memref_slice %arg4[%add3A_270, %dma_wait3A_289] : memref<81920x16xf32, #tpu.memory_space<hbm>> -> memref<128x16xf32, #tpu.memory_space<hbm>>
    %dma_wait3A_291 = arith.constant 0 : i32
    %dma_wait3A_292 = tpu.memref_slice %arg4[%add3A_270, %dma_wait3A_291] : memref<81920x16xf32, #tpu.memory_space<hbm>> -> memref<128x16xf32, #tpu.memory_space<hbm>>
    %dma_wait3A_293 = arith.constant 0 : i32
    %dma_wait3A_294 = arith.constant 0 : i32
    %dma_wait3A_295 = tpu.memref_slice %arg6[%dma_wait3A_284, %dma_wait3A_293, %dma_wait3A_294] : memref<4x128x16xf32, #tpu.memory_space<vmem>> -> memref<1x128x16xf32, #tpu.memory_space<vmem>>
    %dma_wait3A_296 = tpu.memref_squeeze %dma_wait3A_295 : memref<1x128x16xf32, #tpu.memory_space<vmem>> -> memref<128x16xf32, #tpu.memory_space<vmem>>
    tpu.wait_dma2 semaphore(%arg11 : memref<!tpu.dma_semaphore, #tpu.memory_space<semaphore_mem>>) src(%dma_wait3A_296 : memref<128x16xf32, #tpu.memory_space<vmem>>) dst(%dma_wait3A_292 : memref<128x16xf32, #tpu.memory_space<hbm>>)
    %dma_start3A_297 = arith.constant 8 : i32
    %dma_start3A_298 = arith.constant 0 : i32
    %dma_start3A_299 = arith.constant 0 : i32
    %dma_start3A_300 = arith.constant 0 : i32
    %dma_start3A_301 = tpu.memref_slice %arg6[%dma_start3A_298, %dma_start3A_299, %dma_start3A_300] : memref<4x128x16xf32, #tpu.memory_space<vmem>> -> memref<1x128x16xf32, #tpu.memory_space<vmem>>
    %dma_start3A_302 = tpu.memref_squeeze %dma_start3A_301 : memref<1x128x16xf32, #tpu.memory_space<vmem>> -> memref<128x16xf32, #tpu.memory_space<vmem>>
    %dma_start3A_303 = arith.constant 0 : i32
    %dma_start3A_304 = tpu.memref_slice %arg5[%dma_start3A_297, %dma_start3A_303] : memref<20x128xi32, #tpu.memory_space<vmem>> -> memref<1x128xi32, #tpu.memory_space<vmem>>
    %dma_start3A_305 = tpu.memref_squeeze %dma_start3A_304 : memref<1x128xi32, #tpu.memory_space<vmem>> -> memref<128xi32, #tpu.memory_space<vmem>>
    %dma_start3A_306 = arith.constant 0 : i32
    %dma_start3A_307 = arith.constant 0 : i32
    %dma_start3A_308 = tpu.memref_slice %arg2[%dma_start3A_306, %dma_start3A_307] : memref<1600000x16xf32, #tpu.memory_space<hbm>> -> memref<1600000x16xf32, #tpu.memory_space<hbm>>
    tpu.enqueue_indirect_dma source(%dma_start3A_308 : memref<1600000x16xf32, #tpu.memory_space<hbm>>) target(%dma_start3A_302 : memref<128x16xf32, #tpu.memory_space<vmem>>) offsets(%dma_start3A_305 : memref<128xi32, #tpu.memory_space<vmem>>) semaphore(%arg7 : memref<!tpu.dma_semaphore, #tpu.memory_space<semaphore_mem>>)
    %dma_wait3A_309 = arith.constant 5 : i32
    %dma_wait3A_310 = arith.constant 1 : i32
    %dma_wait3A_311 = arith.constant 0 : i32
    %dma_wait3A_312 = arith.constant 0 : i32
    %dma_wait3A_313 = tpu.memref_slice %arg6[%dma_wait3A_310, %dma_wait3A_311, %dma_wait3A_312] : memref<4x128x16xf32, #tpu.memory_space<vmem>> -> memref<1x128x16xf32, #tpu.memory_space<vmem>>
    %dma_wait3A_314 = tpu.memref_squeeze %dma_wait3A_313 : memref<1x128x16xf32, #tpu.memory_space<vmem>> -> memref<128x16xf32, #tpu.memory_space<vmem>>
    %dma_wait3A_315 = arith.constant 0 : i32
    %dma_wait3A_316 = tpu.memref_slice %arg5[%dma_wait3A_309, %dma_wait3A_315] : memref<20x128xi32, #tpu.memory_space<vmem>> -> memref<1x128xi32, #tpu.memory_space<vmem>>
    %dma_wait3A_317 = tpu.memref_squeeze %dma_wait3A_316 : memref<1x128xi32, #tpu.memory_space<vmem>> -> memref<128xi32, #tpu.memory_space<vmem>>
    %dma_wait3A_318 = arith.constant 0 : i32
    %dma_wait3A_319 = arith.constant 0 : i32
    %dma_wait3A_320 = tpu.memref_slice %arg2[%dma_wait3A_318, %dma_wait3A_319] : memref<1600000x16xf32, #tpu.memory_space<hbm>> -> memref<1600000x16xf32, #tpu.memory_space<hbm>>
    tpu.wait_indirect_dma semaphore(%arg8 : memref<!tpu.dma_semaphore, #tpu.memory_space<semaphore_mem>>) src(%dma_wait3A_320 : memref<1600000x16xf32, #tpu.memory_space<hbm>>) dst(%dma_wait3A_314 : memref<128x16xf32, #tpu.memory_space<vmem>>)
    %add3A_321 = arith.constant 640 : i32
    %add3A_322 = arith.addi %mul3A_2, %add3A_321 : i32
    %dma_start3A_323 = arith.constant 1 : i32
    %dma_start3A_324 = arith.constant 0 : i32
    %dma_start3A_325 = arith.constant 0 : i32
    %dma_start3A_326 = tpu.memref_slice %arg6[%dma_start3A_323, %dma_start3A_324, %dma_start3A_325] : memref<4x128x16xf32, #tpu.memory_space<vmem>> -> memref<1x128x16xf32, #tpu.memory_space<vmem>>
    %dma_start3A_327 = tpu.memref_squeeze %dma_start3A_326 : memref<1x128x16xf32, #tpu.memory_space<vmem>> -> memref<128x16xf32, #tpu.memory_space<vmem>>
    %dma_start3A_328 = arith.constant 0 : i32
    %dma_start3A_329 = tpu.memref_slice %arg4[%add3A_322, %dma_start3A_328] : memref<81920x16xf32, #tpu.memory_space<hbm>> -> memref<128x16xf32, #tpu.memory_space<hbm>>
    %dma_start3A_330 = arith.constant 0 : i32
    %dma_start3A_331 = tpu.memref_slice %arg4[%add3A_322, %dma_start3A_330] : memref<81920x16xf32, #tpu.memory_space<hbm>> -> memref<128x16xf32, #tpu.memory_space<hbm>>
    %dma_start3A_332 = arith.constant 0 : i32
    %dma_start3A_333 = arith.constant 0 : i32
    %dma_start3A_334 = tpu.memref_slice %arg6[%dma_start3A_323, %dma_start3A_332, %dma_start3A_333] : memref<4x128x16xf32, #tpu.memory_space<vmem>> -> memref<1x128x16xf32, #tpu.memory_space<vmem>>
    %dma_start3A_335 = tpu.memref_squeeze %dma_start3A_334 : memref<1x128x16xf32, #tpu.memory_space<vmem>> -> memref<128x16xf32, #tpu.memory_space<vmem>>
    tpu.enqueue_dma source(%dma_start3A_335 : memref<128x16xf32, #tpu.memory_space<vmem>>) target(%dma_start3A_331 : memref<128x16xf32, #tpu.memory_space<hbm>>) target_semaphore(%arg12 : memref<!tpu.dma_semaphore, #tpu.memory_space<semaphore_mem>>)
    %dma_wait3A_336 = arith.constant 1 : i32
    %dma_wait3A_337 = arith.constant 0 : i32
    %dma_wait3A_338 = arith.constant 0 : i32
    %dma_wait3A_339 = tpu.memref_slice %arg6[%dma_wait3A_336, %dma_wait3A_337, %dma_wait3A_338] : memref<4x128x16xf32, #tpu.memory_space<vmem>> -> memref<1x128x16xf32, #tpu.memory_space<vmem>>
    %dma_wait3A_340 = tpu.memref_squeeze %dma_wait3A_339 : memref<1x128x16xf32, #tpu.memory_space<vmem>> -> memref<128x16xf32, #tpu.memory_space<vmem>>
    %dma_wait3A_341 = arith.constant 0 : i32
    %dma_wait3A_342 = tpu.memref_slice %arg4[%add3A_322, %dma_wait3A_341] : memref<81920x16xf32, #tpu.memory_space<hbm>> -> memref<128x16xf32, #tpu.memory_space<hbm>>
    %dma_wait3A_343 = arith.constant 0 : i32
    %dma_wait3A_344 = tpu.memref_slice %arg4[%add3A_322, %dma_wait3A_343] : memref<81920x16xf32, #tpu.memory_space<hbm>> -> memref<128x16xf32, #tpu.memory_space<hbm>>
    %dma_wait3A_345 = arith.constant 0 : i32
    %dma_wait3A_346 = arith.constant 0 : i32
    %dma_wait3A_347 = tpu.memref_slice %arg6[%dma_wait3A_336, %dma_wait3A_345, %dma_wait3A_346] : memref<4x128x16xf32, #tpu.memory_space<vmem>> -> memref<1x128x16xf32, #tpu.memory_space<vmem>>
    %dma_wait3A_348 = tpu.memref_squeeze %dma_wait3A_347 : memref<1x128x16xf32, #tpu.memory_space<vmem>> -> memref<128x16xf32, #tpu.memory_space<vmem>>
    tpu.wait_dma2 semaphore(%arg12 : memref<!tpu.dma_semaphore, #tpu.memory_space<semaphore_mem>>) src(%dma_wait3A_348 : memref<128x16xf32, #tpu.memory_space<vmem>>) dst(%dma_wait3A_344 : memref<128x16xf32, #tpu.memory_space<hbm>>)
    %dma_start3A_349 = arith.constant 9 : i32
    %dma_start3A_350 = arith.constant 1 : i32
    %dma_start3A_351 = arith.constant 0 : i32
    %dma_start3A_352 = arith.constant 0 : i32
    %dma_start3A_353 = tpu.memref_slice %arg6[%dma_start3A_350, %dma_start3A_351, %dma_start3A_352] : memref<4x128x16xf32, #tpu.memory_space<vmem>> -> memref<1x128x16xf32, #tpu.memory_space<vmem>>
    %dma_start3A_354 = tpu.memref_squeeze %dma_start3A_353 : memref<1x128x16xf32, #tpu.memory_space<vmem>> -> memref<128x16xf32, #tpu.memory_space<vmem>>
    %dma_start3A_355 = arith.constant 0 : i32
    %dma_start3A_356 = tpu.memref_slice %arg5[%dma_start3A_349, %dma_start3A_355] : memref<20x128xi32, #tpu.memory_space<vmem>> -> memref<1x128xi32, #tpu.memory_space<vmem>>
    %dma_start3A_357 = tpu.memref_squeeze %dma_start3A_356 : memref<1x128xi32, #tpu.memory_space<vmem>> -> memref<128xi32, #tpu.memory_space<vmem>>
    %dma_start3A_358 = arith.constant 0 : i32
    %dma_start3A_359 = arith.constant 0 : i32
    %dma_start3A_360 = tpu.memref_slice %arg2[%dma_start3A_358, %dma_start3A_359] : memref<1600000x16xf32, #tpu.memory_space<hbm>> -> memref<1600000x16xf32, #tpu.memory_space<hbm>>
    tpu.enqueue_indirect_dma source(%dma_start3A_360 : memref<1600000x16xf32, #tpu.memory_space<hbm>>) target(%dma_start3A_354 : memref<128x16xf32, #tpu.memory_space<vmem>>) offsets(%dma_start3A_357 : memref<128xi32, #tpu.memory_space<vmem>>) semaphore(%arg8 : memref<!tpu.dma_semaphore, #tpu.memory_space<semaphore_mem>>)
    %dma_wait3A_361 = arith.constant 6 : i32
    %dma_wait3A_362 = arith.constant 2 : i32
    %dma_wait3A_363 = arith.constant 0 : i32
    %dma_wait3A_364 = arith.constant 0 : i32
    %dma_wait3A_365 = tpu.memref_slice %arg6[%dma_wait3A_362, %dma_wait3A_363, %dma_wait3A_364] : memref<4x128x16xf32, #tpu.memory_space<vmem>> -> memref<1x128x16xf32, #tpu.memory_space<vmem>>
    %dma_wait3A_366 = tpu.memref_squeeze %dma_wait3A_365 : memref<1x128x16xf32, #tpu.memory_space<vmem>> -> memref<128x16xf32, #tpu.memory_space<vmem>>
    %dma_wait3A_367 = arith.constant 0 : i32
    %dma_wait3A_368 = tpu.memref_slice %arg5[%dma_wait3A_361, %dma_wait3A_367] : memref<20x128xi32, #tpu.memory_space<vmem>> -> memref<1x128xi32, #tpu.memory_space<vmem>>
    %dma_wait3A_369 = tpu.memref_squeeze %dma_wait3A_368 : memref<1x128xi32, #tpu.memory_space<vmem>> -> memref<128xi32, #tpu.memory_space<vmem>>
    %dma_wait3A_370 = arith.constant 0 : i32
    %dma_wait3A_371 = arith.constant 0 : i32
    %dma_wait3A_372 = tpu.memref_slice %arg2[%dma_wait3A_370, %dma_wait3A_371] : memref<1600000x16xf32, #tpu.memory_space<hbm>> -> memref<1600000x16xf32, #tpu.memory_space<hbm>>
    tpu.wait_indirect_dma semaphore(%arg9 : memref<!tpu.dma_semaphore, #tpu.memory_space<semaphore_mem>>) src(%dma_wait3A_372 : memref<1600000x16xf32, #tpu.memory_space<hbm>>) dst(%dma_wait3A_366 : memref<128x16xf32, #tpu.memory_space<vmem>>)
    %add3A_373 = arith.constant 768 : i32
    %add3A_374 = arith.addi %mul3A_2, %add3A_373 : i32
    %dma_start3A_375 = arith.constant 2 : i32
    %dma_start3A_376 = arith.constant 0 : i32
    %dma_start3A_377 = arith.constant 0 : i32
    %dma_start3A_378 = tpu.memref_slice %arg6[%dma_start3A_375, %dma_start3A_376, %dma_start3A_377] : memref<4x128x16xf32, #tpu.memory_space<vmem>> -> memref<1x128x16xf32, #tpu.memory_space<vmem>>
    %dma_start3A_379 = tpu.memref_squeeze %dma_start3A_378 : memref<1x128x16xf32, #tpu.memory_space<vmem>> -> memref<128x16xf32, #tpu.memory_space<vmem>>
    %dma_start3A_380 = arith.constant 0 : i32
    %dma_start3A_381 = tpu.memref_slice %arg4[%add3A_374, %dma_start3A_380] : memref<81920x16xf32, #tpu.memory_space<hbm>> -> memref<128x16xf32, #tpu.memory_space<hbm>>
    %dma_start3A_382 = arith.constant 0 : i32
    %dma_start3A_383 = tpu.memref_slice %arg4[%add3A_374, %dma_start3A_382] : memref<81920x16xf32, #tpu.memory_space<hbm>> -> memref<128x16xf32, #tpu.memory_space<hbm>>
    %dma_start3A_384 = arith.constant 0 : i32
    %dma_start3A_385 = arith.constant 0 : i32
    %dma_start3A_386 = tpu.memref_slice %arg6[%dma_start3A_375, %dma_start3A_384, %dma_start3A_385] : memref<4x128x16xf32, #tpu.memory_space<vmem>> -> memref<1x128x16xf32, #tpu.memory_space<vmem>>
    %dma_start3A_387 = tpu.memref_squeeze %dma_start3A_386 : memref<1x128x16xf32, #tpu.memory_space<vmem>> -> memref<128x16xf32, #tpu.memory_space<vmem>>
    tpu.enqueue_dma source(%dma_start3A_387 : memref<128x16xf32, #tpu.memory_space<vmem>>) target(%dma_start3A_383 : memref<128x16xf32, #tpu.memory_space<hbm>>) target_semaphore(%arg13 : memref<!tpu.dma_semaphore, #tpu.memory_space<semaphore_mem>>)
    %dma_wait3A_388 = arith.constant 2 : i32
    %dma_wait3A_389 = arith.constant 0 : i32
    %dma_wait3A_390 = arith.constant 0 : i32
    %dma_wait3A_391 = tpu.memref_slice %arg6[%dma_wait3A_388, %dma_wait3A_389, %dma_wait3A_390] : memref<4x128x16xf32, #tpu.memory_space<vmem>> -> memref<1x128x16xf32, #tpu.memory_space<vmem>>
    %dma_wait3A_392 = tpu.memref_squeeze %dma_wait3A_391 : memref<1x128x16xf32, #tpu.memory_space<vmem>> -> memref<128x16xf32, #tpu.memory_space<vmem>>
    %dma_wait3A_393 = arith.constant 0 : i32
    %dma_wait3A_394 = tpu.memref_slice %arg4[%add3A_374, %dma_wait3A_393] : memref<81920x16xf32, #tpu.memory_space<hbm>> -> memref<128x16xf32, #tpu.memory_space<hbm>>
    %dma_wait3A_395 = arith.constant 0 : i32
    %dma_wait3A_396 = tpu.memref_slice %arg4[%add3A_374, %dma_wait3A_395] : memref<81920x16xf32, #tpu.memory_space<hbm>> -> memref<128x16xf32, #tpu.memory_space<hbm>>
    %dma_wait3A_397 = arith.constant 0 : i32
    %dma_wait3A_398 = arith.constant 0 : i32
    %dma_wait3A_399 = tpu.memref_slice %arg6[%dma_wait3A_388, %dma_wait3A_397, %dma_wait3A_398] : memref<4x128x16xf32, #tpu.memory_space<vmem>> -> memref<1x128x16xf32, #tpu.memory_space<vmem>>
    %dma_wait3A_400 = tpu.memref_squeeze %dma_wait3A_399 : memref<1x128x16xf32, #tpu.memory_space<vmem>> -> memref<128x16xf32, #tpu.memory_space<vmem>>
    tpu.wait_dma2 semaphore(%arg13 : memref<!tpu.dma_semaphore, #tpu.memory_space<semaphore_mem>>) src(%dma_wait3A_400 : memref<128x16xf32, #tpu.memory_space<vmem>>) dst(%dma_wait3A_396 : memref<128x16xf32, #tpu.memory_space<hbm>>)
    %dma_start3A_401 = arith.constant 10 : i32
    %dma_start3A_402 = arith.constant 2 : i32
    %dma_start3A_403 = arith.constant 0 : i32
    %dma_start3A_404 = arith.constant 0 : i32
    %dma_start3A_405 = tpu.memref_slice %arg6[%dma_start3A_402, %dma_start3A_403, %dma_start3A_404] : memref<4x128x16xf32, #tpu.memory_space<vmem>> -> memref<1x128x16xf32, #tpu.memory_space<vmem>>
    %dma_start3A_406 = tpu.memref_squeeze %dma_start3A_405 : memref<1x128x16xf32, #tpu.memory_space<vmem>> -> memref<128x16xf32, #tpu.memory_space<vmem>>
    %dma_start3A_407 = arith.constant 0 : i32
    %dma_start3A_408 = tpu.memref_slice %arg5[%dma_start3A_401, %dma_start3A_407] : memref<20x128xi32, #tpu.memory_space<vmem>> -> memref<1x128xi32, #tpu.memory_space<vmem>>
    %dma_start3A_409 = tpu.memref_squeeze %dma_start3A_408 : memref<1x128xi32, #tpu.memory_space<vmem>> -> memref<128xi32, #tpu.memory_space<vmem>>
    %dma_start3A_410 = arith.constant 0 : i32
    %dma_start3A_411 = arith.constant 0 : i32
    %dma_start3A_412 = tpu.memref_slice %arg2[%dma_start3A_410, %dma_start3A_411] : memref<1600000x16xf32, #tpu.memory_space<hbm>> -> memref<1600000x16xf32, #tpu.memory_space<hbm>>
    tpu.enqueue_indirect_dma source(%dma_start3A_412 : memref<1600000x16xf32, #tpu.memory_space<hbm>>) target(%dma_start3A_406 : memref<128x16xf32, #tpu.memory_space<vmem>>) offsets(%dma_start3A_409 : memref<128xi32, #tpu.memory_space<vmem>>) semaphore(%arg9 : memref<!tpu.dma_semaphore, #tpu.memory_space<semaphore_mem>>)
    %dma_wait3A_413 = arith.constant 7 : i32
    %dma_wait3A_414 = arith.constant 3 : i32
    %dma_wait3A_415 = arith.constant 0 : i32
    %dma_wait3A_416 = arith.constant 0 : i32
    %dma_wait3A_417 = tpu.memref_slice %arg6[%dma_wait3A_414, %dma_wait3A_415, %dma_wait3A_416] : memref<4x128x16xf32, #tpu.memory_space<vmem>> -> memref<1x128x16xf32, #tpu.memory_space<vmem>>
    %dma_wait3A_418 = tpu.memref_squeeze %dma_wait3A_417 : memref<1x128x16xf32, #tpu.memory_space<vmem>> -> memref<128x16xf32, #tpu.memory_space<vmem>>
    %dma_wait3A_419 = arith.constant 0 : i32
    %dma_wait3A_420 = tpu.memref_slice %arg5[%dma_wait3A_413, %dma_wait3A_419] : memref<20x128xi32, #tpu.memory_space<vmem>> -> memref<1x128xi32, #tpu.memory_space<vmem>>
    %dma_wait3A_421 = tpu.memref_squeeze %dma_wait3A_420 : memref<1x128xi32, #tpu.memory_space<vmem>> -> memref<128xi32, #tpu.memory_space<vmem>>
    %dma_wait3A_422 = arith.constant 0 : i32
    %dma_wait3A_423 = arith.constant 0 : i32
    %dma_wait3A_424 = tpu.memref_slice %arg2[%dma_wait3A_422, %dma_wait3A_423] : memref<1600000x16xf32, #tpu.memory_space<hbm>> -> memref<1600000x16xf32, #tpu.memory_space<hbm>>
    tpu.wait_indirect_dma semaphore(%arg10 : memref<!tpu.dma_semaphore, #tpu.memory_space<semaphore_mem>>) src(%dma_wait3A_424 : memref<1600000x16xf32, #tpu.memory_space<hbm>>) dst(%dma_wait3A_418 : memref<128x16xf32, #tpu.memory_space<vmem>>)
    %add3A_425 = arith.constant 896 : i32
    %add3A_426 = arith.addi %mul3A_2, %add3A_425 : i32
    %dma_start3A_427 = arith.constant 3 : i32
    %dma_start3A_428 = arith.constant 0 : i32
    %dma_start3A_429 = arith.constant 0 : i32
    %dma_start3A_430 = tpu.memref_slice %arg6[%dma_start3A_427, %dma_start3A_428, %dma_start3A_429] : memref<4x128x16xf32, #tpu.memory_space<vmem>> -> memref<1x128x16xf32, #tpu.memory_space<vmem>>
    %dma_start3A_431 = tpu.memref_squeeze %dma_start3A_430 : memref<1x128x16xf32, #tpu.memory_space<vmem>> -> memref<128x16xf32, #tpu.memory_space<vmem>>
    %dma_start3A_432 = arith.constant 0 : i32
    %dma_start3A_433 = tpu.memref_slice %arg4[%add3A_426, %dma_start3A_432] : memref<81920x16xf32, #tpu.memory_space<hbm>> -> memref<128x16xf32, #tpu.memory_space<hbm>>
    %dma_start3A_434 = arith.constant 0 : i32
    %dma_start3A_435 = tpu.memref_slice %arg4[%add3A_426, %dma_start3A_434] : memref<81920x16xf32, #tpu.memory_space<hbm>> -> memref<128x16xf32, #tpu.memory_space<hbm>>
    %dma_start3A_436 = arith.constant 0 : i32
    %dma_start3A_437 = arith.constant 0 : i32
    %dma_start3A_438 = tpu.memref_slice %arg6[%dma_start3A_427, %dma_start3A_436, %dma_start3A_437] : memref<4x128x16xf32, #tpu.memory_space<vmem>> -> memref<1x128x16xf32, #tpu.memory_space<vmem>>
    %dma_start3A_439 = tpu.memref_squeeze %dma_start3A_438 : memref<1x128x16xf32, #tpu.memory_space<vmem>> -> memref<128x16xf32, #tpu.memory_space<vmem>>
    tpu.enqueue_dma source(%dma_start3A_439 : memref<128x16xf32, #tpu.memory_space<vmem>>) target(%dma_start3A_435 : memref<128x16xf32, #tpu.memory_space<hbm>>) target_semaphore(%arg14 : memref<!tpu.dma_semaphore, #tpu.memory_space<semaphore_mem>>)
    %dma_wait3A_440 = arith.constant 3 : i32
    %dma_wait3A_441 = arith.constant 0 : i32
    %dma_wait3A_442 = arith.constant 0 : i32
    %dma_wait3A_443 = tpu.memref_slice %arg6[%dma_wait3A_440, %dma_wait3A_441, %dma_wait3A_442] : memref<4x128x16xf32, #tpu.memory_space<vmem>> -> memref<1x128x16xf32, #tpu.memory_space<vmem>>
    %dma_wait3A_444 = tpu.memref_squeeze %dma_wait3A_443 : memref<1x128x16xf32, #tpu.memory_space<vmem>> -> memref<128x16xf32, #tpu.memory_space<vmem>>
    %dma_wait3A_445 = arith.constant 0 : i32
    %dma_wait3A_446 = tpu.memref_slice %arg4[%add3A_426, %dma_wait3A_445] : memref<81920x16xf32, #tpu.memory_space<hbm>> -> memref<128x16xf32, #tpu.memory_space<hbm>>
    %dma_wait3A_447 = arith.constant 0 : i32
    %dma_wait3A_448 = tpu.memref_slice %arg4[%add3A_426, %dma_wait3A_447] : memref<81920x16xf32, #tpu.memory_space<hbm>> -> memref<128x16xf32, #tpu.memory_space<hbm>>
    %dma_wait3A_449 = arith.constant 0 : i32
    %dma_wait3A_450 = arith.constant 0 : i32
    %dma_wait3A_451 = tpu.memref_slice %arg6[%dma_wait3A_440, %dma_wait3A_449, %dma_wait3A_450] : memref<4x128x16xf32, #tpu.memory_space<vmem>> -> memref<1x128x16xf32, #tpu.memory_space<vmem>>
    %dma_wait3A_452 = tpu.memref_squeeze %dma_wait3A_451 : memref<1x128x16xf32, #tpu.memory_space<vmem>> -> memref<128x16xf32, #tpu.memory_space<vmem>>
    tpu.wait_dma2 semaphore(%arg14 : memref<!tpu.dma_semaphore, #tpu.memory_space<semaphore_mem>>) src(%dma_wait3A_452 : memref<128x16xf32, #tpu.memory_space<vmem>>) dst(%dma_wait3A_448 : memref<128x16xf32, #tpu.memory_space<hbm>>)
    %dma_start3A_453 = arith.constant 11 : i32
    %dma_start3A_454 = arith.constant 3 : i32
    %dma_start3A_455 = arith.constant 0 : i32
    %dma_start3A_456 = arith.constant 0 : i32
    %dma_start3A_457 = tpu.memref_slice %arg6[%dma_start3A_454, %dma_start3A_455, %dma_start3A_456] : memref<4x128x16xf32, #tpu.memory_space<vmem>> -> memref<1x128x16xf32, #tpu.memory_space<vmem>>
    %dma_start3A_458 = tpu.memref_squeeze %dma_start3A_457 : memref<1x128x16xf32, #tpu.memory_space<vmem>> -> memref<128x16xf32, #tpu.memory_space<vmem>>
    %dma_start3A_459 = arith.constant 0 : i32
    %dma_start3A_460 = tpu.memref_slice %arg5[%dma_start3A_453, %dma_start3A_459] : memref<20x128xi32, #tpu.memory_space<vmem>> -> memref<1x128xi32, #tpu.memory_space<vmem>>
    %dma_start3A_461 = tpu.memref_squeeze %dma_start3A_460 : memref<1x128xi32, #tpu.memory_space<vmem>> -> memref<128xi32, #tpu.memory_space<vmem>>
    %dma_start3A_462 = arith.constant 0 : i32
    %dma_start3A_463 = arith.constant 0 : i32
    %dma_start3A_464 = tpu.memref_slice %arg2[%dma_start3A_462, %dma_start3A_463] : memref<1600000x16xf32, #tpu.memory_space<hbm>> -> memref<1600000x16xf32, #tpu.memory_space<hbm>>
    tpu.enqueue_indirect_dma source(%dma_start3A_464 : memref<1600000x16xf32, #tpu.memory_space<hbm>>) target(%dma_start3A_458 : memref<128x16xf32, #tpu.memory_space<vmem>>) offsets(%dma_start3A_461 : memref<128xi32, #tpu.memory_space<vmem>>) semaphore(%arg10 : memref<!tpu.dma_semaphore, #tpu.memory_space<semaphore_mem>>)
    %dma_wait3A_465 = arith.constant 8 : i32
    %dma_wait3A_466 = arith.constant 0 : i32
    %dma_wait3A_467 = arith.constant 0 : i32
    %dma_wait3A_468 = arith.constant 0 : i32
    %dma_wait3A_469 = tpu.memref_slice %arg6[%dma_wait3A_466, %dma_wait3A_467, %dma_wait3A_468] : memref<4x128x16xf32, #tpu.memory_space<vmem>> -> memref<1x128x16xf32, #tpu.memory_space<vmem>>
    %dma_wait3A_470 = tpu.memref_squeeze %dma_wait3A_469 : memref<1x128x16xf32, #tpu.memory_space<vmem>> -> memref<128x16xf32, #tpu.memory_space<vmem>>
    %dma_wait3A_471 = arith.constant 0 : i32
    %dma_wait3A_472 = tpu.memref_slice %arg5[%dma_wait3A_465, %dma_wait3A_471] : memref<20x128xi32, #tpu.memory_space<vmem>> -> memref<1x128xi32, #tpu.memory_space<vmem>>
    %dma_wait3A_473 = tpu.memref_squeeze %dma_wait3A_472 : memref<1x128xi32, #tpu.memory_space<vmem>> -> memref<128xi32, #tpu.memory_space<vmem>>
    %dma_wait3A_474 = arith.constant 0 : i32
    %dma_wait3A_475 = arith.constant 0 : i32
    %dma_wait3A_476 = tpu.memref_slice %arg2[%dma_wait3A_474, %dma_wait3A_475] : memref<1600000x16xf32, #tpu.memory_space<hbm>> -> memref<1600000x16xf32, #tpu.memory_space<hbm>>
    tpu.wait_indirect_dma semaphore(%arg7 : memref<!tpu.dma_semaphore, #tpu.memory_space<semaphore_mem>>) src(%dma_wait3A_476 : memref<1600000x16xf32, #tpu.memory_space<hbm>>) dst(%dma_wait3A_470 : memref<128x16xf32, #tpu.memory_space<vmem>>)
    %add3A_477 = arith.constant 1024 : i32
    %add3A_478 = arith.addi %mul3A_2, %add3A_477 : i32
    %dma_start3A_479 = arith.constant 0 : i32
    %dma_start3A_480 = arith.constant 0 : i32
    %dma_start3A_481 = arith.constant 0 : i32
    %dma_start3A_482 = tpu.memref_slice %arg6[%dma_start3A_479, %dma_start3A_480, %dma_start3A_481] : memref<4x128x16xf32, #tpu.memory_space<vmem>> -> memref<1x128x16xf32, #tpu.memory_space<vmem>>
    %dma_start3A_483 = tpu.memref_squeeze %dma_start3A_482 : memref<1x128x16xf32, #tpu.memory_space<vmem>> -> memref<128x16xf32, #tpu.memory_space<vmem>>
    %dma_start3A_484 = arith.constant 0 : i32
    %dma_start3A_485 = tpu.memref_slice %arg4[%add3A_478, %dma_start3A_484] : memref<81920x16xf32, #tpu.memory_space<hbm>> -> memref<128x16xf32, #tpu.memory_space<hbm>>
    %dma_start3A_486 = arith.constant 0 : i32
    %dma_start3A_487 = tpu.memref_slice %arg4[%add3A_478, %dma_start3A_486] : memref<81920x16xf32, #tpu.memory_space<hbm>> -> memref<128x16xf32, #tpu.memory_space<hbm>>
    %dma_start3A_488 = arith.constant 0 : i32
    %dma_start3A_489 = arith.constant 0 : i32
    %dma_start3A_490 = tpu.memref_slice %arg6[%dma_start3A_479, %dma_start3A_488, %dma_start3A_489] : memref<4x128x16xf32, #tpu.memory_space<vmem>> -> memref<1x128x16xf32, #tpu.memory_space<vmem>>
    %dma_start3A_491 = tpu.memref_squeeze %dma_start3A_490 : memref<1x128x16xf32, #tpu.memory_space<vmem>> -> memref<128x16xf32, #tpu.memory_space<vmem>>
    tpu.enqueue_dma source(%dma_start3A_491 : memref<128x16xf32, #tpu.memory_space<vmem>>) target(%dma_start3A_487 : memref<128x16xf32, #tpu.memory_space<hbm>>) target_semaphore(%arg11 : memref<!tpu.dma_semaphore, #tpu.memory_space<semaphore_mem>>)
    %dma_wait3A_492 = arith.constant 0 : i32
    %dma_wait3A_493 = arith.constant 0 : i32
    %dma_wait3A_494 = arith.constant 0 : i32
    %dma_wait3A_495 = tpu.memref_slice %arg6[%dma_wait3A_492, %dma_wait3A_493, %dma_wait3A_494] : memref<4x128x16xf32, #tpu.memory_space<vmem>> -> memref<1x128x16xf32, #tpu.memory_space<vmem>>
    %dma_wait3A_496 = tpu.memref_squeeze %dma_wait3A_495 : memref<1x128x16xf32, #tpu.memory_space<vmem>> -> memref<128x16xf32, #tpu.memory_space<vmem>>
    %dma_wait3A_497 = arith.constant 0 : i32
    %dma_wait3A_498 = tpu.memref_slice %arg4[%add3A_478, %dma_wait3A_497] : memref<81920x16xf32, #tpu.memory_space<hbm>> -> memref<128x16xf32, #tpu.memory_space<hbm>>
    %dma_wait3A_499 = arith.constant 0 : i32
    %dma_wait3A_500 = tpu.memref_slice %arg4[%add3A_478, %dma_wait3A_499] : memref<81920x16xf32, #tpu.memory_space<hbm>> -> memref<128x16xf32, #tpu.memory_space<hbm>>
    %dma_wait3A_501 = arith.constant 0 : i32
    %dma_wait3A_502 = arith.constant 0 : i32
    %dma_wait3A_503 = tpu.memref_slice %arg6[%dma_wait3A_492, %dma_wait3A_501, %dma_wait3A_502] : memref<4x128x16xf32, #tpu.memory_space<vmem>> -> memref<1x128x16xf32, #tpu.memory_space<vmem>>
    %dma_wait3A_504 = tpu.memref_squeeze %dma_wait3A_503 : memref<1x128x16xf32, #tpu.memory_space<vmem>> -> memref<128x16xf32, #tpu.memory_space<vmem>>
    tpu.wait_dma2 semaphore(%arg11 : memref<!tpu.dma_semaphore, #tpu.memory_space<semaphore_mem>>) src(%dma_wait3A_504 : memref<128x16xf32, #tpu.memory_space<vmem>>) dst(%dma_wait3A_500 : memref<128x16xf32, #tpu.memory_space<hbm>>)
    %dma_start3A_505 = arith.constant 12 : i32
    %dma_start3A_506 = arith.constant 0 : i32
    %dma_start3A_507 = arith.constant 0 : i32
    %dma_start3A_508 = arith.constant 0 : i32
    %dma_start3A_509 = tpu.memref_slice %arg6[%dma_start3A_506, %dma_start3A_507, %dma_start3A_508] : memref<4x128x16xf32, #tpu.memory_space<vmem>> -> memref<1x128x16xf32, #tpu.memory_space<vmem>>
    %dma_start3A_510 = tpu.memref_squeeze %dma_start3A_509 : memref<1x128x16xf32, #tpu.memory_space<vmem>> -> memref<128x16xf32, #tpu.memory_space<vmem>>
    %dma_start3A_511 = arith.constant 0 : i32
    %dma_start3A_512 = tpu.memref_slice %arg5[%dma_start3A_505, %dma_start3A_511] : memref<20x128xi32, #tpu.memory_space<vmem>> -> memref<1x128xi32, #tpu.memory_space<vmem>>
    %dma_start3A_513 = tpu.memref_squeeze %dma_start3A_512 : memref<1x128xi32, #tpu.memory_space<vmem>> -> memref<128xi32, #tpu.memory_space<vmem>>
    %dma_start3A_514 = arith.constant 0 : i32
    %dma_start3A_515 = arith.constant 0 : i32
    %dma_start3A_516 = tpu.memref_slice %arg2[%dma_start3A_514, %dma_start3A_515] : memref<1600000x16xf32, #tpu.memory_space<hbm>> -> memref<1600000x16xf32, #tpu.memory_space<hbm>>
    tpu.enqueue_indirect_dma source(%dma_start3A_516 : memref<1600000x16xf32, #tpu.memory_space<hbm>>) target(%dma_start3A_510 : memref<128x16xf32, #tpu.memory_space<vmem>>) offsets(%dma_start3A_513 : memref<128xi32, #tpu.memory_space<vmem>>) semaphore(%arg7 : memref<!tpu.dma_semaphore, #tpu.memory_space<semaphore_mem>>)
    %dma_wait3A_517 = arith.constant 9 : i32
    %dma_wait3A_518 = arith.constant 1 : i32
    %dma_wait3A_519 = arith.constant 0 : i32
    %dma_wait3A_520 = arith.constant 0 : i32
    %dma_wait3A_521 = tpu.memref_slice %arg6[%dma_wait3A_518, %dma_wait3A_519, %dma_wait3A_520] : memref<4x128x16xf32, #tpu.memory_space<vmem>> -> memref<1x128x16xf32, #tpu.memory_space<vmem>>
    %dma_wait3A_522 = tpu.memref_squeeze %dma_wait3A_521 : memref<1x128x16xf32, #tpu.memory_space<vmem>> -> memref<128x16xf32, #tpu.memory_space<vmem>>
    %dma_wait3A_523 = arith.constant 0 : i32
    %dma_wait3A_524 = tpu.memref_slice %arg5[%dma_wait3A_517, %dma_wait3A_523] : memref<20x128xi32, #tpu.memory_space<vmem>> -> memref<1x128xi32, #tpu.memory_space<vmem>>
    %dma_wait3A_525 = tpu.memref_squeeze %dma_wait3A_524 : memref<1x128xi32, #tpu.memory_space<vmem>> -> memref<128xi32, #tpu.memory_space<vmem>>
    %dma_wait3A_526 = arith.constant 0 : i32
    %dma_wait3A_527 = arith.constant 0 : i32
    %dma_wait3A_528 = tpu.memref_slice %arg2[%dma_wait3A_526, %dma_wait3A_527] : memref<1600000x16xf32, #tpu.memory_space<hbm>> -> memref<1600000x16xf32, #tpu.memory_space<hbm>>
    tpu.wait_indirect_dma semaphore(%arg8 : memref<!tpu.dma_semaphore, #tpu.memory_space<semaphore_mem>>) src(%dma_wait3A_528 : memref<1600000x16xf32, #tpu.memory_space<hbm>>) dst(%dma_wait3A_522 : memref<128x16xf32, #tpu.memory_space<vmem>>)
    %add3A_529 = arith.constant 1152 : i32
    %add3A_530 = arith.addi %mul3A_2, %add3A_529 : i32
    %dma_start3A_531 = arith.constant 1 : i32
    %dma_start3A_532 = arith.constant 0 : i32
    %dma_start3A_533 = arith.constant 0 : i32
    %dma_start3A_534 = tpu.memref_slice %arg6[%dma_start3A_531, %dma_start3A_532, %dma_start3A_533] : memref<4x128x16xf32, #tpu.memory_space<vmem>> -> memref<1x128x16xf32, #tpu.memory_space<vmem>>
    %dma_start3A_535 = tpu.memref_squeeze %dma_start3A_534 : memref<1x128x16xf32, #tpu.memory_space<vmem>> -> memref<128x16xf32, #tpu.memory_space<vmem>>
    %dma_start3A_536 = arith.constant 0 : i32
    %dma_start3A_537 = tpu.memref_slice %arg4[%add3A_530, %dma_start3A_536] : memref<81920x16xf32, #tpu.memory_space<hbm>> -> memref<128x16xf32, #tpu.memory_space<hbm>>
    %dma_start3A_538 = arith.constant 0 : i32
    %dma_start3A_539 = tpu.memref_slice %arg4[%add3A_530, %dma_start3A_538] : memref<81920x16xf32, #tpu.memory_space<hbm>> -> memref<128x16xf32, #tpu.memory_space<hbm>>
    %dma_start3A_540 = arith.constant 0 : i32
    %dma_start3A_541 = arith.constant 0 : i32
    %dma_start3A_542 = tpu.memref_slice %arg6[%dma_start3A_531, %dma_start3A_540, %dma_start3A_541] : memref<4x128x16xf32, #tpu.memory_space<vmem>> -> memref<1x128x16xf32, #tpu.memory_space<vmem>>
    %dma_start3A_543 = tpu.memref_squeeze %dma_start3A_542 : memref<1x128x16xf32, #tpu.memory_space<vmem>> -> memref<128x16xf32, #tpu.memory_space<vmem>>
    tpu.enqueue_dma source(%dma_start3A_543 : memref<128x16xf32, #tpu.memory_space<vmem>>) target(%dma_start3A_539 : memref<128x16xf32, #tpu.memory_space<hbm>>) target_semaphore(%arg12 : memref<!tpu.dma_semaphore, #tpu.memory_space<semaphore_mem>>)
    %dma_wait3A_544 = arith.constant 1 : i32
    %dma_wait3A_545 = arith.constant 0 : i32
    %dma_wait3A_546 = arith.constant 0 : i32
    %dma_wait3A_547 = tpu.memref_slice %arg6[%dma_wait3A_544, %dma_wait3A_545, %dma_wait3A_546] : memref<4x128x16xf32, #tpu.memory_space<vmem>> -> memref<1x128x16xf32, #tpu.memory_space<vmem>>
    %dma_wait3A_548 = tpu.memref_squeeze %dma_wait3A_547 : memref<1x128x16xf32, #tpu.memory_space<vmem>> -> memref<128x16xf32, #tpu.memory_space<vmem>>
    %dma_wait3A_549 = arith.constant 0 : i32
    %dma_wait3A_550 = tpu.memref_slice %arg4[%add3A_530, %dma_wait3A_549] : memref<81920x16xf32, #tpu.memory_space<hbm>> -> memref<128x16xf32, #tpu.memory_space<hbm>>
    %dma_wait3A_551 = arith.constant 0 : i32
    %dma_wait3A_552 = tpu.memref_slice %arg4[%add3A_530, %dma_wait3A_551] : memref<81920x16xf32, #tpu.memory_space<hbm>> -> memref<128x16xf32, #tpu.memory_space<hbm>>
    %dma_wait3A_553 = arith.constant 0 : i32
    %dma_wait3A_554 = arith.constant 0 : i32
    %dma_wait3A_555 = tpu.memref_slice %arg6[%dma_wait3A_544, %dma_wait3A_553, %dma_wait3A_554] : memref<4x128x16xf32, #tpu.memory_space<vmem>> -> memref<1x128x16xf32, #tpu.memory_space<vmem>>
    %dma_wait3A_556 = tpu.memref_squeeze %dma_wait3A_555 : memref<1x128x16xf32, #tpu.memory_space<vmem>> -> memref<128x16xf32, #tpu.memory_space<vmem>>
    tpu.wait_dma2 semaphore(%arg12 : memref<!tpu.dma_semaphore, #tpu.memory_space<semaphore_mem>>) src(%dma_wait3A_556 : memref<128x16xf32, #tpu.memory_space<vmem>>) dst(%dma_wait3A_552 : memref<128x16xf32, #tpu.memory_space<hbm>>)
    %dma_start3A_557 = arith.constant 13 : i32
    %dma_start3A_558 = arith.constant 1 : i32
    %dma_start3A_559 = arith.constant 0 : i32
    %dma_start3A_560 = arith.constant 0 : i32
    %dma_start3A_561 = tpu.memref_slice %arg6[%dma_start3A_558, %dma_start3A_559, %dma_start3A_560] : memref<4x128x16xf32, #tpu.memory_space<vmem>> -> memref<1x128x16xf32, #tpu.memory_space<vmem>>
    %dma_start3A_562 = tpu.memref_squeeze %dma_start3A_561 : memref<1x128x16xf32, #tpu.memory_space<vmem>> -> memref<128x16xf32, #tpu.memory_space<vmem>>
    %dma_start3A_563 = arith.constant 0 : i32
    %dma_start3A_564 = tpu.memref_slice %arg5[%dma_start3A_557, %dma_start3A_563] : memref<20x128xi32, #tpu.memory_space<vmem>> -> memref<1x128xi32, #tpu.memory_space<vmem>>
    %dma_start3A_565 = tpu.memref_squeeze %dma_start3A_564 : memref<1x128xi32, #tpu.memory_space<vmem>> -> memref<128xi32, #tpu.memory_space<vmem>>
    %dma_start3A_566 = arith.constant 0 : i32
    %dma_start3A_567 = arith.constant 0 : i32
    %dma_start3A_568 = tpu.memref_slice %arg2[%dma_start3A_566, %dma_start3A_567] : memref<1600000x16xf32, #tpu.memory_space<hbm>> -> memref<1600000x16xf32, #tpu.memory_space<hbm>>
    tpu.enqueue_indirect_dma source(%dma_start3A_568 : memref<1600000x16xf32, #tpu.memory_space<hbm>>) target(%dma_start3A_562 : memref<128x16xf32, #tpu.memory_space<vmem>>) offsets(%dma_start3A_565 : memref<128xi32, #tpu.memory_space<vmem>>) semaphore(%arg8 : memref<!tpu.dma_semaphore, #tpu.memory_space<semaphore_mem>>)
    %dma_wait3A_569 = arith.constant 10 : i32
    %dma_wait3A_570 = arith.constant 2 : i32
    %dma_wait3A_571 = arith.constant 0 : i32
    %dma_wait3A_572 = arith.constant 0 : i32
    %dma_wait3A_573 = tpu.memref_slice %arg6[%dma_wait3A_570, %dma_wait3A_571, %dma_wait3A_572] : memref<4x128x16xf32, #tpu.memory_space<vmem>> -> memref<1x128x16xf32, #tpu.memory_space<vmem>>
    %dma_wait3A_574 = tpu.memref_squeeze %dma_wait3A_573 : memref<1x128x16xf32, #tpu.memory_space<vmem>> -> memref<128x16xf32, #tpu.memory_space<vmem>>
    %dma_wait3A_575 = arith.constant 0 : i32
    %dma_wait3A_576 = tpu.memref_slice %arg5[%dma_wait3A_569, %dma_wait3A_575] : memref<20x128xi32, #tpu.memory_space<vmem>> -> memref<1x128xi32, #tpu.memory_space<vmem>>
    %dma_wait3A_577 = tpu.memref_squeeze %dma_wait3A_576 : memref<1x128xi32, #tpu.memory_space<vmem>> -> memref<128xi32, #tpu.memory_space<vmem>>
    %dma_wait3A_578 = arith.constant 0 : i32
    %dma_wait3A_579 = arith.constant 0 : i32
    %dma_wait3A_580 = tpu.memref_slice %arg2[%dma_wait3A_578, %dma_wait3A_579] : memref<1600000x16xf32, #tpu.memory_space<hbm>> -> memref<1600000x16xf32, #tpu.memory_space<hbm>>
    tpu.wait_indirect_dma semaphore(%arg9 : memref<!tpu.dma_semaphore, #tpu.memory_space<semaphore_mem>>) src(%dma_wait3A_580 : memref<1600000x16xf32, #tpu.memory_space<hbm>>) dst(%dma_wait3A_574 : memref<128x16xf32, #tpu.memory_space<vmem>>)
    %add3A_581 = arith.constant 1280 : i32
    %add3A_582 = arith.addi %mul3A_2, %add3A_581 : i32
    %dma_start3A_583 = arith.constant 2 : i32
    %dma_start3A_584 = arith.constant 0 : i32
    %dma_start3A_585 = arith.constant 0 : i32
    %dma_start3A_586 = tpu.memref_slice %arg6[%dma_start3A_583, %dma_start3A_584, %dma_start3A_585] : memref<4x128x16xf32, #tpu.memory_space<vmem>> -> memref<1x128x16xf32, #tpu.memory_space<vmem>>
    %dma_start3A_587 = tpu.memref_squeeze %dma_start3A_586 : memref<1x128x16xf32, #tpu.memory_space<vmem>> -> memref<128x16xf32, #tpu.memory_space<vmem>>
    %dma_start3A_588 = arith.constant 0 : i32
    %dma_start3A_589 = tpu.memref_slice %arg4[%add3A_582, %dma_start3A_588] : memref<81920x16xf32, #tpu.memory_space<hbm>> -> memref<128x16xf32, #tpu.memory_space<hbm>>
    %dma_start3A_590 = arith.constant 0 : i32
    %dma_start3A_591 = tpu.memref_slice %arg4[%add3A_582, %dma_start3A_590] : memref<81920x16xf32, #tpu.memory_space<hbm>> -> memref<128x16xf32, #tpu.memory_space<hbm>>
    %dma_start3A_592 = arith.constant 0 : i32
    %dma_start3A_593 = arith.constant 0 : i32
    %dma_start3A_594 = tpu.memref_slice %arg6[%dma_start3A_583, %dma_start3A_592, %dma_start3A_593] : memref<4x128x16xf32, #tpu.memory_space<vmem>> -> memref<1x128x16xf32, #tpu.memory_space<vmem>>
    %dma_start3A_595 = tpu.memref_squeeze %dma_start3A_594 : memref<1x128x16xf32, #tpu.memory_space<vmem>> -> memref<128x16xf32, #tpu.memory_space<vmem>>
    tpu.enqueue_dma source(%dma_start3A_595 : memref<128x16xf32, #tpu.memory_space<vmem>>) target(%dma_start3A_591 : memref<128x16xf32, #tpu.memory_space<hbm>>) target_semaphore(%arg13 : memref<!tpu.dma_semaphore, #tpu.memory_space<semaphore_mem>>)
    %dma_wait3A_596 = arith.constant 2 : i32
    %dma_wait3A_597 = arith.constant 0 : i32
    %dma_wait3A_598 = arith.constant 0 : i32
    %dma_wait3A_599 = tpu.memref_slice %arg6[%dma_wait3A_596, %dma_wait3A_597, %dma_wait3A_598] : memref<4x128x16xf32, #tpu.memory_space<vmem>> -> memref<1x128x16xf32, #tpu.memory_space<vmem>>
    %dma_wait3A_600 = tpu.memref_squeeze %dma_wait3A_599 : memref<1x128x16xf32, #tpu.memory_space<vmem>> -> memref<128x16xf32, #tpu.memory_space<vmem>>
    %dma_wait3A_601 = arith.constant 0 : i32
    %dma_wait3A_602 = tpu.memref_slice %arg4[%add3A_582, %dma_wait3A_601] : memref<81920x16xf32, #tpu.memory_space<hbm>> -> memref<128x16xf32, #tpu.memory_space<hbm>>
    %dma_wait3A_603 = arith.constant 0 : i32
    %dma_wait3A_604 = tpu.memref_slice %arg4[%add3A_582, %dma_wait3A_603] : memref<81920x16xf32, #tpu.memory_space<hbm>> -> memref<128x16xf32, #tpu.memory_space<hbm>>
    %dma_wait3A_605 = arith.constant 0 : i32
    %dma_wait3A_606 = arith.constant 0 : i32
    %dma_wait3A_607 = tpu.memref_slice %arg6[%dma_wait3A_596, %dma_wait3A_605, %dma_wait3A_606] : memref<4x128x16xf32, #tpu.memory_space<vmem>> -> memref<1x128x16xf32, #tpu.memory_space<vmem>>
    %dma_wait3A_608 = tpu.memref_squeeze %dma_wait3A_607 : memref<1x128x16xf32, #tpu.memory_space<vmem>> -> memref<128x16xf32, #tpu.memory_space<vmem>>
    tpu.wait_dma2 semaphore(%arg13 : memref<!tpu.dma_semaphore, #tpu.memory_space<semaphore_mem>>) src(%dma_wait3A_608 : memref<128x16xf32, #tpu.memory_space<vmem>>) dst(%dma_wait3A_604 : memref<128x16xf32, #tpu.memory_space<hbm>>)
    %dma_start3A_609 = arith.constant 14 : i32
    %dma_start3A_610 = arith.constant 2 : i32
    %dma_start3A_611 = arith.constant 0 : i32
    %dma_start3A_612 = arith.constant 0 : i32
    %dma_start3A_613 = tpu.memref_slice %arg6[%dma_start3A_610, %dma_start3A_611, %dma_start3A_612] : memref<4x128x16xf32, #tpu.memory_space<vmem>> -> memref<1x128x16xf32, #tpu.memory_space<vmem>>
    %dma_start3A_614 = tpu.memref_squeeze %dma_start3A_613 : memref<1x128x16xf32, #tpu.memory_space<vmem>> -> memref<128x16xf32, #tpu.memory_space<vmem>>
    %dma_start3A_615 = arith.constant 0 : i32
    %dma_start3A_616 = tpu.memref_slice %arg5[%dma_start3A_609, %dma_start3A_615] : memref<20x128xi32, #tpu.memory_space<vmem>> -> memref<1x128xi32, #tpu.memory_space<vmem>>
    %dma_start3A_617 = tpu.memref_squeeze %dma_start3A_616 : memref<1x128xi32, #tpu.memory_space<vmem>> -> memref<128xi32, #tpu.memory_space<vmem>>
    %dma_start3A_618 = arith.constant 0 : i32
    %dma_start3A_619 = arith.constant 0 : i32
    %dma_start3A_620 = tpu.memref_slice %arg2[%dma_start3A_618, %dma_start3A_619] : memref<1600000x16xf32, #tpu.memory_space<hbm>> -> memref<1600000x16xf32, #tpu.memory_space<hbm>>
    tpu.enqueue_indirect_dma source(%dma_start3A_620 : memref<1600000x16xf32, #tpu.memory_space<hbm>>) target(%dma_start3A_614 : memref<128x16xf32, #tpu.memory_space<vmem>>) offsets(%dma_start3A_617 : memref<128xi32, #tpu.memory_space<vmem>>) semaphore(%arg9 : memref<!tpu.dma_semaphore, #tpu.memory_space<semaphore_mem>>)
    %dma_wait3A_621 = arith.constant 11 : i32
    %dma_wait3A_622 = arith.constant 3 : i32
    %dma_wait3A_623 = arith.constant 0 : i32
    %dma_wait3A_624 = arith.constant 0 : i32
    %dma_wait3A_625 = tpu.memref_slice %arg6[%dma_wait3A_622, %dma_wait3A_623, %dma_wait3A_624] : memref<4x128x16xf32, #tpu.memory_space<vmem>> -> memref<1x128x16xf32, #tpu.memory_space<vmem>>
    %dma_wait3A_626 = tpu.memref_squeeze %dma_wait3A_625 : memref<1x128x16xf32, #tpu.memory_space<vmem>> -> memref<128x16xf32, #tpu.memory_space<vmem>>
    %dma_wait3A_627 = arith.constant 0 : i32
    %dma_wait3A_628 = tpu.memref_slice %arg5[%dma_wait3A_621, %dma_wait3A_627] : memref<20x128xi32, #tpu.memory_space<vmem>> -> memref<1x128xi32, #tpu.memory_space<vmem>>
    %dma_wait3A_629 = tpu.memref_squeeze %dma_wait3A_628 : memref<1x128xi32, #tpu.memory_space<vmem>> -> memref<128xi32, #tpu.memory_space<vmem>>
    %dma_wait3A_630 = arith.constant 0 : i32
    %dma_wait3A_631 = arith.constant 0 : i32
    %dma_wait3A_632 = tpu.memref_slice %arg2[%dma_wait3A_630, %dma_wait3A_631] : memref<1600000x16xf32, #tpu.memory_space<hbm>> -> memref<1600000x16xf32, #tpu.memory_space<hbm>>
    tpu.wait_indirect_dma semaphore(%arg10 : memref<!tpu.dma_semaphore, #tpu.memory_space<semaphore_mem>>) src(%dma_wait3A_632 : memref<1600000x16xf32, #tpu.memory_space<hbm>>) dst(%dma_wait3A_626 : memref<128x16xf32, #tpu.memory_space<vmem>>)
    %add3A_633 = arith.constant 1408 : i32
    %add3A_634 = arith.addi %mul3A_2, %add3A_633 : i32
    %dma_start3A_635 = arith.constant 3 : i32
    %dma_start3A_636 = arith.constant 0 : i32
    %dma_start3A_637 = arith.constant 0 : i32
    %dma_start3A_638 = tpu.memref_slice %arg6[%dma_start3A_635, %dma_start3A_636, %dma_start3A_637] : memref<4x128x16xf32, #tpu.memory_space<vmem>> -> memref<1x128x16xf32, #tpu.memory_space<vmem>>
    %dma_start3A_639 = tpu.memref_squeeze %dma_start3A_638 : memref<1x128x16xf32, #tpu.memory_space<vmem>> -> memref<128x16xf32, #tpu.memory_space<vmem>>
    %dma_start3A_640 = arith.constant 0 : i32
    %dma_start3A_641 = tpu.memref_slice %arg4[%add3A_634, %dma_start3A_640] : memref<81920x16xf32, #tpu.memory_space<hbm>> -> memref<128x16xf32, #tpu.memory_space<hbm>>
    %dma_start3A_642 = arith.constant 0 : i32
    %dma_start3A_643 = tpu.memref_slice %arg4[%add3A_634, %dma_start3A_642] : memref<81920x16xf32, #tpu.memory_space<hbm>> -> memref<128x16xf32, #tpu.memory_space<hbm>>
    %dma_start3A_644 = arith.constant 0 : i32
    %dma_start3A_645 = arith.constant 0 : i32
    %dma_start3A_646 = tpu.memref_slice %arg6[%dma_start3A_635, %dma_start3A_644, %dma_start3A_645] : memref<4x128x16xf32, #tpu.memory_space<vmem>> -> memref<1x128x16xf32, #tpu.memory_space<vmem>>
    %dma_start3A_647 = tpu.memref_squeeze %dma_start3A_646 : memref<1x128x16xf32, #tpu.memory_space<vmem>> -> memref<128x16xf32, #tpu.memory_space<vmem>>
    tpu.enqueue_dma source(%dma_start3A_647 : memref<128x16xf32, #tpu.memory_space<vmem>>) target(%dma_start3A_643 : memref<128x16xf32, #tpu.memory_space<hbm>>) target_semaphore(%arg14 : memref<!tpu.dma_semaphore, #tpu.memory_space<semaphore_mem>>)
    %dma_wait3A_648 = arith.constant 3 : i32
    %dma_wait3A_649 = arith.constant 0 : i32
    %dma_wait3A_650 = arith.constant 0 : i32
    %dma_wait3A_651 = tpu.memref_slice %arg6[%dma_wait3A_648, %dma_wait3A_649, %dma_wait3A_650] : memref<4x128x16xf32, #tpu.memory_space<vmem>> -> memref<1x128x16xf32, #tpu.memory_space<vmem>>
    %dma_wait3A_652 = tpu.memref_squeeze %dma_wait3A_651 : memref<1x128x16xf32, #tpu.memory_space<vmem>> -> memref<128x16xf32, #tpu.memory_space<vmem>>
    %dma_wait3A_653 = arith.constant 0 : i32
    %dma_wait3A_654 = tpu.memref_slice %arg4[%add3A_634, %dma_wait3A_653] : memref<81920x16xf32, #tpu.memory_space<hbm>> -> memref<128x16xf32, #tpu.memory_space<hbm>>
    %dma_wait3A_655 = arith.constant 0 : i32
    %dma_wait3A_656 = tpu.memref_slice %arg4[%add3A_634, %dma_wait3A_655] : memref<81920x16xf32, #tpu.memory_space<hbm>> -> memref<128x16xf32, #tpu.memory_space<hbm>>
    %dma_wait3A_657 = arith.constant 0 : i32
    %dma_wait3A_658 = arith.constant 0 : i32
    %dma_wait3A_659 = tpu.memref_slice %arg6[%dma_wait3A_648, %dma_wait3A_657, %dma_wait3A_658] : memref<4x128x16xf32, #tpu.memory_space<vmem>> -> memref<1x128x16xf32, #tpu.memory_space<vmem>>
    %dma_wait3A_660 = tpu.memref_squeeze %dma_wait3A_659 : memref<1x128x16xf32, #tpu.memory_space<vmem>> -> memref<128x16xf32, #tpu.memory_space<vmem>>
    tpu.wait_dma2 semaphore(%arg14 : memref<!tpu.dma_semaphore, #tpu.memory_space<semaphore_mem>>) src(%dma_wait3A_660 : memref<128x16xf32, #tpu.memory_space<vmem>>) dst(%dma_wait3A_656 : memref<128x16xf32, #tpu.memory_space<hbm>>)
    %dma_start3A_661 = arith.constant 15 : i32
    %dma_start3A_662 = arith.constant 3 : i32
    %dma_start3A_663 = arith.constant 0 : i32
    %dma_start3A_664 = arith.constant 0 : i32
    %dma_start3A_665 = tpu.memref_slice %arg6[%dma_start3A_662, %dma_start3A_663, %dma_start3A_664] : memref<4x128x16xf32, #tpu.memory_space<vmem>> -> memref<1x128x16xf32, #tpu.memory_space<vmem>>
    %dma_start3A_666 = tpu.memref_squeeze %dma_start3A_665 : memref<1x128x16xf32, #tpu.memory_space<vmem>> -> memref<128x16xf32, #tpu.memory_space<vmem>>
    %dma_start3A_667 = arith.constant 0 : i32
    %dma_start3A_668 = tpu.memref_slice %arg5[%dma_start3A_661, %dma_start3A_667] : memref<20x128xi32, #tpu.memory_space<vmem>> -> memref<1x128xi32, #tpu.memory_space<vmem>>
    %dma_start3A_669 = tpu.memref_squeeze %dma_start3A_668 : memref<1x128xi32, #tpu.memory_space<vmem>> -> memref<128xi32, #tpu.memory_space<vmem>>
    %dma_start3A_670 = arith.constant 0 : i32
    %dma_start3A_671 = arith.constant 0 : i32
    %dma_start3A_672 = tpu.memref_slice %arg2[%dma_start3A_670, %dma_start3A_671] : memref<1600000x16xf32, #tpu.memory_space<hbm>> -> memref<1600000x16xf32, #tpu.memory_space<hbm>>
    tpu.enqueue_indirect_dma source(%dma_start3A_672 : memref<1600000x16xf32, #tpu.memory_space<hbm>>) target(%dma_start3A_666 : memref<128x16xf32, #tpu.memory_space<vmem>>) offsets(%dma_start3A_669 : memref<128xi32, #tpu.memory_space<vmem>>) semaphore(%arg10 : memref<!tpu.dma_semaphore, #tpu.memory_space<semaphore_mem>>)
    %dma_wait3A_673 = arith.constant 12 : i32
    %dma_wait3A_674 = arith.constant 0 : i32
    %dma_wait3A_675 = arith.constant 0 : i32
    %dma_wait3A_676 = arith.constant 0 : i32
    %dma_wait3A_677 = tpu.memref_slice %arg6[%dma_wait3A_674, %dma_wait3A_675, %dma_wait3A_676] : memref<4x128x16xf32, #tpu.memory_space<vmem>> -> memref<1x128x16xf32, #tpu.memory_space<vmem>>
    %dma_wait3A_678 = tpu.memref_squeeze %dma_wait3A_677 : memref<1x128x16xf32, #tpu.memory_space<vmem>> -> memref<128x16xf32, #tpu.memory_space<vmem>>
    %dma_wait3A_679 = arith.constant 0 : i32
    %dma_wait3A_680 = tpu.memref_slice %arg5[%dma_wait3A_673, %dma_wait3A_679] : memref<20x128xi32, #tpu.memory_space<vmem>> -> memref<1x128xi32, #tpu.memory_space<vmem>>
    %dma_wait3A_681 = tpu.memref_squeeze %dma_wait3A_680 : memref<1x128xi32, #tpu.memory_space<vmem>> -> memref<128xi32, #tpu.memory_space<vmem>>
    %dma_wait3A_682 = arith.constant 0 : i32
    %dma_wait3A_683 = arith.constant 0 : i32
    %dma_wait3A_684 = tpu.memref_slice %arg2[%dma_wait3A_682, %dma_wait3A_683] : memref<1600000x16xf32, #tpu.memory_space<hbm>> -> memref<1600000x16xf32, #tpu.memory_space<hbm>>
    tpu.wait_indirect_dma semaphore(%arg7 : memref<!tpu.dma_semaphore, #tpu.memory_space<semaphore_mem>>) src(%dma_wait3A_684 : memref<1600000x16xf32, #tpu.memory_space<hbm>>) dst(%dma_wait3A_678 : memref<128x16xf32, #tpu.memory_space<vmem>>)
    %add3A_685 = arith.constant 1536 : i32
    %add3A_686 = arith.addi %mul3A_2, %add3A_685 : i32
    %dma_start3A_687 = arith.constant 0 : i32
    %dma_start3A_688 = arith.constant 0 : i32
    %dma_start3A_689 = arith.constant 0 : i32
    %dma_start3A_690 = tpu.memref_slice %arg6[%dma_start3A_687, %dma_start3A_688, %dma_start3A_689] : memref<4x128x16xf32, #tpu.memory_space<vmem>> -> memref<1x128x16xf32, #tpu.memory_space<vmem>>
    %dma_start3A_691 = tpu.memref_squeeze %dma_start3A_690 : memref<1x128x16xf32, #tpu.memory_space<vmem>> -> memref<128x16xf32, #tpu.memory_space<vmem>>
    %dma_start3A_692 = arith.constant 0 : i32
    %dma_start3A_693 = tpu.memref_slice %arg4[%add3A_686, %dma_start3A_692] : memref<81920x16xf32, #tpu.memory_space<hbm>> -> memref<128x16xf32, #tpu.memory_space<hbm>>
    %dma_start3A_694 = arith.constant 0 : i32
    %dma_start3A_695 = tpu.memref_slice %arg4[%add3A_686, %dma_start3A_694] : memref<81920x16xf32, #tpu.memory_space<hbm>> -> memref<128x16xf32, #tpu.memory_space<hbm>>
    %dma_start3A_696 = arith.constant 0 : i32
    %dma_start3A_697 = arith.constant 0 : i32
    %dma_start3A_698 = tpu.memref_slice %arg6[%dma_start3A_687, %dma_start3A_696, %dma_start3A_697] : memref<4x128x16xf32, #tpu.memory_space<vmem>> -> memref<1x128x16xf32, #tpu.memory_space<vmem>>
    %dma_start3A_699 = tpu.memref_squeeze %dma_start3A_698 : memref<1x128x16xf32, #tpu.memory_space<vmem>> -> memref<128x16xf32, #tpu.memory_space<vmem>>
    tpu.enqueue_dma source(%dma_start3A_699 : memref<128x16xf32, #tpu.memory_space<vmem>>) target(%dma_start3A_695 : memref<128x16xf32, #tpu.memory_space<hbm>>) target_semaphore(%arg11 : memref<!tpu.dma_semaphore, #tpu.memory_space<semaphore_mem>>)
    %dma_wait3A_700 = arith.constant 0 : i32
    %dma_wait3A_701 = arith.constant 0 : i32
    %dma_wait3A_702 = arith.constant 0 : i32
    %dma_wait3A_703 = tpu.memref_slice %arg6[%dma_wait3A_700, %dma_wait3A_701, %dma_wait3A_702] : memref<4x128x16xf32, #tpu.memory_space<vmem>> -> memref<1x128x16xf32, #tpu.memory_space<vmem>>
    %dma_wait3A_704 = tpu.memref_squeeze %dma_wait3A_703 : memref<1x128x16xf32, #tpu.memory_space<vmem>> -> memref<128x16xf32, #tpu.memory_space<vmem>>
    %dma_wait3A_705 = arith.constant 0 : i32
    %dma_wait3A_706 = tpu.memref_slice %arg4[%add3A_686, %dma_wait3A_705] : memref<81920x16xf32, #tpu.memory_space<hbm>> -> memref<128x16xf32, #tpu.memory_space<hbm>>
    %dma_wait3A_707 = arith.constant 0 : i32
    %dma_wait3A_708 = tpu.memref_slice %arg4[%add3A_686, %dma_wait3A_707] : memref<81920x16xf32, #tpu.memory_space<hbm>> -> memref<128x16xf32, #tpu.memory_space<hbm>>
    %dma_wait3A_709 = arith.constant 0 : i32
    %dma_wait3A_710 = arith.constant 0 : i32
    %dma_wait3A_711 = tpu.memref_slice %arg6[%dma_wait3A_700, %dma_wait3A_709, %dma_wait3A_710] : memref<4x128x16xf32, #tpu.memory_space<vmem>> -> memref<1x128x16xf32, #tpu.memory_space<vmem>>
    %dma_wait3A_712 = tpu.memref_squeeze %dma_wait3A_711 : memref<1x128x16xf32, #tpu.memory_space<vmem>> -> memref<128x16xf32, #tpu.memory_space<vmem>>
    tpu.wait_dma2 semaphore(%arg11 : memref<!tpu.dma_semaphore, #tpu.memory_space<semaphore_mem>>) src(%dma_wait3A_712 : memref<128x16xf32, #tpu.memory_space<vmem>>) dst(%dma_wait3A_708 : memref<128x16xf32, #tpu.memory_space<hbm>>)
    %dma_start3A_713 = arith.constant 16 : i32
    %dma_start3A_714 = arith.constant 0 : i32
    %dma_start3A_715 = arith.constant 0 : i32
    %dma_start3A_716 = arith.constant 0 : i32
    %dma_start3A_717 = tpu.memref_slice %arg6[%dma_start3A_714, %dma_start3A_715, %dma_start3A_716] : memref<4x128x16xf32, #tpu.memory_space<vmem>> -> memref<1x128x16xf32, #tpu.memory_space<vmem>>
    %dma_start3A_718 = tpu.memref_squeeze %dma_start3A_717 : memref<1x128x16xf32, #tpu.memory_space<vmem>> -> memref<128x16xf32, #tpu.memory_space<vmem>>
    %dma_start3A_719 = arith.constant 0 : i32
    %dma_start3A_720 = tpu.memref_slice %arg5[%dma_start3A_713, %dma_start3A_719] : memref<20x128xi32, #tpu.memory_space<vmem>> -> memref<1x128xi32, #tpu.memory_space<vmem>>
    %dma_start3A_721 = tpu.memref_squeeze %dma_start3A_720 : memref<1x128xi32, #tpu.memory_space<vmem>> -> memref<128xi32, #tpu.memory_space<vmem>>
    %dma_start3A_722 = arith.constant 0 : i32
    %dma_start3A_723 = arith.constant 0 : i32
    %dma_start3A_724 = tpu.memref_slice %arg2[%dma_start3A_722, %dma_start3A_723] : memref<1600000x16xf32, #tpu.memory_space<hbm>> -> memref<1600000x16xf32, #tpu.memory_space<hbm>>
    tpu.enqueue_indirect_dma source(%dma_start3A_724 : memref<1600000x16xf32, #tpu.memory_space<hbm>>) target(%dma_start3A_718 : memref<128x16xf32, #tpu.memory_space<vmem>>) offsets(%dma_start3A_721 : memref<128xi32, #tpu.memory_space<vmem>>) semaphore(%arg7 : memref<!tpu.dma_semaphore, #tpu.memory_space<semaphore_mem>>)
    %dma_wait3A_725 = arith.constant 13 : i32
    %dma_wait3A_726 = arith.constant 1 : i32
    %dma_wait3A_727 = arith.constant 0 : i32
    %dma_wait3A_728 = arith.constant 0 : i32
    %dma_wait3A_729 = tpu.memref_slice %arg6[%dma_wait3A_726, %dma_wait3A_727, %dma_wait3A_728] : memref<4x128x16xf32, #tpu.memory_space<vmem>> -> memref<1x128x16xf32, #tpu.memory_space<vmem>>
    %dma_wait3A_730 = tpu.memref_squeeze %dma_wait3A_729 : memref<1x128x16xf32, #tpu.memory_space<vmem>> -> memref<128x16xf32, #tpu.memory_space<vmem>>
    %dma_wait3A_731 = arith.constant 0 : i32
    %dma_wait3A_732 = tpu.memref_slice %arg5[%dma_wait3A_725, %dma_wait3A_731] : memref<20x128xi32, #tpu.memory_space<vmem>> -> memref<1x128xi32, #tpu.memory_space<vmem>>
    %dma_wait3A_733 = tpu.memref_squeeze %dma_wait3A_732 : memref<1x128xi32, #tpu.memory_space<vmem>> -> memref<128xi32, #tpu.memory_space<vmem>>
    %dma_wait3A_734 = arith.constant 0 : i32
    %dma_wait3A_735 = arith.constant 0 : i32
    %dma_wait3A_736 = tpu.memref_slice %arg2[%dma_wait3A_734, %dma_wait3A_735] : memref<1600000x16xf32, #tpu.memory_space<hbm>> -> memref<1600000x16xf32, #tpu.memory_space<hbm>>
    tpu.wait_indirect_dma semaphore(%arg8 : memref<!tpu.dma_semaphore, #tpu.memory_space<semaphore_mem>>) src(%dma_wait3A_736 : memref<1600000x16xf32, #tpu.memory_space<hbm>>) dst(%dma_wait3A_730 : memref<128x16xf32, #tpu.memory_space<vmem>>)
    %add3A_737 = arith.constant 1664 : i32
    %add3A_738 = arith.addi %mul3A_2, %add3A_737 : i32
    %dma_start3A_739 = arith.constant 1 : i32
    %dma_start3A_740 = arith.constant 0 : i32
    %dma_start3A_741 = arith.constant 0 : i32
    %dma_start3A_742 = tpu.memref_slice %arg6[%dma_start3A_739, %dma_start3A_740, %dma_start3A_741] : memref<4x128x16xf32, #tpu.memory_space<vmem>> -> memref<1x128x16xf32, #tpu.memory_space<vmem>>
    %dma_start3A_743 = tpu.memref_squeeze %dma_start3A_742 : memref<1x128x16xf32, #tpu.memory_space<vmem>> -> memref<128x16xf32, #tpu.memory_space<vmem>>
    %dma_start3A_744 = arith.constant 0 : i32
    %dma_start3A_745 = tpu.memref_slice %arg4[%add3A_738, %dma_start3A_744] : memref<81920x16xf32, #tpu.memory_space<hbm>> -> memref<128x16xf32, #tpu.memory_space<hbm>>
    %dma_start3A_746 = arith.constant 0 : i32
    %dma_start3A_747 = tpu.memref_slice %arg4[%add3A_738, %dma_start3A_746] : memref<81920x16xf32, #tpu.memory_space<hbm>> -> memref<128x16xf32, #tpu.memory_space<hbm>>
    %dma_start3A_748 = arith.constant 0 : i32
    %dma_start3A_749 = arith.constant 0 : i32
    %dma_start3A_750 = tpu.memref_slice %arg6[%dma_start3A_739, %dma_start3A_748, %dma_start3A_749] : memref<4x128x16xf32, #tpu.memory_space<vmem>> -> memref<1x128x16xf32, #tpu.memory_space<vmem>>
    %dma_start3A_751 = tpu.memref_squeeze %dma_start3A_750 : memref<1x128x16xf32, #tpu.memory_space<vmem>> -> memref<128x16xf32, #tpu.memory_space<vmem>>
    tpu.enqueue_dma source(%dma_start3A_751 : memref<128x16xf32, #tpu.memory_space<vmem>>) target(%dma_start3A_747 : memref<128x16xf32, #tpu.memory_space<hbm>>) target_semaphore(%arg12 : memref<!tpu.dma_semaphore, #tpu.memory_space<semaphore_mem>>)
    %dma_wait3A_752 = arith.constant 1 : i32
    %dma_wait3A_753 = arith.constant 0 : i32
    %dma_wait3A_754 = arith.constant 0 : i32
    %dma_wait3A_755 = tpu.memref_slice %arg6[%dma_wait3A_752, %dma_wait3A_753, %dma_wait3A_754] : memref<4x128x16xf32, #tpu.memory_space<vmem>> -> memref<1x128x16xf32, #tpu.memory_space<vmem>>
    %dma_wait3A_756 = tpu.memref_squeeze %dma_wait3A_755 : memref<1x128x16xf32, #tpu.memory_space<vmem>> -> memref<128x16xf32, #tpu.memory_space<vmem>>
    %dma_wait3A_757 = arith.constant 0 : i32
    %dma_wait3A_758 = tpu.memref_slice %arg4[%add3A_738, %dma_wait3A_757] : memref<81920x16xf32, #tpu.memory_space<hbm>> -> memref<128x16xf32, #tpu.memory_space<hbm>>
    %dma_wait3A_759 = arith.constant 0 : i32
    %dma_wait3A_760 = tpu.memref_slice %arg4[%add3A_738, %dma_wait3A_759] : memref<81920x16xf32, #tpu.memory_space<hbm>> -> memref<128x16xf32, #tpu.memory_space<hbm>>
    %dma_wait3A_761 = arith.constant 0 : i32
    %dma_wait3A_762 = arith.constant 0 : i32
    %dma_wait3A_763 = tpu.memref_slice %arg6[%dma_wait3A_752, %dma_wait3A_761, %dma_wait3A_762] : memref<4x128x16xf32, #tpu.memory_space<vmem>> -> memref<1x128x16xf32, #tpu.memory_space<vmem>>
    %dma_wait3A_764 = tpu.memref_squeeze %dma_wait3A_763 : memref<1x128x16xf32, #tpu.memory_space<vmem>> -> memref<128x16xf32, #tpu.memory_space<vmem>>
    tpu.wait_dma2 semaphore(%arg12 : memref<!tpu.dma_semaphore, #tpu.memory_space<semaphore_mem>>) src(%dma_wait3A_764 : memref<128x16xf32, #tpu.memory_space<vmem>>) dst(%dma_wait3A_760 : memref<128x16xf32, #tpu.memory_space<hbm>>)
    %dma_start3A_765 = arith.constant 17 : i32
    %dma_start3A_766 = arith.constant 1 : i32
    %dma_start3A_767 = arith.constant 0 : i32
    %dma_start3A_768 = arith.constant 0 : i32
    %dma_start3A_769 = tpu.memref_slice %arg6[%dma_start3A_766, %dma_start3A_767, %dma_start3A_768] : memref<4x128x16xf32, #tpu.memory_space<vmem>> -> memref<1x128x16xf32, #tpu.memory_space<vmem>>
    %dma_start3A_770 = tpu.memref_squeeze %dma_start3A_769 : memref<1x128x16xf32, #tpu.memory_space<vmem>> -> memref<128x16xf32, #tpu.memory_space<vmem>>
    %dma_start3A_771 = arith.constant 0 : i32
    %dma_start3A_772 = tpu.memref_slice %arg5[%dma_start3A_765, %dma_start3A_771] : memref<20x128xi32, #tpu.memory_space<vmem>> -> memref<1x128xi32, #tpu.memory_space<vmem>>
    %dma_start3A_773 = tpu.memref_squeeze %dma_start3A_772 : memref<1x128xi32, #tpu.memory_space<vmem>> -> memref<128xi32, #tpu.memory_space<vmem>>
    %dma_start3A_774 = arith.constant 0 : i32
    %dma_start3A_775 = arith.constant 0 : i32
    %dma_start3A_776 = tpu.memref_slice %arg2[%dma_start3A_774, %dma_start3A_775] : memref<1600000x16xf32, #tpu.memory_space<hbm>> -> memref<1600000x16xf32, #tpu.memory_space<hbm>>
    tpu.enqueue_indirect_dma source(%dma_start3A_776 : memref<1600000x16xf32, #tpu.memory_space<hbm>>) target(%dma_start3A_770 : memref<128x16xf32, #tpu.memory_space<vmem>>) offsets(%dma_start3A_773 : memref<128xi32, #tpu.memory_space<vmem>>) semaphore(%arg8 : memref<!tpu.dma_semaphore, #tpu.memory_space<semaphore_mem>>)
    %dma_wait3A_777 = arith.constant 14 : i32
    %dma_wait3A_778 = arith.constant 2 : i32
    %dma_wait3A_779 = arith.constant 0 : i32
    %dma_wait3A_780 = arith.constant 0 : i32
    %dma_wait3A_781 = tpu.memref_slice %arg6[%dma_wait3A_778, %dma_wait3A_779, %dma_wait3A_780] : memref<4x128x16xf32, #tpu.memory_space<vmem>> -> memref<1x128x16xf32, #tpu.memory_space<vmem>>
    %dma_wait3A_782 = tpu.memref_squeeze %dma_wait3A_781 : memref<1x128x16xf32, #tpu.memory_space<vmem>> -> memref<128x16xf32, #tpu.memory_space<vmem>>
    %dma_wait3A_783 = arith.constant 0 : i32
    %dma_wait3A_784 = tpu.memref_slice %arg5[%dma_wait3A_777, %dma_wait3A_783] : memref<20x128xi32, #tpu.memory_space<vmem>> -> memref<1x128xi32, #tpu.memory_space<vmem>>
    %dma_wait3A_785 = tpu.memref_squeeze %dma_wait3A_784 : memref<1x128xi32, #tpu.memory_space<vmem>> -> memref<128xi32, #tpu.memory_space<vmem>>
    %dma_wait3A_786 = arith.constant 0 : i32
    %dma_wait3A_787 = arith.constant 0 : i32
    %dma_wait3A_788 = tpu.memref_slice %arg2[%dma_wait3A_786, %dma_wait3A_787] : memref<1600000x16xf32, #tpu.memory_space<hbm>> -> memref<1600000x16xf32, #tpu.memory_space<hbm>>
    tpu.wait_indirect_dma semaphore(%arg9 : memref<!tpu.dma_semaphore, #tpu.memory_space<semaphore_mem>>) src(%dma_wait3A_788 : memref<1600000x16xf32, #tpu.memory_space<hbm>>) dst(%dma_wait3A_782 : memref<128x16xf32, #tpu.memory_space<vmem>>)
    %add3A_789 = arith.constant 1792 : i32
    %add3A_790 = arith.addi %mul3A_2, %add3A_789 : i32
    %dma_start3A_791 = arith.constant 2 : i32
    %dma_start3A_792 = arith.constant 0 : i32
    %dma_start3A_793 = arith.constant 0 : i32
    %dma_start3A_794 = tpu.memref_slice %arg6[%dma_start3A_791, %dma_start3A_792, %dma_start3A_793] : memref<4x128x16xf32, #tpu.memory_space<vmem>> -> memref<1x128x16xf32, #tpu.memory_space<vmem>>
    %dma_start3A_795 = tpu.memref_squeeze %dma_start3A_794 : memref<1x128x16xf32, #tpu.memory_space<vmem>> -> memref<128x16xf32, #tpu.memory_space<vmem>>
    %dma_start3A_796 = arith.constant 0 : i32
    %dma_start3A_797 = tpu.memref_slice %arg4[%add3A_790, %dma_start3A_796] : memref<81920x16xf32, #tpu.memory_space<hbm>> -> memref<128x16xf32, #tpu.memory_space<hbm>>
    %dma_start3A_798 = arith.constant 0 : i32
    %dma_start3A_799 = tpu.memref_slice %arg4[%add3A_790, %dma_start3A_798] : memref<81920x16xf32, #tpu.memory_space<hbm>> -> memref<128x16xf32, #tpu.memory_space<hbm>>
    %dma_start3A_800 = arith.constant 0 : i32
    %dma_start3A_801 = arith.constant 0 : i32
    %dma_start3A_802 = tpu.memref_slice %arg6[%dma_start3A_791, %dma_start3A_800, %dma_start3A_801] : memref<4x128x16xf32, #tpu.memory_space<vmem>> -> memref<1x128x16xf32, #tpu.memory_space<vmem>>
    %dma_start3A_803 = tpu.memref_squeeze %dma_start3A_802 : memref<1x128x16xf32, #tpu.memory_space<vmem>> -> memref<128x16xf32, #tpu.memory_space<vmem>>
    tpu.enqueue_dma source(%dma_start3A_803 : memref<128x16xf32, #tpu.memory_space<vmem>>) target(%dma_start3A_799 : memref<128x16xf32, #tpu.memory_space<hbm>>) target_semaphore(%arg13 : memref<!tpu.dma_semaphore, #tpu.memory_space<semaphore_mem>>)
    %dma_wait3A_804 = arith.constant 2 : i32
    %dma_wait3A_805 = arith.constant 0 : i32
    %dma_wait3A_806 = arith.constant 0 : i32
    %dma_wait3A_807 = tpu.memref_slice %arg6[%dma_wait3A_804, %dma_wait3A_805, %dma_wait3A_806] : memref<4x128x16xf32, #tpu.memory_space<vmem>> -> memref<1x128x16xf32, #tpu.memory_space<vmem>>
    %dma_wait3A_808 = tpu.memref_squeeze %dma_wait3A_807 : memref<1x128x16xf32, #tpu.memory_space<vmem>> -> memref<128x16xf32, #tpu.memory_space<vmem>>
    %dma_wait3A_809 = arith.constant 0 : i32
    %dma_wait3A_810 = tpu.memref_slice %arg4[%add3A_790, %dma_wait3A_809] : memref<81920x16xf32, #tpu.memory_space<hbm>> -> memref<128x16xf32, #tpu.memory_space<hbm>>
    %dma_wait3A_811 = arith.constant 0 : i32
    %dma_wait3A_812 = tpu.memref_slice %arg4[%add3A_790, %dma_wait3A_811] : memref<81920x16xf32, #tpu.memory_space<hbm>> -> memref<128x16xf32, #tpu.memory_space<hbm>>
    %dma_wait3A_813 = arith.constant 0 : i32
    %dma_wait3A_814 = arith.constant 0 : i32
    %dma_wait3A_815 = tpu.memref_slice %arg6[%dma_wait3A_804, %dma_wait3A_813, %dma_wait3A_814] : memref<4x128x16xf32, #tpu.memory_space<vmem>> -> memref<1x128x16xf32, #tpu.memory_space<vmem>>
    %dma_wait3A_816 = tpu.memref_squeeze %dma_wait3A_815 : memref<1x128x16xf32, #tpu.memory_space<vmem>> -> memref<128x16xf32, #tpu.memory_space<vmem>>
    tpu.wait_dma2 semaphore(%arg13 : memref<!tpu.dma_semaphore, #tpu.memory_space<semaphore_mem>>) src(%dma_wait3A_816 : memref<128x16xf32, #tpu.memory_space<vmem>>) dst(%dma_wait3A_812 : memref<128x16xf32, #tpu.memory_space<hbm>>)
    %dma_start3A_817 = arith.constant 18 : i32
    %dma_start3A_818 = arith.constant 2 : i32
    %dma_start3A_819 = arith.constant 0 : i32
    %dma_start3A_820 = arith.constant 0 : i32
    %dma_start3A_821 = tpu.memref_slice %arg6[%dma_start3A_818, %dma_start3A_819, %dma_start3A_820] : memref<4x128x16xf32, #tpu.memory_space<vmem>> -> memref<1x128x16xf32, #tpu.memory_space<vmem>>
    %dma_start3A_822 = tpu.memref_squeeze %dma_start3A_821 : memref<1x128x16xf32, #tpu.memory_space<vmem>> -> memref<128x16xf32, #tpu.memory_space<vmem>>
    %dma_start3A_823 = arith.constant 0 : i32
    %dma_start3A_824 = tpu.memref_slice %arg5[%dma_start3A_817, %dma_start3A_823] : memref<20x128xi32, #tpu.memory_space<vmem>> -> memref<1x128xi32, #tpu.memory_space<vmem>>
    %dma_start3A_825 = tpu.memref_squeeze %dma_start3A_824 : memref<1x128xi32, #tpu.memory_space<vmem>> -> memref<128xi32, #tpu.memory_space<vmem>>
    %dma_start3A_826 = arith.constant 0 : i32
    %dma_start3A_827 = arith.constant 0 : i32
    %dma_start3A_828 = tpu.memref_slice %arg2[%dma_start3A_826, %dma_start3A_827] : memref<1600000x16xf32, #tpu.memory_space<hbm>> -> memref<1600000x16xf32, #tpu.memory_space<hbm>>
    tpu.enqueue_indirect_dma source(%dma_start3A_828 : memref<1600000x16xf32, #tpu.memory_space<hbm>>) target(%dma_start3A_822 : memref<128x16xf32, #tpu.memory_space<vmem>>) offsets(%dma_start3A_825 : memref<128xi32, #tpu.memory_space<vmem>>) semaphore(%arg9 : memref<!tpu.dma_semaphore, #tpu.memory_space<semaphore_mem>>)
    %dma_wait3A_829 = arith.constant 15 : i32
    %dma_wait3A_830 = arith.constant 3 : i32
    %dma_wait3A_831 = arith.constant 0 : i32
    %dma_wait3A_832 = arith.constant 0 : i32
    %dma_wait3A_833 = tpu.memref_slice %arg6[%dma_wait3A_830, %dma_wait3A_831, %dma_wait3A_832] : memref<4x128x16xf32, #tpu.memory_space<vmem>> -> memref<1x128x16xf32, #tpu.memory_space<vmem>>
    %dma_wait3A_834 = tpu.memref_squeeze %dma_wait3A_833 : memref<1x128x16xf32, #tpu.memory_space<vmem>> -> memref<128x16xf32, #tpu.memory_space<vmem>>
    %dma_wait3A_835 = arith.constant 0 : i32
    %dma_wait3A_836 = tpu.memref_slice %arg5[%dma_wait3A_829, %dma_wait3A_835] : memref<20x128xi32, #tpu.memory_space<vmem>> -> memref<1x128xi32, #tpu.memory_space<vmem>>
    %dma_wait3A_837 = tpu.memref_squeeze %dma_wait3A_836 : memref<1x128xi32, #tpu.memory_space<vmem>> -> memref<128xi32, #tpu.memory_space<vmem>>
    %dma_wait3A_838 = arith.constant 0 : i32
    %dma_wait3A_839 = arith.constant 0 : i32
    %dma_wait3A_840 = tpu.memref_slice %arg2[%dma_wait3A_838, %dma_wait3A_839] : memref<1600000x16xf32, #tpu.memory_space<hbm>> -> memref<1600000x16xf32, #tpu.memory_space<hbm>>
    tpu.wait_indirect_dma semaphore(%arg10 : memref<!tpu.dma_semaphore, #tpu.memory_space<semaphore_mem>>) src(%dma_wait3A_840 : memref<1600000x16xf32, #tpu.memory_space<hbm>>) dst(%dma_wait3A_834 : memref<128x16xf32, #tpu.memory_space<vmem>>)
    %add3A_841 = arith.constant 1920 : i32
    %add3A_842 = arith.addi %mul3A_2, %add3A_841 : i32
    %dma_start3A_843 = arith.constant 3 : i32
    %dma_start3A_844 = arith.constant 0 : i32
    %dma_start3A_845 = arith.constant 0 : i32
    %dma_start3A_846 = tpu.memref_slice %arg6[%dma_start3A_843, %dma_start3A_844, %dma_start3A_845] : memref<4x128x16xf32, #tpu.memory_space<vmem>> -> memref<1x128x16xf32, #tpu.memory_space<vmem>>
    %dma_start3A_847 = tpu.memref_squeeze %dma_start3A_846 : memref<1x128x16xf32, #tpu.memory_space<vmem>> -> memref<128x16xf32, #tpu.memory_space<vmem>>
    %dma_start3A_848 = arith.constant 0 : i32
    %dma_start3A_849 = tpu.memref_slice %arg4[%add3A_842, %dma_start3A_848] : memref<81920x16xf32, #tpu.memory_space<hbm>> -> memref<128x16xf32, #tpu.memory_space<hbm>>
    %dma_start3A_850 = arith.constant 0 : i32
    %dma_start3A_851 = tpu.memref_slice %arg4[%add3A_842, %dma_start3A_850] : memref<81920x16xf32, #tpu.memory_space<hbm>> -> memref<128x16xf32, #tpu.memory_space<hbm>>
    %dma_start3A_852 = arith.constant 0 : i32
    %dma_start3A_853 = arith.constant 0 : i32
    %dma_start3A_854 = tpu.memref_slice %arg6[%dma_start3A_843, %dma_start3A_852, %dma_start3A_853] : memref<4x128x16xf32, #tpu.memory_space<vmem>> -> memref<1x128x16xf32, #tpu.memory_space<vmem>>
    %dma_start3A_855 = tpu.memref_squeeze %dma_start3A_854 : memref<1x128x16xf32, #tpu.memory_space<vmem>> -> memref<128x16xf32, #tpu.memory_space<vmem>>
    tpu.enqueue_dma source(%dma_start3A_855 : memref<128x16xf32, #tpu.memory_space<vmem>>) target(%dma_start3A_851 : memref<128x16xf32, #tpu.memory_space<hbm>>) target_semaphore(%arg14 : memref<!tpu.dma_semaphore, #tpu.memory_space<semaphore_mem>>)
    %dma_wait3A_856 = arith.constant 3 : i32
    %dma_wait3A_857 = arith.constant 0 : i32
    %dma_wait3A_858 = arith.constant 0 : i32
    %dma_wait3A_859 = tpu.memref_slice %arg6[%dma_wait3A_856, %dma_wait3A_857, %dma_wait3A_858] : memref<4x128x16xf32, #tpu.memory_space<vmem>> -> memref<1x128x16xf32, #tpu.memory_space<vmem>>
    %dma_wait3A_860 = tpu.memref_squeeze %dma_wait3A_859 : memref<1x128x16xf32, #tpu.memory_space<vmem>> -> memref<128x16xf32, #tpu.memory_space<vmem>>
    %dma_wait3A_861 = arith.constant 0 : i32
    %dma_wait3A_862 = tpu.memref_slice %arg4[%add3A_842, %dma_wait3A_861] : memref<81920x16xf32, #tpu.memory_space<hbm>> -> memref<128x16xf32, #tpu.memory_space<hbm>>
    %dma_wait3A_863 = arith.constant 0 : i32
    %dma_wait3A_864 = tpu.memref_slice %arg4[%add3A_842, %dma_wait3A_863] : memref<81920x16xf32, #tpu.memory_space<hbm>> -> memref<128x16xf32, #tpu.memory_space<hbm>>
    %dma_wait3A_865 = arith.constant 0 : i32
    %dma_wait3A_866 = arith.constant 0 : i32
    %dma_wait3A_867 = tpu.memref_slice %arg6[%dma_wait3A_856, %dma_wait3A_865, %dma_wait3A_866] : memref<4x128x16xf32, #tpu.memory_space<vmem>> -> memref<1x128x16xf32, #tpu.memory_space<vmem>>
    %dma_wait3A_868 = tpu.memref_squeeze %dma_wait3A_867 : memref<1x128x16xf32, #tpu.memory_space<vmem>> -> memref<128x16xf32, #tpu.memory_space<vmem>>
    tpu.wait_dma2 semaphore(%arg14 : memref<!tpu.dma_semaphore, #tpu.memory_space<semaphore_mem>>) src(%dma_wait3A_868 : memref<128x16xf32, #tpu.memory_space<vmem>>) dst(%dma_wait3A_864 : memref<128x16xf32, #tpu.memory_space<hbm>>)
    %dma_start3A_869 = arith.constant 19 : i32
    %dma_start3A_870 = arith.constant 3 : i32
    %dma_start3A_871 = arith.constant 0 : i32
    %dma_start3A_872 = arith.constant 0 : i32
    %dma_start3A_873 = tpu.memref_slice %arg6[%dma_start3A_870, %dma_start3A_871, %dma_start3A_872] : memref<4x128x16xf32, #tpu.memory_space<vmem>> -> memref<1x128x16xf32, #tpu.memory_space<vmem>>
    %dma_start3A_874 = tpu.memref_squeeze %dma_start3A_873 : memref<1x128x16xf32, #tpu.memory_space<vmem>> -> memref<128x16xf32, #tpu.memory_space<vmem>>
    %dma_start3A_875 = arith.constant 0 : i32
    %dma_start3A_876 = tpu.memref_slice %arg5[%dma_start3A_869, %dma_start3A_875] : memref<20x128xi32, #tpu.memory_space<vmem>> -> memref<1x128xi32, #tpu.memory_space<vmem>>
    %dma_start3A_877 = tpu.memref_squeeze %dma_start3A_876 : memref<1x128xi32, #tpu.memory_space<vmem>> -> memref<128xi32, #tpu.memory_space<vmem>>
    %dma_start3A_878 = arith.constant 0 : i32
    %dma_start3A_879 = arith.constant 0 : i32
    %dma_start3A_880 = tpu.memref_slice %arg2[%dma_start3A_878, %dma_start3A_879] : memref<1600000x16xf32, #tpu.memory_space<hbm>> -> memref<1600000x16xf32, #tpu.memory_space<hbm>>
    tpu.enqueue_indirect_dma source(%dma_start3A_880 : memref<1600000x16xf32, #tpu.memory_space<hbm>>) target(%dma_start3A_874 : memref<128x16xf32, #tpu.memory_space<vmem>>) offsets(%dma_start3A_877 : memref<128xi32, #tpu.memory_space<vmem>>) semaphore(%arg10 : memref<!tpu.dma_semaphore, #tpu.memory_space<semaphore_mem>>)
    %dma_wait3A_881 = arith.constant 16 : i32
    %dma_wait3A_882 = arith.constant 0 : i32
    %dma_wait3A_883 = arith.constant 0 : i32
    %dma_wait3A_884 = arith.constant 0 : i32
    %dma_wait3A_885 = tpu.memref_slice %arg6[%dma_wait3A_882, %dma_wait3A_883, %dma_wait3A_884] : memref<4x128x16xf32, #tpu.memory_space<vmem>> -> memref<1x128x16xf32, #tpu.memory_space<vmem>>
    %dma_wait3A_886 = tpu.memref_squeeze %dma_wait3A_885 : memref<1x128x16xf32, #tpu.memory_space<vmem>> -> memref<128x16xf32, #tpu.memory_space<vmem>>
    %dma_wait3A_887 = arith.constant 0 : i32
    %dma_wait3A_888 = tpu.memref_slice %arg5[%dma_wait3A_881, %dma_wait3A_887] : memref<20x128xi32, #tpu.memory_space<vmem>> -> memref<1x128xi32, #tpu.memory_space<vmem>>
    %dma_wait3A_889 = tpu.memref_squeeze %dma_wait3A_888 : memref<1x128xi32, #tpu.memory_space<vmem>> -> memref<128xi32, #tpu.memory_space<vmem>>
    %dma_wait3A_890 = arith.constant 0 : i32
    %dma_wait3A_891 = arith.constant 0 : i32
    %dma_wait3A_892 = tpu.memref_slice %arg2[%dma_wait3A_890, %dma_wait3A_891] : memref<1600000x16xf32, #tpu.memory_space<hbm>> -> memref<1600000x16xf32, #tpu.memory_space<hbm>>
    tpu.wait_indirect_dma semaphore(%arg7 : memref<!tpu.dma_semaphore, #tpu.memory_space<semaphore_mem>>) src(%dma_wait3A_892 : memref<1600000x16xf32, #tpu.memory_space<hbm>>) dst(%dma_wait3A_886 : memref<128x16xf32, #tpu.memory_space<vmem>>)
    %add3A_893 = arith.constant 2048 : i32
    %add3A_894 = arith.addi %mul3A_2, %add3A_893 : i32
    %dma_start3A_895 = arith.constant 0 : i32
    %dma_start3A_896 = arith.constant 0 : i32
    %dma_start3A_897 = arith.constant 0 : i32
    %dma_start3A_898 = tpu.memref_slice %arg6[%dma_start3A_895, %dma_start3A_896, %dma_start3A_897] : memref<4x128x16xf32, #tpu.memory_space<vmem>> -> memref<1x128x16xf32, #tpu.memory_space<vmem>>
    %dma_start3A_899 = tpu.memref_squeeze %dma_start3A_898 : memref<1x128x16xf32, #tpu.memory_space<vmem>> -> memref<128x16xf32, #tpu.memory_space<vmem>>
    %dma_start3A_900 = arith.constant 0 : i32
    %dma_start3A_901 = tpu.memref_slice %arg4[%add3A_894, %dma_start3A_900] : memref<81920x16xf32, #tpu.memory_space<hbm>> -> memref<128x16xf32, #tpu.memory_space<hbm>>
    %dma_start3A_902 = arith.constant 0 : i32
    %dma_start3A_903 = tpu.memref_slice %arg4[%add3A_894, %dma_start3A_902] : memref<81920x16xf32, #tpu.memory_space<hbm>> -> memref<128x16xf32, #tpu.memory_space<hbm>>
    %dma_start3A_904 = arith.constant 0 : i32
    %dma_start3A_905 = arith.constant 0 : i32
    %dma_start3A_906 = tpu.memref_slice %arg6[%dma_start3A_895, %dma_start3A_904, %dma_start3A_905] : memref<4x128x16xf32, #tpu.memory_space<vmem>> -> memref<1x128x16xf32, #tpu.memory_space<vmem>>
    %dma_start3A_907 = tpu.memref_squeeze %dma_start3A_906 : memref<1x128x16xf32, #tpu.memory_space<vmem>> -> memref<128x16xf32, #tpu.memory_space<vmem>>
    tpu.enqueue_dma source(%dma_start3A_907 : memref<128x16xf32, #tpu.memory_space<vmem>>) target(%dma_start3A_903 : memref<128x16xf32, #tpu.memory_space<hbm>>) target_semaphore(%arg11 : memref<!tpu.dma_semaphore, #tpu.memory_space<semaphore_mem>>)
    %dma_wait3A_908 = arith.constant 17 : i32
    %dma_wait3A_909 = arith.constant 1 : i32
    %dma_wait3A_910 = arith.constant 0 : i32
    %dma_wait3A_911 = arith.constant 0 : i32
    %dma_wait3A_912 = tpu.memref_slice %arg6[%dma_wait3A_909, %dma_wait3A_910, %dma_wait3A_911] : memref<4x128x16xf32, #tpu.memory_space<vmem>> -> memref<1x128x16xf32, #tpu.memory_space<vmem>>
    %dma_wait3A_913 = tpu.memref_squeeze %dma_wait3A_912 : memref<1x128x16xf32, #tpu.memory_space<vmem>> -> memref<128x16xf32, #tpu.memory_space<vmem>>
    %dma_wait3A_914 = arith.constant 0 : i32
    %dma_wait3A_915 = tpu.memref_slice %arg5[%dma_wait3A_908, %dma_wait3A_914] : memref<20x128xi32, #tpu.memory_space<vmem>> -> memref<1x128xi32, #tpu.memory_space<vmem>>
    %dma_wait3A_916 = tpu.memref_squeeze %dma_wait3A_915 : memref<1x128xi32, #tpu.memory_space<vmem>> -> memref<128xi32, #tpu.memory_space<vmem>>
    %dma_wait3A_917 = arith.constant 0 : i32
    %dma_wait3A_918 = arith.constant 0 : i32
    %dma_wait3A_919 = tpu.memref_slice %arg2[%dma_wait3A_917, %dma_wait3A_918] : memref<1600000x16xf32, #tpu.memory_space<hbm>> -> memref<1600000x16xf32, #tpu.memory_space<hbm>>
    tpu.wait_indirect_dma semaphore(%arg8 : memref<!tpu.dma_semaphore, #tpu.memory_space<semaphore_mem>>) src(%dma_wait3A_919 : memref<1600000x16xf32, #tpu.memory_space<hbm>>) dst(%dma_wait3A_913 : memref<128x16xf32, #tpu.memory_space<vmem>>)
    %add3A_920 = arith.constant 2176 : i32
    %add3A_921 = arith.addi %mul3A_2, %add3A_920 : i32
    %dma_start3A_922 = arith.constant 1 : i32
    %dma_start3A_923 = arith.constant 0 : i32
    %dma_start3A_924 = arith.constant 0 : i32
    %dma_start3A_925 = tpu.memref_slice %arg6[%dma_start3A_922, %dma_start3A_923, %dma_start3A_924] : memref<4x128x16xf32, #tpu.memory_space<vmem>> -> memref<1x128x16xf32, #tpu.memory_space<vmem>>
    %dma_start3A_926 = tpu.memref_squeeze %dma_start3A_925 : memref<1x128x16xf32, #tpu.memory_space<vmem>> -> memref<128x16xf32, #tpu.memory_space<vmem>>
    %dma_start3A_927 = arith.constant 0 : i32
    %dma_start3A_928 = tpu.memref_slice %arg4[%add3A_921, %dma_start3A_927] : memref<81920x16xf32, #tpu.memory_space<hbm>> -> memref<128x16xf32, #tpu.memory_space<hbm>>
    %dma_start3A_929 = arith.constant 0 : i32
    %dma_start3A_930 = tpu.memref_slice %arg4[%add3A_921, %dma_start3A_929] : memref<81920x16xf32, #tpu.memory_space<hbm>> -> memref<128x16xf32, #tpu.memory_space<hbm>>
    %dma_start3A_931 = arith.constant 0 : i32
    %dma_start3A_932 = arith.constant 0 : i32
    %dma_start3A_933 = tpu.memref_slice %arg6[%dma_start3A_922, %dma_start3A_931, %dma_start3A_932] : memref<4x128x16xf32, #tpu.memory_space<vmem>> -> memref<1x128x16xf32, #tpu.memory_space<vmem>>
    %dma_start3A_934 = tpu.memref_squeeze %dma_start3A_933 : memref<1x128x16xf32, #tpu.memory_space<vmem>> -> memref<128x16xf32, #tpu.memory_space<vmem>>
    tpu.enqueue_dma source(%dma_start3A_934 : memref<128x16xf32, #tpu.memory_space<vmem>>) target(%dma_start3A_930 : memref<128x16xf32, #tpu.memory_space<hbm>>) target_semaphore(%arg12 : memref<!tpu.dma_semaphore, #tpu.memory_space<semaphore_mem>>)
    %dma_wait3A_935 = arith.constant 18 : i32
    %dma_wait3A_936 = arith.constant 2 : i32
    %dma_wait3A_937 = arith.constant 0 : i32
    %dma_wait3A_938 = arith.constant 0 : i32
    %dma_wait3A_939 = tpu.memref_slice %arg6[%dma_wait3A_936, %dma_wait3A_937, %dma_wait3A_938] : memref<4x128x16xf32, #tpu.memory_space<vmem>> -> memref<1x128x16xf32, #tpu.memory_space<vmem>>
    %dma_wait3A_940 = tpu.memref_squeeze %dma_wait3A_939 : memref<1x128x16xf32, #tpu.memory_space<vmem>> -> memref<128x16xf32, #tpu.memory_space<vmem>>
    %dma_wait3A_941 = arith.constant 0 : i32
    %dma_wait3A_942 = tpu.memref_slice %arg5[%dma_wait3A_935, %dma_wait3A_941] : memref<20x128xi32, #tpu.memory_space<vmem>> -> memref<1x128xi32, #tpu.memory_space<vmem>>
    %dma_wait3A_943 = tpu.memref_squeeze %dma_wait3A_942 : memref<1x128xi32, #tpu.memory_space<vmem>> -> memref<128xi32, #tpu.memory_space<vmem>>
    %dma_wait3A_944 = arith.constant 0 : i32
    %dma_wait3A_945 = arith.constant 0 : i32
    %dma_wait3A_946 = tpu.memref_slice %arg2[%dma_wait3A_944, %dma_wait3A_945] : memref<1600000x16xf32, #tpu.memory_space<hbm>> -> memref<1600000x16xf32, #tpu.memory_space<hbm>>
    tpu.wait_indirect_dma semaphore(%arg9 : memref<!tpu.dma_semaphore, #tpu.memory_space<semaphore_mem>>) src(%dma_wait3A_946 : memref<1600000x16xf32, #tpu.memory_space<hbm>>) dst(%dma_wait3A_940 : memref<128x16xf32, #tpu.memory_space<vmem>>)
    %add3A_947 = arith.constant 2304 : i32
    %add3A_948 = arith.addi %mul3A_2, %add3A_947 : i32
    %dma_start3A_949 = arith.constant 2 : i32
    %dma_start3A_950 = arith.constant 0 : i32
    %dma_start3A_951 = arith.constant 0 : i32
    %dma_start3A_952 = tpu.memref_slice %arg6[%dma_start3A_949, %dma_start3A_950, %dma_start3A_951] : memref<4x128x16xf32, #tpu.memory_space<vmem>> -> memref<1x128x16xf32, #tpu.memory_space<vmem>>
    %dma_start3A_953 = tpu.memref_squeeze %dma_start3A_952 : memref<1x128x16xf32, #tpu.memory_space<vmem>> -> memref<128x16xf32, #tpu.memory_space<vmem>>
    %dma_start3A_954 = arith.constant 0 : i32
    %dma_start3A_955 = tpu.memref_slice %arg4[%add3A_948, %dma_start3A_954] : memref<81920x16xf32, #tpu.memory_space<hbm>> -> memref<128x16xf32, #tpu.memory_space<hbm>>
    %dma_start3A_956 = arith.constant 0 : i32
    %dma_start3A_957 = tpu.memref_slice %arg4[%add3A_948, %dma_start3A_956] : memref<81920x16xf32, #tpu.memory_space<hbm>> -> memref<128x16xf32, #tpu.memory_space<hbm>>
    %dma_start3A_958 = arith.constant 0 : i32
    %dma_start3A_959 = arith.constant 0 : i32
    %dma_start3A_960 = tpu.memref_slice %arg6[%dma_start3A_949, %dma_start3A_958, %dma_start3A_959] : memref<4x128x16xf32, #tpu.memory_space<vmem>> -> memref<1x128x16xf32, #tpu.memory_space<vmem>>
    %dma_start3A_961 = tpu.memref_squeeze %dma_start3A_960 : memref<1x128x16xf32, #tpu.memory_space<vmem>> -> memref<128x16xf32, #tpu.memory_space<vmem>>
    tpu.enqueue_dma source(%dma_start3A_961 : memref<128x16xf32, #tpu.memory_space<vmem>>) target(%dma_start3A_957 : memref<128x16xf32, #tpu.memory_space<hbm>>) target_semaphore(%arg13 : memref<!tpu.dma_semaphore, #tpu.memory_space<semaphore_mem>>)
    %dma_wait3A_962 = arith.constant 19 : i32
    %dma_wait3A_963 = arith.constant 3 : i32
    %dma_wait3A_964 = arith.constant 0 : i32
    %dma_wait3A_965 = arith.constant 0 : i32
    %dma_wait3A_966 = tpu.memref_slice %arg6[%dma_wait3A_963, %dma_wait3A_964, %dma_wait3A_965] : memref<4x128x16xf32, #tpu.memory_space<vmem>> -> memref<1x128x16xf32, #tpu.memory_space<vmem>>
    %dma_wait3A_967 = tpu.memref_squeeze %dma_wait3A_966 : memref<1x128x16xf32, #tpu.memory_space<vmem>> -> memref<128x16xf32, #tpu.memory_space<vmem>>
    %dma_wait3A_968 = arith.constant 0 : i32
    %dma_wait3A_969 = tpu.memref_slice %arg5[%dma_wait3A_962, %dma_wait3A_968] : memref<20x128xi32, #tpu.memory_space<vmem>> -> memref<1x128xi32, #tpu.memory_space<vmem>>
    %dma_wait3A_970 = tpu.memref_squeeze %dma_wait3A_969 : memref<1x128xi32, #tpu.memory_space<vmem>> -> memref<128xi32, #tpu.memory_space<vmem>>
    %dma_wait3A_971 = arith.constant 0 : i32
    %dma_wait3A_972 = arith.constant 0 : i32
    %dma_wait3A_973 = tpu.memref_slice %arg2[%dma_wait3A_971, %dma_wait3A_972] : memref<1600000x16xf32, #tpu.memory_space<hbm>> -> memref<1600000x16xf32, #tpu.memory_space<hbm>>
    tpu.wait_indirect_dma semaphore(%arg10 : memref<!tpu.dma_semaphore, #tpu.memory_space<semaphore_mem>>) src(%dma_wait3A_973 : memref<1600000x16xf32, #tpu.memory_space<hbm>>) dst(%dma_wait3A_967 : memref<128x16xf32, #tpu.memory_space<vmem>>)
    %add3A_974 = arith.constant 2432 : i32
    %add3A_975 = arith.addi %mul3A_2, %add3A_974 : i32
    %dma_start3A_976 = arith.constant 3 : i32
    %dma_start3A_977 = arith.constant 0 : i32
    %dma_start3A_978 = arith.constant 0 : i32
    %dma_start3A_979 = tpu.memref_slice %arg6[%dma_start3A_976, %dma_start3A_977, %dma_start3A_978] : memref<4x128x16xf32, #tpu.memory_space<vmem>> -> memref<1x128x16xf32, #tpu.memory_space<vmem>>
    %dma_start3A_980 = tpu.memref_squeeze %dma_start3A_979 : memref<1x128x16xf32, #tpu.memory_space<vmem>> -> memref<128x16xf32, #tpu.memory_space<vmem>>
    %dma_start3A_981 = arith.constant 0 : i32
    %dma_start3A_982 = tpu.memref_slice %arg4[%add3A_975, %dma_start3A_981] : memref<81920x16xf32, #tpu.memory_space<hbm>> -> memref<128x16xf32, #tpu.memory_space<hbm>>
    %dma_start3A_983 = arith.constant 0 : i32
    %dma_start3A_984 = tpu.memref_slice %arg4[%add3A_975, %dma_start3A_983] : memref<81920x16xf32, #tpu.memory_space<hbm>> -> memref<128x16xf32, #tpu.memory_space<hbm>>
    %dma_start3A_985 = arith.constant 0 : i32
    %dma_start3A_986 = arith.constant 0 : i32
    %dma_start3A_987 = tpu.memref_slice %arg6[%dma_start3A_976, %dma_start3A_985, %dma_start3A_986] : memref<4x128x16xf32, #tpu.memory_space<vmem>> -> memref<1x128x16xf32, #tpu.memory_space<vmem>>
    %dma_start3A_988 = tpu.memref_squeeze %dma_start3A_987 : memref<1x128x16xf32, #tpu.memory_space<vmem>> -> memref<128x16xf32, #tpu.memory_space<vmem>>
    tpu.enqueue_dma source(%dma_start3A_988 : memref<128x16xf32, #tpu.memory_space<vmem>>) target(%dma_start3A_984 : memref<128x16xf32, #tpu.memory_space<hbm>>) target_semaphore(%arg14 : memref<!tpu.dma_semaphore, #tpu.memory_space<semaphore_mem>>)
    %dma_wait3A_989 = arith.constant 0 : i32
    %dma_wait3A_990 = arith.constant 0 : i32
    %dma_wait3A_991 = arith.constant 0 : i32
    %dma_wait3A_992 = tpu.memref_slice %arg6[%dma_wait3A_989, %dma_wait3A_990, %dma_wait3A_991] : memref<4x128x16xf32, #tpu.memory_space<vmem>> -> memref<1x128x16xf32, #tpu.memory_space<vmem>>
    %dma_wait3A_993 = tpu.memref_squeeze %dma_wait3A_992 : memref<1x128x16xf32, #tpu.memory_space<vmem>> -> memref<128x16xf32, #tpu.memory_space<vmem>>
    %dma_wait3A_994 = arith.constant 0 : i32
    %dma_wait3A_995 = tpu.memref_slice %arg4[%add3A_894, %dma_wait3A_994] : memref<81920x16xf32, #tpu.memory_space<hbm>> -> memref<128x16xf32, #tpu.memory_space<hbm>>
    %dma_wait3A_996 = arith.constant 0 : i32
    %dma_wait3A_997 = tpu.memref_slice %arg4[%add3A_894, %dma_wait3A_996] : memref<81920x16xf32, #tpu.memory_space<hbm>> -> memref<128x16xf32, #tpu.memory_space<hbm>>
    %dma_wait3A_998 = arith.constant 0 : i32
    %dma_wait3A_999 = arith.constant 0 : i32
    %dma_wait3A_1000 = tpu.memref_slice %arg6[%dma_wait3A_989, %dma_wait3A_998, %dma_wait3A_999] : memref<4x128x16xf32, #tpu.memory_space<vmem>> -> memref<1x128x16xf32, #tpu.memory_space<vmem>>
    %dma_wait3A_1001 = tpu.memref_squeeze %dma_wait3A_1000 : memref<1x128x16xf32, #tpu.memory_space<vmem>> -> memref<128x16xf32, #tpu.memory_space<vmem>>
    tpu.wait_dma2 semaphore(%arg11 : memref<!tpu.dma_semaphore, #tpu.memory_space<semaphore_mem>>) src(%dma_wait3A_1001 : memref<128x16xf32, #tpu.memory_space<vmem>>) dst(%dma_wait3A_997 : memref<128x16xf32, #tpu.memory_space<hbm>>)
    %dma_wait3A_1002 = arith.constant 1 : i32
    %dma_wait3A_1003 = arith.constant 0 : i32
    %dma_wait3A_1004 = arith.constant 0 : i32
    %dma_wait3A_1005 = tpu.memref_slice %arg6[%dma_wait3A_1002, %dma_wait3A_1003, %dma_wait3A_1004] : memref<4x128x16xf32, #tpu.memory_space<vmem>> -> memref<1x128x16xf32, #tpu.memory_space<vmem>>
    %dma_wait3A_1006 = tpu.memref_squeeze %dma_wait3A_1005 : memref<1x128x16xf32, #tpu.memory_space<vmem>> -> memref<128x16xf32, #tpu.memory_space<vmem>>
    %dma_wait3A_1007 = arith.constant 0 : i32
    %dma_wait3A_1008 = tpu.memref_slice %arg4[%add3A_921, %dma_wait3A_1007] : memref<81920x16xf32, #tpu.memory_space<hbm>> -> memref<128x16xf32, #tpu.memory_space<hbm>>
    %dma_wait3A_1009 = arith.constant 0 : i32
    %dma_wait3A_1010 = tpu.memref_slice %arg4[%add3A_921, %dma_wait3A_1009] : memref<81920x16xf32, #tpu.memory_space<hbm>> -> memref<128x16xf32, #tpu.memory_space<hbm>>
    %dma_wait3A_1011 = arith.constant 0 : i32
    %dma_wait3A_1012 = arith.constant 0 : i32
    %dma_wait3A_1013 = tpu.memref_slice %arg6[%dma_wait3A_1002, %dma_wait3A_1011, %dma_wait3A_1012] : memref<4x128x16xf32, #tpu.memory_space<vmem>> -> memref<1x128x16xf32, #tpu.memory_space<vmem>>
    %dma_wait3A_1014 = tpu.memref_squeeze %dma_wait3A_1013 : memref<1x128x16xf32, #tpu.memory_space<vmem>> -> memref<128x16xf32, #tpu.memory_space<vmem>>
    tpu.wait_dma2 semaphore(%arg12 : memref<!tpu.dma_semaphore, #tpu.memory_space<semaphore_mem>>) src(%dma_wait3A_1014 : memref<128x16xf32, #tpu.memory_space<vmem>>) dst(%dma_wait3A_1010 : memref<128x16xf32, #tpu.memory_space<hbm>>)
    %dma_wait3A_1015 = arith.constant 2 : i32
    %dma_wait3A_1016 = arith.constant 0 : i32
    %dma_wait3A_1017 = arith.constant 0 : i32
    %dma_wait3A_1018 = tpu.memref_slice %arg6[%dma_wait3A_1015, %dma_wait3A_1016, %dma_wait3A_1017] : memref<4x128x16xf32, #tpu.memory_space<vmem>> -> memref<1x128x16xf32, #tpu.memory_space<vmem>>
    %dma_wait3A_1019 = tpu.memref_squeeze %dma_wait3A_1018 : memref<1x128x16xf32, #tpu.memory_space<vmem>> -> memref<128x16xf32, #tpu.memory_space<vmem>>
    %dma_wait3A_1020 = arith.constant 0 : i32
    %dma_wait3A_1021 = tpu.memref_slice %arg4[%add3A_948, %dma_wait3A_1020] : memref<81920x16xf32, #tpu.memory_space<hbm>> -> memref<128x16xf32, #tpu.memory_space<hbm>>
    %dma_wait3A_1022 = arith.constant 0 : i32
    %dma_wait3A_1023 = tpu.memref_slice %arg4[%add3A_948, %dma_wait3A_1022] : memref<81920x16xf32, #tpu.memory_space<hbm>> -> memref<128x16xf32, #tpu.memory_space<hbm>>
    %dma_wait3A_1024 = arith.constant 0 : i32
    %dma_wait3A_1025 = arith.constant 0 : i32
    %dma_wait3A_1026 = tpu.memref_slice %arg6[%dma_wait3A_1015, %dma_wait3A_1024, %dma_wait3A_1025] : memref<4x128x16xf32, #tpu.memory_space<vmem>> -> memref<1x128x16xf32, #tpu.memory_space<vmem>>
    %dma_wait3A_1027 = tpu.memref_squeeze %dma_wait3A_1026 : memref<1x128x16xf32, #tpu.memory_space<vmem>> -> memref<128x16xf32, #tpu.memory_space<vmem>>
    tpu.wait_dma2 semaphore(%arg13 : memref<!tpu.dma_semaphore, #tpu.memory_space<semaphore_mem>>) src(%dma_wait3A_1027 : memref<128x16xf32, #tpu.memory_space<vmem>>) dst(%dma_wait3A_1023 : memref<128x16xf32, #tpu.memory_space<hbm>>)
    %dma_wait3A_1028 = arith.constant 3 : i32
    %dma_wait3A_1029 = arith.constant 0 : i32
    %dma_wait3A_1030 = arith.constant 0 : i32
    %dma_wait3A_1031 = tpu.memref_slice %arg6[%dma_wait3A_1028, %dma_wait3A_1029, %dma_wait3A_1030] : memref<4x128x16xf32, #tpu.memory_space<vmem>> -> memref<1x128x16xf32, #tpu.memory_space<vmem>>
    %dma_wait3A_1032 = tpu.memref_squeeze %dma_wait3A_1031 : memref<1x128x16xf32, #tpu.memory_space<vmem>> -> memref<128x16xf32, #tpu.memory_space<vmem>>
    %dma_wait3A_1033 = arith.constant 0 : i32
    %dma_wait3A_1034 = tpu.memref_slice %arg4[%add3A_975, %dma_wait3A_1033] : memref<81920x16xf32, #tpu.memory_space<hbm>> -> memref<128x16xf32, #tpu.memory_space<hbm>>
    %dma_wait3A_1035 = arith.constant 0 : i32
    %dma_wait3A_1036 = tpu.memref_slice %arg4[%add3A_975, %dma_wait3A_1035] : memref<81920x16xf32, #tpu.memory_space<hbm>> -> memref<128x16xf32, #tpu.memory_space<hbm>>
    %dma_wait3A_1037 = arith.constant 0 : i32
    %dma_wait3A_1038 = arith.constant 0 : i32
    %dma_wait3A_1039 = tpu.memref_slice %arg6[%dma_wait3A_1028, %dma_wait3A_1037, %dma_wait3A_1038] : memref<4x128x16xf32, #tpu.memory_space<vmem>> -> memref<1x128x16xf32, #tpu.memory_space<vmem>>
    %dma_wait3A_1040 = tpu.memref_squeeze %dma_wait3A_1039 : memref<1x128x16xf32, #tpu.memory_space<vmem>> -> memref<128x16xf32, #tpu.memory_space<vmem>>
    tpu.wait_dma2 semaphore(%arg14 : memref<!tpu.dma_semaphore, #tpu.memory_space<semaphore_mem>>) src(%dma_wait3A_1040 : memref<128x16xf32, #tpu.memory_space<vmem>>) dst(%dma_wait3A_1036 : memref<128x16xf32, #tpu.memory_space<hbm>>)
    return
  }
}

module attributes {stable_mosaic.version = 14 : i64} {
  func.func @_combine_body(%arg0: i32, %arg1: memref<5000x128xf32, #tpu.memory_space<vmem>>, %arg2: memref<5000x128xf32, #tpu.memory_space<vmem>>, %arg3: memref<5000x128xf32, #tpu.memory_space<vmem>>) attributes {dimension_semantics = [#tpu.dimension_semantics<arbitrary>], iteration_bounds = array<i64: 20>, scalar_prefetch = 0 : i64, scratch_operands = 0 : i64, tpu.core_type = #tpu.core_type<tc>, window_params = [{transform_indices = @transform_0, window_bounds = array<i64: 5000, 128>}, {transform_indices = @transform_1, window_bounds = array<i64: 5000, 128>}, {transform_indices = @transform_2, window_bounds = array<i64: 5000, 128>}]} {
    %get3A = arith.constant 0 : index
    %get3A_0 = arith.constant 0 : index
    %get3A_1 = vector.load %arg1[%get3A, %get3A_0] : memref<5000x128xf32, #tpu.memory_space<vmem>>, vector<5000x128xf32>
    %get3A_2 = arith.constant 0 : index
    %get3A_3 = arith.constant 0 : index
    %get3A_4 = vector.load %arg2[%get3A_2, %get3A_3] : memref<5000x128xf32, #tpu.memory_space<vmem>>, vector<5000x128xf32>
    %add3A = arith.addf %get3A_1, %get3A_4 : vector<5000x128xf32>
    %swap3A = arith.constant 0 : index
    %swap3A_5 = arith.constant 0 : index
    %swap3A_6 = vector.load %arg3[%swap3A, %swap3A_5] : memref<5000x128xf32, #tpu.memory_space<vmem>>, vector<5000x128xf32>
    tpu.vector_store %arg3[%swap3A, %swap3A_5], %add3A {strides = array<i32>} : memref<5000x128xf32, #tpu.memory_space<vmem>>, vector<5000x128xf32>,
    return
  }
  func.func @transform_0(%arg0: i32) -> (i32, i32) {
    %c0_i32 = arith.constant 0 : i32
    %c0_i32_0 = arith.constant 0 : i32
    return %arg0, %c0_i32 : i32, i32
  }
  func.func @transform_1(%arg0: i32) -> (i32, i32) {
    %c0_i32 = arith.constant 0 : i32
    %c0_i32_0 = arith.constant 0 : i32
    return %arg0, %c0_i32 : i32, i32
  }
  func.func @transform_2(%arg0: i32) -> (i32, i32) {
    %c0_i32 = arith.constant 0 : i32
    %c0_i32_0 = arith.constant 0 : i32
    return %arg0, %c0_i32 : i32, i32
  }
}

module attributes {stable_mosaic.version = 14 : i64} {
  func.func @_tc_body(%arg0: i32, %arg1: memref<5120x128xf32, #tpu.memory_space<vmem>>, %arg2: memref<5120x16xf32, #tpu.memory_space<vmem>>, %arg3: memref<5120x1xf32, #tpu.memory_space<vmem>>, %arg4: memref<256x5120xf32, #tpu.memory_space<vmem>>, %arg5: memref<1x1x5120xf32, #tpu.memory_space<vmem>>, %arg6: memref<256x128xf32, #tpu.memory_space<vmem>>, %arg7: memref<1x128xf32, #tpu.memory_space<vmem>>, %arg8: memref<1x128xf32, #tpu.memory_space<vmem>>, %arg9: memref<256x128xf32, #tpu.memory_space<vmem>>, %arg10: memref<272x128xf32, #tpu.memory_space<vmem>>, %arg11: memref<272x128xf32, #tpu.memory_space<vmem>>, %arg12: memref<256x128xf32, #tpu.memory_space<vmem>>, %arg13: memref<128x128xf32, #tpu.memory_space<vmem>>, %arg14: memref<256x128xf32, #tpu.memory_space<vmem>>) attributes {dimension_semantics = [#tpu.dimension_semantics<arbitrary>], iteration_bounds = array<i64: 16>, scalar_prefetch = 0 : i64, scratch_operands = 0 : i64, tpu.core_type = #tpu.core_type<tc>, window_params = [{transform_indices = @transform_0, window_bounds = array<i64: 5120, 128>}, {transform_indices = @transform_1, window_bounds = array<i64: 5120, 16>}, {transform_indices = @transform_2, window_bounds = array<i64: 5120, 1>}, {pipeline_mode = #tpu.pipeline_mode<synchronous>, transform_indices = @transform_3, window_bounds = array<i64: 256, 5120>}, {transform_indices = @transform_4, window_bounds = array<i64: 1, 1, 5120>}, {transform_indices = @transform_5, window_bounds = array<i64: 256, 128>}, {pipeline_mode = #tpu.pipeline_mode<synchronous>, transform_indices = @transform_6, window_bounds = array<i64: 1, 128>}, {pipeline_mode = #tpu.pipeline_mode<synchronous>, transform_indices = @transform_7, window_bounds = array<i64: 1, 128>}, {pipeline_mode = #tpu.pipeline_mode<synchronous>, transform_indices = @transform_8, window_bounds = array<i64: 256, 128>}, {pipeline_mode = #tpu.pipeline_mode<synchronous>, transform_indices = @transform_9, window_bounds = array<i64: 272, 128>}, {pipeline_mode = #tpu.pipeline_mode<synchronous>, transform_indices = @transform_10, window_bounds = array<i64: 272, 128>}, {pipeline_mode = #tpu.pipeline_mode<synchronous>, transform_indices = @transform_11, window_bounds = array<i64: 256, 128>}, {pipeline_mode = #tpu.pipeline_mode<synchronous>, transform_indices = @transform_12, window_bounds = array<i64: 128, 128>}, {transform_indices = @transform_13, window_bounds = array<i64: 256, 128>}]} {
    %get3A = arith.constant 0 : index
    %get3A_0 = arith.constant 0 : index
    %get3A_1 = vector.load %arg7[%get3A, %get3A_0] : memref<1x128xf32, #tpu.memory_space<vmem>>, vector<1x128xf32>
    %get3A_2 = arith.constant 0 : index
    %get3A_3 = arith.constant 0 : index
    %get3A_4 = vector.load %arg8[%get3A_2, %get3A_3] : memref<1x128xf32, #tpu.memory_space<vmem>>, vector<1x128xf32>
    %get3A_5 = arith.constant 0 : index
    %get3A_6 = arith.constant 0 : index
    %get3A_7 = vector.load %arg1[%get3A_5, %get3A_6] : memref<5120x128xf32, #tpu.memory_space<vmem>>, vector<5120x128xf32>
    %get3A_8 = arith.constant 0 : index
    %get3A_9 = arith.constant 0 : index
    %get3A_10 = vector.load %arg3[%get3A_8, %get3A_9] : memref<5120x1xf32, #tpu.memory_space<vmem>>, vector<5120x1xf32>
    %mul3A = vector.broadcast %get3A_10 : vector<5120x1xf32> to vector<5120x128xf32>
    %mul3A_11 = vector.broadcast %get3A_1 : vector<1x128xf32> to vector<5120x128xf32>
    %mul3A_12 = arith.mulf %mul3A, %mul3A_11 : vector<5120x128xf32>
    %add3A = vector.broadcast %get3A_4 : vector<1x128xf32> to vector<5120x128xf32>
    %add3A_13 = arith.addf %mul3A_12, %add3A : vector<5120x128xf32>
    %cos3A = math.cos %add3A_13 : vector<5120x128xf32>
    %get3A_14 = arith.constant 0 : index
    %get3A_15 = arith.constant 0 : index
    %get3A_16 = vector.load %arg2[%get3A_14, %get3A_15] : memref<5120x16xf32, #tpu.memory_space<vmem>>, vector<5120x16xf32>
    %get3A_17 = arith.constant 0 : index
    %get3A_18 = arith.constant 0 : index
    %get3A_19 = vector.load %arg10[%get3A_17, %get3A_18] : memref<272x128xf32, #tpu.memory_space<vmem>>, vector<272x128xf32>
    %get3A_20 = arith.constant 0 : index
    %get3A_21 = arith.constant 0 : index
    %get3A_22 = vector.load %arg11[%get3A_20, %get3A_21] : memref<272x128xf32, #tpu.memory_space<vmem>>, vector<272x128xf32>
    %slice3A = vector.extract_strided_slice %get3A_19 {offsets = [0, 0], sizes = [128, 128], strides = [1, 1]} : vector<272x128xf32> to vector<128x128xf32>
    %convert_element_type3A = arith.truncf %get3A_7 : vector<5120x128xf32> to vector<5120x128xbf16>
    %convert_element_type3A_23 = arith.truncf %slice3A : vector<128x128xf32> to vector<128x128xbf16>
    %dot_general3A = arith.constant dense<0.000000e+00> : vector<5120x128xf32>
    %dot_general3A_24 = tpu.matmul %convert_element_type3A, %convert_element_type3A_23, %dot_general3A {dimension_numbers = #tpu.dot_dimension_numbers<[1], [0], [0], [1], [0, 0, 1, 1], [], []>, transpose_lhs_hint = false} : vector<5120x128xbf16>, vector<128x128xbf16>, vector<5120x128xf32> -> vector<5120x128xf32>
    %slice3A_25 = vector.extract_strided_slice %get3A_19 {offsets = [128, 0], sizes = [128, 128], strides = [1, 1]} : vector<272x128xf32> to vector<128x128xf32>
    %convert_element_type3A_26 = arith.truncf %cos3A : vector<5120x128xf32> to vector<5120x128xbf16>
    %convert_element_type3A_27 = arith.truncf %slice3A_25 : vector<128x128xf32> to vector<128x128xbf16>
    %dot_general3A_28 = arith.constant dense<0.000000e+00> : vector<5120x128xf32>
    %dot_general3A_29 = tpu.matmul %convert_element_type3A_26, %convert_element_type3A_27, %dot_general3A_28 {dimension_numbers = #tpu.dot_dimension_numbers<[1], [0], [0], [1], [0, 0, 1, 1], [], []>, transpose_lhs_hint = false} : vector<5120x128xbf16>, vector<128x128xbf16>, vector<5120x128xf32> -> vector<5120x128xf32>
    %add3A_30 = arith.addf %dot_general3A_24, %dot_general3A_29 : vector<5120x128xf32>
    %slice3A_31 = vector.extract_strided_slice %get3A_19 {offsets = [256, 0], sizes = [16, 128], strides = [1, 1]} : vector<272x128xf32> to vector<16x128xf32>
    %convert_element_type3A_32 = arith.truncf %get3A_16 : vector<5120x16xf32> to vector<5120x16xbf16>
    %convert_element_type3A_33 = arith.truncf %slice3A_31 : vector<16x128xf32> to vector<16x128xbf16>
    %dot_general3A_34 = arith.constant dense<0.000000e+00> : vector<5120x128xf32>
    %dot_general3A_35 = tpu.matmul %convert_element_type3A_32, %convert_element_type3A_33, %dot_general3A_34 {dimension_numbers = #tpu.dot_dimension_numbers<[1], [0], [0], [1], [0, 0, 1, 1], [], []>, transpose_lhs_hint = false} : vector<5120x16xbf16>, vector<16x128xbf16>, vector<5120x128xf32> -> vector<5120x128xf32>
    %add3A_36 = arith.addf %add3A_30, %dot_general3A_35 : vector<5120x128xf32>
    %slice3A_37 = vector.extract_strided_slice %get3A_22 {offsets = [0, 0], sizes = [128, 128], strides = [1, 1]} : vector<272x128xf32> to vector<128x128xf32>
    %convert_element_type3A_38 = arith.truncf %get3A_7 : vector<5120x128xf32> to vector<5120x128xbf16>
    %convert_element_type3A_39 = arith.truncf %slice3A_37 : vector<128x128xf32> to vector<128x128xbf16>
    %dot_general3A_40 = arith.constant dense<0.000000e+00> : vector<5120x128xf32>
    %dot_general3A_41 = tpu.matmul %convert_element_type3A_38, %convert_element_type3A_39, %dot_general3A_40 {dimension_numbers = #tpu.dot_dimension_numbers<[1], [0], [0], [1], [0, 0, 1, 1], [], []>, transpose_lhs_hint = false} : vector<5120x128xbf16>, vector<128x128xbf16>, vector<5120x128xf32> -> vector<5120x128xf32>
    %slice3A_42 = vector.extract_strided_slice %get3A_22 {offsets = [128, 0], sizes = [128, 128], strides = [1, 1]} : vector<272x128xf32> to vector<128x128xf32>
    %convert_element_type3A_43 = arith.truncf %cos3A : vector<5120x128xf32> to vector<5120x128xbf16>
    %convert_element_type3A_44 = arith.truncf %slice3A_42 : vector<128x128xf32> to vector<128x128xbf16>
    %dot_general3A_45 = arith.constant dense<0.000000e+00> : vector<5120x128xf32>
    %dot_general3A_46 = tpu.matmul %convert_element_type3A_43, %convert_element_type3A_44, %dot_general3A_45 {dimension_numbers = #tpu.dot_dimension_numbers<[1], [0], [0], [1], [0, 0, 1, 1], [], []>, transpose_lhs_hint = false} : vector<5120x128xbf16>, vector<128x128xbf16>, vector<5120x128xf32> -> vector<5120x128xf32>
    %add3A_47 = arith.addf %dot_general3A_41, %dot_general3A_46 : vector<5120x128xf32>
    %slice3A_48 = vector.extract_strided_slice %get3A_22 {offsets = [256, 0], sizes = [16, 128], strides = [1, 1]} : vector<272x128xf32> to vector<16x128xf32>
    %convert_element_type3A_49 = arith.truncf %get3A_16 : vector<5120x16xf32> to vector<5120x16xbf16>
    %convert_element_type3A_50 = arith.truncf %slice3A_48 : vector<16x128xf32> to vector<16x128xbf16>
    %dot_general3A_51 = arith.constant dense<0.000000e+00> : vector<5120x128xf32>
    %dot_general3A_52 = tpu.matmul %convert_element_type3A_49, %convert_element_type3A_50, %dot_general3A_51 {dimension_numbers = #tpu.dot_dimension_numbers<[1], [0], [0], [1], [0, 0, 1, 1], [], []>, transpose_lhs_hint = false} : vector<5120x16xbf16>, vector<16x128xbf16>, vector<5120x128xf32> -> vector<5120x128xf32>
    %add3A_53 = arith.addf %add3A_47, %dot_general3A_52 : vector<5120x128xf32>
    %get3A_54 = arith.constant 0 : index
    %get3A_55 = arith.constant 0 : index
    %get3A_56 = vector.load %arg6[%get3A_54, %get3A_55] : memref<256x128xf32, #tpu.memory_space<vmem>>, vector<256x128xf32>
    %get3A_57 = arith.constant 0 : index
    %get3A_58 = arith.constant 0 : index
    %get3A_59 = vector.load %arg9[%get3A_57, %get3A_58] : memref<256x128xf32, #tpu.memory_space<vmem>>, vector<256x128xf32>
    %cos3A_60 = math.cos %get3A_4 : vector<1x128xf32>
    %slice3A_61 = vector.extract_strided_slice %get3A_59 {offsets = [0, 0], sizes = [128, 128], strides = [1, 1]} : vector<256x128xf32> to vector<128x128xf32>
    %convert_element_type3A_62 = arith.truncf %get3A_56 : vector<256x128xf32> to vector<256x128xbf16>
    %convert_element_type3A_63 = arith.truncf %slice3A_61 : vector<128x128xf32> to vector<128x128xbf16>
    %dot_general3A_64 = arith.constant dense<0.000000e+00> : vector<256x128xf32>
    %dot_general3A_65 = tpu.matmul %convert_element_type3A_62, %convert_element_type3A_63, %dot_general3A_64 {dimension_numbers = #tpu.dot_dimension_numbers<[1], [0], [0], [1], [0, 0, 1, 1], [], []>, transpose_lhs_hint = false} : vector<256x128xbf16>, vector<128x128xbf16>, vector<256x128xf32> -> vector<256x128xf32>
    %slice3A_66 = vector.extract_strided_slice %get3A_59 {offsets = [128, 0], sizes = [128, 128], strides = [1, 1]} : vector<256x128xf32> to vector<128x128xf32>
    %convert_element_type3A_67 = arith.truncf %cos3A_60 : vector<1x128xf32> to vector<1x128xbf16>
    %convert_element_type3A_68 = arith.truncf %slice3A_66 : vector<128x128xf32> to vector<128x128xbf16>
    %dot_general3A_69 = arith.constant dense<0.000000e+00> : vector<1x128xf32>
    %dot_general3A_70 = tpu.matmul %convert_element_type3A_67, %convert_element_type3A_68, %dot_general3A_69 {dimension_numbers = #tpu.dot_dimension_numbers<[1], [0], [0], [1], [0, 0, 1, 1], [], []>, transpose_lhs_hint = false} : vector<1x128xbf16>, vector<128x128xbf16>, vector<1x128xf32> -> vector<1x128xf32>
    %add3A_71 = vector.broadcast %dot_general3A_70 : vector<1x128xf32> to vector<256x128xf32>
    %add3A_72 = arith.addf %dot_general3A_65, %add3A_71 : vector<256x128xf32>
    %get3A_73 = arith.constant 0 : index
    %get3A_74 = arith.constant 0 : index
    %get3A_75 = vector.load %arg4[%get3A_73, %get3A_74] : memref<256x5120xf32, #tpu.memory_space<vmem>>, vector<256x5120xf32>
    %get3A_76 = arith.constant 0 : index
    %get3A_77 = arith.constant 0 : index
    %get3A_78 = arith.constant 0 : index
    %get3A_79 = vector.load %arg5[%get3A_76, %get3A_77, %get3A_78] : memref<1x1x5120xf32, #tpu.memory_space<vmem>>, vector<1x1x5120xf32>
    %get3A_80 = vector.shape_cast %get3A_79 : vector<1x1x5120xf32> to vector<1x5120xf32>
    %add3A_81 = vector.broadcast %get3A_80 : vector<1x5120xf32> to vector<256x5120xf32>
    %add3A_82 = arith.addf %get3A_75, %add3A_81 : vector<256x5120xf32>
    %sqrt3A = arith.constant 6.400000e+01 : f32
    %sqrt3A_83 = math.sqrt %sqrt3A : f32
    %div3A = arith.constant 1.000000e+00 : f32
    %div3A_84 = arith.divf %div3A, %sqrt3A_83 : f32
    %iota3A = tpu.iota {dimensions = array<i32: 1>} : vector<1x128xi32>
    %ge3A = arith.constant 0 : i32
    %ge3A_85 = vector.broadcast %ge3A : i32 to vector<1x128xi32>
    %ge3A_86 = arith.cmpi sge, %iota3A, %ge3A_85 : vector<1x128xi32>
    %lt3A = arith.constant 64 : i32
    %lt3A_87 = vector.broadcast %lt3A : i32 to vector<1x128xi32>
    %lt3A_88 = arith.cmpi slt, %iota3A, %lt3A_87 : vector<1x128xi32>
    %and3A = arith.andi %ge3A_86, %lt3A_88 : vector<1x128xi1>
    %convert_element_type3A_89 = arith.extui %and3A : vector<1x128xi1> to vector<1x128xi32>
    %convert_element_type3A_90 = arith.sitofp %convert_element_type3A_89 : vector<1x128xi32> to vector<1x128xf32>
    %mul3A_91 = vector.broadcast %convert_element_type3A_90 : vector<1x128xf32> to vector<256x128xf32>
    %mul3A_92 = arith.mulf %add3A_72, %mul3A_91 : vector<256x128xf32>
    %convert_element_type3A_93 = arith.truncf %mul3A_92 : vector<256x128xf32> to vector<256x128xbf16>
    %convert_element_type3A_94 = arith.truncf %add3A_36 : vector<5120x128xf32> to vector<5120x128xbf16>
    %dot_general3A_95 = arith.constant dense<0.000000e+00> : vector<256x5120xf32>
    %dot_general3A_96 = tpu.matmul %convert_element_type3A_93, %convert_element_type3A_94, %dot_general3A_95 {dimension_numbers = #tpu.dot_dimension_numbers<[1], [1], [0], [0], [0, 0, 1, 0], [], []>, transpose_lhs_hint = false} : vector<256x128xbf16>, vector<5120x128xbf16>, vector<256x5120xf32> -> vector<256x5120xf32>
    %mul3A_97 = vector.broadcast %div3A_84 : f32 to vector<256x5120xf32>
    %mul3A_98 = arith.mulf %dot_general3A_96, %mul3A_97 : vector<256x5120xf32>
    %add3A_99 = arith.addf %mul3A_98, %add3A_82 : vector<256x5120xf32>
    %reduce_max3A = arith.constant dense<0xFF800000> : vector<256xf32>
    %reduce_max3A_100 = vector.multi_reduction <maximumf>, %add3A_99, %reduce_max3A [1] : vector<256x5120xf32> to vector<256xf32>
    %broadcast_in_dim3A = vector.shape_cast %reduce_max3A_100 : vector<256xf32> to vector<256x1xf32>
    %sub3A = vector.broadcast %broadcast_in_dim3A : vector<256x1xf32> to vector<256x5120xf32>
    %sub3A_101 = arith.subf %add3A_99, %sub3A : vector<256x5120xf32>
    %exp3A = math.exp %sub3A_101 : vector<256x5120xf32>
    %reduce_sum3A = arith.constant dense<0.000000e+00> : vector<256xf32>
    %reduce_sum3A_102 = vector.multi_reduction <add>, %exp3A, %reduce_sum3A [1] : vector<256x5120xf32> to vector<256xf32>
    %broadcast_in_dim3A_103 = vector.shape_cast %reduce_sum3A_102 : vector<256xf32> to vector<256x1xf32>
    %div3A_104 = vector.broadcast %broadcast_in_dim3A_103 : vector<256x1xf32> to vector<256x5120xf32>
    %div3A_105 = arith.divf %exp3A, %div3A_104 : vector<256x5120xf32>
    %convert_element_type3A_106 = arith.truncf %div3A_105 : vector<256x5120xf32> to vector<256x5120xbf16>
    %convert_element_type3A_107 = arith.truncf %add3A_53 : vector<5120x128xf32> to vector<5120x128xbf16>
    %dot_general3A_108 = arith.constant dense<0.000000e+00> : vector<256x128xf32>
    %dot_general3A_109 = tpu.matmul %convert_element_type3A_106, %convert_element_type3A_107, %dot_general3A_108 {dimension_numbers = #tpu.dot_dimension_numbers<[1], [0], [0], [1], [0, 0, 1, 1], [], []>, transpose_lhs_hint = false} : vector<256x5120xbf16>, vector<5120x128xbf16>, vector<256x128xf32> -> vector<256x128xf32>
    %slice3A_110 = vector.extract_strided_slice %dot_general3A_109 {offsets = [0, 0], sizes = [256, 64], strides = [1, 1]} : vector<256x128xf32> to vector<256x64xf32>
    %ge3A_111 = arith.constant 64 : i32
    %ge3A_112 = vector.broadcast %ge3A_111 : i32 to vector<1x128xi32>
    %ge3A_113 = arith.cmpi sge, %iota3A, %ge3A_112 : vector<1x128xi32>
    %lt3A_114 = arith.constant 128 : i32
    %lt3A_115 = vector.broadcast %lt3A_114 : i32 to vector<1x128xi32>
    %lt3A_116 = arith.cmpi slt, %iota3A, %lt3A_115 : vector<1x128xi32>
    %and3A_117 = arith.andi %ge3A_113, %lt3A_116 : vector<1x128xi1>
    %convert_element_type3A_118 = arith.extui %and3A_117 : vector<1x128xi1> to vector<1x128xi32>
    %convert_element_type3A_119 = arith.sitofp %convert_element_type3A_118 : vector<1x128xi32> to vector<1x128xf32>
    %mul3A_120 = vector.broadcast %convert_element_type3A_119 : vector<1x128xf32> to vector<256x128xf32>
    %mul3A_121 = arith.mulf %add3A_72, %mul3A_120 : vector<256x128xf32>
    %convert_element_type3A_122 = arith.truncf %mul3A_121 : vector<256x128xf32> to vector<256x128xbf16>
    %convert_element_type3A_123 = arith.truncf %add3A_36 : vector<5120x128xf32> to vector<5120x128xbf16>
    %dot_general3A_124 = arith.constant dense<0.000000e+00> : vector<256x5120xf32>
    %dot_general3A_125 = tpu.matmul %convert_element_type3A_122, %convert_element_type3A_123, %dot_general3A_124 {dimension_numbers = #tpu.dot_dimension_numbers<[1], [1], [0], [0], [0, 0, 1, 0], [], []>, transpose_lhs_hint = false} : vector<256x128xbf16>, vector<5120x128xbf16>, vector<256x5120xf32> -> vector<256x5120xf32>
    %mul3A_126 = vector.broadcast %div3A_84 : f32 to vector<256x5120xf32>
    %mul3A_127 = arith.mulf %dot_general3A_125, %mul3A_126 : vector<256x5120xf32>
    %add3A_128 = arith.addf %mul3A_127, %add3A_82 : vector<256x5120xf32>
    %reduce_max3A_129 = arith.constant dense<0xFF800000> : vector<256xf32>
    %reduce_max3A_130 = vector.multi_reduction <maximumf>, %add3A_128, %reduce_max3A_129 [1] : vector<256x5120xf32> to vector<256xf32>
    %broadcast_in_dim3A_131 = vector.shape_cast %reduce_max3A_130 : vector<256xf32> to vector<256x1xf32>
    %sub3A_132 = vector.broadcast %broadcast_in_dim3A_131 : vector<256x1xf32> to vector<256x5120xf32>
    %sub3A_133 = arith.subf %add3A_128, %sub3A_132 : vector<256x5120xf32>
    %exp3A_134 = math.exp %sub3A_133 : vector<256x5120xf32>
    %reduce_sum3A_135 = arith.constant dense<0.000000e+00> : vector<256xf32>
    %reduce_sum3A_136 = vector.multi_reduction <add>, %exp3A_134, %reduce_sum3A_135 [1] : vector<256x5120xf32> to vector<256xf32>
    %broadcast_in_dim3A_137 = vector.shape_cast %reduce_sum3A_136 : vector<256xf32> to vector<256x1xf32>
    %div3A_138 = vector.broadcast %broadcast_in_dim3A_137 : vector<256x1xf32> to vector<256x5120xf32>
    %div3A_139 = arith.divf %exp3A_134, %div3A_138 : vector<256x5120xf32>
    %convert_element_type3A_140 = arith.truncf %div3A_139 : vector<256x5120xf32> to vector<256x5120xbf16>
    %convert_element_type3A_141 = arith.truncf %add3A_53 : vector<5120x128xf32> to vector<5120x128xbf16>
    %dot_general3A_142 = arith.constant dense<0.000000e+00> : vector<256x128xf32>
    %dot_general3A_143 = tpu.matmul %convert_element_type3A_140, %convert_element_type3A_141, %dot_general3A_142 {dimension_numbers = #tpu.dot_dimension_numbers<[1], [0], [0], [1], [0, 0, 1, 1], [], []>, transpose_lhs_hint = false} : vector<256x5120xbf16>, vector<5120x128xbf16>, vector<256x128xf32> -> vector<256x128xf32>
    %slice3A_144 = vector.extract_strided_slice %dot_general3A_143 {offsets = [0, 64], sizes = [256, 64], strides = [1, 1]} : vector<256x128xf32> to vector<256x64xf32>
    %concatenate3A = tpu.concatenate %slice3A_110, %slice3A_144 in 1 : vector<256x64xf32>, vector<256x64xf32> -> vector<256x128xf32>
    %get3A_145 = arith.constant 0 : index
    %get3A_146 = arith.constant 0 : index
    %get3A_147 = vector.load %arg12[%get3A_145, %get3A_146] : memref<256x128xf32, #tpu.memory_space<vmem>>, vector<256x128xf32>
    %slice3A_148 = vector.extract_strided_slice %get3A_147 {offsets = [0, 0], sizes = [128, 128], strides = [1, 1]} : vector<256x128xf32> to vector<128x128xf32>
    %convert_element_type3A_149 = arith.truncf %concatenate3A : vector<256x128xf32> to vector<256x128xbf16>
    %convert_element_type3A_150 = arith.truncf %slice3A_148 : vector<128x128xf32> to vector<128x128xbf16>
    %dot_general3A_151 = arith.constant dense<0.000000e+00> : vector<256x128xf32>
    %dot_general3A_152 = tpu.matmul %convert_element_type3A_149, %convert_element_type3A_150, %dot_general3A_151 {dimension_numbers = #tpu.dot_dimension_numbers<[1], [0], [0], [1], [0, 0, 1, 1], [], []>, transpose_lhs_hint = false} : vector<256x128xbf16>, vector<128x128xbf16>, vector<256x128xf32> -> vector<256x128xf32>
    %slice3A_153 = vector.extract_strided_slice %get3A_147 {offsets = [128, 0], sizes = [128, 128], strides = [1, 1]} : vector<256x128xf32> to vector<128x128xf32>
    %convert_element_type3A_154 = arith.truncf %get3A_56 : vector<256x128xf32> to vector<256x128xbf16>
    %convert_element_type3A_155 = arith.truncf %slice3A_153 : vector<128x128xf32> to vector<128x128xbf16>
    %dot_general3A_156 = arith.constant dense<0.000000e+00> : vector<256x128xf32>
    %dot_general3A_157 = tpu.matmul %convert_element_type3A_154, %convert_element_type3A_155, %dot_general3A_156 {dimension_numbers = #tpu.dot_dimension_numbers<[1], [0], [0], [1], [0, 0, 1, 1], [], []>, transpose_lhs_hint = false} : vector<256x128xbf16>, vector<128x128xbf16>, vector<256x128xf32> -> vector<256x128xf32>
    %add3A_158 = arith.addf %dot_general3A_152, %dot_general3A_157 : vector<256x128xf32>
    %max3A = arith.constant 0.000000e+00 : f32
    %max3A_159 = vector.broadcast %max3A : f32 to vector<256x128xf32>
    %max3A_160 = arith.maximumf %add3A_158, %max3A_159 : vector<256x128xf32>
    %get3A_161 = arith.constant 0 : index
    %get3A_162 = arith.constant 0 : index
    %get3A_163 = vector.load %arg13[%get3A_161, %get3A_162] : memref<128x128xf32, #tpu.memory_space<vmem>>, vector<128x128xf32>
    %convert_element_type3A_164 = arith.truncf %max3A_160 : vector<256x128xf32> to vector<256x128xbf16>
    %convert_element_type3A_165 = arith.truncf %get3A_163 : vector<128x128xf32> to vector<128x128xbf16>
    %dot_general3A_166 = arith.constant dense<0.000000e+00> : vector<256x128xf32>
    %dot_general3A_167 = tpu.matmul %convert_element_type3A_164, %convert_element_type3A_165, %dot_general3A_166 {dimension_numbers = #tpu.dot_dimension_numbers<[1], [0], [0], [1], [0, 0, 1, 1], [], []>, transpose_lhs_hint = false} : vector<256x128xbf16>, vector<128x128xbf16>, vector<256x128xf32> -> vector<256x128xf32>
    %swap3A = arith.constant 0 : index
    %swap3A_168 = arith.constant 0 : index
    %swap3A_169 = vector.load %arg14[%swap3A, %swap3A_168] : memref<256x128xf32, #tpu.memory_space<vmem>>, vector<256x128xf32>
    tpu.vector_store %arg14[%swap3A, %swap3A_168], %dot_general3A_167 {strides = array<i32>} : memref<256x128xf32, #tpu.memory_space<vmem>>, vector<256x128xf32>,
    return
  }
  func.func @transform_0(%arg0: i32) -> (i32, i32) {
    %c0_i32 = arith.constant 0 : i32
    %c0_i32_0 = arith.constant 0 : i32
    return %arg0, %c0_i32 : i32, i32
  }
  func.func @transform_1(%arg0: i32) -> (i32, i32) {
    %c0_i32 = arith.constant 0 : i32
    %c0_i32_0 = arith.constant 0 : i32
    return %arg0, %c0_i32 : i32, i32
  }
  func.func @transform_2(%arg0: i32) -> (i32, i32) {
    %c0_i32 = arith.constant 0 : i32
    %c0_i32_0 = arith.constant 0 : i32
    return %arg0, %c0_i32 : i32, i32
  }
  func.func @transform_3(%arg0: i32) -> (i32, i32) {
    %c0_i32 = arith.constant 0 : i32
    %c0_i32_0 = arith.constant 0 : i32
    %c0_i32_1 = arith.constant 0 : i32
    return %c0_i32, %c0_i32_0 : i32, i32
  }
  func.func @transform_4(%arg0: i32) -> (i32, i32, i32) {
    %c0_i32 = arith.constant 0 : i32
    %c0_i32_0 = arith.constant 0 : i32
    %c0_i32_1 = arith.constant 0 : i32
    return %arg0, %c0_i32, %c0_i32_0 : i32, i32, i32
  }
  func.func @transform_5(%arg0: i32) -> (i32, i32) {
    %c0_i32 = arith.constant 0 : i32
    %c0_i32_0 = arith.constant 0 : i32
    return %arg0, %c0_i32 : i32, i32
  }
  func.func @transform_6(%arg0: i32) -> (i32, i32) {
    %c0_i32 = arith.constant 0 : i32
    %c0_i32_0 = arith.constant 0 : i32
    %c0_i32_1 = arith.constant 0 : i32
    return %c0_i32, %c0_i32_0 : i32, i32
  }
  func.func @transform_7(%arg0: i32) -> (i32, i32) {
    %c0_i32 = arith.constant 0 : i32
    %c0_i32_0 = arith.constant 0 : i32
    %c0_i32_1 = arith.constant 0 : i32
    return %c0_i32, %c0_i32_0 : i32, i32
  }
  func.func @transform_8(%arg0: i32) -> (i32, i32) {
    %c0_i32 = arith.constant 0 : i32
    %c0_i32_0 = arith.constant 0 : i32
    %c0_i32_1 = arith.constant 0 : i32
    return %c0_i32, %c0_i32_0 : i32, i32
  }
  func.func @transform_9(%arg0: i32) -> (i32, i32) {
    %c0_i32 = arith.constant 0 : i32
    %c0_i32_0 = arith.constant 0 : i32
    %c0_i32_1 = arith.constant 0 : i32
    return %c0_i32, %c0_i32_0 : i32, i32
  }
  func.func @transform_10(%arg0: i32) -> (i32, i32) {
    %c0_i32 = arith.constant 0 : i32
    %c0_i32_0 = arith.constant 0 : i32
    %c0_i32_1 = arith.constant 0 : i32
    return %c0_i32, %c0_i32_0 : i32, i32
  }
  func.func @transform_11(%arg0: i32) -> (i32, i32) {
    %c0_i32 = arith.constant 0 : i32
    %c0_i32_0 = arith.constant 0 : i32
    %c0_i32_1 = arith.constant 0 : i32
    return %c0_i32, %c0_i32_0 : i32, i32
  }
  func.func @transform_12(%arg0: i32) -> (i32, i32) {
    %c0_i32 = arith.constant 0 : i32
    %c0_i32_0 = arith.constant 0 : i32
    %c0_i32_1 = arith.constant 0 : i32
    return %c0_i32, %c0_i32_0 : i32, i32
  }
  func.func @transform_13(%arg0: i32) -> (i32, i32) {
    %c0_i32 = arith.constant 0 : i32
    %c0_i32_0 = arith.constant 0 : i32
    return %arg0, %c0_i32 : i32, i32
  }
}

</mosaic_0001>

<sc_bundles>
// kernel: kernel.6.cloned.1.call-start
scs
__scs_entry_jumppad:
0x0: {  	(pc) =	sbr.rel $0x88, $3  }
0x1: {  	(tag) =	ssettag $0x0;
	lr =	simm.s32 $0x1  }
0x2: {  	[smem:$0x3F92] =	sst lr;
	_ =	strace $0xD0000000  }
0x3: {  	_ = 	snop  }
0x4: {  	_ = 	snop  }
0x5: {  	_ = 	snop  }
0x6: {  	_ = 	snop  }
0x7: {  	_ = 	snop  }
__scs_overlays_trampoline_lowered:
0x8: {  	[smem:$0x3FA1] =	sst s0  }
0x9: {  	[smem:$0x3FA2] =	sst s1  }
0xa: {  	[smem:$0x3FA3] =	sst s2  }
0xb: {  	[smem:$0x3FA4] =	sst s3  }
0xc: {  	[smem:$0x3FA5] =	sst s4  }
0xd: {  	[smem:$0x3FA6] =	sst s5  }
0xe: {  	[smem:$0x3FA7] =	sst s6  }
0xf: {  	[smem:$0x3FA8] =	sst s7  }
0x10: {  	[smem:$0x3FA9] =	sst s8  }
0x11: {  	[smem:$0x3FAA] =	sst s9;
	s0 =	simm.s32 @!p0 $0x0  }
0x12: {  	s1 =	sld [smem:$0x3F90];
	s0 =	simm.s32 @p0 $0x1  }
0x13: {  	[smem:$0x3FAB] =	sst s0;
	s0 =	simm.s32 @!p1 $0x0  }
0x14: {  	s2 =	sld [smem:$0x3F8F];
	s0 =	simm.s32 @p1 $0x1  }
0x15: {  	[smem:$0x3FAC] =	sst s0;
	s0 =	simm.s32 @!p2 $0x0  }
0x16: {  	s3 =	sld [smem:$0x3FDB];
	s0 =	simm.s32 @p2 $0x1  }
0x17: {  	s4 =	simm.s32 $0x1BF5;
	[smem:$0x3FAE] =	sst s0  }
0x18: {  	s0 =	sld [smem:$0x3F91];
	_ =	swait.ge [sflag:s4], $0x0  }
0x19: {  	s7 =	sld [smem:$0x3F92]  }
0x1a: {  	s8 =	sadd.s32 $0xFFFFE003, lr  }
0x1b: {  	s9 =	sadd.s32 $0xFFFFFEF7, lr;
	s5 =	simm.s32 $0xFFFFFFFF;
	p2 =	slt.u32 s8, $0xFFFFF086  }
0x1c: {  	p1 =	slt.u32 s9, $0xF7A;
	s5 =	simm.s32 @!p2 $0x0  }
0x1d: {  	s5 =	simm.s32 @p1 $0x1;
	p0 =	seq.s32 s7, s2  }
0x1e: {  	s7 =	smul.u32 @!p0 $0xF7A, s2;
	p2 =	seq.s32 @!p0 s5, $0x0  }
0x1f: {  	s9 =	smul.u32 $0xF7A, s1;
	s8 =	simm.s32 @!p0 $0x1BF5;
	p2 =	por !p2, p0  }
0x20: {  	[sflag:s8] =	ssyncset.s32 @!p0 $0xFFFFF086;
	s6 =	sadd.s32 @!p0 s3, s7;
	s7 =	simm.s32 @!p0 $0x108  }
0x21: {  	s3 =	sadd.s32 s3, s9;
	s6 =	sadd.s32 @!p0 $0x88, s6;
	s7 =	simm.s32 @p2 $0x1082  }
0x22: {  	[simem:s7], [sflag:s8] =	dma.local @!p0 [hbm:s6], $0xF7A  }
0x23: {  	s9 =	sor.u32 $0xD0000000, s2;
	s6 =	simm.s32 $0x108;
	_ =	swait.ge @!p0 [sflag:s8], $0x0  }
0x24: {  	s3 =	sadd.s32 $0x88, s3;
	s6 =	simm.s32 @!p1 $0x1082;
	[sflag:s4] =	ssyncset.s32 $0xFFFFF086  }
0x25: {  	[simem:s6], [sflag:s4] =	dma.local [hbm:s3], $0xF7A  }
0x26: {  	[smem:$0x3F92] =	sst s1;
	(tag) =	ssettag s2;
	_ =	strace s9  }
0x27: {  	s1 =	sld [smem:$0x3FA2]  }
0x28: {  	s2 =	sld [smem:$0x3FA3]  }
0x29: {  	s4 =	sld [smem:$0x3FA5]  }
0x2a: {  	p0 =	seq.s32 s5, $0x0;
	s5 =	sld [smem:$0x3FA6]  }
0x2b: {  	s6 =	sld [smem:$0x3FA7]  }
0x2c: {  	s7 =	sld [smem:$0x3FA8]  }
0x2d: {  	s3 =	simm.s32 $0x108;
	s8 =	sld [smem:$0x3FA9]  }
0x2e: {  	s3 =	simm.s32 @!p0 $0x1082;
	s9 =	sld [smem:$0x3FAA]  }
0x2f: {  	lr =	sadd.s32 s0, s3;
	s0 =	sld [smem:$0x3FA1]  }
0x30: {  	s3 =	sld [smem:$0x3FA4]  }
0x31: {  	[smem:$0x3FAD] =	sst s10  }
0x32: {  	s10 =	sld [smem:$0x3FAB];
	_ =	sdelay $0x3  }
0x33: {  	p0 =	seq.s32 s10, $0x1;
	s10 =	sld [smem:$0x3FAD];
	_ =	sdelay $0x3  }
0x34: {  	[smem:$0x3FAD] =	sst s10  }
0x35: {  	s10 =	sld [smem:$0x3FAC];
	_ =	sdelay $0x3  }
0x36: {  	p1 =	seq.s32 s10, $0x1;
	s10 =	sld [smem:$0x3FAD];
	_ =	sdelay $0x3  }
0x37: {  	[smem:$0x3FAD] =	sst s10  }
0x38: {  	s10 =	sld [smem:$0x3FAE]  }
0x39: {  	_ = 	snop;
	(pc) =	sbr.ind lr, $3  }
0x3a: {  	_ = 	snop  }
0x3b: {  	_ = 	snop  }
0x3c: {  	p2 =	seq.s32 s10, $0x1;
	s10 =	sld [smem:$0x3FAD]  }
0x3d: {  	_ =	shalt  }
0x3e: {  	_ =	shalt  }
0x3f: {  	_ =	shalt  }
0x40: {  	_ =	shalt  }
0x41: {  	_ =	shalt  }
0x42: {  	_ =	shalt  }
0x43: {  	_ =	shalt  }
0x44: {  	_ =	shalt  }
0x45: {  	_ =	shalt  }
0x46: {  	_ =	shalt  }
0x47: {  	_ =	shalt  }
0x48: {  	_ =	shalt  }
0x49: {  	_ =	shalt  }
0x4a: {  	_ =	shalt  }
0x4b: {  	_ =	shalt  }
0x4c: {  	_ =	shalt  }
0x4d: {  	_ =	shalt  }
0x4e: {  	_ =	shalt  }
0x4f: {  	_ =	shalt  }
0x50: {  	_ =	shalt  }
0x51: {  	_ =	shalt  }
0x52: {  	_ =	shalt  }
0x53: {  	_ =	shalt  }
0x54: {  	_ =	shalt  }
0x55: {  	_ =	shalt  }
0x56: {  	_ =	shalt  }
0x57: {  	_ =	shalt  }
0x58: {  	_ =	shalt  }
0x59: {  	_ =	shalt  }
0x5a: {  	_ =	shalt  }
0x5b: {  	_ =	shalt  }
0x5c: {  	_ =	shalt  }
0x5d: {  	_ =	shalt  }
0x5e: {  	_ =	shalt  }
0x5f: {  	_ =	shalt  }
0x60: {  	_ =	shalt  }
0x61: {  	_ =	shalt  }
0x62: {  	_ =	shalt  }
0x63: {  	_ =	shalt  }
0x64: {  	_ =	shalt  }
0x65: {  	_ =	shalt  }
0x66: {  	_ =	shalt  }
0x67: {  	_ =	shalt  }
0x68: {  	_ =	shalt  }
0x69: {  	_ =	shalt  }
0x6a: {  	_ =	shalt  }
0x6b: {  	_ =	shalt  }
0x6c: {  	_ =	shalt  }
0x6d: {  	_ =	shalt  }
0x6e: {  	_ =	shalt  }
0x6f: {  	_ =	shalt  }
0x70: {  	_ =	shalt  }
0x71: {  	_ =	shalt  }
0x72: {  	_ =	shalt  }
0x73: {  	_ =	shalt  }
0x74: {  	_ =	shalt  }
0x75: {  	_ =	shalt  }
0x76: {  	_ =	shalt  }
0x77: {  	_ =	shalt  }
0x78: {  	_ =	shalt  }
0x79: {  	_ =	shalt  }
0x7a: {  	_ =	shalt  }
0x7b: {  	_ =	shalt  }
0x7c: {  	_ =	shalt  }
0x7d: {  	_ =	shalt  }
0x7e: {  	_ =	shalt  }
0x7f: {  	_ =	shalt  }
0x80: {  	_ =	shalt  }
0x81: {  	_ =	shalt  }
0x82: {  	_ =	shalt  }
0x83: {  	_ =	shalt  }
0x84: {  	_ =	shalt  }
0x85: {  	_ =	shalt  }
0x86: {  	_ =	shalt  }
0x87: {  	_ =	shalt  }
.Lfunc_end0:
.L_simem_size_0:
called_computation_lowered:
.L_overlay_start_0:
0x88: {  	s2 =	sld [smem:$0x3FD9]  }
0x89: {  	s3 =	sld [smem:$0x3FFE];
	_ =	sdelay $0x1  }
0x8a: {  	s1 =	srdreg.scid  }
0x8b: {  	s0 =	sand.u32 $0x1, s1  }
0x8c: {  	s16 =	sshll.u32 s0, $0xA;
	s2 =	sadd.s32 s3, s2  }
0x8d: {  	s2 =	sadd.s32 s2, s16  }
0x8e: {  	[smem:$0x3FB9] =	sst s2  }
0x8f: {  	_ = 	snop  }
0x90: {  	(tm) =	ssettm $0x1  }
0x91: {  	s17 =	sld [smem:$0x3FFB];
	_ =	sdelay $0x3  }
0x92: {  	_ =	strace s17  }
0x93: {  	s2 =	sld [smem:$0x3FFC];
	_ =	sdelay $0x3  }
0x94: {  	_ =	strace s2  }
0x95: {  	s2 =	sld [smem:$0x3FFD];
	_ =	sdelay $0x3  }
0x96: {  	_ =	strace s2  }
0x97: {  	_ =	strace $0x8FFFFFFF  }
0x98: {  	s18 =	sld [smem:$0x3FDB];
	_ =	sdelay $0x1  }
0x99: {  	s19 =	simm.s32 $_scs_section_size  }
0x9a: {  	s4 =	simm.s32 $_size__tile_overlayer_lowered;
	s5 =	simm.s32 $_tile_overlayer_lowered  }
0x9b: {  	s22 =	simm.s32 $0x1BFF;
	s21 =	sshll.u32 s5, $0x1;
	s2 =	sadd.s32 s19, s18  }
0x9c: {  	s6 =	simm.s32 $0x0;
	s20 =	sshll.u32 s4, $0x1;
	s4 =	sadd.s32 s21, s2  }
0x9d: {  	[timem:s6], [sflag:s22] =	dma.local [hbm:s4], s20  }
0x9e: {  	_ =	swait.ge [sflag:s22], s20  }
0x9f: {  	s3 =	ssub.s32 $0x0, s20;
	[sflag:s22] =	ssyncset.done $0x0  }
0xa0: {  	[sflag:s22] =	ssyncadd.s32 s3;
	_ =	sdelay $0x1  }
0xa1: {  	s23 =	simm.s32 $0x1B8B  }
0xa2: {  	_ =	swait.ge [sflag:s23], $0x1  }
0xa3: {  	[sflag:s23] =	ssyncset.done $0x0  }
0xa4: {  	s25 =	simm.s32 $0x1B8E;
	s24 =	sld [smem:$0x3FFE];
	[sflag:s23] =	ssyncadd.s32 $0xFFFFFFFF  }
0xa5: {  	s26 =	simm.s32 $execute0_lowered;
	[smem:$0x3FD2] =	sst s25  }
0xa6: {  	s4 =	sshll.u32 s26, $0x1;
	_ =	strace $0x80000046;
	[dreg:$0x1] =	wrdreg $0xFFFFFFFF  }
0xa7: {  	s28 =	simm.s32 $_size_execute0_lowered;
	s2 =	sadd.s32 s2, s4;
	[dreg:$0x0] =	wrdreg $0x0  }
0xa8: {  	s4 =	sshll.u32 s28, $0x1;
	[dreg:$0x2] =	wrdreg s2  }
0xa9: {  	[dreg:$0x3] =	wrdreg s4  }
0xaa: {  	[dreg:$0x4] =	wrdreg $0xC0  }
0xab: {  	_ =	task [dreg:s6], $0x5FFFF  }
0xac: {  	[dreg:$0x1] =	wrdreg $0xFFFFFFFF  }
0xad: {  	[dreg:$0x0] =	wrdreg $0x60  }
0xae: {  	[dreg:$0x2] =	wrdreg s24  }
0xaf: {  	[dreg:$0x3] =	wrdreg $0x9  }
0xb0: {  	_ =	task.clear_ibuf [dreg:s6], $0x4FFFF;
	_ =	strace $0x90000046  }
0xb1: {  	s29 =	simm.s32 $0x9;
	_ =	strace $0x80000048  }
0xb2: {  	_ =	swait.ge [sflag:s29], $0x1  }
0xb3: {  	[sflag:s29] =	ssyncadd.s32 $0xFFFFFFFF  }
0xb4: {  	_ =	strace $0x90000048  }
0xb5: {  	_ =	sfence  }
0xb6: {  	s30 =	sld [smem:$0x0];
	_ =	sdelay $0x2  }
0xb7: {  	s31 =	sshll.u32 s1, $0xD;
	s1 =	sshrl.u32 s1, $0x2  }
0xb8: {  	s3 =	sand.u32 $0x4000, s31;
	s1 =	sadd.s32 s1, s30  }
0xb9: {  	s0 =	sor.u32 s3, s0;
	s1 =	sshll.u32 s1, $0x11  }
0xba: {  	s0 =	sor.u32 s1, s0  }
0xbb: {  	s0 =	sadd.s32 $0x8F2B, s0  }
0xbc: {  	[sflag:s0] =	ssyncadd.remote.s32 $0x1  }
0xbd: {  	_ =	sfence.sel $0xFFFF  }
0xbe: {  	[dreg:$0x0] =	wrdreg $0xFFFFFFFF;
	(pc) =	sbr.abs _section_cstart, $3  }
0xbf: {  	[dreg:$0x1] =	wrdreg $0xFFFFFFFF  }
0xc0: {  	_ =	task.clear_ibuf [dreg:s6], $0x2FFFF;
	_ =	strace $0x9FFFFFFF  }
0xc1: {  	(tm) =	ssettm $0x7FFFFFFF  }
tec
execute0_lowered:
.L_overlay_start_1:
0x0: {  	(tag) =	ssettag $0x1  }
0x1: {  	s0 =	srdreg.scid  }
0x2: {  	s0 =	sand.u32 $0x1, s0  }
0x3: {  	s17 =	stileid.u32;
	s1 =	sshll.u32 s0, $0x4  }
0x4: {  	s3 =	rddreg [dreg:$0x0];
	s1 =	sor.u32 s17, s1  }
0x5: {  	s2 =	simm.s32 $0x0;
	s20 =	simm.s32 $0x100;
	s4 =	smul.u32 $0x140, s1  }
0x6: {  	[smem:$0x7FF] =	sst s2;
	s6 =	sadd.s32 $0x4E00, s3;
	s5 =	smul.u32 $0x1400, s1  }
0x7: {  	_ =	strace $0x80000047;
	[dreg:$0x16] =	wrdreg s20;
	s4 =	sadd.s32 s4, s3  }
0x8: {  	s1 =	smul.u32 $0xA000, s1;
	s25 =	sadd.s32 s6, s5;
	s4 =	sadd.s32 $0x2600, s4  }
0x9: {  	s21 =	sadd.s32 $0x100, s25;
	[dreg:$0x2] =	wrdreg s4  }
0xa: {  	s1 =	sshrl.u32 s1, $0x3;
	s22 =	sadd.s32 $0x200, s25;
	[dreg:$0x3] =	wrdreg s21  }
0xb: {  	s23 =	sadd.s32 $0x300, s25;
	s1 =	sadd.s32 s6, s1;
	[dreg:$0x4] =	wrdreg s22  }
0xc: {  	s31 =	simm.s32 $0x9;
	[dreg:$0x5] =	wrdreg s23;
	s24 =	sadd.s32 $0x400, s1  }
0xd: {  	s30 =	simm.s32 $0x480;
	s26 =	sadd.s32 $0x500, s1;
	[dreg:$0x6] =	wrdreg s24  }
0xe: {  	s29 =	simm.s32 $0x500;
	s5 =	sadd.s32 $0x600, s1;
	[dreg:$0x7] =	wrdreg s26  }
0xf: {  	s28 =	simm.s32 $0x580;
	s6 =	sadd.s32 $0x700, s1;
	[dreg:$0x8] =	wrdreg s5  }
0x10: {  	p0 =	por $0x0, $0x0;
	s7 =	sadd.s32 $0x800, s1;
	[dreg:$0x9] =	wrdreg s6  }
0x11: {  	s0 =	ssub.s32 $0x2, s0;
	s8 =	sadd.s32 $0x900, s1;
	[dreg:$0xa] =	wrdreg s7  }
0x12: {  	s20 =	simm.s32 $0x880;
	s9 =	sadd.s32 $0xA00, s1;
	[dreg:$0xb] =	wrdreg s8  }
0x13: {  	s18 =	sshrl.u32 s0, $0x1;
	s10 =	sadd.s32 $0xB00, s1;
	[dreg:$0xc] =	wrdreg s9  }
0x14: {  	s0 =	ssub.s32 s0, s18;
	s11 =	sadd.s32 $0xC00, s1;
	[dreg:$0xd] =	wrdreg s10  }
0x15: {  	s18 =	simm.s32 $0x980;
	s12 =	sadd.s32 $0xD00, s1;
	[dreg:$0xe] =	wrdreg s11  }
0x16: {  	s0 =	smax.u32 s0, $0x1;
	s13 =	sadd.s32 $0xE00, s1;
	[dreg:$0xf] =	wrdreg s12  }
0x17: {  	p1 =	sne.s32 s0, $0x1;
	s14 =	sadd.s32 $0xF00, s1;
	[dreg:$0x10] =	wrdreg s13  }
0x18: {  	s15 =	sadd.s32 $0x1000, s1;
	s16 =	sadd.s32 $0x1100, s1;
	[dreg:$0x11] =	wrdreg s14  }
0x19: {  	s19 =	sadd.s32 $0x1200, s1;
	s1 =	sadd.s32 $0x1300, s1;
	[dreg:$0x12] =	wrdreg s15  }
0x1a: {  	s21 =	simm.s32 $0x180;
	s22 =	simm.s32 $0x200;
	[dreg:$0x13] =	wrdreg s16  }
0x1b: {  	s4 =	simm.s32 $0x5;
	s23 =	simm.s32 $0x280;
	[dreg:$0x14] =	wrdreg s19  }
0x1c: {  	s10 =	sadd.s32 $0x186C600, s3;
	[dreg:$0x15] =	wrdreg s1;
	s12 =	simm.s32 $0x80  }
0x1d: {  	s11 =	simm.s32 $0xA00;
	s9 =	simm.s32 $0x1200;
	s7 =	simm.s32 $0x1A00  }
0x1e: {  	[dreg:$0x17] =	wrdreg s21;
	s3 =	simm.s32 $0x2200;
	s15 =	simm.s32 $0x1  }
0x1f: {  	[dreg:$0x18] =	wrdreg s22;
	s16 =	simm.s32 $0x2;
	s5 =	simm.s32 $0x6  }
0x20: {  	[dreg:$0x19] =	wrdreg s23;
	s14 =	simm.s32 $0x3;
	s6 =	simm.s32 $0x7  }
.Ltmp0:
0x21: {  	s24 =	simm.s32 $0x300;
	s13 =	simm.s32 $0x4;
	(pc) =	sbr.rel @!p1 .LBB2_1-.Ltmp0, $4  }
0x22: {  	s26 =	simm.s32 $0x380;
	s8 =	simm.s32 $0x8;
	s1 =	sadd.s32 $0xFFFFFFFF, s0  }
0x23: {  	s23 =	simm.s32 $0x700;
	s22 =	simm.s32 $0x780;
	s0 =	rddreg [dreg:$0x2]  }
0x24: {  	s21 =	simm.s32 $0x800;
	s19 =	simm.s32 $0x900;
	[dreg:$0x1a] =	wrdreg s24  }
0x25: {  	[dreg:$0x1b] =	wrdreg s26;
	s26 =	simm.s32 $0x600;
	s24 =	simm.s32 $0x680  }
0x26: {  	[tilespmem:s2], [sflag:$0x9] =	stream.linear.gather [hbm4b:s0+s2], $0xA00, $0x38;
	[tilespmem:$0x2A00] =	vst v63  }
0x27: {  	_ =	swait.ge [sflag:s31], $0xA00  }
0x28: {  	[sflag:s31] =	ssyncset.done $0x0  }
0x29: {  	[sflag:s31] =	ssyncadd.s32 $0xFFFFF600  }
0x2a: {  	[tilespmem:s11], [sflag:$0x1] =	stream.indirect.gather [hbm4b:s10+s12], $0x10, s2, s12, $0xb8;
	[tilespmem:$0x2A00] =	vst v63  }
0x2b: {  	_ = 	snop  }
0x2c: {  	[tilespmem:s9], [sflag:$0x2] =	stream.indirect.gather [hbm4b:s10+s12], $0x10, s12, s12, $0xb8;
	[tilespmem:$0x2A00] =	vst v63  }
0x2d: {  	s0 =	rddreg [dreg:$0x16]  }
0x2e: {  	[tilespmem:s7], [sflag:$0x3] =	stream.indirect.gather [hbm4b:s10+s12], $0x10, s0, s12, $0xb8;
	[tilespmem:$0x2A00] =	vst v63  }
0x2f: {  	s17 =	smov.u32 s1;
	s1 =	rddreg [dreg:$0x17]  }
0x30: {  	[tilespmem:s3], [sflag:$0x4] =	stream.indirect.gather [hbm4b:s10+s12], $0x10, s1, s12, $0xb8;
	[tilespmem:$0x2A00] =	vst v63  }
0x31: {  	_ =	swait.ge [sflag:s15], $0x800  }
0x32: {  	[sflag:s15] =	ssyncset.done $0x0  }
0x33: {  	[sflag:s15] =	ssyncadd.s32 $0xFFFFF800  }
0x34: {  	[hbm4b:s25+s2] =	stream.linear.scatter [tilespmem:s11], [sflag:$0x5], $0x800, $0x38;
	[tilespmem:$0x2A00] =	vst v63  }
0x35: {  	_ =	swait.ge [sflag:s4], $0x800  }
0x36: {  	[sflag:s4] =	ssyncset.done $0x0  }
0x37: {  	s1 =	rddreg [dreg:$0x18];
	[sflag:s4] =	ssyncadd.s32 $0xFFFFF800  }
0x38: {  	[tilespmem:s11], [sflag:$0x1] =	stream.indirect.gather [hbm4b:s10+s12], $0x10, s1, s12, $0xb8;
	[tilespmem:$0x2A00] =	vst v63  }
0x39: {  	_ =	swait.ge [sflag:s16], $0x800  }
0x3a: {  	[sflag:s16] =	ssyncset.done $0x0  }
0x3b: {  	s1 =	rddreg [dreg:$0x3];
	[sflag:s16] =	ssyncadd.s32 $0xFFFFF800  }
0x3c: {  	[hbm4b:s1+s2] =	stream.linear.scatter [tilespmem:s9], [sflag:$0x6], $0x800, $0x38;
	[tilespmem:$0x2A00] =	vst v63  }
0x3d: {  	_ =	swait.ge [sflag:s5], $0x800  }
0x3e: {  	[sflag:s5] =	ssyncset.done $0x0  }
0x3f: {  	s1 =	rddreg [dreg:$0x19];
	[sflag:s5] =	ssyncadd.s32 $0xFFFFF800  }
0x40: {  	[tilespmem:s9], [sflag:$0x2] =	stream.indirect.gather [hbm4b:s10+s12], $0x10, s1, s12, $0xb8;
	[tilespmem:$0x2A00] =	vst v63  }
0x41: {  	_ =	swait.ge [sflag:s14], $0x800  }
0x42: {  	[sflag:s14] =	ssyncset.done $0x0  }
0x43: {  	s1 =	rddreg [dreg:$0x4];
	[sflag:s14] =	ssyncadd.s32 $0xFFFFF800  }
0x44: {  	[hbm4b:s1+s2] =	stream.linear.scatter [tilespmem:s7], [sflag:$0x7], $0x800, $0x38;
	[tilespmem:$0x2A00] =	vst v63  }
0x45: {  	_ =	swait.ge [sflag:s6], $0x800  }
0x46: {  	[sflag:s6] =	ssyncset.done $0x0  }
0x47: {  	s1 =	rddreg [dreg:$0x1a];
	[sflag:s6] =	ssyncadd.s32 $0xFFFFF800  }
0x48: {  	[tilespmem:s7], [sflag:$0x3] =	stream.indirect.gather [hbm4b:s10+s12], $0x10, s1, s12, $0xb8;
	[tilespmem:$0x2A00] =	vst v63  }
0x49: {  	_ =	swait.ge [sflag:s13], $0x800  }
0x4a: {  	[sflag:s13] =	ssyncset.done $0x0  }
0x4b: {  	s1 =	rddreg [dreg:$0x5];
	[sflag:s13] =	ssyncadd.s32 $0xFFFFF800  }
0x4c: {  	[hbm4b:s1+s2] =	stream.linear.scatter [tilespmem:s3], [sflag:$0x8], $0x800, $0x38;
	[tilespmem:$0x2A00] =	vst v63  }
0x4d: {  	_ =	swait.ge [sflag:s8], $0x800  }
0x4e: {  	[sflag:s8] =	ssyncset.done $0x0  }
0x4f: {  	s1 =	rddreg [dreg:$0x1b];
	[sflag:s8] =	ssyncadd.s32 $0xFFFFF800  }
0x50: {  	[tilespmem:s3], [sflag:$0x4] =	stream.indirect.gather [hbm4b:s10+s12], $0x10, s1, s12, $0xb8;
	[tilespmem:$0x2A00] =	vst v63  }
0x51: {  	_ =	swait.ge [sflag:s15], $0x800  }
0x52: {  	[sflag:s15] =	ssyncset.done $0x0  }
0x53: {  	s1 =	rddreg [dreg:$0x6];
	[sflag:s15] =	ssyncadd.s32 $0xFFFFF800  }
0x54: {  	[hbm4b:s1+s2] =	stream.linear.scatter [tilespmem:s11], [sflag:$0x5], $0x800, $0x38;
	[tilespmem:$0x2A00] =	vst v63  }
0x55: {  	_ =	swait.ge [sflag:s4], $0x800  }
0x56: {  	[sflag:s4] =	ssyncset.done $0x0  }
0x57: {  	s1 =	simm.s32 $0x400;
	[sflag:s4] =	ssyncadd.s32 $0xFFFFF800  }
0x58: {  	[tilespmem:s11], [sflag:$0x1] =	stream.indirect.gather [hbm4b:s10+s12], $0x10, s1, s12, $0xb8;
	[tilespmem:$0x2A00] =	vst v63  }
0x59: {  	_ =	swait.ge [sflag:s16], $0x800  }
0x5a: {  	[sflag:s16] =	ssyncset.done $0x0  }
0x5b: {  	s1 =	rddreg [dreg:$0x7];
	[sflag:s16] =	ssyncadd.s32 $0xFFFFF800  }
0x5c: {  	[hbm4b:s1+s2] =	stream.linear.scatter [tilespmem:s9], [sflag:$0x6], $0x800, $0x38;
	[tilespmem:$0x2A00] =	vst v63  }
0x5d: {  	_ =	swait.ge [sflag:s5], $0x800  }
0x5e: {  	[sflag:s5] =	ssyncset.done $0x0  }
0x5f: {  	[sflag:s5] =	ssyncadd.s32 $0xFFFFF800  }
0x60: {  	[tilespmem:s9], [sflag:$0x2] =	stream.indirect.gather [hbm4b:s10+s12], $0x10, s30, s12, $0xb8;
	[tilespmem:$0x2A00] =	vst v63  }
0x61: {  	_ =	swait.ge [sflag:s14], $0x800  }
0x62: {  	[sflag:s14] =	ssyncset.done $0x0  }
0x63: {  	s1 =	rddreg [dreg:$0x8];
	[sflag:s14] =	ssyncadd.s32 $0xFFFFF800  }
0x64: {  	[hbm4b:s1+s2] =	stream.linear.scatter [tilespmem:s7], [sflag:$0x7], $0x800, $0x38;
	[tilespmem:$0x2A00] =	vst v63  }
0x65: {  	_ =	swait.ge [sflag:s6], $0x800  }
0x66: {  	[sflag:s6] =	ssyncset.done $0x0  }
0x67: {  	[sflag:s6] =	ssyncadd.s32 $0xFFFFF800  }
0x68: {  	[tilespmem:s7], [sflag:$0x3] =	stream.indirect.gather [hbm4b:s10+s12], $0x10, s29, s12, $0xb8;
	[tilespmem:$0x2A00] =	vst v63  }
0x69: {  	_ =	swait.ge [sflag:s13], $0x800  }
0x6a: {  	[sflag:s13] =	ssyncset.done $0x0  }
0x6b: {  	s1 =	rddreg [dreg:$0x9];
	[sflag:s13] =	ssyncadd.s32 $0xFFFFF800  }
0x6c: {  	[hbm4b:s1+s2] =	stream.linear.scatter [tilespmem:s3], [sflag:$0x8], $0x800, $0x38;
	[tilespmem:$0x2A00] =	vst v63  }
0x6d: {  	_ =	swait.ge [sflag:s8], $0x800  }
0x6e: {  	[sflag:s8] =	ssyncset.done $0x0  }
0x6f: {  	[sflag:s8] =	ssyncadd.s32 $0xFFFFF800  }
0x70: {  	[tilespmem:s3], [sflag:$0x4] =	stream.indirect.gather [hbm4b:s10+s12], $0x10, s28, s12, $0xb8;
	[tilespmem:$0x2A00] =	vst v63  }
0x71: {  	_ =	swait.ge [sflag:s15], $0x800  }
0x72: {  	[sflag:s15] =	ssyncset.done $0x0  }
0x73: {  	s1 =	rddreg [dreg:$0xa];
	[sflag:s15] =	ssyncadd.s32 $0xFFFFF800  }
0x74: {  	[hbm4b:s1+s2] =	stream.linear.scatter [tilespmem:s11], [sflag:$0x5], $0x800, $0x38;
	[tilespmem:$0x2A00] =	vst v63  }
0x75: {  	_ =	swait.ge [sflag:s4], $0x800  }
0x76: {  	[sflag:s4] =	ssyncset.done $0x0  }
0x77: {  	[sflag:s4] =	ssyncadd.s32 $0xFFFFF800  }
0x78: {  	[tilespmem:s11], [sflag:$0x1] =	stream.indirect.gather [hbm4b:s10+s12], $0x10, s26, s12, $0xb8;
	[tilespmem:$0x2A00] =	vst v63  }
0x79: {  	_ =	swait.ge [sflag:s16], $0x800  }
0x7a: {  	[sflag:s16] =	ssyncset.done $0x0  }
0x7b: {  	s1 =	rddreg [dreg:$0xb];
	[sflag:s16] =	ssyncadd.s32 $0xFFFFF800  }
0x7c: {  	[hbm4b:s1+s2] =	stream.linear.scatter [tilespmem:s9], [sflag:$0x6], $0x800, $0x38;
	[tilespmem:$0x2A00] =	vst v63  }
0x7d: {  	_ =	swait.ge [sflag:s5], $0x800  }
0x7e: {  	[sflag:s5] =	ssyncset.done $0x0  }
0x7f: {  	[sflag:s5] =	ssyncadd.s32 $0xFFFFF800  }
0x80: {  	[tilespmem:s9], [sflag:$0x2] =	stream.indirect.gather [hbm4b:s10+s12], $0x10, s24, s12, $0xb8;
	[tilespmem:$0x2A00] =	vst v63  }
0x81: {  	_ =	swait.ge [sflag:s14], $0x800  }
0x82: {  	[sflag:s14] =	ssyncset.done $0x0  }
0x83: {  	s1 =	rddreg [dreg:$0xc];
	[sflag:s14] =	ssyncadd.s32 $0xFFFFF800  }
0x84: {  	[hbm4b:s1+s2] =	stream.linear.scatter [tilespmem:s7], [sflag:$0x7], $0x800, $0x38;
	[tilespmem:$0x2A00] =	vst v63  }
0x85: {  	_ =	swait.ge [sflag:s6], $0x800  }
0x86: {  	[sflag:s6] =	ssyncset.done $0x0  }
0x87: {  	[sflag:s6] =	ssyncadd.s32 $0xFFFFF800  }
0x88: {  	[tilespmem:s7], [sflag:$0x3] =	stream.indirect.gather [hbm4b:s10+s12], $0x10, s23, s12, $0xb8;
	[tilespmem:$0x2A00] =	vst v63  }
0x89: {  	_ =	swait.ge [sflag:s13], $0x800  }
0x8a: {  	[sflag:s13] =	ssyncset.done $0x0  }
0x8b: {  	s1 =	rddreg [dreg:$0xd];
	[sflag:s13] =	ssyncadd.s32 $0xFFFFF800  }
0x8c: {  	[hbm4b:s1+s2] =	stream.linear.scatter [tilespmem:s3], [sflag:$0x8], $0x800, $0x38;
	[tilespmem:$0x2A00] =	vst v63  }
0x8d: {  	_ =	swait.ge [sflag:s8], $0x800  }
0x8e: {  	[sflag:s8] =	ssyncset.done $0x0  }
0x8f: {  	[sflag:s8] =	ssyncadd.s32 $0xFFFFF800  }
0x90: {  	[tilespmem:s3], [sflag:$0x4] =	stream.indirect.gather [hbm4b:s10+s12], $0x10, s22, s12, $0xb8;
	[tilespmem:$0x2A00] =	vst v63  }
0x91: {  	_ =	swait.ge [sflag:s15], $0x800  }
0x92: {  	[sflag:s15] =	ssyncset.done $0x0  }
0x93: {  	s1 =	rddreg [dreg:$0xe];
	[sflag:s15] =	ssyncadd.s32 $0xFFFFF800  }
0x94: {  	[hbm4b:s1+s2] =	stream.linear.scatter [tilespmem:s11], [sflag:$0x5], $0x800, $0x38;
	[tilespmem:$0x2A00] =	vst v63  }
0x95: {  	_ =	swait.ge [sflag:s4], $0x800  }
0x96: {  	[sflag:s4] =	ssyncset.done $0x0  }
0x97: {  	[sflag:s4] =	ssyncadd.s32 $0xFFFFF800  }
0x98: {  	[tilespmem:s11], [sflag:$0x1] =	stream.indirect.gather [hbm4b:s10+s12], $0x10, s21, s12, $0xb8;
	[tilespmem:$0x2A00] =	vst v63  }
0x99: {  	_ =	swait.ge [sflag:s16], $0x800  }
0x9a: {  	[sflag:s16] =	ssyncset.done $0x0  }
0x9b: {  	s1 =	rddreg [dreg:$0xf];
	[sflag:s16] =	ssyncadd.s32 $0xFFFFF800  }
0x9c: {  	[hbm4b:s1+s2] =	stream.linear.scatter [tilespmem:s9], [sflag:$0x6], $0x800, $0x38;
	[tilespmem:$0x2A00] =	vst v63  }
0x9d: {  	_ =	swait.ge [sflag:s5], $0x800  }
0x9e: {  	[sflag:s5] =	ssyncset.done $0x0  }
0x9f: {  	[sflag:s5] =	ssyncadd.s32 $0xFFFFF800  }
0xa0: {  	[tilespmem:s9], [sflag:$0x2] =	stream.indirect.gather [hbm4b:s10+s12], $0x10, s20, s12, $0xb8;
	[tilespmem:$0x2A00] =	vst v63  }
0xa1: {  	_ =	swait.ge [sflag:s14], $0x800  }
0xa2: {  	[sflag:s14] =	ssyncset.done $0x0  }
0xa3: {  	s1 =	rddreg [dreg:$0x10];
	[sflag:s14] =	ssyncadd.s32 $0xFFFFF800  }
0xa4: {  	[hbm4b:s1+s2] =	stream.linear.scatter [tilespmem:s7], [sflag:$0x7], $0x800, $0x38;
	[tilespmem:$0x2A00] =	vst v63  }
0xa5: {  	_ =	swait.ge [sflag:s6], $0x800  }
0xa6: {  	[sflag:s6] =	ssyncset.done $0x0  }
0xa7: {  	[sflag:s6] =	ssyncadd.s32 $0xFFFFF800  }
0xa8: {  	[tilespmem:s7], [sflag:$0x3] =	stream.indirect.gather [hbm4b:s10+s12], $0x10, s19, s12, $0xb8;
	[tilespmem:$0x2A00] =	vst v63  }
0xa9: {  	_ =	swait.ge [sflag:s13], $0x800  }
0xaa: {  	[sflag:s13] =	ssyncset.done $0x0  }
0xab: {  	s1 =	rddreg [dreg:$0x11];
	[sflag:s13] =	ssyncadd.s32 $0xFFFFF800  }
0xac: {  	[hbm4b:s1+s2] =	stream.linear.scatter [tilespmem:s3], [sflag:$0x8], $0x800, $0x38;
	[tilespmem:$0x2A00] =	vst v63  }
0xad: {  	_ =	swait.ge [sflag:s8], $0x800  }
0xae: {  	[sflag:s8] =	ssyncset.done $0x0  }
0xaf: {  	[sflag:s8] =	ssyncadd.s32 $0xFFFFF800  }
0xb0: {  	[tilespmem:s3], [sflag:$0x4] =	stream.indirect.gather [hbm4b:s10+s12], $0x10, s18, s12, $0xb8;
	[tilespmem:$0x2A00] =	vst v63  }
0xb1: {  	_ =	swait.ge [sflag:s15], $0x800  }
0xb2: {  	[sflag:s15] =	ssyncset.done $0x0  }
0xb3: {  	s1 =	rddreg [dreg:$0x12];
	[sflag:s15] =	ssyncadd.s32 $0xFFFFF800  }
0xb4: {  	[hbm4b:s1+s2] =	stream.linear.scatter [tilespmem:s11], [sflag:$0x5], $0x800, $0x38;
	[tilespmem:$0x2A00] =	vst v63  }
0xb5: {  	_ =	swait.ge [sflag:s16], $0x800  }
0xb6: {  	[sflag:s16] =	ssyncset.done $0x0  }
0xb7: {  	s1 =	rddreg [dreg:$0x13];
	[sflag:s16] =	ssyncadd.s32 $0xFFFFF800  }
0xb8: {  	[hbm4b:s1+s2] =	stream.linear.scatter [tilespmem:s9], [sflag:$0x6], $0x800, $0x38;
	[tilespmem:$0x2A00] =	vst v63  }
0xb9: {  	_ =	swait.ge [sflag:s14], $0x800  }
0xba: {  	[sflag:s14] =	ssyncset.done $0x0  }
0xbb: {  	s1 =	rddreg [dreg:$0x14];
	[sflag:s14] =	ssyncadd.s32 $0xFFFFF800  }
0xbc: {  	[hbm4b:s1+s2] =	stream.linear.scatter [tilespmem:s7], [sflag:$0x7], $0x800, $0x38;
	[tilespmem:$0x2A00] =	vst v63  }
0xbd: {  	_ =	swait.ge [sflag:s13], $0x800  }
0xbe: {  	[sflag:s13] =	ssyncset.done $0x0  }
0xbf: {  	s1 =	rddreg [dreg:$0x15];
	[sflag:s13] =	ssyncadd.s32 $0xFFFFF800  }
0xc0: {  	[hbm4b:s1+s2] =	stream.linear.scatter [tilespmem:s3], [sflag:$0x8], $0x800, $0x38;
	[tilespmem:$0x2A00] =	vst v63  }
0xc1: {  	_ =	swait.ge [sflag:s4], $0x800  }
0xc2: {  	[sflag:s4] =	ssyncset.done $0x0  }
0xc3: {  	[sflag:s4] =	ssyncadd.s32 $0xFFFFF800  }
0xc4: {  	_ =	swait.ge [sflag:s5], $0x800  }
0xc5: {  	[sflag:s5] =	ssyncset.done $0x0  }
0xc6: {  	p1 =	sne.s32 s17, $0x1;
	[sflag:s5] =	ssyncadd.s32 $0xFFFFF800  }
.Ltmp1:
0xc7: {  	_ =	swait.ge [sflag:s6], $0x800;
	(pc) =	sbr.rel @!p1 .LBB2_3-.Ltmp1, $4  }
0xc8: {  	[sflag:s6] =	ssyncset.done $0x0  }
0xc9: {  	[sflag:s6] =	ssyncadd.s32 $0xFFFFF800  }
0xca: {  	p0 =	por $0x1, $0x1;
	_ =	swait.ge [sflag:s8], $0x800  }
0xcb: {  	s1 =	sadd.s32 $0xFFFFFFFF, s17;
	s0 =	rddreg [dreg:$0x2];
	[sflag:s8] =	ssyncset.done $0x0  }
.LBB2_4:
0xcc: {  	[sflag:s8] =	ssyncadd.s32 $0xFFFFF800  }
0xcd: {  	[tilespmem:s2], [sflag:$0x9] =	stream.linear.gather [hbm4b:s0+s2], $0xA00, $0x38;
	[tilespmem:$0x2A00] =	vst v63  }
0xce: {  	_ =	swait.ge [sflag:s31], $0xA00  }
0xcf: {  	[sflag:s31] =	ssyncset.done $0x0  }
0xd0: {  	[sflag:s31] =	ssyncadd.s32 $0xFFFFF600  }
0xd1: {  	[tilespmem:s11], [sflag:$0x1] =	stream.indirect.gather [hbm4b:s10+s12], $0x10, s2, s12, $0xb8;
	[tilespmem:$0x2A00] =	vst v63  }
0xd2: {  	_ = 	snop  }
0xd3: {  	[tilespmem:s9], [sflag:$0x2] =	stream.indirect.gather [hbm4b:s10+s12], $0x10, s12, s12, $0xb8;
	[tilespmem:$0x2A00] =	vst v63  }
0xd4: {  	s0 =	rddreg [dreg:$0x16]  }
0xd5: {  	[tilespmem:s7], [sflag:$0x3] =	stream.indirect.gather [hbm4b:s10+s12], $0x10, s0, s12, $0xb8;
	[tilespmem:$0x2A00] =	vst v63  }
0xd6: {  	s17 =	rddreg [dreg:$0x17]  }
0xd7: {  	[tilespmem:s3], [sflag:$0x4] =	stream.indirect.gather [hbm4b:s10+s12], $0x10, s17, s12, $0xb8;
	[tilespmem:$0x2A00] =	vst v63  }
0xd8: {  	_ =	swait.ge [sflag:s15], $0x800  }
0xd9: {  	[sflag:s15] =	ssyncset.done $0x0  }
0xda: {  	[sflag:s15] =	ssyncadd.s32 $0xFFFFF800  }
0xdb: {  	[hbm4b:s25+s2] =	stream.linear.scatter [tilespmem:s11], [sflag:$0x5], $0x800, $0x38;
	[tilespmem:$0x2A00] =	vst v63  }
0xdc: {  	_ =	swait.ge [sflag:s4], $0x800  }
0xdd: {  	[sflag:s4] =	ssyncset.done $0x0  }
0xde: {  	s17 =	rddreg [dreg:$0x18];
	[sflag:s4] =	ssyncadd.s32 $0xFFFFF800  }
0xdf: {  	[tilespmem:s11], [sflag:$0x1] =	stream.indirect.gather [hbm4b:s10+s12], $0x10, s17, s12, $0xb8;
	[tilespmem:$0x2A00] =	vst v63  }
0xe0: {  	_ =	swait.ge [sflag:s16], $0x800  }
0xe1: {  	[sflag:s16] =	ssyncset.done $0x0  }
0xe2: {  	s17 =	rddreg [dreg:$0x3];
	[sflag:s16] =	ssyncadd.s32 $0xFFFFF800  }
0xe3: {  	[hbm4b:s17+s2] =	stream.linear.scatter [tilespmem:s9], [sflag:$0x6], $0x800, $0x38;
	[tilespmem:$0x2A00] =	vst v63  }
0xe4: {  	_ =	swait.ge [sflag:s5], $0x800  }
0xe5: {  	[sflag:s5] =	ssyncset.done $0x0  }
0xe6: {  	s17 =	rddreg [dreg:$0x19];
	[sflag:s5] =	ssyncadd.s32 $0xFFFFF800  }
0xe7: {  	[tilespmem:s9], [sflag:$0x2] =	stream.indirect.gather [hbm4b:s10+s12], $0x10, s17, s12, $0xb8;
	[tilespmem:$0x2A00] =	vst v63  }
0xe8: {  	_ =	swait.ge [sflag:s14], $0x800  }
0xe9: {  	[sflag:s14] =	ssyncset.done $0x0  }
0xea: {  	s17 =	rddreg [dreg:$0x4];
	[sflag:s14] =	ssyncadd.s32 $0xFFFFF800  }
0xeb: {  	[hbm4b:s17+s2] =	stream.linear.scatter [tilespmem:s7], [sflag:$0x7], $0x800, $0x38;
	[tilespmem:$0x2A00] =	vst v63  }
0xec: {  	_ =	swait.ge [sflag:s6], $0x800  }
0xed: {  	[sflag:s6] =	ssyncset.done $0x0  }
0xee: {  	s17 =	rddreg [dreg:$0x1a];
	[sflag:s6] =	ssyncadd.s32 $0xFFFFF800  }
0xef: {  	[tilespmem:s7], [sflag:$0x3] =	stream.indirect.gather [hbm4b:s10+s12], $0x10, s17, s12, $0xb8;
	[tilespmem:$0x2A00] =	vst v63  }
0xf0: {  	_ =	swait.ge [sflag:s13], $0x800  }
0xf1: {  	[sflag:s13] =	ssyncset.done $0x0  }
0xf2: {  	s17 =	rddreg [dreg:$0x5];
	[sflag:s13] =	ssyncadd.s32 $0xFFFFF800  }
0xf3: {  	[hbm4b:s17+s2] =	stream.linear.scatter [tilespmem:s3], [sflag:$0x8], $0x800, $0x38;
	[tilespmem:$0x2A00] =	vst v63  }
0xf4: {  	_ =	swait.ge [sflag:s8], $0x800  }
0xf5: {  	[sflag:s8] =	ssyncset.done $0x0  }
0xf6: {  	s17 =	rddreg [dreg:$0x1b];
	[sflag:s8] =	ssyncadd.s32 $0xFFFFF800  }
0xf7: {  	[tilespmem:s3], [sflag:$0x4] =	stream.indirect.gather [hbm4b:s10+s12], $0x10, s17, s12, $0xb8;
	[tilespmem:$0x2A00] =	vst v63  }
0xf8: {  	_ =	swait.ge [sflag:s15], $0x800  }
0xf9: {  	[sflag:s15] =	ssyncset.done $0x0  }
0xfa: {  	s17 =	rddreg [dreg:$0x6];
	[sflag:s15] =	ssyncadd.s32 $0xFFFFF800  }
0xfb: {  	[hbm4b:s17+s2] =	stream.linear.scatter [tilespmem:s11], [sflag:$0x5], $0x800, $0x38;
	[tilespmem:$0x2A00] =	vst v63  }
0xfc: {  	_ =	swait.ge [sflag:s4], $0x800  }
0xfd: {  	[sflag:s4] =	ssyncset.done $0x0  }
0xfe: {  	s17 =	simm.s32 $0x400;
	[sflag:s4] =	ssyncadd.s32 $0xFFFFF800  }
0xff: {  	[tilespmem:s11], [sflag:$0x1] =	stream.indirect.gather [hbm4b:s10+s12], $0x10, s17, s12, $0xb8;
	[tilespmem:$0x2A00] =	vst v63  }
0x100: {  	_ =	swait.ge [sflag:s16], $0x800  }
0x101: {  	[sflag:s16] =	ssyncset.done $0x0  }
0x102: {  	s17 =	rddreg [dreg:$0x7];
	[sflag:s16] =	ssyncadd.s32 $0xFFFFF800  }
0x103: {  	[hbm4b:s17+s2] =	stream.linear.scatter [tilespmem:s9], [sflag:$0x6], $0x800, $0x38;
	[tilespmem:$0x2A00] =	vst v63  }
0x104: {  	_ =	swait.ge [sflag:s5], $0x800  }
0x105: {  	[sflag:s5] =	ssyncset.done $0x0  }
0x106: {  	[sflag:s5] =	ssyncadd.s32 $0xFFFFF800  }
0x107: {  	[tilespmem:s9], [sflag:$0x2] =	stream.indirect.gather [hbm4b:s10+s12], $0x10, s30, s12, $0xb8;
	[tilespmem:$0x2A00] =	vst v63  }
0x108: {  	_ =	swait.ge [sflag:s14], $0x800  }
0x109: {  	[sflag:s14] =	ssyncset.done $0x0  }
0x10a: {  	s17 =	rddreg [dreg:$0x8];
	[sflag:s14] =	ssyncadd.s32 $0xFFFFF800  }
0x10b: {  	[hbm4b:s17+s2] =	stream.linear.scatter [tilespmem:s7], [sflag:$0x7], $0x800, $0x38;
	[tilespmem:$0x2A00] =	vst v63  }
0x10c: {  	_ =	swait.ge [sflag:s6], $0x800  }
0x10d: {  	[sflag:s6] =	ssyncset.done $0x0  }
0x10e: {  	[sflag:s6] =	ssyncadd.s32 $0xFFFFF800  }
0x10f: {  	[tilespmem:s7], [sflag:$0x3] =	stream.indirect.gather [hbm4b:s10+s12], $0x10, s29, s12, $0xb8;
	[tilespmem:$0x2A00] =	vst v63  }
0x110: {  	_ =	swait.ge [sflag:s13], $0x800  }
0x111: {  	[sflag:s13] =	ssyncset.done $0x0  }
0x112: {  	s17 =	rddreg [dreg:$0x9];
	[sflag:s13] =	ssyncadd.s32 $0xFFFFF800  }
0x113: {  	[hbm4b:s17+s2] =	stream.linear.scatter [tilespmem:s3], [sflag:$0x8], $0x800, $0x38;
	[tilespmem:$0x2A00] =	vst v63  }
0x114: {  	_ =	swait.ge [sflag:s8], $0x800  }
0x115: {  	[sflag:s8] =	ssyncset.done $0x0  }
0x116: {  	[sflag:s8] =	ssyncadd.s32 $0xFFFFF800  }
0x117: {  	[tilespmem:s3], [sflag:$0x4] =	stream.indirect.gather [hbm4b:s10+s12], $0x10, s28, s12, $0xb8;
	[tilespmem:$0x2A00] =	vst v63  }
0x118: {  	_ =	swait.ge [sflag:s15], $0x800  }
0x119: {  	[sflag:s15] =	ssyncset.done $0x0  }
0x11a: {  	s17 =	rddreg [dreg:$0xa];
	[sflag:s15] =	ssyncadd.s32 $0xFFFFF800  }
0x11b: {  	[hbm4b:s17+s2] =	stream.linear.scatter [tilespmem:s11], [sflag:$0x5], $0x800, $0x38;
	[tilespmem:$0x2A00] =	vst v63  }
0x11c: {  	_ =	swait.ge [sflag:s4], $0x800  }
0x11d: {  	[sflag:s4] =	ssyncset.done $0x0  }
0x11e: {  	[sflag:s4] =	ssyncadd.s32 $0xFFFFF800  }
0x11f: {  	[tilespmem:s11], [sflag:$0x1] =	stream.indirect.gather [hbm4b:s10+s12], $0x10, s26, s12, $0xb8;
	[tilespmem:$0x2A00] =	vst v63  }
0x120: {  	_ =	swait.ge [sflag:s16], $0x800  }
0x121: {  	[sflag:s16] =	ssyncset.done $0x0  }
0x122: {  	s17 =	rddreg [dreg:$0xb];
	[sflag:s16] =	ssyncadd.s32 $0xFFFFF800  }
0x123: {  	[hbm4b:s17+s2] =	stream.linear.scatter [tilespmem:s9], [sflag:$0x6], $0x800, $0x38;
	[tilespmem:$0x2A00] =	vst v63  }
0x124: {  	_ =	swait.ge [sflag:s5], $0x800  }
0x125: {  	[sflag:s5] =	ssyncset.done $0x0  }
0x126: {  	[sflag:s5] =	ssyncadd.s32 $0xFFFFF800  }
0x127: {  	[tilespmem:s9], [sflag:$0x2] =	stream.indirect.gather [hbm4b:s10+s12], $0x10, s24, s12, $0xb8;
	[tilespmem:$0x2A00] =	vst v63  }
0x128: {  	_ =	swait.ge [sflag:s14], $0x800  }
0x129: {  	[sflag:s14] =	ssyncset.done $0x0  }
0x12a: {  	s17 =	rddreg [dreg:$0xc];
	[sflag:s14] =	ssyncadd.s32 $0xFFFFF800  }
0x12b: {  	[hbm4b:s17+s2] =	stream.linear.scatter [tilespmem:s7], [sflag:$0x7], $0x800, $0x38;
	[tilespmem:$0x2A00] =	vst v63  }
0x12c: {  	_ =	swait.ge [sflag:s6], $0x800  }
0x12d: {  	[sflag:s6] =	ssyncset.done $0x0  }
0x12e: {  	[sflag:s6] =	ssyncadd.s32 $0xFFFFF800  }
0x12f: {  	[tilespmem:s7], [sflag:$0x3] =	stream.indirect.gather [hbm4b:s10+s12], $0x10, s23, s12, $0xb8;
	[tilespmem:$0x2A00] =	vst v63  }
0x130: {  	_ =	swait.ge [sflag:s13], $0x800  }
0x131: {  	[sflag:s13] =	ssyncset.done $0x0  }
0x132: {  	s17 =	rddreg [dreg:$0xd];
	[sflag:s13] =	ssyncadd.s32 $0xFFFFF800  }
0x133: {  	[hbm4b:s17+s2] =	stream.linear.scatter [tilespmem:s3], [sflag:$0x8], $0x800, $0x38;
	[tilespmem:$0x2A00] =	vst v63  }
0x134: {  	_ =	swait.ge [sflag:s8], $0x800  }
0x135: {  	[sflag:s8] =	ssyncset.done $0x0  }
0x136: {  	[sflag:s8] =	ssyncadd.s32 $0xFFFFF800  }
0x137: {  	[tilespmem:s3], [sflag:$0x4] =	stream.indirect.gather [hbm4b:s10+s12], $0x10, s22, s12, $0xb8;
	[tilespmem:$0x2A00] =	vst v63  }
0x138: {  	_ =	swait.ge [sflag:s15], $0x800  }
0x139: {  	[sflag:s15] =	ssyncset.done $0x0  }
0x13a: {  	s17 =	rddreg [dreg:$0xe];
	[sflag:s15] =	ssyncadd.s32 $0xFFFFF800  }
0x13b: {  	[hbm4b:s17+s2] =	stream.linear.scatter [tilespmem:s11], [sflag:$0x5], $0x800, $0x38;
	[tilespmem:$0x2A00] =	vst v63  }
0x13c: {  	_ =	swait.ge [sflag:s4], $0x800  }
0x13d: {  	[sflag:s4] =	ssyncset.done $0x0  }
0x13e: {  	[sflag:s4] =	ssyncadd.s32 $0xFFFFF800  }
0x13f: {  	[tilespmem:s11], [sflag:$0x1] =	stream.indirect.gather [hbm4b:s10+s12], $0x10, s21, s12, $0xb8;
	[tilespmem:$0x2A00] =	vst v63  }
0x140: {  	_ =	swait.ge [sflag:s16], $0x800  }
0x141: {  	[sflag:s16] =	ssyncset.done $0x0  }
0x142: {  	s17 =	rddreg [dreg:$0xf];
	[sflag:s16] =	ssyncadd.s32 $0xFFFFF800  }
0x143: {  	[hbm4b:s17+s2] =	stream.linear.scatter [tilespmem:s9], [sflag:$0x6], $0x800, $0x38;
	[tilespmem:$0x2A00] =	vst v63  }
0x144: {  	_ =	swait.ge [sflag:s5], $0x800  }
0x145: {  	[sflag:s5] =	ssyncset.done $0x0  }
0x146: {  	[sflag:s5] =	ssyncadd.s32 $0xFFFFF800  }
0x147: {  	[tilespmem:s9], [sflag:$0x2] =	stream.indirect.gather [hbm4b:s10+s12], $0x10, s20, s12, $0xb8;
	[tilespmem:$0x2A00] =	vst v63  }
0x148: {  	_ =	swait.ge [sflag:s14], $0x800  }
0x149: {  	[sflag:s14] =	ssyncset.done $0x0  }
0x14a: {  	s17 =	rddreg [dreg:$0x10];
	[sflag:s14] =	ssyncadd.s32 $0xFFFFF800  }
0x14b: {  	[hbm4b:s17+s2] =	stream.linear.scatter [tilespmem:s7], [sflag:$0x7], $0x800, $0x38;
	[tilespmem:$0x2A00] =	vst v63  }
0x14c: {  	_ =	swait.ge [sflag:s6], $0x800  }
0x14d: {  	[sflag:s6] =	ssyncset.done $0x0  }
0x14e: {  	[sflag:s6] =	ssyncadd.s32 $0xFFFFF800  }
0x14f: {  	[tilespmem:s7], [sflag:$0x3] =	stream.indirect.gather [hbm4b:s10+s12], $0x10, s19, s12, $0xb8;
	[tilespmem:$0x2A00] =	vst v63  }
0x150: {  	_ =	swait.ge [sflag:s13], $0x800  }
0x151: {  	[sflag:s13] =	ssyncset.done $0x0  }
0x152: {  	s17 =	rddreg [dreg:$0x11];
	[sflag:s13] =	ssyncadd.s32 $0xFFFFF800  }
0x153: {  	[hbm4b:s17+s2] =	stream.linear.scatter [tilespmem:s3], [sflag:$0x8], $0x800, $0x38;
	[tilespmem:$0x2A00] =	vst v63  }
0x154: {  	_ =	swait.ge [sflag:s8], $0x800  }
0x155: {  	[sflag:s8] =	ssyncset.done $0x0  }
0x156: {  	[sflag:s8] =	ssyncadd.s32 $0xFFFFF800  }
0x157: {  	[tilespmem:s3], [sflag:$0x4] =	stream.indirect.gather [hbm4b:s10+s12], $0x10, s18, s12, $0xb8;
	[tilespmem:$0x2A00] =	vst v63  }
0x158: {  	_ =	swait.ge [sflag:s15], $0x800  }
0x159: {  	[sflag:s15] =	ssyncset.done $0x0  }
0x15a: {  	s17 =	rddreg [dreg:$0x12];
	[sflag:s15] =	ssyncadd.s32 $0xFFFFF800  }
0x15b: {  	[hbm4b:s17+s2] =	stream.linear.scatter [tilespmem:s11], [sflag:$0x5], $0x800, $0x38;
	[tilespmem:$0x2A00] =	vst v63  }
0x15c: {  	_ =	swait.ge [sflag:s16], $0x800  }
0x15d: {  	[sflag:s16] =	ssyncset.done $0x0  }
0x15e: {  	s17 =	rddreg [dreg:$0x13];
	[sflag:s16] =	ssyncadd.s32 $0xFFFFF800  }
0x15f: {  	[hbm4b:s17+s2] =	stream.linear.scatter [tilespmem:s9], [sflag:$0x6], $0x800, $0x38;
	[tilespmem:$0x2A00] =	vst v63  }
0x160: {  	_ =	swait.ge [sflag:s14], $0x800  }
0x161: {  	[sflag:s14] =	ssyncset.done $0x0  }
0x162: {  	s17 =	rddreg [dreg:$0x14];
	[sflag:s14] =	ssyncadd.s32 $0xFFFFF800  }
0x163: {  	[hbm4b:s17+s2] =	stream.linear.scatter [tilespmem:s7], [sflag:$0x7], $0x800, $0x38;
	[tilespmem:$0x2A00] =	vst v63  }
0x164: {  	_ =	swait.ge [sflag:s13], $0x800  }
0x165: {  	[sflag:s13] =	ssyncset.done $0x0  }
0x166: {  	s17 =	rddreg [dreg:$0x15];
	[sflag:s13] =	ssyncadd.s32 $0xFFFFF800  }
0x167: {  	[hbm4b:s17+s2] =	stream.linear.scatter [tilespmem:s3], [sflag:$0x8], $0x800, $0x38;
	[tilespmem:$0x2A00] =	vst v63  }
0x168: {  	_ =	swait.ge [sflag:s4], $0x800  }
0x169: {  	[sflag:s4] =	ssyncset.done $0x0  }
0x16a: {  	[sflag:s4] =	ssyncadd.s32 $0xFFFFF800  }
0x16b: {  	_ =	swait.ge [sflag:s5], $0x800  }
0x16c: {  	[sflag:s5] =	ssyncset.done $0x0  }
0x16d: {  	p1 =	sne.s32 s1, $0x1;
	[sflag:s5] =	ssyncadd.s32 $0xFFFFF800  }
.Ltmp2:
0x16e: {  	_ =	swait.ge [sflag:s6], $0x800;
	(pc) =	sbr.rel @p1 .LBB2_4-.Ltmp2, $4  }
0x16f: {  	[sflag:s6] =	ssyncset.done $0x0  }
0x170: {  	[sflag:s6] =	ssyncadd.s32 $0xFFFFF800  }
0x171: {  	_ =	swait.ge [sflag:s8], $0x800  }
0x172: {  	s1 =	sadd.s32 $0xFFFFFFFF, s1;
	s0 =	rddreg [dreg:$0x2];
	[sflag:s8] =	ssyncset.done $0x0  }
0x173: {  	s18 =	simm.s32 $0x400;
	s30 =	simm.s32 $0x480;
	s29 =	simm.s32 $0x500  }
0x174: {  	s28 =	simm.s32 $0x580;
	s26 =	simm.s32 $0x600;
	s24 =	simm.s32 $0x680  }
0x175: {  	s23 =	simm.s32 $0x700;
	s22 =	simm.s32 $0x780;
	s21 =	simm.s32 $0x800  }
0x176: {  	s20 =	simm.s32 $0x880;
	s19 =	simm.s32 $0x900;
	s17 =	stileid.u32  }
.LBB2_6:
0x177: {  	[sflag:s8] =	ssyncadd.s32 @p0 $0xFFFFF800  }
0x178: {  	[tilespmem:s2], [sflag:$0x9] =	stream.linear.gather [hbm4b:s0+s2], $0xA00, $0x38;
	[tilespmem:$0x2A00] =	vst v63  }
0x179: {  	_ =	swait.ge [sflag:s31], $0xA00  }
0x17a: {  	[sflag:s31] =	ssyncset.done $0x0  }
0x17b: {  	[sflag:s31] =	ssyncadd.s32 $0xFFFFF600  }
0x17c: {  	[tilespmem:s11], [sflag:$0x1] =	stream.indirect.gather [hbm4b:s10+s12], $0x10, s2, s12, $0xb8;
	[tilespmem:$0x2A00] =	vst v63  }
0x17d: {  	_ = 	snop  }
0x17e: {  	[tilespmem:s9], [sflag:$0x2] =	stream.indirect.gather [hbm4b:s10+s12], $0x10, s12, s12, $0xb8;
	[tilespmem:$0x2A00] =	vst v63  }
0x17f: {  	s31 =	rddreg [dreg:$0x16]  }
0x180: {  	[tilespmem:s7], [sflag:$0x3] =	stream.indirect.gather [hbm4b:s10+s12], $0x10, s31, s12, $0xb8;
	[tilespmem:$0x2A00] =	vst v63  }
0x181: {  	s1 =	rddreg [dreg:$0x17]  }
0x182: {  	[tilespmem:s3], [sflag:$0x4] =	stream.indirect.gather [hbm4b:s10+s12], $0x10, s1, s12, $0xb8;
	[tilespmem:$0x2A00] =	vst v63  }
0x183: {  	_ =	swait.ge [sflag:s15], $0x800  }
0x184: {  	[sflag:s15] =	ssyncset.done $0x0  }
0x185: {  	[sflag:s15] =	ssyncadd.s32 $0xFFFFF800  }
0x186: {  	[hbm4b:s25+s2] =	stream.linear.scatter [tilespmem:s11], [sflag:$0x5], $0x800, $0x38;
	[tilespmem:$0x2A00] =	vst v63  }
0x187: {  	_ =	swait.ge [sflag:s4], $0x800  }
0x188: {  	[sflag:s4] =	ssyncset.done $0x0  }
0x189: {  	s31 =	rddreg [dreg:$0x18];
	[sflag:s4] =	ssyncadd.s32 $0xFFFFF800  }
0x18a: {  	[tilespmem:s11], [sflag:$0x1] =	stream.indirect.gather [hbm4b:s10+s12], $0x10, s31, s12, $0xb8;
	[tilespmem:$0x2A00] =	vst v63  }
0x18b: {  	_ =	swait.ge [sflag:s16], $0x800  }
0x18c: {  	[sflag:s16] =	ssyncset.done $0x0  }
0x18d: {  	s1 =	rddreg [dreg:$0x3];
	[sflag:s16] =	ssyncadd.s32 $0xFFFFF800  }
0x18e: {  	[hbm4b:s1+s2] =	stream.linear.scatter [tilespmem:s9], [sflag:$0x6], $0x800, $0x38;
	[tilespmem:$0x2A00] =	vst v63  }
0x18f: {  	_ =	swait.ge [sflag:s5], $0x800  }
0x190: {  	[sflag:s5] =	ssyncset.done $0x0  }
0x191: {  	s25 =	rddreg [dreg:$0x19];
	[sflag:s5] =	ssyncadd.s32 $0xFFFFF800  }
0x192: {  	[tilespmem:s9], [sflag:$0x2] =	stream.indirect.gather [hbm4b:s10+s12], $0x10, s25, s12, $0xb8;
	[tilespmem:$0x2A00] =	vst v63  }
0x193: {  	_ =	swait.ge [sflag:s14], $0x800  }
0x194: {  	[sflag:s14] =	ssyncset.done $0x0  }
0x195: {  	s31 =	rddreg [dreg:$0x4];
	[sflag:s14] =	ssyncadd.s32 $0xFFFFF800  }
0x196: {  	[hbm4b:s31+s2] =	stream.linear.scatter [tilespmem:s7], [sflag:$0x7], $0x800, $0x38;
	[tilespmem:$0x2A00] =	vst v63  }
0x197: {  	_ =	swait.ge [sflag:s6], $0x800  }
0x198: {  	[sflag:s6] =	ssyncset.done $0x0  }
0x199: {  	s1 =	rddreg [dreg:$0x1a];
	[sflag:s6] =	ssyncadd.s32 $0xFFFFF800  }
0x19a: {  	[tilespmem:s7], [sflag:$0x3] =	stream.indirect.gather [hbm4b:s10+s12], $0x10, s1, s12, $0xb8;
	[tilespmem:$0x2A00] =	vst v63  }
0x19b: {  	_ =	swait.ge [sflag:s13], $0x800  }
0x19c: {  	[sflag:s13] =	ssyncset.done $0x0  }
0x19d: {  	s25 =	rddreg [dreg:$0x5];
	[sflag:s13] =	ssyncadd.s32 $0xFFFFF800  }
0x19e: {  	[hbm4b:s25+s2] =	stream.linear.scatter [tilespmem:s3], [sflag:$0x8], $0x800, $0x38;
	[tilespmem:$0x2A00] =	vst v63  }
0x19f: {  	_ =	swait.ge [sflag:s8], $0x800  }
0x1a0: {  	[sflag:s8] =	ssyncset.done $0x0  }
0x1a1: {  	s31 =	rddreg [dreg:$0x1b];
	[sflag:s8] =	ssyncadd.s32 $0xFFFFF800  }
0x1a2: {  	[tilespmem:s3], [sflag:$0x4] =	stream.indirect.gather [hbm4b:s10+s12], $0x10, s31, s12, $0xb8;
	[tilespmem:$0x2A00] =	vst v63  }
0x1a3: {  	_ =	swait.ge [sflag:s15], $0x800  }
0x1a4: {  	[sflag:s15] =	ssyncset.done $0x0  }
0x1a5: {  	s1 =	rddreg [dreg:$0x6];
	[sflag:s15] =	ssyncadd.s32 $0xFFFFF800  }
0x1a6: {  	[hbm4b:s1+s2] =	stream.linear.scatter [tilespmem:s11], [sflag:$0x5], $0x800, $0x38;
	[tilespmem:$0x2A00] =	vst v63  }
0x1a7: {  	_ =	swait.ge [sflag:s4], $0x800  }
0x1a8: {  	[sflag:s4] =	ssyncset.done $0x0  }
0x1a9: {  	[sflag:s4] =	ssyncadd.s32 $0xFFFFF800  }
0x1aa: {  	[tilespmem:s11], [sflag:$0x1] =	stream.indirect.gather [hbm4b:s10+s12], $0x10, s18, s12, $0xb8;
	[tilespmem:$0x2A00] =	vst v63  }
0x1ab: {  	_ =	swait.ge [sflag:s16], $0x800  }
0x1ac: {  	[sflag:s16] =	ssyncset.done $0x0  }
0x1ad: {  	s18 =	rddreg [dreg:$0x7];
	[sflag:s16] =	ssyncadd.s32 $0xFFFFF800  }
0x1ae: {  	[hbm4b:s18+s2] =	stream.linear.scatter [tilespmem:s9], [sflag:$0x6], $0x800, $0x38;
	[tilespmem:$0x2A00] =	vst v63  }
0x1af: {  	_ =	swait.ge [sflag:s5], $0x800  }
0x1b0: {  	[sflag:s5] =	ssyncset.done $0x0  }
0x1b1: {  	[sflag:s5] =	ssyncadd.s32 $0xFFFFF800  }
0x1b2: {  	[tilespmem:s9], [sflag:$0x2] =	stream.indirect.gather [hbm4b:s10+s12], $0x10, s30, s12, $0xb8;
	[tilespmem:$0x2A00] =	vst v63  }
0x1b3: {  	_ =	swait.ge [sflag:s14], $0x800  }
0x1b4: {  	[sflag:s14] =	ssyncset.done $0x0  }
0x1b5: {  	s25 =	rddreg [dreg:$0x8];
	[sflag:s14] =	ssyncadd.s32 $0xFFFFF800  }
0x1b6: {  	[hbm4b:s25+s2] =	stream.linear.scatter [tilespmem:s7], [sflag:$0x7], $0x800, $0x38;
	[tilespmem:$0x2A00] =	vst v63  }
0x1b7: {  	_ =	swait.ge [sflag:s6], $0x800  }
0x1b8: {  	[sflag:s6] =	ssyncset.done $0x0  }
0x1b9: {  	[sflag:s6] =	ssyncadd.s32 $0xFFFFF800  }
0x1ba: {  	[tilespmem:s7], [sflag:$0x3] =	stream.indirect.gather [hbm4b:s10+s12], $0x10, s29, s12, $0xb8;
	[tilespmem:$0x2A00] =	vst v63  }
0x1bb: {  	_ =	swait.ge [sflag:s13], $0x800  }
0x1bc: {  	[sflag:s13] =	ssyncset.done $0x0  }
0x1bd: {  	s29 =	rddreg [dreg:$0x9];
	[sflag:s13] =	ssyncadd.s32 $0xFFFFF800  }
0x1be: {  	[hbm4b:s29+s2] =	stream.linear.scatter [tilespmem:s3], [sflag:$0x8], $0x800, $0x38;
	[tilespmem:$0x2A00] =	vst v63  }
0x1bf: {  	_ =	swait.ge [sflag:s8], $0x800  }
0x1c0: {  	[sflag:s8] =	ssyncset.done $0x0  }
0x1c1: {  	[sflag:s8] =	ssyncadd.s32 $0xFFFFF800  }
0x1c2: {  	[tilespmem:s3], [sflag:$0x4] =	stream.indirect.gather [hbm4b:s10+s12], $0x10, s28, s12, $0xb8;
	[tilespmem:$0x2A00] =	vst v63  }
0x1c3: {  	_ =	swait.ge [sflag:s15], $0x800  }
0x1c4: {  	[sflag:s15] =	ssyncset.done $0x0  }
0x1c5: {  	s30 =	rddreg [dreg:$0xa];
	[sflag:s15] =	ssyncadd.s32 $0xFFFFF800  }
0x1c6: {  	[hbm4b:s30+s2] =	stream.linear.scatter [tilespmem:s11], [sflag:$0x5], $0x800, $0x38;
	[tilespmem:$0x2A00] =	vst v63  }
0x1c7: {  	_ =	swait.ge [sflag:s4], $0x800  }
0x1c8: {  	[sflag:s4] =	ssyncset.done $0x0  }
0x1c9: {  	[sflag:s4] =	ssyncadd.s32 $0xFFFFF800  }
0x1ca: {  	[tilespmem:s11], [sflag:$0x1] =	stream.indirect.gather [hbm4b:s10+s12], $0x10, s26, s12, $0xb8;
	[tilespmem:$0x2A00] =	vst v63  }
0x1cb: {  	_ =	swait.ge [sflag:s16], $0x800  }
0x1cc: {  	[sflag:s16] =	ssyncset.done $0x0  }
0x1cd: {  	s31 =	rddreg [dreg:$0xb];
	[sflag:s16] =	ssyncadd.s32 $0xFFFFF800  }
0x1ce: {  	[hbm4b:s31+s2] =	stream.linear.scatter [tilespmem:s9], [sflag:$0x6], $0x800, $0x38;
	[tilespmem:$0x2A00] =	vst v63  }
0x1cf: {  	_ =	swait.ge [sflag:s5], $0x800  }
0x1d0: {  	[sflag:s5] =	ssyncset.done $0x0  }
0x1d1: {  	[sflag:s5] =	ssyncadd.s32 $0xFFFFF800  }
0x1d2: {  	[tilespmem:s9], [sflag:$0x2] =	stream.indirect.gather [hbm4b:s10+s12], $0x10, s24, s12, $0xb8;
	[tilespmem:$0x2A00] =	vst v63  }
0x1d3: {  	_ =	swait.ge [sflag:s14], $0x800  }
0x1d4: {  	[sflag:s14] =	ssyncset.done $0x0  }
0x1d5: {  	s1 =	rddreg [dreg:$0xc];
	[sflag:s14] =	ssyncadd.s32 $0xFFFFF800  }
0x1d6: {  	[hbm4b:s1+s2] =	stream.linear.scatter [tilespmem:s7], [sflag:$0x7], $0x800, $0x38;
	[tilespmem:$0x2A00] =	vst v63  }
0x1d7: {  	_ =	swait.ge [sflag:s6], $0x800  }
0x1d8: {  	[sflag:s6] =	ssyncset.done $0x0  }
0x1d9: {  	[sflag:s6] =	ssyncadd.s32 $0xFFFFF800  }
0x1da: {  	[tilespmem:s7], [sflag:$0x3] =	stream.indirect.gather [hbm4b:s10+s12], $0x10, s23, s12, $0xb8;
	[tilespmem:$0x2A00] =	vst v63  }
0x1db: {  	_ =	swait.ge [sflag:s13], $0x800  }
0x1dc: {  	[sflag:s13] =	ssyncset.done $0x0  }
0x1dd: {  	s18 =	rddreg [dreg:$0xd];
	[sflag:s13] =	ssyncadd.s32 $0xFFFFF800  }
0x1de: {  	[hbm4b:s18+s2] =	stream.linear.scatter [tilespmem:s3], [sflag:$0x8], $0x800, $0x38;
	[tilespmem:$0x2A00] =	vst v63  }
0x1df: {  	_ =	swait.ge [sflag:s8], $0x800  }
0x1e0: {  	[sflag:s8] =	ssyncset.done $0x0  }
0x1e1: {  	[sflag:s8] =	ssyncadd.s32 $0xFFFFF800  }
0x1e2: {  	[tilespmem:s3], [sflag:$0x4] =	stream.indirect.gather [hbm4b:s10+s12], $0x10, s22, s12, $0xb8;
	[tilespmem:$0x2A00] =	vst v63  }
0x1e3: {  	_ =	swait.ge [sflag:s15], $0x800  }
0x1e4: {  	[sflag:s15] =	ssyncset.done $0x0  }
0x1e5: {  	s22 =	rddreg [dreg:$0xe];
	[sflag:s15] =	ssyncadd.s32 $0xFFFFF800  }
0x1e6: {  	[hbm4b:s22+s2] =	stream.linear.scatter [tilespmem:s11], [sflag:$0x5], $0x800, $0x38;
	[tilespmem:$0x2A00] =	vst v63  }
0x1e7: {  	_ =	swait.ge [sflag:s4], $0x800  }
0x1e8: {  	[sflag:s4] =	ssyncset.done $0x0  }
0x1e9: {  	[sflag:s4] =	ssyncadd.s32 $0xFFFFF800  }
0x1ea: {  	[tilespmem:s11], [sflag:$0x1] =	stream.indirect.gather [hbm4b:s10+s12], $0x10, s21, s12, $0xb8;
	[tilespmem:$0x2A00] =	vst v63  }
0x1eb: {  	_ =	swait.ge [sflag:s16], $0x800  }
0x1ec: {  	[sflag:s16] =	ssyncset.done $0x0  }
0x1ed: {  	s23 =	rddreg [dreg:$0xf];
	[sflag:s16] =	ssyncadd.s32 $0xFFFFF800  }
0x1ee: {  	[hbm4b:s23+s2] =	stream.linear.scatter [tilespmem:s9], [sflag:$0x6], $0x800, $0x38;
	[tilespmem:$0x2A00] =	vst v63  }
0x1ef: {  	_ =	swait.ge [sflag:s5], $0x800  }
0x1f0: {  	[sflag:s5] =	ssyncset.done $0x0  }
0x1f1: {  	[sflag:s5] =	ssyncadd.s32 $0xFFFFF800  }
0x1f2: {  	[tilespmem:s9], [sflag:$0x2] =	stream.indirect.gather [hbm4b:s10+s12], $0x10, s20, s12, $0xb8;
	[tilespmem:$0x2A00] =	vst v63  }
0x1f3: {  	_ =	swait.ge [sflag:s14], $0x800  }
0x1f4: {  	[sflag:s14] =	ssyncset.done $0x0  }
0x1f5: {  	s24 =	rddreg [dreg:$0x10];
	[sflag:s14] =	ssyncadd.s32 $0xFFFFF800  }
0x1f6: {  	[hbm4b:s24+s2] =	stream.linear.scatter [tilespmem:s7], [sflag:$0x7], $0x800, $0x38;
	[tilespmem:$0x2A00] =	vst v63  }
0x1f7: {  	_ =	swait.ge [sflag:s6], $0x800  }
0x1f8: {  	[sflag:s6] =	ssyncset.done $0x0  }
0x1f9: {  	[sflag:s6] =	ssyncadd.s32 $0xFFFFF800  }
0x1fa: {  	[tilespmem:s7], [sflag:$0x3] =	stream.indirect.gather [hbm4b:s10+s12], $0x10, s19, s12, $0xb8;
	[tilespmem:$0x2A00] =	vst v63  }
0x1fb: {  	_ =	swait.ge [sflag:s13], $0x800  }
0x1fc: {  	[sflag:s13] =	ssyncset.done $0x0  }
0x1fd: {  	s25 =	rddreg [dreg:$0x11];
	[sflag:s13] =	ssyncadd.s32 $0xFFFFF800  }
0x1fe: {  	[hbm4b:s25+s2] =	stream.linear.scatter [tilespmem:s3], [sflag:$0x8], $0x800, $0x38;
	[tilespmem:$0x2A00] =	vst v63  }
0x1ff: {  	_ =	swait.ge [sflag:s8], $0x800  }
0x200: {  	[sflag:s8] =	ssyncset.done $0x0  }
0x201: {  	s26 =	simm.s32 $0x980;
	[sflag:s8] =	ssyncadd.s32 $0xFFFFF800  }
0x202: {  	[tilespmem:s3], [sflag:$0x4] =	stream.indirect.gather [hbm4b:s10+s12], $0x10, s26, s12, $0xb8;
	[tilespmem:$0x2A00] =	vst v63  }
0x203: {  	_ =	swait.ge [sflag:s15], $0x800  }
0x204: {  	[sflag:s15] =	ssyncset.done $0x0  }
0x205: {  	s28 =	rddreg [dreg:$0x12];
	[sflag:s15] =	ssyncadd.s32 $0xFFFFF800  }
0x206: {  	[hbm4b:s28+s2] =	stream.linear.scatter [tilespmem:s11], [sflag:$0x5], $0x800, $0x38;
	[tilespmem:$0x2A00] =	vst v63  }
0x207: {  	_ =	swait.ge [sflag:s16], $0x800  }
0x208: {  	[sflag:s16] =	ssyncset.done $0x0  }
0x209: {  	s29 =	rddreg [dreg:$0x13];
	[sflag:s16] =	ssyncadd.s32 $0xFFFFF800  }
0x20a: {  	[hbm4b:s29+s2] =	stream.linear.scatter [tilespmem:s9], [sflag:$0x6], $0x800, $0x38;
	[tilespmem:$0x2A00] =	vst v63  }
0x20b: {  	_ =	swait.ge [sflag:s14], $0x800  }
0x20c: {  	[sflag:s14] =	ssyncset.done $0x0  }
0x20d: {  	s30 =	rddreg [dreg:$0x14];
	[sflag:s14] =	ssyncadd.s32 $0xFFFFF800  }
0x20e: {  	[hbm4b:s30+s2] =	stream.linear.scatter [tilespmem:s7], [sflag:$0x7], $0x800, $0x38;
	[tilespmem:$0x2A00] =	vst v63  }
0x20f: {  	_ =	swait.ge [sflag:s13], $0x800  }
0x210: {  	[sflag:s13] =	ssyncset.done $0x0  }
0x211: {  	s31 =	rddreg [dreg:$0x15];
	[sflag:s13] =	ssyncadd.s32 $0xFFFFF800  }
0x212: {  	[hbm4b:s31+s2] =	stream.linear.scatter [tilespmem:s3], [sflag:$0x8], $0x800, $0x38;
	[tilespmem:$0x2A00] =	vst v63  }
0x213: {  	_ =	swait.ge [sflag:s4], $0x800  }
0x214: {  	[sflag:s4] =	ssyncset.done $0x0  }
0x215: {  	[sflag:s4] =	ssyncadd.s32 $0xFFFFF800  }
0x216: {  	_ =	swait.ge [sflag:s5], $0x800  }
0x217: {  	[sflag:s5] =	ssyncset.done $0x0  }
0x218: {  	[sflag:s5] =	ssyncadd.s32 $0xFFFFF800  }
0x219: {  	_ =	swait.ge [sflag:s6], $0x800  }
0x21a: {  	[sflag:s6] =	ssyncset.done $0x0  }
0x21b: {  	[sflag:s6] =	ssyncadd.s32 $0xFFFFF800  }
0x21c: {  	_ =	swait.ge [sflag:s8], $0x800  }
0x21d: {  	[sflag:s8] =	ssyncset.done $0x0  }
0x21e: {  	[sflag:s8] =	ssyncadd.s32 $0xFFFFF800  }
0x21f: {  	_ =	sfence.sel $0x180000  }
0x220: {  	[bflag:$0x0] =	sbarrier.arrive $0xFFFF  }
0x221: {  	_ =	strace $0x90000047  }
0x222: {  	[bflag:$0x2] =	sbarrier.arrive $0xFFFF  }
0x223: {  	p0 =	sne.s32 s17, $0x0;
	s0 =	rddreg [dreg:$0x1]  }
0x224: {  	s0 =	sadd.s32 @!p0 $0x100000, s0  }
0x225: {  	[sflag:s0] =	ssyncadd.tile.s32 @!p0 $0x1;
	_ =	shalt  }
.LBB2_1:
.Ltmp3:
0x226: {  	(pc) =	sbr.rel .LBB2_6-.Ltmp3, $4  }
0x227: {  	s18 =	simm.s32 $0x400;
	s30 =	simm.s32 $0x480  }
0x228: {  	s29 =	simm.s32 $0x500;
	s28 =	simm.s32 $0x580;
	s26 =	simm.s32 $0x600  }
0x229: {  	s24 =	simm.s32 $0x680;
	s23 =	simm.s32 $0x700;
	s22 =	simm.s32 $0x780  }
0x22a: {  	s21 =	simm.s32 $0x800;
	s20 =	simm.s32 $0x880;
	s19 =	simm.s32 $0x900  }
.LBB2_3:
.Ltmp4:
0x22b: {  	(pc) =	sbr.rel .LBB2_6-.Ltmp4, $4  }
0x22c: {  	s18 =	simm.s32 $0x400;
	s30 =	simm.s32 $0x480;
	s29 =	simm.s32 $0x500  }
0x22d: {  	s28 =	simm.s32 $0x580;
	s26 =	simm.s32 $0x600;
	s24 =	simm.s32 $0x680  }
0x22e: {  	s23 =	simm.s32 $0x700;
	s22 =	simm.s32 $0x780;
	s21 =	simm.s32 $0x800  }
0x22f: {  	s20 =	simm.s32 $0x880;
	s19 =	simm.s32 $0x900;
	s17 =	stileid.u32  }
.Lfunc_end2:
_tile_overlayer_lowered:
.L_overlay_start_2:
0x230: {  	(tag) =	ssettag $0x2  }
0x231: {  	s0 =	rddreg [dreg:$0x0];
	s2 =	stileid.u32  }
0x232: {  	s1 =	rddreg [dreg:$0x1];
	p0 =	sne.s32 s2, $0x0  }
0x233: {  	s3 =	rddreg [dreg:$0x2];
	[bflag:$0x3] =	sbarrier.arrive $0xFFFF;
	s2 =	simm.s32 @!p0 $0x1C09  }
0x234: {  	[timem:s3], [sflag:s2] =	dma.local @!p0 [hbm:s0], s1  }
0x235: {  	s0 =	simm.s32 @!p0 $0x9  }
0x236: {  	_ =	swait.ge @!p0 [sflag:s0], s1  }
0x237: {  	s1 =	ssub.s32 @!p0 $0x0, s1;
	[sflag:s0] =	ssyncset.done @!p0 $0x0  }
0x238: {  	[sflag:s0] =	ssyncadd.s32 @!p0 s1  }
0x239: {  	[bflag:$0x3] =	sbarrier.arrive $0xFFFF  }
0x23a: {  	_ =	shalt  }

// kernel: kernel.9.cloned.1.call-start
scs
__scs_entry_jumppad:
0x0: {  	(pc) =	sbr.rel $0x88, $3  }
0x1: {  	(tag) =	ssettag $0x0;
	lr =	simm.s32 $0x1  }
0x2: {  	[smem:$0x3F92] =	sst lr;
	_ =	strace $0xD0000000  }
0x3: {  	_ = 	snop  }
0x4: {  	_ = 	snop  }
0x5: {  	_ = 	snop  }
0x6: {  	_ = 	snop  }
0x7: {  	_ = 	snop  }
__scs_overlays_trampoline_lowered:
0x8: {  	[smem:$0x3FA1] =	sst s0  }
0x9: {  	[smem:$0x3FA2] =	sst s1  }
0xa: {  	[smem:$0x3FA3] =	sst s2  }
0xb: {  	[smem:$0x3FA4] =	sst s3  }
0xc: {  	[smem:$0x3FA5] =	sst s4  }
0xd: {  	[smem:$0x3FA6] =	sst s5  }
0xe: {  	[smem:$0x3FA7] =	sst s6  }
0xf: {  	[smem:$0x3FA8] =	sst s7  }
0x10: {  	[smem:$0x3FA9] =	sst s8  }
0x11: {  	[smem:$0x3FAA] =	sst s9;
	s0 =	simm.s32 @!p0 $0x0  }
0x12: {  	s1 =	sld [smem:$0x3F90];
	s0 =	simm.s32 @p0 $0x1  }
0x13: {  	[smem:$0x3FAB] =	sst s0;
	s0 =	simm.s32 @!p1 $0x0  }
0x14: {  	s2 =	sld [smem:$0x3F8F];
	s0 =	simm.s32 @p1 $0x1  }
0x15: {  	[smem:$0x3FAC] =	sst s0;
	s0 =	simm.s32 @!p2 $0x0  }
0x16: {  	s3 =	sld [smem:$0x3FDB];
	s0 =	simm.s32 @p2 $0x1  }
0x17: {  	s4 =	simm.s32 $0x1BF5;
	[smem:$0x3FAE] =	sst s0  }
0x18: {  	s0 =	sld [smem:$0x3F91];
	_ =	swait.ge [sflag:s4], $0x0  }
0x19: {  	s7 =	sld [smem:$0x3F92]  }
0x1a: {  	s8 =	sadd.s32 $0xFFFFE003, lr  }
0x1b: {  	s9 =	sadd.s32 $0xFFFFFEF7, lr;
	s5 =	simm.s32 $0xFFFFFFFF;
	p2 =	slt.u32 s8, $0xFFFFF086  }
0x1c: {  	p1 =	slt.u32 s9, $0xF7A;
	s5 =	simm.s32 @!p2 $0x0  }
0x1d: {  	s5 =	simm.s32 @p1 $0x1;
	p0 =	seq.s32 s7, s2  }
0x1e: {  	s7 =	smul.u32 @!p0 $0xF7A, s2;
	p2 =	seq.s32 @!p0 s5, $0x0  }
0x1f: {  	s9 =	smul.u32 $0xF7A, s1;
	s8 =	simm.s32 @!p0 $0x1BF5;
	p2 =	por !p2, p0  }
0x20: {  	[sflag:s8] =	ssyncset.s32 @!p0 $0xFFFFF086;
	s6 =	sadd.s32 @!p0 s3, s7;
	s7 =	simm.s32 @!p0 $0x108  }
0x21: {  	s3 =	sadd.s32 s3, s9;
	s6 =	sadd.s32 @!p0 $0x88, s6;
	s7 =	simm.s32 @p2 $0x1082  }
0x22: {  	[simem:s7], [sflag:s8] =	dma.local @!p0 [hbm:s6], $0xF7A  }
0x23: {  	s9 =	sor.u32 $0xD0000000, s2;
	s6 =	simm.s32 $0x108;
	_ =	swait.ge @!p0 [sflag:s8], $0x0  }
0x24: {  	s3 =	sadd.s32 $0x88, s3;
	s6 =	simm.s32 @!p1 $0x1082;
	[sflag:s4] =	ssyncset.s32 $0xFFFFF086  }
0x25: {  	[simem:s6], [sflag:s4] =	dma.local [hbm:s3], $0xF7A  }
0x26: {  	[smem:$0x3F92] =	sst s1;
	(tag) =	ssettag s2;
	_ =	strace s9  }
0x27: {  	s1 =	sld [smem:$0x3FA2]  }
0x28: {  	s2 =	sld [smem:$0x3FA3]  }
0x29: {  	s4 =	sld [smem:$0x3FA5]  }
0x2a: {  	p0 =	seq.s32 s5, $0x0;
	s5 =	sld [smem:$0x3FA6]  }
0x2b: {  	s6 =	sld [smem:$0x3FA7]  }
0x2c: {  	s7 =	sld [smem:$0x3FA8]  }
0x2d: {  	s3 =	simm.s32 $0x108;
	s8 =	sld [smem:$0x3FA9]  }
0x2e: {  	s3 =	simm.s32 @!p0 $0x1082;
	s9 =	sld [smem:$0x3FAA]  }
0x2f: {  	lr =	sadd.s32 s0, s3;
	s0 =	sld [smem:$0x3FA1]  }
0x30: {  	s3 =	sld [smem:$0x3FA4]  }
0x31: {  	[smem:$0x3FAD] =	sst s10  }
0x32: {  	s10 =	sld [smem:$0x3FAB];
	_ =	sdelay $0x3  }
0x33: {  	p0 =	seq.s32 s10, $0x1;
	s10 =	sld [smem:$0x3FAD];
	_ =	sdelay $0x3  }
0x34: {  	[smem:$0x3FAD] =	sst s10  }
0x35: {  	s10 =	sld [smem:$0x3FAC];
	_ =	sdelay $0x3  }
0x36: {  	p1 =	seq.s32 s10, $0x1;
	s10 =	sld [smem:$0x3FAD];
	_ =	sdelay $0x3  }
0x37: {  	[smem:$0x3FAD] =	sst s10  }
0x38: {  	s10 =	sld [smem:$0x3FAE]  }
0x39: {  	_ = 	snop;
	(pc) =	sbr.ind lr, $3  }
0x3a: {  	_ = 	snop  }
0x3b: {  	_ = 	snop  }
0x3c: {  	p2 =	seq.s32 s10, $0x1;
	s10 =	sld [smem:$0x3FAD]  }
0x3d: {  	_ =	shalt  }
0x3e: {  	_ =	shalt  }
0x3f: {  	_ =	shalt  }
0x40: {  	_ =	shalt  }
0x41: {  	_ =	shalt  }
0x42: {  	_ =	shalt  }
0x43: {  	_ =	shalt  }
0x44: {  	_ =	shalt  }
0x45: {  	_ =	shalt  }
0x46: {  	_ =	shalt  }
0x47: {  	_ =	shalt  }
0x48: {  	_ =	shalt  }
0x49: {  	_ =	shalt  }
0x4a: {  	_ =	shalt  }
0x4b: {  	_ =	shalt  }
0x4c: {  	_ =	shalt  }
0x4d: {  	_ =	shalt  }
0x4e: {  	_ =	shalt  }
0x4f: {  	_ =	shalt  }
0x50: {  	_ =	shalt  }
0x51: {  	_ =	shalt  }
0x52: {  	_ =	shalt  }
0x53: {  	_ =	shalt  }
0x54: {  	_ =	shalt  }
0x55: {  	_ =	shalt  }
0x56: {  	_ =	shalt  }
0x57: {  	_ =	shalt  }
0x58: {  	_ =	shalt  }
0x59: {  	_ =	shalt  }
0x5a: {  	_ =	shalt  }
0x5b: {  	_ =	shalt  }
0x5c: {  	_ =	shalt  }
0x5d: {  	_ =	shalt  }
0x5e: {  	_ =	shalt  }
0x5f: {  	_ =	shalt  }
0x60: {  	_ =	shalt  }
0x61: {  	_ =	shalt  }
0x62: {  	_ =	shalt  }
0x63: {  	_ =	shalt  }
0x64: {  	_ =	shalt  }
0x65: {  	_ =	shalt  }
0x66: {  	_ =	shalt  }
0x67: {  	_ =	shalt  }
0x68: {  	_ =	shalt  }
0x69: {  	_ =	shalt  }
0x6a: {  	_ =	shalt  }
0x6b: {  	_ =	shalt  }
0x6c: {  	_ =	shalt  }
0x6d: {  	_ =	shalt  }
0x6e: {  	_ =	shalt  }
0x6f: {  	_ =	shalt  }
0x70: {  	_ =	shalt  }
0x71: {  	_ =	shalt  }
0x72: {  	_ =	shalt  }
0x73: {  	_ =	shalt  }
0x74: {  	_ =	shalt  }
0x75: {  	_ =	shalt  }
0x76: {  	_ =	shalt  }
0x77: {  	_ =	shalt  }
0x78: {  	_ =	shalt  }
0x79: {  	_ =	shalt  }
0x7a: {  	_ =	shalt  }
0x7b: {  	_ =	shalt  }
0x7c: {  	_ =	shalt  }
0x7d: {  	_ =	shalt  }
0x7e: {  	_ =	shalt  }
0x7f: {  	_ =	shalt  }
0x80: {  	_ =	shalt  }
0x81: {  	_ =	shalt  }
0x82: {  	_ =	shalt  }
0x83: {  	_ =	shalt  }
0x84: {  	_ =	shalt  }
0x85: {  	_ =	shalt  }
0x86: {  	_ =	shalt  }
0x87: {  	_ =	shalt  }
.Lfunc_end0:
.L_simem_size_0:
called_computation.1_lowered:
.L_overlay_start_0:
0x88: {  	s2 =	sld [smem:$0x3FD9]  }
0x89: {  	s3 =	sld [smem:$0x3FFE];
	_ =	sdelay $0x1  }
0x8a: {  	s1 =	srdreg.scid  }
0x8b: {  	s0 =	sand.u32 $0x1, s1  }
0x8c: {  	s17 =	sshll.u32 s0, $0xA;
	s2 =	sadd.s32 s3, s2  }
0x8d: {  	s2 =	sadd.s32 s2, s17  }
0x8e: {  	[smem:$0x3FB9] =	sst s2  }
0x8f: {  	_ = 	snop  }
0x90: {  	s18 =	sld [smem:$0x3FC8]  }
0x91: {  	s4 =	sld [smem:$0x3FD0];
	(tm) =	ssettm $0x1  }
0x92: {  	s19 =	sld [smem:$0x3FFB];
	_ =	sdelay $0x3  }
0x93: {  	_ =	strace s19  }
0x94: {  	s2 =	sld [smem:$0x3FFC];
	_ =	sdelay $0x3  }
0x95: {  	_ =	strace s2  }
0x96: {  	s2 =	sld [smem:$0x3FFD];
	_ =	sdelay $0x3  }
0x97: {  	_ =	strace s2  }
0x98: {  	_ =	strace $0x8FFFFFFF  }
0x99: {  	s20 =	sld [smem:$0x3FDB];
	_ =	sdelay $0x1  }
0x9a: {  	s5 =	simm.s32 $_scs_section_size  }
0x9b: {  	s6 =	simm.s32 $_size__tile_overlayer_lowered;
	s7 =	simm.s32 $_tile_overlayer_lowered  }
0x9c: {  	s8 =	simm.s32 $0x1BFF;
	s21 =	sshll.u32 s7, $0x1;
	s5 =	sadd.s32 s5, s20  }
0x9d: {  	s22 =	simm.s32 $0x0;
	s6 =	sshll.u32 s6, $0x1;
	s7 =	sadd.s32 s21, s5  }
0x9e: {  	[timem:s22], [sflag:s8] =	dma.local [hbm:s7], s6  }
0x9f: {  	_ =	swait.ge [sflag:s8], s6  }
0xa0: {  	s6 =	ssub.s32 $0x0, s6;
	[sflag:s8] =	ssyncset.done $0x0  }
0xa1: {  	[sflag:s8] =	ssyncadd.s32 s6;
	_ =	sdelay $0x1  }
0xa2: {  	s23 =	simm.s32 $0x1B8B  }
0xa3: {  	_ =	swait.ge [sflag:s23], $0x1  }
0xa4: {  	[sflag:s23] =	ssyncset.done $0x0  }
0xa5: {  	[sflag:s23] =	ssyncadd.s32 $0xFFFFFFFF  }
0xa6: {  	s6 =	sld [smem:$0x0]  }
0xa7: {  	s7 =	sand.u32 $0xFFFFFFFE, s1  }
0xa8: {  	p0 =	sne.s32 s1, s7  }
0xa9: {  	s7 =	sshll.u32 @p0 s7, $0xE  }
0xaa: {  	s7 =	sadd.s32 @p0 $0x11B8D, s7;
	s8 =	sshll.u32 @p0 s6, $0x11  }
0xab: {  	s7 =	sor.u32 @p0 s8, s7  }
0xac: {  	[sflag:s7] =	ssyncadd.remote.s32 @p0 $0x1;
	_ =	sdelay $0x1  }
0xad: {  	s7 =	simm.s32 @p0 $0x1B8D  }
0xae: {  	_ =	swait.eq @p0 [sflag:s7], $0x1  }
0xaf: {  	[sflag:s7] =	ssyncadd.s32 @p0 $0xFFFFFFFF  }
0xb0: {  	s8 =	sshll.u32 @!p0 s1, $0xE  }
0xb1: {  	s8 =	sor.u32 @!p0 $0x4000, s8;
	s7 =	simm.s32 @!p0 $0x1B8D  }
0xb2: {  	s6 =	sshll.u32 @!p0 s6, $0x11;
	s8 =	sadd.s32 @!p0 $0x11B8D, s8;
	_ =	swait.eq @!p0 [sflag:s7], $0x1  }
0xb3: {  	s6 =	sor.u32 @!p0 s6, s8;
	[sflag:s7] =	ssyncadd.s32 @!p0 $0xFFFFFFFF  }
0xb4: {  	s25 =	simm.s32 $0x1B8E;
	s24 =	sld [smem:$0x3FFE];
	[sflag:s6] =	ssyncadd.remote.s32 @!p0 $0x1  }
0xb5: {  	s26 =	simm.s32 $execute0_lowered;
	[smem:$0x3FD2] =	sst s25  }
0xb6: {  	s7 =	sshll.u32 s26, $0x1;
	_ =	strace $0x80000049;
	[dreg:$0x1] =	wrdreg $0xFFFFFFFF  }
0xb7: {  	s28 =	simm.s32 $_size_execute0_lowered;
	s5 =	sadd.s32 s5, s7;
	[dreg:$0x0] =	wrdreg $0x0  }
0xb8: {  	s7 =	sshll.u32 s28, $0x1;
	[dreg:$0x2] =	wrdreg s5  }
0xb9: {  	[dreg:$0x3] =	wrdreg s7  }
0xba: {  	[dreg:$0x4] =	wrdreg $0xC0  }
0xbb: {  	_ =	task [dreg:s22], $0x5FFFF  }
0xbc: {  	[dreg:$0x1] =	wrdreg $0xFFFFFFFF  }
0xbd: {  	[dreg:$0x0] =	wrdreg $0x60  }
0xbe: {  	[dreg:$0x2] =	wrdreg s24  }
0xbf: {  	[dreg:$0x3] =	wrdreg s18  }
0xc0: {  	[dreg:$0x4] =	wrdreg s4  }
0xc1: {  	[dreg:$0x5] =	wrdreg $0xA  }
0xc2: {  	_ =	task.clear_ibuf [dreg:s22], $0x6FFFF;
	_ =	strace $0x90000049  }
0xc3: {  	s29 =	simm.s32 $0xA;
	_ =	strace $0x8000004B  }
0xc4: {  	_ =	swait.ge [sflag:s29], $0x1  }
0xc5: {  	[sflag:s29] =	ssyncadd.s32 $0xFFFFFFFF  }
0xc6: {  	_ =	strace $0x9000004B  }
0xc7: {  	_ =	sfence  }
0xc8: {  	s30 =	sld [smem:$0x0];
	_ =	sdelay $0x2  }
0xc9: {  	s31 =	sshll.u32 s1, $0xD;
	s1 =	sshrl.u32 s1, $0x2  }
0xca: {  	s4 =	sand.u32 $0x4000, s31;
	s1 =	sadd.s32 s1, s30  }
0xcb: {  	s0 =	sor.u32 s4, s0;
	s1 =	sshll.u32 s1, $0x11  }
0xcc: {  	s0 =	sor.u32 s1, s0  }
0xcd: {  	s0 =	sadd.s32 $0x8F2B, s0  }
0xce: {  	[sflag:s0] =	ssyncadd.remote.s32 $0x1  }
0xcf: {  	_ =	sfence.sel $0xFFFF  }
0xd0: {  	[dreg:$0x0] =	wrdreg $0xFFFFFFFF;
	(pc) =	sbr.abs _section_cstart, $3  }
0xd1: {  	[dreg:$0x1] =	wrdreg $0xFFFFFFFF  }
0xd2: {  	_ =	task.clear_ibuf [dreg:s22], $0x2FFFF;
	_ =	strace $0x9FFFFFFF  }
0xd3: {  	(tm) =	ssettm $0x7FFFFFFF  }
tec
execute0_lowered:
.L_overlay_start_1:
0x0: {  	(tag) =	ssettag $0x1  }
0x1: {  	s0 =	srdreg.scid;
	s1 =	rddreg [dreg:$0x0]  }
0x2: {  	s4 =	rddreg [dreg:$0x1];
	s0 =	sand.u32 $0x1, s0  }
0x3: {  	s20 =	stileid.u32;
	s3 =	rddreg [dreg:$0x2];
	s2 =	sshll.u32 s0, $0x4  }
0x4: {  	s7 =	sadd.s32 $0x1B6800, s1;
	s8 =	sshll.u32 s20, $0x4;
	s5 =	sor.u32 s20, s2  }
0x5: {  	s8 =	sand.u32 $0x70, s8;
	s2 =	simm.s32 $0x0;
	s6 =	smul.u32 $0x180, s5  }
0x6: {  	s4 =	sadd.s32 s4, s8;
	[smem:$0x7FF] =	sst s2;
	s10 =	smul.u32 $0xA000, s5  }
0x7: {  	s9 =	sshll.u32 s5, $0x4;
	s14 =	smul.u32 $0x50000, s5;
	s5 =	sshll.u32 s5, $0xB  }
0x8: {  	_ =	strace $0x8000004A;
	s13 =	sand.u32 $0x180, s9;
	s3 =	sadd.s32 s3, s5  }
0x9: {  	s6 =	sadd.s32 s6, s1;
	s4 =	sadd.s32 s13, s4;
	[dreg:$0x19] =	wrdreg s3  }
0xa: {  	s28 =	sadd.s32 s7, s10;
	s6 =	sadd.s32 $0x2CE00, s6;
	[dreg:$0x5] =	wrdreg s4  }
0xb: {  	s15 =	sadd.s32 $0x800, s28;
	[dreg:$0x4] =	wrdreg s6  }
0xc: {  	s16 =	sadd.s32 $0x1000, s28;
	[dreg:$0x6] =	wrdreg s15  }
0xd: {  	s17 =	sadd.s32 $0x1800, s28;
	[dreg:$0x7] =	wrdreg s16  }
0xe: {  	s6 =	sshrl.u32 s14, $0x3;
	[dreg:$0x8] =	wrdreg s17;
	s16 =	simm.s32 $0x100  }
0xf: {  	s17 =	simm.s32 $0x180;
	s6 =	sadd.s32 s7, s6;
	[dreg:$0x1a] =	wrdreg s16  }
0x10: {  	[dreg:$0x1b] =	wrdreg s17;
	s18 =	sadd.s32 $0x2000, s6  }
0x11: {  	s19 =	sadd.s32 $0x2800, s6;
	[dreg:$0x9] =	wrdreg s18  }
0x12: {  	s21 =	sadd.s32 $0x3000, s6;
	[dreg:$0xa] =	wrdreg s19  }
0x13: {  	s30 =	simm.s32 $0xB;
	s22 =	sadd.s32 $0x3800, s6;
	[dreg:$0xb] =	wrdreg s21  }
0x14: {  	s31 =	simm.s32 $0xC00;
	s23 =	sadd.s32 $0x4000, s6;
	[dreg:$0xc] =	wrdreg s22  }
0x15: {  	s29 =	simm.s32 $0x680;
	s24 =	sadd.s32 $0x4800, s6;
	[dreg:$0xd] =	wrdreg s23  }
0x16: {  	p0 =	por $0x0, $0x0;
	s25 =	sadd.s32 $0x5000, s6;
	[dreg:$0xe] =	wrdreg s24  }
0x17: {  	s0 =	ssub.s32 $0x2, s0;
	s26 =	sadd.s32 $0x5800, s6;
	[dreg:$0xf] =	wrdreg s25  }
0x18: {  	s5 =	simm.s32 $0x6;
	s7 =	sadd.s32 $0x6000, s6;
	[dreg:$0x10] =	wrdreg s26  }
0x19: {  	s3 =	simm.s32 $0x10C80;
	s8 =	sadd.s32 $0x6800, s6;
	[dreg:$0x11] =	wrdreg s7  }
0x1a: {  	s4 =	simm.s32 $0x5;
	s9 =	sadd.s32 $0x7000, s6;
	[dreg:$0x12] =	wrdreg s8  }
0x1b: {  	s15 =	sshrl.u32 s0, $0x1;
	s10 =	sadd.s32 $0x7800, s6;
	[dreg:$0x13] =	wrdreg s9  }
0x1c: {  	s0 =	ssub.s32 s0, s15;
	s11 =	sadd.s32 $0x8000, s6;
	[dreg:$0x14] =	wrdreg s10  }
0x1d: {  	s15 =	simm.s32 $0x2;
	s12 =	sadd.s32 $0x8800, s6;
	[dreg:$0x15] =	wrdreg s11  }
0x1e: {  	s17 =	simm.s32 $0x3;
	s13 =	sadd.s32 $0x9000, s6;
	[dreg:$0x16] =	wrdreg s12  }
0x1f: {  	s16 =	simm.s32 $0xA;
	s14 =	sadd.s32 $0x9800, s6;
	[dreg:$0x17] =	wrdreg s13  }
0x20: {  	s0 =	smax.u32 s0, $0x1;
	s6 =	simm.s32 $0xCC80;
	[dreg:$0x18] =	wrdreg s14  }
0x21: {  	s10 =	sadd.s32 $0x2FE00, s1;
	s13 =	simm.s32 $0x80;
	s18 =	simm.s32 $0x200  }
0x22: {  	p1 =	sne.s32 s0, $0x1;
	s1 =	sadd.s32 $0xFFFFFFFF, s0;
	s0 =	rddreg [dreg:$0x4]  }
0x23: {  	s12 =	simm.s32 $0xC80;
	s19 =	simm.s32 $0x280;
	[dreg:$0x1c] =	wrdreg s18  }
0x24: {  	s11 =	simm.s32 $0x4C80;
	s21 =	simm.s32 $0x300;
	[dreg:$0x1d] =	wrdreg s19  }
0x25: {  	s8 =	simm.s32 $0x8C80;
	s22 =	simm.s32 $0x380;
	[dreg:$0x1e] =	wrdreg s21  }
0x26: {  	s14 =	simm.s32 $0x1;
	s23 =	simm.s32 $0x400;
	[dreg:$0x1f] =	wrdreg s22  }
0x27: {  	s7 =	simm.s32 $0x7;
	s24 =	simm.s32 $0x480;
	[smem:$0x7FA] =	sst s23  }
.Ltmp0:
0x28: {  	s25 =	simm.s32 $0x500;
	[smem:$0x7FB] =	sst s24;
	(pc) =	sbr.rel @!p1 .LBB2_1-.Ltmp0, $4  }
0x29: {  	s9 =	simm.s32 $0x8;
	s26 =	simm.s32 $0x580;
	[smem:$0x7FC] =	sst s25  }
0x2a: {  	s18 =	simm.s32 $0x4;
	[smem:$0x7FD] =	sst s26;
	s26 =	simm.s32 $0x700  }
0x2b: {  	s25 =	simm.s32 $0x780;
	s24 =	simm.s32 $0x800;
	s23 =	simm.s32 $0x880  }
0x2c: {  	s22 =	simm.s32 $0x900;
	s21 =	simm.s32 $0x980;
	s19 =	simm.s32 $0x9  }
0x2d: {  	[tilespmem:s2], [sflag:$0xB] =	stream.linear.gather [hbm4b:s0+s2], $0xA00, $0x38;
	[tilespmem:$0x14C80] =	vst v63  }
0x2e: {  	_ =	swait.ge [sflag:s30], $0xA00  }
0x2f: {  	[sflag:s30] =	ssyncset.done $0x0  }
0x30: {  	s20 =	rddreg [dreg:$0x5];
	[sflag:s30] =	ssyncadd.s32 $0xFFFFF600  }
0x31: {  	[tilespmem:s31], [sflag:$0xB] =	stream.linear.gather [hbm4b:s20+s2], $0x80, $0x38;
	[tilespmem:$0x14C80] =	vst v63  }
0x32: {  	_ =	swait.ge [sflag:s30], $0x80  }
0x33: {  	[sflag:s30] =	ssyncset.done $0x0  }
0x34: {  	[sflag:s30] =	ssyncadd.s32 $0xFFFFFF80  }
0x35: {  	[tilespmem:s3], [sflag:$0x9] =	stream.indirect.gather [hbm4b:s10+s13], $0x80, s31, s13, $0xb8;
	[tilespmem:$0x14C80] =	vst v63  }
0x36: {  	_ = 	snop  }
0x37: {  	[tilespmem:s12], [sflag:$0x1] =	stream.indirect.gather [hbm4b:s10+s13], $0x80, s2, s13, $0xb8;
	[tilespmem:$0x14C80] =	vst v63  }
0x38: {  	_ = 	snop  }
0x39: {  	[tilespmem:s11], [sflag:$0x2] =	stream.indirect.gather [hbm4b:s10+s13], $0x80, s13, s13, $0xb8;
	[tilespmem:$0x14C80] =	vst v63  }
0x3a: {  	s0 =	rddreg [dreg:$0x1a]  }
0x3b: {  	[tilespmem:s8], [sflag:$0x3] =	stream.indirect.gather [hbm4b:s10+s13], $0x80, s0, s13, $0xb8;
	[tilespmem:$0x14C80] =	vst v63  }
0x3c: {  	s20 =	smov.u32 s1;
	s1 =	rddreg [dreg:$0x1b]  }
0x3d: {  	[tilespmem:s6], [sflag:$0x4] =	stream.indirect.gather [hbm4b:s10+s13], $0x80, s1, s13, $0xb8;
	[tilespmem:$0x14C80] =	vst v63  }
0x3e: {  	_ =	swait.ge [sflag:s14], $0x4000  }
0x3f: {  	[sflag:s14] =	ssyncset.done $0x0  }
0x40: {  	[sflag:s14] =	ssyncadd.s32 $0xFFFFC000  }
0x41: {  	[hbm4b:s28+s2] =	stream.linear.scatter [tilespmem:s12], [sflag:$0x5], $0x4000, $0x38;
	[tilespmem:$0x14C80] =	vst v63  }
0x42: {  	_ =	swait.ge [sflag:s4], $0x4000  }
0x43: {  	[sflag:s4] =	ssyncset.done $0x0  }
0x44: {  	s1 =	rddreg [dreg:$0x1c];
	[sflag:s4] =	ssyncadd.s32 $0xFFFFC000  }
0x45: {  	[tilespmem:s12], [sflag:$0x1] =	stream.indirect.gather [hbm4b:s10+s13], $0x80, s1, s13, $0xb8;
	[tilespmem:$0x14C80] =	vst v63  }
0x46: {  	_ =	swait.ge [sflag:s15], $0x4000  }
0x47: {  	[sflag:s15] =	ssyncset.done $0x0  }
0x48: {  	s1 =	rddreg [dreg:$0x6];
	[sflag:s15] =	ssyncadd.s32 $0xFFFFC000  }
0x49: {  	[hbm4b:s1+s2] =	stream.linear.scatter [tilespmem:s11], [sflag:$0x6], $0x4000, $0x38;
	[tilespmem:$0x14C80] =	vst v63  }
0x4a: {  	_ =	swait.ge [sflag:s5], $0x4000  }
0x4b: {  	[sflag:s5] =	ssyncset.done $0x0  }
0x4c: {  	s1 =	rddreg [dreg:$0x1d];
	[sflag:s5] =	ssyncadd.s32 $0xFFFFC000  }
0x4d: {  	[tilespmem:s11], [sflag:$0x2] =	stream.indirect.gather [hbm4b:s10+s13], $0x80, s1, s13, $0xb8;
	[tilespmem:$0x14C80] =	vst v63  }
0x4e: {  	_ =	swait.ge [sflag:s17], $0x4000  }
0x4f: {  	[sflag:s17] =	ssyncset.done $0x0  }
0x50: {  	s1 =	rddreg [dreg:$0x7];
	[sflag:s17] =	ssyncadd.s32 $0xFFFFC000  }
0x51: {  	[hbm4b:s1+s2] =	stream.linear.scatter [tilespmem:s8], [sflag:$0x7], $0x4000, $0x38;
	[tilespmem:$0x14C80] =	vst v63  }
0x52: {  	_ =	swait.ge [sflag:s7], $0x4000  }
0x53: {  	[sflag:s7] =	ssyncset.done $0x0  }
0x54: {  	s1 =	rddreg [dreg:$0x1e];
	[sflag:s7] =	ssyncadd.s32 $0xFFFFC000  }
0x55: {  	[tilespmem:s8], [sflag:$0x3] =	stream.indirect.gather [hbm4b:s10+s13], $0x80, s1, s13, $0xb8;
	[tilespmem:$0x14C80] =	vst v63  }
0x56: {  	_ =	swait.ge [sflag:s18], $0x4000  }
0x57: {  	[sflag:s18] =	ssyncset.done $0x0  }
0x58: {  	s1 =	rddreg [dreg:$0x8];
	[sflag:s18] =	ssyncadd.s32 $0xFFFFC000  }
0x59: {  	[hbm4b:s1+s2] =	stream.linear.scatter [tilespmem:s6], [sflag:$0x8], $0x4000, $0x38;
	[tilespmem:$0x14C80] =	vst v63  }
0x5a: {  	_ =	swait.ge [sflag:s9], $0x4000  }
0x5b: {  	[sflag:s9] =	ssyncset.done $0x0  }
0x5c: {  	s1 =	rddreg [dreg:$0x1f];
	[sflag:s9] =	ssyncadd.s32 $0xFFFFC000  }
0x5d: {  	[tilespmem:s6], [sflag:$0x4] =	stream.indirect.gather [hbm4b:s10+s13], $0x80, s1, s13, $0xb8;
	[tilespmem:$0x14C80] =	vst v63  }
0x5e: {  	_ =	swait.ge [sflag:s14], $0x4000  }
0x5f: {  	[sflag:s14] =	ssyncset.done $0x0  }
0x60: {  	s1 =	rddreg [dreg:$0x9];
	[sflag:s14] =	ssyncadd.s32 $0xFFFFC000  }
0x61: {  	[hbm4b:s1+s2] =	stream.linear.scatter [tilespmem:s12], [sflag:$0x5], $0x4000, $0x38;
	[tilespmem:$0x14C80] =	vst v63  }
0x62: {  	_ =	swait.ge [sflag:s4], $0x4000  }
0x63: {  	s1 =	sld [smem:$0x7FA]  }
0x64: {  	[sflag:s4] =	ssyncset.done $0x0  }
0x65: {  	[sflag:s4] =	ssyncadd.s32 $0xFFFFC000  }
0x66: {  	[tilespmem:s12], [sflag:$0x1] =	stream.indirect.gather [hbm4b:s10+s13], $0x80, s1, s13, $0xb8;
	[tilespmem:$0x14C80] =	vst v63  }
0x67: {  	_ =	swait.ge [sflag:s15], $0x4000  }
0x68: {  	[sflag:s15] =	ssyncset.done $0x0  }
0x69: {  	s1 =	rddreg [dreg:$0xa];
	[sflag:s15] =	ssyncadd.s32 $0xFFFFC000  }
0x6a: {  	[hbm4b:s1+s2] =	stream.linear.scatter [tilespmem:s11], [sflag:$0x6], $0x4000, $0x38;
	[tilespmem:$0x14C80] =	vst v63  }
0x6b: {  	_ =	swait.ge [sflag:s5], $0x4000  }
0x6c: {  	s1 =	sld [smem:$0x7FB]  }
0x6d: {  	[sflag:s5] =	ssyncset.done $0x0  }
0x6e: {  	[sflag:s5] =	ssyncadd.s32 $0xFFFFC000  }
0x6f: {  	[tilespmem:s11], [sflag:$0x2] =	stream.indirect.gather [hbm4b:s10+s13], $0x80, s1, s13, $0xb8;
	[tilespmem:$0x14C80] =	vst v63  }
0x70: {  	_ =	swait.ge [sflag:s17], $0x4000  }
0x71: {  	[sflag:s17] =	ssyncset.done $0x0  }
0x72: {  	s1 =	rddreg [dreg:$0xb];
	[sflag:s17] =	ssyncadd.s32 $0xFFFFC000  }
0x73: {  	[hbm4b:s1+s2] =	stream.linear.scatter [tilespmem:s8], [sflag:$0x7], $0x4000, $0x38;
	[tilespmem:$0x14C80] =	vst v63  }
0x74: {  	_ =	swait.ge [sflag:s7], $0x4000  }
0x75: {  	s1 =	sld [smem:$0x7FC]  }
0x76: {  	[sflag:s7] =	ssyncset.done $0x0  }
0x77: {  	[sflag:s7] =	ssyncadd.s32 $0xFFFFC000  }
0x78: {  	[tilespmem:s8], [sflag:$0x3] =	stream.indirect.gather [hbm4b:s10+s13], $0x80, s1, s13, $0xb8;
	[tilespmem:$0x14C80] =	vst v63  }
0x79: {  	_ =	swait.ge [sflag:s18], $0x4000  }
0x7a: {  	[sflag:s18] =	ssyncset.done $0x0  }
0x7b: {  	s1 =	rddreg [dreg:$0xc];
	[sflag:s18] =	ssyncadd.s32 $0xFFFFC000  }
0x7c: {  	[hbm4b:s1+s2] =	stream.linear.scatter [tilespmem:s6], [sflag:$0x8], $0x4000, $0x38;
	[tilespmem:$0x14C80] =	vst v63  }
0x7d: {  	_ =	swait.ge [sflag:s9], $0x4000  }
0x7e: {  	s1 =	sld [smem:$0x7FD]  }
0x7f: {  	[sflag:s9] =	ssyncset.done $0x0  }
0x80: {  	[sflag:s9] =	ssyncadd.s32 $0xFFFFC000  }
0x81: {  	[tilespmem:s6], [sflag:$0x4] =	stream.indirect.gather [hbm4b:s10+s13], $0x80, s1, s13, $0xb8;
	[tilespmem:$0x14C80] =	vst v63  }
0x82: {  	_ =	swait.ge [sflag:s14], $0x4000  }
0x83: {  	[sflag:s14] =	ssyncset.done $0x0  }
0x84: {  	s1 =	rddreg [dreg:$0xd];
	[sflag:s14] =	ssyncadd.s32 $0xFFFFC000  }
0x85: {  	[hbm4b:s1+s2] =	stream.linear.scatter [tilespmem:s12], [sflag:$0x5], $0x4000, $0x38;
	[tilespmem:$0x14C80] =	vst v63  }
0x86: {  	_ =	swait.ge [sflag:s4], $0x4000  }
0x87: {  	[sflag:s4] =	ssyncset.done $0x0  }
0x88: {  	s1 =	simm.s32 $0x600;
	[sflag:s4] =	ssyncadd.s32 $0xFFFFC000  }
0x89: {  	[tilespmem:s12], [sflag:$0x1] =	stream.indirect.gather [hbm4b:s10+s13], $0x80, s1, s13, $0xb8;
	[tilespmem:$0x14C80] =	vst v63  }
0x8a: {  	_ =	swait.ge [sflag:s15], $0x4000  }
0x8b: {  	[sflag:s15] =	ssyncset.done $0x0  }
0x8c: {  	s1 =	rddreg [dreg:$0xe];
	[sflag:s15] =	ssyncadd.s32 $0xFFFFC000  }
0x8d: {  	[hbm4b:s1+s2] =	stream.linear.scatter [tilespmem:s11], [sflag:$0x6], $0x4000, $0x38;
	[tilespmem:$0x14C80] =	vst v63  }
0x8e: {  	_ =	swait.ge [sflag:s5], $0x4000  }
0x8f: {  	[sflag:s5] =	ssyncset.done $0x0  }
0x90: {  	[sflag:s5] =	ssyncadd.s32 $0xFFFFC000  }
0x91: {  	[tilespmem:s11], [sflag:$0x2] =	stream.indirect.gather [hbm4b:s10+s13], $0x80, s29, s13, $0xb8;
	[tilespmem:$0x14C80] =	vst v63  }
0x92: {  	_ =	swait.ge [sflag:s17], $0x4000  }
0x93: {  	[sflag:s17] =	ssyncset.done $0x0  }
0x94: {  	s1 =	rddreg [dreg:$0xf];
	[sflag:s17] =	ssyncadd.s32 $0xFFFFC000  }
0x95: {  	[hbm4b:s1+s2] =	stream.linear.scatter [tilespmem:s8], [sflag:$0x7], $0x4000, $0x38;
	[tilespmem:$0x14C80] =	vst v63  }
0x96: {  	_ =	swait.ge [sflag:s7], $0x4000  }
0x97: {  	[sflag:s7] =	ssyncset.done $0x0  }
0x98: {  	[sflag:s7] =	ssyncadd.s32 $0xFFFFC000  }
0x99: {  	[tilespmem:s8], [sflag:$0x3] =	stream.indirect.gather [hbm4b:s10+s13], $0x80, s26, s13, $0xb8;
	[tilespmem:$0x14C80] =	vst v63  }
0x9a: {  	_ =	swait.ge [sflag:s18], $0x4000  }
0x9b: {  	[sflag:s18] =	ssyncset.done $0x0  }
0x9c: {  	s1 =	rddreg [dreg:$0x10];
	[sflag:s18] =	ssyncadd.s32 $0xFFFFC000  }
0x9d: {  	[hbm4b:s1+s2] =	stream.linear.scatter [tilespmem:s6], [sflag:$0x8], $0x4000, $0x38;
	[tilespmem:$0x14C80] =	vst v63  }
0x9e: {  	_ =	swait.ge [sflag:s9], $0x4000  }
0x9f: {  	[sflag:s9] =	ssyncset.done $0x0  }
0xa0: {  	[sflag:s9] =	ssyncadd.s32 $0xFFFFC000  }
0xa1: {  	[tilespmem:s6], [sflag:$0x4] =	stream.indirect.gather [hbm4b:s10+s13], $0x80, s25, s13, $0xb8;
	[tilespmem:$0x14C80] =	vst v63  }
0xa2: {  	_ =	swait.ge [sflag:s14], $0x4000  }
0xa3: {  	[sflag:s14] =	ssyncset.done $0x0  }
0xa4: {  	s1 =	rddreg [dreg:$0x11];
	[sflag:s14] =	ssyncadd.s32 $0xFFFFC000  }
0xa5: {  	[hbm4b:s1+s2] =	stream.linear.scatter [tilespmem:s12], [sflag:$0x5], $0x4000, $0x38;
	[tilespmem:$0x14C80] =	vst v63  }
0xa6: {  	_ =	swait.ge [sflag:s4], $0x4000  }
0xa7: {  	[sflag:s4] =	ssyncset.done $0x0  }
0xa8: {  	[sflag:s4] =	ssyncadd.s32 $0xFFFFC000  }
0xa9: {  	[tilespmem:s12], [sflag:$0x1] =	stream.indirect.gather [hbm4b:s10+s13], $0x80, s24, s13, $0xb8;
	[tilespmem:$0x14C80] =	vst v63  }
0xaa: {  	_ =	swait.ge [sflag:s15], $0x4000  }
0xab: {  	[sflag:s15] =	ssyncset.done $0x0  }
0xac: {  	s1 =	rddreg [dreg:$0x12];
	[sflag:s15] =	ssyncadd.s32 $0xFFFFC000  }
0xad: {  	[hbm4b:s1+s2] =	stream.linear.scatter [tilespmem:s11], [sflag:$0x6], $0x4000, $0x38;
	[tilespmem:$0x14C80] =	vst v63  }
0xae: {  	_ =	swait.ge [sflag:s5], $0x4000  }
0xaf: {  	[sflag:s5] =	ssyncset.done $0x0  }
0xb0: {  	[sflag:s5] =	ssyncadd.s32 $0xFFFFC000  }
0xb1: {  	[tilespmem:s11], [sflag:$0x2] =	stream.indirect.gather [hbm4b:s10+s13], $0x80, s23, s13, $0xb8;
	[tilespmem:$0x14C80] =	vst v63  }
0xb2: {  	_ =	swait.ge [sflag:s17], $0x4000  }
0xb3: {  	[sflag:s17] =	ssyncset.done $0x0  }
0xb4: {  	s1 =	rddreg [dreg:$0x13];
	[sflag:s17] =	ssyncadd.s32 $0xFFFFC000  }
0xb5: {  	[hbm4b:s1+s2] =	stream.linear.scatter [tilespmem:s8], [sflag:$0x7], $0x4000, $0x38;
	[tilespmem:$0x14C80] =	vst v63  }
0xb6: {  	_ =	swait.ge [sflag:s7], $0x4000  }
0xb7: {  	[sflag:s7] =	ssyncset.done $0x0  }
0xb8: {  	[sflag:s7] =	ssyncadd.s32 $0xFFFFC000  }
0xb9: {  	[tilespmem:s8], [sflag:$0x3] =	stream.indirect.gather [hbm4b:s10+s13], $0x80, s22, s13, $0xb8;
	[tilespmem:$0x14C80] =	vst v63  }
0xba: {  	_ =	swait.ge [sflag:s18], $0x4000  }
0xbb: {  	[sflag:s18] =	ssyncset.done $0x0  }
0xbc: {  	s1 =	rddreg [dreg:$0x14];
	[sflag:s18] =	ssyncadd.s32 $0xFFFFC000  }
0xbd: {  	[hbm4b:s1+s2] =	stream.linear.scatter [tilespmem:s6], [sflag:$0x8], $0x4000, $0x38;
	[tilespmem:$0x14C80] =	vst v63  }
0xbe: {  	_ =	swait.ge [sflag:s9], $0x4000  }
0xbf: {  	[sflag:s9] =	ssyncset.done $0x0  }
0xc0: {  	[sflag:s9] =	ssyncadd.s32 $0xFFFFC000  }
0xc1: {  	[tilespmem:s6], [sflag:$0x4] =	stream.indirect.gather [hbm4b:s10+s13], $0x80, s21, s13, $0xb8;
	[tilespmem:$0x14C80] =	vst v63  }
0xc2: {  	_ =	swait.ge [sflag:s14], $0x4000  }
0xc3: {  	[sflag:s14] =	ssyncset.done $0x0  }
0xc4: {  	s1 =	rddreg [dreg:$0x15];
	[sflag:s14] =	ssyncadd.s32 $0xFFFFC000  }
0xc5: {  	[hbm4b:s1+s2] =	stream.linear.scatter [tilespmem:s12], [sflag:$0x5], $0x4000, $0x38;
	[tilespmem:$0x14C80] =	vst v63  }
0xc6: {  	_ =	swait.ge [sflag:s15], $0x4000  }
0xc7: {  	[sflag:s15] =	ssyncset.done $0x0  }
0xc8: {  	s1 =	rddreg [dreg:$0x16];
	[sflag:s15] =	ssyncadd.s32 $0xFFFFC000  }
0xc9: {  	[hbm4b:s1+s2] =	stream.linear.scatter [tilespmem:s11], [sflag:$0x6], $0x4000, $0x38;
	[tilespmem:$0x14C80] =	vst v63  }
0xca: {  	_ =	swait.ge [sflag:s17], $0x4000  }
0xcb: {  	[sflag:s17] =	ssyncset.done $0x0  }
0xcc: {  	s1 =	rddreg [dreg:$0x17];
	[sflag:s17] =	ssyncadd.s32 $0xFFFFC000  }
0xcd: {  	[hbm4b:s1+s2] =	stream.linear.scatter [tilespmem:s8], [sflag:$0x7], $0x4000, $0x38;
	[tilespmem:$0x14C80] =	vst v63  }
0xce: {  	_ =	swait.ge [sflag:s18], $0x4000  }
0xcf: {  	[sflag:s18] =	ssyncset.done $0x0  }
0xd0: {  	s1 =	rddreg [dreg:$0x18];
	[sflag:s18] =	ssyncadd.s32 $0xFFFFC000  }
0xd1: {  	[hbm4b:s1+s2] =	stream.linear.scatter [tilespmem:s6], [sflag:$0x8], $0x4000, $0x38;
	[tilespmem:$0x14C80] =	vst v63  }
0xd2: {  	_ =	swait.ge [sflag:s19], $0x4000  }
0xd3: {  	[sflag:s19] =	ssyncset.done $0x0  }
0xd4: {  	s1 =	rddreg [dreg:$0x19];
	[sflag:s19] =	ssyncadd.s32 $0xFFFFC000  }
0xd5: {  	[hbm4b:s1+s2] =	stream.linear.scatter [tilespmem:s3], [sflag:$0xA], $0x4000, $0x38;
	[tilespmem:$0x14C80] =	vst v63  }
0xd6: {  	_ =	swait.ge [sflag:s4], $0x4000  }
0xd7: {  	[sflag:s4] =	ssyncset.done $0x0  }
0xd8: {  	[sflag:s4] =	ssyncadd.s32 $0xFFFFC000  }
0xd9: {  	_ =	swait.ge [sflag:s5], $0x4000  }
0xda: {  	[sflag:s5] =	ssyncset.done $0x0  }
0xdb: {  	[sflag:s5] =	ssyncadd.s32 $0xFFFFC000  }
0xdc: {  	_ =	swait.ge [sflag:s7], $0x4000  }
0xdd: {  	[sflag:s7] =	ssyncset.done $0x0  }
0xde: {  	p1 =	sne.s32 s20, $0x1;
	[sflag:s7] =	ssyncadd.s32 $0xFFFFC000  }
.Ltmp1:
0xdf: {  	_ =	swait.ge [sflag:s9], $0x4000;
	(pc) =	sbr.rel @!p1 .LBB2_3-.Ltmp1, $4  }
0xe0: {  	[sflag:s9] =	ssyncset.done $0x0  }
0xe1: {  	[sflag:s9] =	ssyncadd.s32 $0xFFFFC000  }
0xe2: {  	p0 =	por $0x1, $0x1;
	_ =	swait.ge [sflag:s16], $0x4000  }
0xe3: {  	s1 =	sadd.s32 $0xFFFFFFFF, s20;
	s0 =	rddreg [dreg:$0x4];
	[sflag:s16] =	ssyncset.done $0x0  }
.LBB2_4:
0xe4: {  	[sflag:s16] =	ssyncadd.s32 $0xFFFFC000  }
0xe5: {  	[tilespmem:s2], [sflag:$0xB] =	stream.linear.gather [hbm4b:s0+s2], $0xA00, $0x38;
	[tilespmem:$0x14C80] =	vst v63  }
0xe6: {  	_ =	swait.ge [sflag:s30], $0xA00  }
0xe7: {  	[sflag:s30] =	ssyncset.done $0x0  }
0xe8: {  	s20 =	rddreg [dreg:$0x5];
	[sflag:s30] =	ssyncadd.s32 $0xFFFFF600  }
0xe9: {  	[tilespmem:s31], [sflag:$0xB] =	stream.linear.gather [hbm4b:s20+s2], $0x80, $0x38;
	[tilespmem:$0x14C80] =	vst v63  }
0xea: {  	_ =	swait.ge [sflag:s30], $0x80  }
0xeb: {  	[sflag:s30] =	ssyncset.done $0x0  }
0xec: {  	[sflag:s30] =	ssyncadd.s32 $0xFFFFFF80  }
0xed: {  	[tilespmem:s3], [sflag:$0x9] =	stream.indirect.gather [hbm4b:s10+s13], $0x80, s31, s13, $0xb8;
	[tilespmem:$0x14C80] =	vst v63  }
0xee: {  	_ = 	snop  }
0xef: {  	[tilespmem:s12], [sflag:$0x1] =	stream.indirect.gather [hbm4b:s10+s13], $0x80, s2, s13, $0xb8;
	[tilespmem:$0x14C80] =	vst v63  }
0xf0: {  	_ = 	snop  }
0xf1: {  	[tilespmem:s11], [sflag:$0x2] =	stream.indirect.gather [hbm4b:s10+s13], $0x80, s13, s13, $0xb8;
	[tilespmem:$0x14C80] =	vst v63  }
0xf2: {  	s0 =	rddreg [dreg:$0x1a]  }
0xf3: {  	[tilespmem:s8], [sflag:$0x3] =	stream.indirect.gather [hbm4b:s10+s13], $0x80, s0, s13, $0xb8;
	[tilespmem:$0x14C80] =	vst v63  }
0xf4: {  	s20 =	rddreg [dreg:$0x1b]  }
0xf5: {  	[tilespmem:s6], [sflag:$0x4] =	stream.indirect.gather [hbm4b:s10+s13], $0x80, s20, s13, $0xb8;
	[tilespmem:$0x14C80] =	vst v63  }
0xf6: {  	_ =	swait.ge [sflag:s14], $0x4000  }
0xf7: {  	[sflag:s14] =	ssyncset.done $0x0  }
0xf8: {  	[sflag:s14] =	ssyncadd.s32 $0xFFFFC000  }
0xf9: {  	[hbm4b:s28+s2] =	stream.linear.scatter [tilespmem:s12], [sflag:$0x5], $0x4000, $0x38;
	[tilespmem:$0x14C80] =	vst v63  }
0xfa: {  	_ =	swait.ge [sflag:s4], $0x4000  }
0xfb: {  	[sflag:s4] =	ssyncset.done $0x0  }
0xfc: {  	s20 =	rddreg [dreg:$0x1c];
	[sflag:s4] =	ssyncadd.s32 $0xFFFFC000  }
0xfd: {  	[tilespmem:s12], [sflag:$0x1] =	stream.indirect.gather [hbm4b:s10+s13], $0x80, s20, s13, $0xb8;
	[tilespmem:$0x14C80] =	vst v63  }
0xfe: {  	_ =	swait.ge [sflag:s15], $0x4000  }
0xff: {  	[sflag:s15] =	ssyncset.done $0x0  }
0x100: {  	s20 =	rddreg [dreg:$0x6];
	[sflag:s15] =	ssyncadd.s32 $0xFFFFC000  }
0x101: {  	[hbm4b:s20+s2] =	stream.linear.scatter [tilespmem:s11], [sflag:$0x6], $0x4000, $0x38;
	[tilespmem:$0x14C80] =	vst v63  }
0x102: {  	_ =	swait.ge [sflag:s5], $0x4000  }
0x103: {  	[sflag:s5] =	ssyncset.done $0x0  }
0x104: {  	s20 =	rddreg [dreg:$0x1d];
	[sflag:s5] =	ssyncadd.s32 $0xFFFFC000  }
0x105: {  	[tilespmem:s11], [sflag:$0x2] =	stream.indirect.gather [hbm4b:s10+s13], $0x80, s20, s13, $0xb8;
	[tilespmem:$0x14C80] =	vst v63  }
0x106: {  	_ =	swait.ge [sflag:s17], $0x4000  }
0x107: {  	[sflag:s17] =	ssyncset.done $0x0  }
0x108: {  	s20 =	rddreg [dreg:$0x7];
	[sflag:s17] =	ssyncadd.s32 $0xFFFFC000  }
0x109: {  	[hbm4b:s20+s2] =	stream.linear.scatter [tilespmem:s8], [sflag:$0x7], $0x4000, $0x38;
	[tilespmem:$0x14C80] =	vst v63  }
0x10a: {  	_ =	swait.ge [sflag:s7], $0x4000  }
0x10b: {  	[sflag:s7] =	ssyncset.done $0x0  }
0x10c: {  	s20 =	rddreg [dreg:$0x1e];
	[sflag:s7] =	ssyncadd.s32 $0xFFFFC000  }
0x10d: {  	[tilespmem:s8], [sflag:$0x3] =	stream.indirect.gather [hbm4b:s10+s13], $0x80, s20, s13, $0xb8;
	[tilespmem:$0x14C80] =	vst v63  }
0x10e: {  	_ =	swait.ge [sflag:s18], $0x4000  }
0x10f: {  	[sflag:s18] =	ssyncset.done $0x0  }
0x110: {  	s20 =	rddreg [dreg:$0x8];
	[sflag:s18] =	ssyncadd.s32 $0xFFFFC000  }
0x111: {  	[hbm4b:s20+s2] =	stream.linear.scatter [tilespmem:s6], [sflag:$0x8], $0x4000, $0x38;
	[tilespmem:$0x14C80] =	vst v63  }
0x112: {  	_ =	swait.ge [sflag:s9], $0x4000  }
0x113: {  	[sflag:s9] =	ssyncset.done $0x0  }
0x114: {  	s20 =	rddreg [dreg:$0x1f];
	[sflag:s9] =	ssyncadd.s32 $0xFFFFC000  }
0x115: {  	[tilespmem:s6], [sflag:$0x4] =	stream.indirect.gather [hbm4b:s10+s13], $0x80, s20, s13, $0xb8;
	[tilespmem:$0x14C80] =	vst v63  }
0x116: {  	_ =	swait.ge [sflag:s14], $0x4000  }
0x117: {  	[sflag:s14] =	ssyncset.done $0x0  }
0x118: {  	s20 =	rddreg [dreg:$0x9];
	[sflag:s14] =	ssyncadd.s32 $0xFFFFC000  }
0x119: {  	[hbm4b:s20+s2] =	stream.linear.scatter [tilespmem:s12], [sflag:$0x5], $0x4000, $0x38;
	[tilespmem:$0x14C80] =	vst v63  }
0x11a: {  	_ =	swait.ge [sflag:s4], $0x4000  }
0x11b: {  	s20 =	sld [smem:$0x7FA]  }
0x11c: {  	[sflag:s4] =	ssyncset.done $0x0  }
0x11d: {  	[sflag:s4] =	ssyncadd.s32 $0xFFFFC000  }
0x11e: {  	[tilespmem:s12], [sflag:$0x1] =	stream.indirect.gather [hbm4b:s10+s13], $0x80, s20, s13, $0xb8;
	[tilespmem:$0x14C80] =	vst v63  }
0x11f: {  	_ =	swait.ge [sflag:s15], $0x4000  }
0x120: {  	[sflag:s15] =	ssyncset.done $0x0  }
0x121: {  	s20 =	rddreg [dreg:$0xa];
	[sflag:s15] =	ssyncadd.s32 $0xFFFFC000  }
0x122: {  	[hbm4b:s20+s2] =	stream.linear.scatter [tilespmem:s11], [sflag:$0x6], $0x4000, $0x38;
	[tilespmem:$0x14C80] =	vst v63  }
0x123: {  	_ =	swait.ge [sflag:s5], $0x4000  }
0x124: {  	s20 =	sld [smem:$0x7FB]  }
0x125: {  	[sflag:s5] =	ssyncset.done $0x0  }
0x126: {  	[sflag:s5] =	ssyncadd.s32 $0xFFFFC000  }
0x127: {  	[tilespmem:s11], [sflag:$0x2] =	stream.indirect.gather [hbm4b:s10+s13], $0x80, s20, s13, $0xb8;
	[tilespmem:$0x14C80] =	vst v63  }
0x128: {  	_ =	swait.ge [sflag:s17], $0x4000  }
0x129: {  	[sflag:s17] =	ssyncset.done $0x0  }
0x12a: {  	s20 =	rddreg [dreg:$0xb];
	[sflag:s17] =	ssyncadd.s32 $0xFFFFC000  }
0x12b: {  	[hbm4b:s20+s2] =	stream.linear.scatter [tilespmem:s8], [sflag:$0x7], $0x4000, $0x38;
	[tilespmem:$0x14C80] =	vst v63  }
0x12c: {  	_ =	swait.ge [sflag:s7], $0x4000  }
0x12d: {  	s20 =	sld [smem:$0x7FC]  }
0x12e: {  	[sflag:s7] =	ssyncset.done $0x0  }
0x12f: {  	[sflag:s7] =	ssyncadd.s32 $0xFFFFC000  }
0x130: {  	[tilespmem:s8], [sflag:$0x3] =	stream.indirect.gather [hbm4b:s10+s13], $0x80, s20, s13, $0xb8;
	[tilespmem:$0x14C80] =	vst v63  }
0x131: {  	_ =	swait.ge [sflag:s18], $0x4000  }
0x132: {  	[sflag:s18] =	ssyncset.done $0x0  }
0x133: {  	s20 =	rddreg [dreg:$0xc];
	[sflag:s18] =	ssyncadd.s32 $0xFFFFC000  }
0x134: {  	[hbm4b:s20+s2] =	stream.linear.scatter [tilespmem:s6], [sflag:$0x8], $0x4000, $0x38;
	[tilespmem:$0x14C80] =	vst v63  }
0x135: {  	_ =	swait.ge [sflag:s9], $0x4000  }
0x136: {  	s20 =	sld [smem:$0x7FD]  }
0x137: {  	[sflag:s9] =	ssyncset.done $0x0  }
0x138: {  	[sflag:s9] =	ssyncadd.s32 $0xFFFFC000  }
0x139: {  	[tilespmem:s6], [sflag:$0x4] =	stream.indirect.gather [hbm4b:s10+s13], $0x80, s20, s13, $0xb8;
	[tilespmem:$0x14C80] =	vst v63  }
0x13a: {  	_ =	swait.ge [sflag:s14], $0x4000  }
0x13b: {  	[sflag:s14] =	ssyncset.done $0x0  }
0x13c: {  	s20 =	rddreg [dreg:$0xd];
	[sflag:s14] =	ssyncadd.s32 $0xFFFFC000  }
0x13d: {  	[hbm4b:s20+s2] =	stream.linear.scatter [tilespmem:s12], [sflag:$0x5], $0x4000, $0x38;
	[tilespmem:$0x14C80] =	vst v63  }
0x13e: {  	_ =	swait.ge [sflag:s4], $0x4000  }
0x13f: {  	[sflag:s4] =	ssyncset.done $0x0  }
0x140: {  	s20 =	simm.s32 $0x600;
	[sflag:s4] =	ssyncadd.s32 $0xFFFFC000  }
0x141: {  	[tilespmem:s12], [sflag:$0x1] =	stream.indirect.gather [hbm4b:s10+s13], $0x80, s20, s13, $0xb8;
	[tilespmem:$0x14C80] =	vst v63  }
0x142: {  	_ =	swait.ge [sflag:s15], $0x4000  }
0x143: {  	[sflag:s15] =	ssyncset.done $0x0  }
0x144: {  	s20 =	rddreg [dreg:$0xe];
	[sflag:s15] =	ssyncadd.s32 $0xFFFFC000  }
0x145: {  	[hbm4b:s20+s2] =	stream.linear.scatter [tilespmem:s11], [sflag:$0x6], $0x4000, $0x38;
	[tilespmem:$0x14C80] =	vst v63  }
0x146: {  	_ =	swait.ge [sflag:s5], $0x4000  }
0x147: {  	[sflag:s5] =	ssyncset.done $0x0  }
0x148: {  	[sflag:s5] =	ssyncadd.s32 $0xFFFFC000  }
0x149: {  	[tilespmem:s11], [sflag:$0x2] =	stream.indirect.gather [hbm4b:s10+s13], $0x80, s29, s13, $0xb8;
	[tilespmem:$0x14C80] =	vst v63  }
0x14a: {  	_ =	swait.ge [sflag:s17], $0x4000  }
0x14b: {  	[sflag:s17] =	ssyncset.done $0x0  }
0x14c: {  	s20 =	rddreg [dreg:$0xf];
	[sflag:s17] =	ssyncadd.s32 $0xFFFFC000  }
0x14d: {  	[hbm4b:s20+s2] =	stream.linear.scatter [tilespmem:s8], [sflag:$0x7], $0x4000, $0x38;
	[tilespmem:$0x14C80] =	vst v63  }
0x14e: {  	_ =	swait.ge [sflag:s7], $0x4000  }
0x14f: {  	[sflag:s7] =	ssyncset.done $0x0  }
0x150: {  	[sflag:s7] =	ssyncadd.s32 $0xFFFFC000  }
0x151: {  	[tilespmem:s8], [sflag:$0x3] =	stream.indirect.gather [hbm4b:s10+s13], $0x80, s26, s13, $0xb8;
	[tilespmem:$0x14C80] =	vst v63  }
0x152: {  	_ =	swait.ge [sflag:s18], $0x4000  }
0x153: {  	[sflag:s18] =	ssyncset.done $0x0  }
0x154: {  	s20 =	rddreg [dreg:$0x10];
	[sflag:s18] =	ssyncadd.s32 $0xFFFFC000  }
0x155: {  	[hbm4b:s20+s2] =	stream.linear.scatter [tilespmem:s6], [sflag:$0x8], $0x4000, $0x38;
	[tilespmem:$0x14C80] =	vst v63  }
0x156: {  	_ =	swait.ge [sflag:s9], $0x4000  }
0x157: {  	[sflag:s9] =	ssyncset.done $0x0  }
0x158: {  	[sflag:s9] =	ssyncadd.s32 $0xFFFFC000  }
0x159: {  	[tilespmem:s6], [sflag:$0x4] =	stream.indirect.gather [hbm4b:s10+s13], $0x80, s25, s13, $0xb8;
	[tilespmem:$0x14C80] =	vst v63  }
0x15a: {  	_ =	swait.ge [sflag:s14], $0x4000  }
0x15b: {  	[sflag:s14] =	ssyncset.done $0x0  }
0x15c: {  	s20 =	rddreg [dreg:$0x11];
	[sflag:s14] =	ssyncadd.s32 $0xFFFFC000  }
0x15d: {  	[hbm4b:s20+s2] =	stream.linear.scatter [tilespmem:s12], [sflag:$0x5], $0x4000, $0x38;
	[tilespmem:$0x14C80] =	vst v63  }
0x15e: {  	_ =	swait.ge [sflag:s4], $0x4000  }
0x15f: {  	[sflag:s4] =	ssyncset.done $0x0  }
0x160: {  	[sflag:s4] =	ssyncadd.s32 $0xFFFFC000  }
0x161: {  	[tilespmem:s12], [sflag:$0x1] =	stream.indirect.gather [hbm4b:s10+s13], $0x80, s24, s13, $0xb8;
	[tilespmem:$0x14C80] =	vst v63  }
0x162: {  	_ =	swait.ge [sflag:s15], $0x4000  }
0x163: {  	[sflag:s15] =	ssyncset.done $0x0  }
0x164: {  	s20 =	rddreg [dreg:$0x12];
	[sflag:s15] =	ssyncadd.s32 $0xFFFFC000  }
0x165: {  	[hbm4b:s20+s2] =	stream.linear.scatter [tilespmem:s11], [sflag:$0x6], $0x4000, $0x38;
	[tilespmem:$0x14C80] =	vst v63  }
0x166: {  	_ =	swait.ge [sflag:s5], $0x4000  }
0x167: {  	[sflag:s5] =	ssyncset.done $0x0  }
0x168: {  	[sflag:s5] =	ssyncadd.s32 $0xFFFFC000  }
0x169: {  	[tilespmem:s11], [sflag:$0x2] =	stream.indirect.gather [hbm4b:s10+s13], $0x80, s23, s13, $0xb8;
	[tilespmem:$0x14C80] =	vst v63  }
0x16a: {  	_ =	swait.ge [sflag:s17], $0x4000  }
0x16b: {  	[sflag:s17] =	ssyncset.done $0x0  }
0x16c: {  	s20 =	rddreg [dreg:$0x13];
	[sflag:s17] =	ssyncadd.s32 $0xFFFFC000  }
0x16d: {  	[hbm4b:s20+s2] =	stream.linear.scatter [tilespmem:s8], [sflag:$0x7], $0x4000, $0x38;
	[tilespmem:$0x14C80] =	vst v63  }
0x16e: {  	_ =	swait.ge [sflag:s7], $0x4000  }
0x16f: {  	[sflag:s7] =	ssyncset.done $0x0  }
0x170: {  	[sflag:s7] =	ssyncadd.s32 $0xFFFFC000  }
0x171: {  	[tilespmem:s8], [sflag:$0x3] =	stream.indirect.gather [hbm4b:s10+s13], $0x80, s22, s13, $0xb8;
	[tilespmem:$0x14C80] =	vst v63  }
0x172: {  	_ =	swait.ge [sflag:s18], $0x4000  }
0x173: {  	[sflag:s18] =	ssyncset.done $0x0  }
0x174: {  	s20 =	rddreg [dreg:$0x14];
	[sflag:s18] =	ssyncadd.s32 $0xFFFFC000  }
0x175: {  	[hbm4b:s20+s2] =	stream.linear.scatter [tilespmem:s6], [sflag:$0x8], $0x4000, $0x38;
	[tilespmem:$0x14C80] =	vst v63  }
0x176: {  	_ =	swait.ge [sflag:s9], $0x4000  }
0x177: {  	[sflag:s9] =	ssyncset.done $0x0  }
0x178: {  	[sflag:s9] =	ssyncadd.s32 $0xFFFFC000  }
0x179: {  	[tilespmem:s6], [sflag:$0x4] =	stream.indirect.gather [hbm4b:s10+s13], $0x80, s21, s13, $0xb8;
	[tilespmem:$0x14C80] =	vst v63  }
0x17a: {  	_ =	swait.ge [sflag:s14], $0x4000  }
0x17b: {  	[sflag:s14] =	ssyncset.done $0x0  }
0x17c: {  	s20 =	rddreg [dreg:$0x15];
	[sflag:s14] =	ssyncadd.s32 $0xFFFFC000  }
0x17d: {  	[hbm4b:s20+s2] =	stream.linear.scatter [tilespmem:s12], [sflag:$0x5], $0x4000, $0x38;
	[tilespmem:$0x14C80] =	vst v63  }
0x17e: {  	_ =	swait.ge [sflag:s15], $0x4000  }
0x17f: {  	[sflag:s15] =	ssyncset.done $0x0  }
0x180: {  	s20 =	rddreg [dreg:$0x16];
	[sflag:s15] =	ssyncadd.s32 $0xFFFFC000  }
0x181: {  	[hbm4b:s20+s2] =	stream.linear.scatter [tilespmem:s11], [sflag:$0x6], $0x4000, $0x38;
	[tilespmem:$0x14C80] =	vst v63  }
0x182: {  	_ =	swait.ge [sflag:s17], $0x4000  }
0x183: {  	[sflag:s17] =	ssyncset.done $0x0  }
0x184: {  	s20 =	rddreg [dreg:$0x17];
	[sflag:s17] =	ssyncadd.s32 $0xFFFFC000  }
0x185: {  	[hbm4b:s20+s2] =	stream.linear.scatter [tilespmem:s8], [sflag:$0x7], $0x4000, $0x38;
	[tilespmem:$0x14C80] =	vst v63  }
0x186: {  	_ =	swait.ge [sflag:s18], $0x4000  }
0x187: {  	[sflag:s18] =	ssyncset.done $0x0  }
0x188: {  	s20 =	rddreg [dreg:$0x18];
	[sflag:s18] =	ssyncadd.s32 $0xFFFFC000  }
0x189: {  	[hbm4b:s20+s2] =	stream.linear.scatter [tilespmem:s6], [sflag:$0x8], $0x4000, $0x38;
	[tilespmem:$0x14C80] =	vst v63  }
0x18a: {  	_ =	swait.ge [sflag:s19], $0x4000  }
0x18b: {  	[sflag:s19] =	ssyncset.done $0x0  }
0x18c: {  	s20 =	rddreg [dreg:$0x19];
	[sflag:s19] =	ssyncadd.s32 $0xFFFFC000  }
0x18d: {  	[hbm4b:s20+s2] =	stream.linear.scatter [tilespmem:s3], [sflag:$0xA], $0x4000, $0x38;
	[tilespmem:$0x14C80] =	vst v63  }
0x18e: {  	_ =	swait.ge [sflag:s4], $0x4000  }
0x18f: {  	[sflag:s4] =	ssyncset.done $0x0  }
0x190: {  	[sflag:s4] =	ssyncadd.s32 $0xFFFFC000  }
0x191: {  	_ =	swait.ge [sflag:s5], $0x4000  }
0x192: {  	[sflag:s5] =	ssyncset.done $0x0  }
0x193: {  	[sflag:s5] =	ssyncadd.s32 $0xFFFFC000  }
0x194: {  	_ =	swait.ge [sflag:s7], $0x4000  }
0x195: {  	[sflag:s7] =	ssyncset.done $0x0  }
0x196: {  	p1 =	sne.s32 s1, $0x1;
	[sflag:s7] =	ssyncadd.s32 $0xFFFFC000  }
.Ltmp2:
0x197: {  	_ =	swait.ge [sflag:s9], $0x4000;
	(pc) =	sbr.rel @p1 .LBB2_4-.Ltmp2, $4  }
0x198: {  	[sflag:s9] =	ssyncset.done $0x0  }
0x199: {  	[sflag:s9] =	ssyncadd.s32 $0xFFFFC000  }
0x19a: {  	_ =	swait.ge [sflag:s16], $0x4000  }
0x19b: {  	s1 =	sadd.s32 $0xFFFFFFFF, s1;
	s0 =	rddreg [dreg:$0x4];
	[sflag:s16] =	ssyncset.done $0x0  }
0x19c: {  	s21 =	simm.s32 $0x600;
	s29 =	simm.s32 $0x680  }
0x19d: {  	s26 =	simm.s32 $0x700;
	s25 =	simm.s32 $0x780;
	s24 =	simm.s32 $0x800  }
0x19e: {  	s23 =	simm.s32 $0x880;
	s22 =	simm.s32 $0x900;
	s20 =	stileid.u32  }
.LBB2_6:
0x19f: {  	[sflag:s16] =	ssyncadd.s32 @p0 $0xFFFFC000  }
0x1a0: {  	[tilespmem:s2], [sflag:$0xB] =	stream.linear.gather [hbm4b:s0+s2], $0xA00, $0x38;
	[tilespmem:$0x14C80] =	vst v63  }
0x1a1: {  	_ =	swait.ge [sflag:s30], $0xA00  }
0x1a2: {  	[sflag:s30] =	ssyncset.done $0x0  }
0x1a3: {  	s1 =	rddreg [dreg:$0x5];
	[sflag:s30] =	ssyncadd.s32 $0xFFFFF600  }
0x1a4: {  	[tilespmem:s31], [sflag:$0xB] =	stream.linear.gather [hbm4b:s1+s2], $0x80, $0x38;
	[tilespmem:$0x14C80] =	vst v63  }
0x1a5: {  	_ =	swait.ge [sflag:s30], $0x80  }
0x1a6: {  	[sflag:s30] =	ssyncset.done $0x0  }
0x1a7: {  	[sflag:s30] =	ssyncadd.s32 $0xFFFFFF80  }
0x1a8: {  	[tilespmem:s3], [sflag:$0x9] =	stream.indirect.gather [hbm4b:s10+s13], $0x80, s31, s13, $0xb8;
	[tilespmem:$0x14C80] =	vst v63  }
0x1a9: {  	_ = 	snop  }
0x1aa: {  	[tilespmem:s12], [sflag:$0x1] =	stream.indirect.gather [hbm4b:s10+s13], $0x80, s2, s13, $0xb8;
	[tilespmem:$0x14C80] =	vst v63  }
0x1ab: {  	_ = 	snop  }
0x1ac: {  	[tilespmem:s11], [sflag:$0x2] =	stream.indirect.gather [hbm4b:s10+s13], $0x80, s13, s13, $0xb8;
	[tilespmem:$0x14C80] =	vst v63  }
0x1ad: {  	s31 =	rddreg [dreg:$0x1a]  }
0x1ae: {  	[tilespmem:s8], [sflag:$0x3] =	stream.indirect.gather [hbm4b:s10+s13], $0x80, s31, s13, $0xb8;
	[tilespmem:$0x14C80] =	vst v63  }
0x1af: {  	s1 =	rddreg [dreg:$0x1b]  }
0x1b0: {  	[tilespmem:s6], [sflag:$0x4] =	stream.indirect.gather [hbm4b:s10+s13], $0x80, s1, s13, $0xb8;
	[tilespmem:$0x14C80] =	vst v63  }
0x1b1: {  	_ =	swait.ge [sflag:s14], $0x4000  }
0x1b2: {  	[sflag:s14] =	ssyncset.done $0x0  }
0x1b3: {  	[sflag:s14] =	ssyncadd.s32 $0xFFFFC000  }
0x1b4: {  	[hbm4b:s28+s2] =	stream.linear.scatter [tilespmem:s12], [sflag:$0x5], $0x4000, $0x38;
	[tilespmem:$0x14C80] =	vst v63  }
0x1b5: {  	_ =	swait.ge [sflag:s4], $0x4000  }
0x1b6: {  	[sflag:s4] =	ssyncset.done $0x0  }
0x1b7: {  	s28 =	rddreg [dreg:$0x1c];
	[sflag:s4] =	ssyncadd.s32 $0xFFFFC000  }
0x1b8: {  	[tilespmem:s12], [sflag:$0x1] =	stream.indirect.gather [hbm4b:s10+s13], $0x80, s28, s13, $0xb8;
	[tilespmem:$0x14C80] =	vst v63  }
0x1b9: {  	_ =	swait.ge [sflag:s15], $0x4000  }
0x1ba: {  	[sflag:s15] =	ssyncset.done $0x0  }
0x1bb: {  	s30 =	rddreg [dreg:$0x6];
	[sflag:s15] =	ssyncadd.s32 $0xFFFFC000  }
0x1bc: {  	[hbm4b:s30+s2] =	stream.linear.scatter [tilespmem:s11], [sflag:$0x6], $0x4000, $0x38;
	[tilespmem:$0x14C80] =	vst v63  }
0x1bd: {  	_ =	swait.ge [sflag:s5], $0x4000  }
0x1be: {  	[sflag:s5] =	ssyncset.done $0x0  }
0x1bf: {  	s31 =	rddreg [dreg:$0x1d];
	[sflag:s5] =	ssyncadd.s32 $0xFFFFC000  }
0x1c0: {  	[tilespmem:s11], [sflag:$0x2] =	stream.indirect.gather [hbm4b:s10+s13], $0x80, s31, s13, $0xb8;
	[tilespmem:$0x14C80] =	vst v63  }
0x1c1: {  	_ =	swait.ge [sflag:s17], $0x4000  }
0x1c2: {  	[sflag:s17] =	ssyncset.done $0x0  }
0x1c3: {  	s1 =	rddreg [dreg:$0x7];
	[sflag:s17] =	ssyncadd.s32 $0xFFFFC000  }
0x1c4: {  	[hbm4b:s1+s2] =	stream.linear.scatter [tilespmem:s8], [sflag:$0x7], $0x4000, $0x38;
	[tilespmem:$0x14C80] =	vst v63  }
0x1c5: {  	_ =	swait.ge [sflag:s7], $0x4000  }
0x1c6: {  	[sflag:s7] =	ssyncset.done $0x0  }
0x1c7: {  	s28 =	rddreg [dreg:$0x1e];
	[sflag:s7] =	ssyncadd.s32 $0xFFFFC000  }
0x1c8: {  	[tilespmem:s8], [sflag:$0x3] =	stream.indirect.gather [hbm4b:s10+s13], $0x80, s28, s13, $0xb8;
	[tilespmem:$0x14C80] =	vst v63  }
0x1c9: {  	_ =	swait.ge [sflag:s18], $0x4000  }
0x1ca: {  	[sflag:s18] =	ssyncset.done $0x0  }
0x1cb: {  	s30 =	rddreg [dreg:$0x8];
	[sflag:s18] =	ssyncadd.s32 $0xFFFFC000  }
0x1cc: {  	[hbm4b:s30+s2] =	stream.linear.scatter [tilespmem:s6], [sflag:$0x8], $0x4000, $0x38;
	[tilespmem:$0x14C80] =	vst v63  }
0x1cd: {  	_ =	swait.ge [sflag:s9], $0x4000  }
0x1ce: {  	[sflag:s9] =	ssyncset.done $0x0  }
0x1cf: {  	s31 =	rddreg [dreg:$0x1f];
	[sflag:s9] =	ssyncadd.s32 $0xFFFFC000  }
0x1d0: {  	[tilespmem:s6], [sflag:$0x4] =	stream.indirect.gather [hbm4b:s10+s13], $0x80, s31, s13, $0xb8;
	[tilespmem:$0x14C80] =	vst v63  }
0x1d1: {  	_ =	swait.ge [sflag:s14], $0x4000  }
0x1d2: {  	[sflag:s14] =	ssyncset.done $0x0  }
0x1d3: {  	s1 =	rddreg [dreg:$0x9];
	[sflag:s14] =	ssyncadd.s32 $0xFFFFC000  }
0x1d4: {  	[hbm4b:s1+s2] =	stream.linear.scatter [tilespmem:s12], [sflag:$0x5], $0x4000, $0x38;
	[tilespmem:$0x14C80] =	vst v63  }
0x1d5: {  	_ =	swait.ge [sflag:s4], $0x4000  }
0x1d6: {  	s28 =	sld [smem:$0x7FA]  }
0x1d7: {  	[sflag:s4] =	ssyncset.done $0x0  }
0x1d8: {  	[sflag:s4] =	ssyncadd.s32 $0xFFFFC000  }
0x1d9: {  	[tilespmem:s12], [sflag:$0x1] =	stream.indirect.gather [hbm4b:s10+s13], $0x80, s28, s13, $0xb8;
	[tilespmem:$0x14C80] =	vst v63  }
0x1da: {  	_ =	swait.ge [sflag:s15], $0x4000  }
0x1db: {  	[sflag:s15] =	ssyncset.done $0x0  }
0x1dc: {  	s30 =	rddreg [dreg:$0xa];
	[sflag:s15] =	ssyncadd.s32 $0xFFFFC000  }
0x1dd: {  	[hbm4b:s30+s2] =	stream.linear.scatter [tilespmem:s11], [sflag:$0x6], $0x4000, $0x38;
	[tilespmem:$0x14C80] =	vst v63  }
0x1de: {  	_ =	swait.ge [sflag:s5], $0x4000  }
0x1df: {  	s31 =	sld [smem:$0x7FB]  }
0x1e0: {  	[sflag:s5] =	ssyncset.done $0x0  }
0x1e1: {  	[sflag:s5] =	ssyncadd.s32 $0xFFFFC000  }
0x1e2: {  	[tilespmem:s11], [sflag:$0x2] =	stream.indirect.gather [hbm4b:s10+s13], $0x80, s31, s13, $0xb8;
	[tilespmem:$0x14C80] =	vst v63  }
0x1e3: {  	_ =	swait.ge [sflag:s17], $0x4000  }
0x1e4: {  	[sflag:s17] =	ssyncset.done $0x0  }
0x1e5: {  	s1 =	rddreg [dreg:$0xb];
	[sflag:s17] =	ssyncadd.s32 $0xFFFFC000  }
0x1e6: {  	[hbm4b:s1+s2] =	stream.linear.scatter [tilespmem:s8], [sflag:$0x7], $0x4000, $0x38;
	[tilespmem:$0x14C80] =	vst v63  }
0x1e7: {  	_ =	swait.ge [sflag:s7], $0x4000  }
0x1e8: {  	s28 =	sld [smem:$0x7FC]  }
0x1e9: {  	[sflag:s7] =	ssyncset.done $0x0  }
0x1ea: {  	[sflag:s7] =	ssyncadd.s32 $0xFFFFC000  }
0x1eb: {  	[tilespmem:s8], [sflag:$0x3] =	stream.indirect.gather [hbm4b:s10+s13], $0x80, s28, s13, $0xb8;
	[tilespmem:$0x14C80] =	vst v63  }
0x1ec: {  	_ =	swait.ge [sflag:s18], $0x4000  }
0x1ed: {  	[sflag:s18] =	ssyncset.done $0x0  }
0x1ee: {  	s30 =	rddreg [dreg:$0xc];
	[sflag:s18] =	ssyncadd.s32 $0xFFFFC000  }
0x1ef: {  	[hbm4b:s30+s2] =	stream.linear.scatter [tilespmem:s6], [sflag:$0x8], $0x4000, $0x38;
	[tilespmem:$0x14C80] =	vst v63  }
0x1f0: {  	_ =	swait.ge [sflag:s9], $0x4000  }
0x1f1: {  	s31 =	sld [smem:$0x7FD]  }
0x1f2: {  	[sflag:s9] =	ssyncset.done $0x0  }
0x1f3: {  	[sflag:s9] =	ssyncadd.s32 $0xFFFFC000  }
0x1f4: {  	[tilespmem:s6], [sflag:$0x4] =	stream.indirect.gather [hbm4b:s10+s13], $0x80, s31, s13, $0xb8;
	[tilespmem:$0x14C80] =	vst v63  }
0x1f5: {  	_ =	swait.ge [sflag:s14], $0x4000  }
0x1f6: {  	[sflag:s14] =	ssyncset.done $0x0  }
0x1f7: {  	s1 =	rddreg [dreg:$0xd];
	[sflag:s14] =	ssyncadd.s32 $0xFFFFC000  }
0x1f8: {  	[hbm4b:s1+s2] =	stream.linear.scatter [tilespmem:s12], [sflag:$0x5], $0x4000, $0x38;
	[tilespmem:$0x14C80] =	vst v63  }
0x1f9: {  	_ =	swait.ge [sflag:s4], $0x4000  }
0x1fa: {  	[sflag:s4] =	ssyncset.done $0x0  }
0x1fb: {  	[sflag:s4] =	ssyncadd.s32 $0xFFFFC000  }
0x1fc: {  	[tilespmem:s12], [sflag:$0x1] =	stream.indirect.gather [hbm4b:s10+s13], $0x80, s21, s13, $0xb8;
	[tilespmem:$0x14C80] =	vst v63  }
0x1fd: {  	_ =	swait.ge [sflag:s15], $0x4000  }
0x1fe: {  	[sflag:s15] =	ssyncset.done $0x0  }
0x1ff: {  	s28 =	rddreg [dreg:$0xe];
	[sflag:s15] =	ssyncadd.s32 $0xFFFFC000  }
0x200: {  	[hbm4b:s28+s2] =	stream.linear.scatter [tilespmem:s11], [sflag:$0x6], $0x4000, $0x38;
	[tilespmem:$0x14C80] =	vst v63  }
0x201: {  	_ =	swait.ge [sflag:s5], $0x4000  }
0x202: {  	[sflag:s5] =	ssyncset.done $0x0  }
0x203: {  	[sflag:s5] =	ssyncadd.s32 $0xFFFFC000  }
0x204: {  	[tilespmem:s11], [sflag:$0x2] =	stream.indirect.gather [hbm4b:s10+s13], $0x80, s29, s13, $0xb8;
	[tilespmem:$0x14C80] =	vst v63  }
0x205: {  	_ =	swait.ge [sflag:s17], $0x4000  }
0x206: {  	[sflag:s17] =	ssyncset.done $0x0  }
0x207: {  	s30 =	rddreg [dreg:$0xf];
	[sflag:s17] =	ssyncadd.s32 $0xFFFFC000  }
0x208: {  	[hbm4b:s30+s2] =	stream.linear.scatter [tilespmem:s8], [sflag:$0x7], $0x4000, $0x38;
	[tilespmem:$0x14C80] =	vst v63  }
0x209: {  	_ =	swait.ge [sflag:s7], $0x4000  }
0x20a: {  	[sflag:s7] =	ssyncset.done $0x0  }
0x20b: {  	[sflag:s7] =	ssyncadd.s32 $0xFFFFC000  }
0x20c: {  	[tilespmem:s8], [sflag:$0x3] =	stream.indirect.gather [hbm4b:s10+s13], $0x80, s26, s13, $0xb8;
	[tilespmem:$0x14C80] =	vst v63  }
0x20d: {  	_ =	swait.ge [sflag:s18], $0x4000  }
0x20e: {  	[sflag:s18] =	ssyncset.done $0x0  }
0x20f: {  	s31 =	rddreg [dreg:$0x10];
	[sflag:s18] =	ssyncadd.s32 $0xFFFFC000  }
0x210: {  	[hbm4b:s31+s2] =	stream.linear.scatter [tilespmem:s6], [sflag:$0x8], $0x4000, $0x38;
	[tilespmem:$0x14C80] =	vst v63  }
0x211: {  	_ =	swait.ge [sflag:s9], $0x4000  }
0x212: {  	[sflag:s9] =	ssyncset.done $0x0  }
0x213: {  	[sflag:s9] =	ssyncadd.s32 $0xFFFFC000  }
0x214: {  	[tilespmem:s6], [sflag:$0x4] =	stream.indirect.gather [hbm4b:s10+s13], $0x80, s25, s13, $0xb8;
	[tilespmem:$0x14C80] =	vst v63  }
0x215: {  	_ =	swait.ge [sflag:s14], $0x4000  }
0x216: {  	[sflag:s14] =	ssyncset.done $0x0  }
0x217: {  	s1 =	rddreg [dreg:$0x11];
	[sflag:s14] =	ssyncadd.s32 $0xFFFFC000  }
0x218: {  	[hbm4b:s1+s2] =	stream.linear.scatter [tilespmem:s12], [sflag:$0x5], $0x4000, $0x38;
	[tilespmem:$0x14C80] =	vst v63  }
0x219: {  	_ =	swait.ge [sflag:s4], $0x4000  }
0x21a: {  	[sflag:s4] =	ssyncset.done $0x0  }
0x21b: {  	[sflag:s4] =	ssyncadd.s32 $0xFFFFC000  }
0x21c: {  	[tilespmem:s12], [sflag:$0x1] =	stream.indirect.gather [hbm4b:s10+s13], $0x80, s24, s13, $0xb8;
	[tilespmem:$0x14C80] =	vst v63  }
0x21d: {  	_ =	swait.ge [sflag:s15], $0x4000  }
0x21e: {  	[sflag:s15] =	ssyncset.done $0x0  }
0x21f: {  	s21 =	rddreg [dreg:$0x12];
	[sflag:s15] =	ssyncadd.s32 $0xFFFFC000  }
0x220: {  	[hbm4b:s21+s2] =	stream.linear.scatter [tilespmem:s11], [sflag:$0x6], $0x4000, $0x38;
	[tilespmem:$0x14C80] =	vst v63  }
0x221: {  	_ =	swait.ge [sflag:s5], $0x4000  }
0x222: {  	[sflag:s5] =	ssyncset.done $0x0  }
0x223: {  	[sflag:s5] =	ssyncadd.s32 $0xFFFFC000  }
0x224: {  	[tilespmem:s11], [sflag:$0x2] =	stream.indirect.gather [hbm4b:s10+s13], $0x80, s23, s13, $0xb8;
	[tilespmem:$0x14C80] =	vst v63  }
0x225: {  	_ =	swait.ge [sflag:s17], $0x4000  }
0x226: {  	[sflag:s17] =	ssyncset.done $0x0  }
0x227: {  	s23 =	rddreg [dreg:$0x13];
	[sflag:s17] =	ssyncadd.s32 $0xFFFFC000  }
0x228: {  	[hbm4b:s23+s2] =	stream.linear.scatter [tilespmem:s8], [sflag:$0x7], $0x4000, $0x38;
	[tilespmem:$0x14C80] =	vst v63  }
0x229: {  	_ =	swait.ge [sflag:s7], $0x4000  }
0x22a: {  	[sflag:s7] =	ssyncset.done $0x0  }
0x22b: {  	[sflag:s7] =	ssyncadd.s32 $0xFFFFC000  }
0x22c: {  	[tilespmem:s8], [sflag:$0x3] =	stream.indirect.gather [hbm4b:s10+s13], $0x80, s22, s13, $0xb8;
	[tilespmem:$0x14C80] =	vst v63  }
0x22d: {  	_ =	swait.ge [sflag:s18], $0x4000  }
0x22e: {  	[sflag:s18] =	ssyncset.done $0x0  }
0x22f: {  	s24 =	rddreg [dreg:$0x14];
	[sflag:s18] =	ssyncadd.s32 $0xFFFFC000  }
0x230: {  	[hbm4b:s24+s2] =	stream.linear.scatter [tilespmem:s6], [sflag:$0x8], $0x4000, $0x38;
	[tilespmem:$0x14C80] =	vst v63  }
0x231: {  	_ =	swait.ge [sflag:s9], $0x4000  }
0x232: {  	[sflag:s9] =	ssyncset.done $0x0  }
0x233: {  	s25 =	simm.s32 $0x980;
	[sflag:s9] =	ssyncadd.s32 $0xFFFFC000  }
0x234: {  	[tilespmem:s6], [sflag:$0x4] =	stream.indirect.gather [hbm4b:s10+s13], $0x80, s25, s13, $0xb8;
	[tilespmem:$0x14C80] =	vst v63  }
0x235: {  	_ =	swait.ge [sflag:s14], $0x4000  }
0x236: {  	[sflag:s14] =	ssyncset.done $0x0  }
0x237: {  	s26 =	rddreg [dreg:$0x15];
	[sflag:s14] =	ssyncadd.s32 $0xFFFFC000  }
0x238: {  	[hbm4b:s26+s2] =	stream.linear.scatter [tilespmem:s12], [sflag:$0x5], $0x4000, $0x38;
	[tilespmem:$0x14C80] =	vst v63  }
0x239: {  	_ =	swait.ge [sflag:s15], $0x4000  }
0x23a: {  	[sflag:s15] =	ssyncset.done $0x0  }
0x23b: {  	s28 =	rddreg [dreg:$0x16];
	[sflag:s15] =	ssyncadd.s32 $0xFFFFC000  }
0x23c: {  	[hbm4b:s28+s2] =	stream.linear.scatter [tilespmem:s11], [sflag:$0x6], $0x4000, $0x38;
	[tilespmem:$0x14C80] =	vst v63  }
0x23d: {  	_ =	swait.ge [sflag:s17], $0x4000  }
0x23e: {  	[sflag:s17] =	ssyncset.done $0x0  }
0x23f: {  	s29 =	rddreg [dreg:$0x17];
	[sflag:s17] =	ssyncadd.s32 $0xFFFFC000  }
0x240: {  	[hbm4b:s29+s2] =	stream.linear.scatter [tilespmem:s8], [sflag:$0x7], $0x4000, $0x38;
	[tilespmem:$0x14C80] =	vst v63  }
0x241: {  	_ =	swait.ge [sflag:s18], $0x4000  }
0x242: {  	[sflag:s18] =	ssyncset.done $0x0  }
0x243: {  	s30 =	rddreg [dreg:$0x18];
	[sflag:s18] =	ssyncadd.s32 $0xFFFFC000  }
0x244: {  	[hbm4b:s30+s2] =	stream.linear.scatter [tilespmem:s6], [sflag:$0x8], $0x4000, $0x38;
	[tilespmem:$0x14C80] =	vst v63  }
0x245: {  	_ =	swait.ge [sflag:s19], $0x4000  }
0x246: {  	[sflag:s19] =	ssyncset.done $0x0  }
0x247: {  	s31 =	rddreg [dreg:$0x19];
	[sflag:s19] =	ssyncadd.s32 $0xFFFFC000  }
0x248: {  	[hbm4b:s31+s2] =	stream.linear.scatter [tilespmem:s3], [sflag:$0xA], $0x4000, $0x38;
	[tilespmem:$0x14C80] =	vst v63  }
0x249: {  	_ =	swait.ge [sflag:s4], $0x4000  }
0x24a: {  	[sflag:s4] =	ssyncset.done $0x0  }
0x24b: {  	[sflag:s4] =	ssyncadd.s32 $0xFFFFC000  }
0x24c: {  	_ =	swait.ge [sflag:s5], $0x4000  }
0x24d: {  	[sflag:s5] =	ssyncset.done $0x0  }
0x24e: {  	[sflag:s5] =	ssyncadd.s32 $0xFFFFC000  }
0x24f: {  	_ =	swait.ge [sflag:s7], $0x4000  }
0x250: {  	[sflag:s7] =	ssyncset.done $0x0  }
0x251: {  	[sflag:s7] =	ssyncadd.s32 $0xFFFFC000  }
0x252: {  	_ =	swait.ge [sflag:s9], $0x4000  }
0x253: {  	[sflag:s9] =	ssyncset.done $0x0  }
0x254: {  	[sflag:s9] =	ssyncadd.s32 $0xFFFFC000  }
0x255: {  	_ =	swait.ge [sflag:s16], $0x4000  }
0x256: {  	[sflag:s16] =	ssyncset.done $0x0  }
0x257: {  	[sflag:s16] =	ssyncadd.s32 $0xFFFFC000  }
0x258: {  	_ =	sfence.sel $0x180000  }
0x259: {  	[bflag:$0x0] =	sbarrier.arrive $0xFFFF  }
0x25a: {  	_ =	strace $0x9000004A  }
0x25b: {  	[bflag:$0x2] =	sbarrier.arrive $0xFFFF  }
0x25c: {  	p0 =	sne.s32 s20, $0x0;
	s0 =	rddreg [dreg:$0x3]  }
0x25d: {  	s0 =	sadd.s32 @!p0 $0x100000, s0  }
0x25e: {  	[sflag:s0] =	ssyncadd.tile.s32 @!p0 $0x1;
	_ =	shalt  }
.LBB2_1:
.Ltmp3:
0x25f: {  	(pc) =	sbr.rel .LBB2_6-.Ltmp3, $4  }
0x260: {  	_ = 	snop  }
0x261: {  	s21 =	simm.s32 $0x600  }
0x262: {  	s29 =	simm.s32 $0x680;
	s26 =	simm.s32 $0x700;
	s25 =	simm.s32 $0x780  }
0x263: {  	s24 =	simm.s32 $0x800;
	s23 =	simm.s32 $0x880;
	s22 =	simm.s32 $0x900  }
.LBB2_3:
.Ltmp4:
0x264: {  	(pc) =	sbr.rel .LBB2_6-.Ltmp4, $4  }
0x265: {  	_ = 	snop  }
0x266: {  	s21 =	simm.s32 $0x600;
	s29 =	simm.s32 $0x680  }
0x267: {  	s26 =	simm.s32 $0x700;
	s25 =	simm.s32 $0x780;
	s24 =	simm.s32 $0x800  }
0x268: {  	s23 =	simm.s32 $0x880;
	s22 =	simm.s32 $0x900;
	s20 =	stileid.u32  }
.Lfunc_end2:
_tile_overlayer_lowered:
.L_overlay_start_2:
0x269: {  	(tag) =	ssettag $0x2  }
0x26a: {  	s0 =	rddreg [dreg:$0x0];
	s2 =	stileid.u32  }
0x26b: {  	s1 =	rddreg [dreg:$0x1];
	p0 =	sne.s32 s2, $0x0  }
0x26c: {  	s3 =	rddreg [dreg:$0x2];
	[bflag:$0x3] =	sbarrier.arrive $0xFFFF;
	s2 =	simm.s32 @!p0 $0x1C0B  }
0x26d: {  	[timem:s3], [sflag:s2] =	dma.local @!p0 [hbm:s0], s1  }
0x26e: {  	s0 =	simm.s32 @!p0 $0xB  }
0x26f: {  	_ =	swait.ge @!p0 [sflag:s0], s1  }
0x270: {  	s1 =	ssub.s32 @!p0 $0x0, s1;
	[sflag:s0] =	ssyncset.done @!p0 $0x0  }
0x271: {  	[sflag:s0] =	ssyncadd.s32 @!p0 s1  }
0x272: {  	[bflag:$0x3] =	sbarrier.arrive $0xFFFF  }
0x273: {  	_ =	shalt  }

</sc_bundles>
